<compile_context>
chip_gen: v7x
topology: tpu7x:2x2x1
jax: 0.10.2.dev20260603
libtpu: 0.0.44.dev20260713+nightly
codegen_flags: <defaults>
</compile_context>

<pallas_src>
import functools

import jax
import jax.numpy as jnp
from jax import lax
from jax.experimental import pallas as pl
from jax.experimental.pallas import tpu as pltpu
from jax.experimental.pallas import tpu_sc as plsc

N = 100000
E = 3200000
D = 25
VOCAB = 10000

DP = 32
HC = 16
NC, NS = 2, 16

NP = 100352
PT = NP // NS

EPAD = 3211264
EW = EPAD // 32
ET = EPAD // NS
EROWS = EPAD // 128

NX = 102400

_f32 = jnp.float32
_zeros16 = lambda: jnp.zeros((16,), _f32)


def _sc_deg_emb_body(dst2, xp, emb1p, degp, h0, acc, eidx0, eidx1, ones, xidx,
                     erows0, erows1, zbuf, gsem, wsem, ssem):
    c = lax.axis_index("c")
    s = lax.axis_index("s")
    w = s * NC + c
    eidx = (eidx0, eidx1)
    erows = (erows0, erows1)

    @pl.loop(0, PT // 16)
    def _z2(i):
        zbuf[pl.ds(i * 16, 16)] = _zeros16()

    @pl.loop(0, 8)
    def _o(i):
        ones[pl.ds(i * 16, 16)] = jnp.full((16,), 1.0, _f32)

    pltpu.sync_copy(zbuf, acc.at[pl.ds(s * PT, PT)])
    plsc.subcore_barrier()

    xbase = w * 3200
    pltpu.sync_copy(xp.at[pl.ds(xbase, 3200)], xidx)

    def fire_egather(j, u):
        pltpu.async_copy(emb1p.at[xidx.at[pl.ds(j * 128, 128)]], erows[u],
                         gsem)

    def drain_rows(sem, u):
        pltpu.make_async_copy(emb1p.at[pl.ds(0, 128), :], erows[u], sem).wait()

    fire_egather(0, 0)

    @pl.loop(0, 12)
    def _emb(k):
        for u in range(2):
            j = 2 * k + u

            @pl.when(j >= 1)
            def _():
                drain_rows(wsem, 1 - u)

            fire_egather(j + 1, 1 - u)
            drain_rows(gsem, u)
            pltpu.async_copy(erows[u], h0.at[pl.ds(xbase + j * 128, 128), :],
                             wsem)

    drain_rows(wsem, 1)
    drain_rows(gsem, 0)
    pltpu.async_copy(erows[0], h0.at[pl.ds(xbase + 24 * 128, 128), :], wsem)
    drain_rows(wsem, 0)

    rowbase = w * (EW // 128)

    def drain_deg(u):
        pltpu.make_async_copy(dst2.at[pl.ds(0, 16), :], eidx[u], ssem).wait()

    def deg_chunk(blk, u):
        pltpu.sync_copy(dst2.at[pl.ds(rowbase + blk * 16, 16), :], eidx[u])
        for j in range(16):
            pltpu.async_copy(ones, acc.at[eidx[u].at[j]], ssem, add=True)

    @pl.loop(0, 24)
    def _deg(k):
        for u in range(2):
            blk = 2 * k + u

            @pl.when(blk >= 1)
            def _():
                drain_deg(1 - u)

            deg_chunk(blk, u)

    drain_deg(1)
    deg_chunk(48, 0)
    drain_deg(0)
    plsc.subcore_barrier()
    pltpu.sync_copy(acc.at[pl.ds(s * PT, PT)], degp.at[c, pl.ds(s * PT, PT)])


_KB = 4
_BW = _KB * 128
_NBLK = ET // _BW
_NR = 3
_NMAIN = (_NBLK - 2) // _NR


def _sc_msg_body(src2, dst2, gfull, m, gb, acc, sidx0, sidx1, sidx2, didx0,
                 didx1, didx2, rows0, rows1, rows2, gsem, ssem):
    c = lax.axis_index("c")
    s = lax.axis_index("s")
    sidx = (sidx0, sidx1, sidx2)
    didx = (didx0, didx1, didx2)
    rows = (rows0, rows1, rows2)

    @pl.loop(0, PT // _BW)
    def _sp(q):
        base = s * PT + q * _BW
        pltpu.sync_copy(gfull.at[pl.ds(base, _BW), pl.ds(c * HC, HC)], rows0)
        pltpu.sync_copy(rows0, gb.at[pl.ds(c * NP + base, _BW), :])
        pltpu.sync_copy(rows0, acc.at[pl.ds(base, _BW), :])

    base = s * PT + (PT // _BW) * _BW
    tail = PT % _BW
    pltpu.sync_copy(gfull.at[pl.ds(base, tail), pl.ds(c * HC, HC)],
                    rows0.at[pl.ds(0, tail), :])
    pltpu.sync_copy(rows0.at[pl.ds(0, tail), :],
                    gb.at[pl.ds(c * NP + base, tail), :])
    pltpu.sync_copy(rows0.at[pl.ds(0, tail), :], acc.at[pl.ds(base, tail), :])
    plsc.subcore_barrier()

    rowbase = s * (ET // 128)

    def load_and_fire(b, u):
        pltpu.sync_copy(src2.at[c, pl.ds(rowbase + b * _KB, _KB), :], sidx[u])
        pltpu.sync_copy(dst2.at[pl.ds(rowbase + b * _KB, _KB), :], didx[u])
        for j in range(_KB):
            pltpu.async_copy(gb.at[sidx[u].at[j]],
                             rows[u].at[pl.ds(j * 128, 128), :], gsem)

    def drain(sem, u):
        pltpu.make_async_copy(gb.at[pl.ds(0, _BW), :], rows[u], sem).wait()

    def fire_scatters(b, u):
        for j in range(_KB):
            pltpu.async_copy(rows[u].at[pl.ds(j * 128, 128), :],
                             acc.at[didx[u].at[j]], ssem, add=True)

    load_and_fire(0, 0)

    @pl.loop(0, _NMAIN)
    def _tri(k):
        for u in range(_NR):
            b = _NR * k + u

            @pl.when(b >= 2)
            def _():
                drain(ssem, (u + 1) % _NR)

            load_and_fire(b + 1, (u + 1) % _NR)
            drain(gsem, u)
            fire_scatters(b, u)

    drain(ssem, 1)
    load_and_fire(_NBLK - 1, 1)
    drain(gsem, 0)
    fire_scatters(_NBLK - 2, 0)
    drain(ssem, 2)
    drain(gsem, 1)
    fire_scatters(_NBLK - 1, 1)
    drain(ssem, 0)
    drain(ssem, 1)
    plsc.subcore_barrier()
    pltpu.sync_copy(acc.at[pl.ds(s * PT, PT), :],
                    m.at[pl.ds(s * PT, PT), pl.ds(c * HC, HC)])


@functools.lru_cache(maxsize=1)
def _sc_kernels():
    mesh = plsc.VectorSubcoreMesh(core_axis_name="c", subcore_axis_name="s",
                                  num_cores=NC, num_subcores=NS)
    params = pltpu.CompilerParams(use_tc_tiling_on_sc=False)
    deg_emb = pl.kernel(
        _sc_deg_emb_body,
        out_type=(jax.ShapeDtypeStruct((NC, NP), _f32),
                  jax.ShapeDtypeStruct((NX, DP), _f32)),
        mesh=mesh,
        scratch_types=[
            pltpu.VMEM_SHARED((NP,), _f32),
            pltpu.VMEM((16, 128), jnp.int32),
            pltpu.VMEM((16, 128), jnp.int32),
            pltpu.VMEM((128,), _f32),
            pltpu.VMEM((3200,), jnp.int32),
            pltpu.VMEM((128, DP), _f32),
            pltpu.VMEM((128, DP), _f32),
            pltpu.VMEM((PT,), _f32),
            pltpu.SemaphoreType.DMA,
            pltpu.SemaphoreType.DMA,
            pltpu.SemaphoreType.DMA,
        ],
        compiler_params=params,
    )
    msg = pl.kernel(
        _sc_msg_body,
        out_type=(jax.ShapeDtypeStruct((NP, DP), _f32),
                  jax.ShapeDtypeStruct((NC * NP, HC), _f32)),
        mesh=mesh,
        scratch_types=(
            [pltpu.VMEM_SHARED((NP, HC), _f32)]
            + [pltpu.VMEM((_KB, 128), jnp.int32) for _ in range(3)]
            + [pltpu.VMEM((_KB, 128), jnp.int32) for _ in range(3)]
            + [pltpu.VMEM((_BW, HC), _f32) for _ in range(3)]
            + [pltpu.SemaphoreType.DMA, pltpu.SemaphoreType.DMA]
        ),
        compiler_params=params,
    )
    return deg_emb, msg


_RB = 2048
_GRID = (N + _RB - 1) // _RB


def _p0_body(emb_ref, w_ref, o_ref):
    o_ref[...] = jnp.dot(emb_ref[...], w_ref[...],
                         preferred_element_type=_f32)


def _p1_body(degp_ref, h0_ref, dis_ref, gb_ref):
    i = pl.program_id(0)
    dp = degp_ref[:, pl.ds(i * _RB, _RB)]
    deg = dp[0] + dp[1] + 1.0
    d = lax.rsqrt(deg)[:, None]
    dis_ref[...] = d
    gb_ref[...] = h0_ref[...] * d


def _p2a_body(m_ref, dis_ref, b_ref, conv_ref, ssum_ref, ssq_ref):
    i = pl.program_id(0)
    conv = dis_ref[...] * m_ref[...] + b_ref[...]
    conv_ref[...] = conv
    row = i * _RB + lax.broadcasted_iota(jnp.int32, (_RB, 1), 0)
    cm = jnp.where(row < N, conv, 0.0)
    ps = jnp.sum(cm, axis=0, keepdims=True)
    pq = jnp.sum(cm * cm, axis=0, keepdims=True)

    @pl.when(i == 0)
    def _():
        ssum_ref[...] = ps
        ssq_ref[...] = pq

    @pl.when(i > 0)
    def _():
        ssum_ref[...] += ps
        ssq_ref[...] += pq


def _bn_relu(conv, ssum, ssq, gamma, beta):
    mu = ssum / N
    var = ssq / N - mu * mu
    r = gamma * lax.rsqrt(var + 1e-5)
    return jnp.maximum(conv * r + (beta - mu * r), 0.0)


def _p2b_body(conv_ref, ssum_ref, ssq_ref, gam_ref, bet_ref, w_ref, dis_ref,
              gb_ref):
    h = _bn_relu(conv_ref[...], ssum_ref[...], ssq_ref[...], gam_ref[...],
                 bet_ref[...])
    gb_ref[...] = (jnp.dot(h, w_ref[...], preferred_element_type=_f32)
                   * dis_ref[...])


def _p3_body(conv_ref, ssum_ref, ssq_ref, gam_ref, bet_ref, wm1_ref, bm1_ref,
             wm2_ref, bm2_ref, out_ref):
    h = _bn_relu(conv_ref[...], ssum_ref[...], ssq_ref[...], gam_ref[...],
                 bet_ref[...])
    t = jnp.maximum(
        jnp.dot(h, wm1_ref[...], preferred_element_type=_f32) + bm1_ref[...],
        0.0)
    o = jnp.dot(t, wm2_ref[...], preferred_element_type=_f32) + bm2_ref[...]
    out_ref[...] = jax.nn.sigmoid(o[:, 0:1])


def _blk2(shape, imap):
    return pl.BlockSpec(shape, imap)


_im_row = lambda i: (i, 0)
_im_3d = lambda i: (0, i, 0)
_im_full2 = lambda i: (0, 0)


def kernel(x, edge_index, emb, W1, b1, gamma1, beta1, W2, b2, gamma2, beta2,
           Wm1, bm1, Wm2, bm2):
    f32 = _f32
    i32 = jnp.int32

    src = edge_index[0]
    dst = edge_index[1]
    src_p = jnp.concatenate([src, jnp.zeros((EPAD - E,), i32)])
    dst_p = jnp.concatenate([dst, jnp.full((EPAD - E,), N, i32)])
    src2 = jnp.stack([src_p, src_p + NP]).reshape(NC, EROWS, 128)
    dst2d = dst_p.reshape(EROWS, 128)
    xp = jnp.concatenate([x, jnp.zeros((NX - N,), i32)])

    embp = jnp.pad(emb, ((0, 0), (0, DP - D)))
    W1p = jnp.pad(W1, ((0, DP - D), (0, DP - D)))
    W2p = jnp.pad(W2, ((0, DP - D), (0, DP - D)))
    b1p = jnp.pad(b1, (0, DP - D)).reshape(1, DP)
    b2p = jnp.pad(b2, (0, DP - D)).reshape(1, DP)
    g1p = jnp.pad(gamma1, (0, DP - D)).reshape(1, DP)
    g2p = jnp.pad(gamma2, (0, DP - D)).reshape(1, DP)
    be1p = jnp.pad(beta1, (0, DP - D)).reshape(1, DP)
    be2p = jnp.pad(beta2, (0, DP - D)).reshape(1, DP)
    Wm1p = jnp.pad(Wm1, ((0, DP - D), (0, 16 - 12)))
    bm1p = jnp.pad(bm1, (0, 16 - 12)).reshape(1, 16)
    Wm2p = jnp.pad(Wm2, ((0, 16 - 12), (0, 8 - 1)))
    bm2p = jnp.pad(bm2, (0, 8 - 1)).reshape(1, 8)

    emb1p = pl.pallas_call(
        _p0_body,
        out_shape=jax.ShapeDtypeStruct((VOCAB, DP), f32),
    )(embp, W1p)

    _sc_deg_emb, _sc_msg = _sc_kernels()
    degp, h0 = _sc_deg_emb(dst2d, xp, emb1p)

    dis, gb1 = pl.pallas_call(
        _p1_body,
        grid=(_GRID,),
        in_specs=[
            _blk2((NC, NP), lambda i: (0, 0)),
            _blk2((_RB, DP), _im_row),
        ],
        out_specs=[
            _blk2((_RB, 1), _im_row),
            _blk2((_RB, DP), _im_row),
        ],
        out_shape=[
            jax.ShapeDtypeStruct((N, 1), f32),
            jax.ShapeDtypeStruct((NP, DP), f32),
        ],
    )(degp, h0)

    msg_in_specs = [
        _blk2((_RB, DP), _im_row),
        _blk2((_RB, 1), _im_row),
        _blk2((1, DP), _im_full2),
    ]
    msg_out_specs = [
        _blk2((_RB, DP), _im_row),
        _blk2((1, DP), _im_full2),
        _blk2((1, DP), _im_full2),
    ]
    msg_out_shape = [
        jax.ShapeDtypeStruct((N, DP), f32),
        jax.ShapeDtypeStruct((1, DP), f32),
        jax.ShapeDtypeStruct((1, DP), f32),
    ]

    m1, _ = _sc_msg(src2, dst2d, gb1)
    conv1, s1, q1 = pl.pallas_call(
        _p2a_body, grid=(_GRID,), in_specs=msg_in_specs,
        out_specs=msg_out_specs, out_shape=msg_out_shape,
    )(m1, dis, b1p)

    gb2 = pl.pallas_call(
        _p2b_body,
        grid=(_GRID,),
        in_specs=[
            _blk2((_RB, DP), _im_row),
            _blk2((1, DP), _im_full2),
            _blk2((1, DP), _im_full2),
            _blk2((1, DP), _im_full2),
            _blk2((1, DP), _im_full2),
            _blk2((DP, DP), _im_full2),
            _blk2((_RB, 1), _im_row),
        ],
        out_specs=_blk2((_RB, DP), _im_row),
        out_shape=jax.ShapeDtypeStruct((NP, DP), f32),
    )(conv1, s1, q1, g1p, be1p, W2p, dis)

    m2, _ = _sc_msg(src2, dst2d, gb2)
    conv2, s2, q2 = pl.pallas_call(
        _p2a_body, grid=(_GRID,), in_specs=msg_in_specs,
        out_specs=msg_out_specs, out_shape=msg_out_shape,
    )(m2, dis, b2p)

    out = pl.pallas_call(
        _p3_body,
        grid=(_GRID,),
        in_specs=[
            _blk2((_RB, DP), _im_row),
            _blk2((1, DP), _im_full2),
            _blk2((1, DP), _im_full2),
            _blk2((1, DP), _im_full2),
            _blk2((1, DP), _im_full2),
            _blk2((DP, 16), _im_full2),
            _blk2((1, 16), _im_full2),
            _blk2((16, 8), _im_full2),
            _blk2((1, 8), _im_full2),
        ],
        out_specs=_blk2((_RB, 1), _im_row),
        out_shape=jax.ShapeDtypeStruct((N, 1), f32),
    )(conv2, s2, q2, g2p, be2p, Wm1p, bm1p, Wm2p, bm2p)

    return out

# --- scband reference (transcript-rebuilt; emitter-appended) ---
"""Pipeline reference for scband-g2-braph-gcnconv-20469814133059 (READ-ONLY COPY).

The authoritative reference and input builder live on the scoring server;
editing this copy changes nothing except your own understanding.
"""

import jax, jax.numpy as jnp
import numpy as np

N = 100000
E = 3200000
D = 25
VOCAB = 10000

def setup_inputs(seed: int = 0):
    key = jax.random.key(seed)
    ks = jax.random.split(key, 8)
    x = jax.random.randint(ks[0], (N,), 0, VOCAB, dtype=jnp.int32)
    edge_index = jax.random.randint(ks[1], (2, E), 0, N, dtype=jnp.int32)
    emb = jax.random.normal(ks[2], (VOCAB, D), dtype=jnp.float32) * 0.1
    W1 = jax.random.normal(ks[3], (D, D), dtype=jnp.float32) * (1.0 / np.sqrt(D))
    b1 = jnp.zeros((D,), jnp.float32)
    W2 = jax.random.normal(ks[4], (D, D), dtype=jnp.float32) * (1.0 / np.sqrt(D))
    b2 = jnp.zeros((D,), jnp.float32)
    gamma1 = jnp.ones((D,), jnp.float32)
    beta1 = jnp.zeros((D,), jnp.float32)
    gamma2 = jnp.ones((D,), jnp.float32)
    beta2 = jnp.zeros((D,), jnp.float32)
    Wm1 = jax.random.normal(ks[5], (D, 12), dtype=jnp.float32) * (1.0 / np.sqrt(D))
    bm1 = jnp.zeros((12,), jnp.float32)
    Wm2 = jax.random.normal(ks[6], (12, 1), dtype=jnp.float32) * (1.0 / np.sqrt(12))
    bm2 = jnp.zeros((1,), jnp.float32)
    return {"x": x, "edge_index": edge_index, "emb": emb, "W1": W1, "b1": b1, "gamma1": gamma1, "beta1": beta1, "W2": W2, "b2": b2, "gamma2": gamma2, "beta2": beta2, "Wm1": Wm1, "bm1": bm1, "Wm2": Wm2, "bm2": bm2}

def _gcn_conv(h, edge_index, W, b):
    # PyG GCNConv: add self-loops, symmetric normalization D^-1/2 (A+I) D^-1/2 (X W) + b
    h = h @ W
    src = edge_index[0]
    dst = edge_index[1]
    loop = jnp.arange(N, dtype=src.dtype)
    src = jnp.concatenate([src, loop])
    dst = jnp.concatenate([dst, loop])
    deg = jax.ops.segment_sum(jnp.ones((src.shape[0],), h.dtype), dst, num_segments=N)
    dis = jnp.where(deg > 0, 1.0 / jnp.sqrt(deg), 0.0)
    norm = dis[src] * dis[dst]
    msgs = h[src] * norm[:, None]
    out = jax.ops.segment_sum(msgs, dst, num_segments=N)
    return out + b

def _batch_norm(h, gamma, beta):
    mu = jnp.mean(h, axis=0)
    var = jnp.var(h, axis=0)
    return gamma * (h - mu) / jnp.sqrt(var + 1e-5) + beta

def reference(x, edge_index, emb, W1, b1, gamma1, beta1, W2, b2, gamma2, beta2, Wm1, bm1, Wm2, bm2):
    h = jnp.take(emb, x, axis=0)
    h = jax.nn.relu(_batch_norm(_gcn_conv(h, edge_index, W1, b1), gamma1, beta1))
    h = jax.nn.relu(_batch_norm(_gcn_conv(h, edge_index, W2, b2), gamma2, beta2))
    h = jax.nn.relu(h @ Wm1 + bm1)
    return jax.nn.sigmoid(h @ Wm2 + bm2)

if __name__ == "__main__":
    import jax
    _d = setup_inputs()
    print(jax.jit(kernel)(*tuple(_d.values())))

</pallas_src>

<mosaic_0001>
#map = affine_map<(d0, d1) -> (0, 0)>
#map1 = affine_map<(d0, d1) -> (0)>
module attributes {stable_mosaic.version = 14 : i64} {
  func.func @_sc_deg_emb_body(%arg0: i32, %arg1: i32, %arg2: memref<25088x128xi32, #tpu.memory_space<hbm>>, %arg3: memref<102400xi32, #tpu.memory_space<hbm>>, %arg4: memref<10000x32xf32, #tpu.memory_space<hbm>>, %arg5: memref<2x100352xf32, #tpu.memory_space<hbm>>, %arg6: memref<102400x32xf32, #tpu.memory_space<hbm>>, %arg7: memref<100352xf32, #tpu.memory_space<vmem_shared>>, %arg8: memref<16x128xi32, #tpu.memory_space<vmem>>, %arg9: memref<16x128xi32, #tpu.memory_space<vmem>>, %arg10: memref<128xf32, #tpu.memory_space<vmem>>, %arg11: memref<3200xi32, #tpu.memory_space<vmem>>, %arg12: memref<128x32xf32, #tpu.memory_space<vmem>>, %arg13: memref<128x32xf32, #tpu.memory_space<vmem>>, %arg14: memref<6272xf32, #tpu.memory_space<vmem>>, %arg15: memref<!tpu.dma_semaphore, #tpu.memory_space<semaphore_mem>>, %arg16: memref<!tpu.dma_semaphore, #tpu.memory_space<semaphore_mem>>, %arg17: memref<!tpu.dma_semaphore, #tpu.memory_space<semaphore_mem>>) attributes {dimension_semantics = [#tpu.dimension_semantics<core_parallel>, #tpu.dimension_semantics<subcore_parallel>], iteration_bounds = array<i64: 2, 16>, scalar_prefetch = 0 : i64, scratch_operands = 11 : i64, tpu.core_type = #tpu.core_type<sc_vector_subcore>, window_params = [{transform_indices = #map}, {transform_indices = #map1}, {transform_indices = #map}, {transform_indices = #map}, {transform_indices = #map}]} {
    %mul3A = arith.constant 2 : i32
    %mul3A_0 = arith.muli %arg1, %mul3A : i32
    %add3A = arith.addi %mul3A_0, %arg0 : i32
    %scan3A = arith.constant 0 : i32
    %scan3A_1 = arith.constant 392 : i32
    %scan3A_2 = arith.addi %scan3A, %scan3A_1 : i32
    %scan3A_3 = arith.constant 1 : i32
    scf.for %scan3A_168 = %scan3A to %scan3A_2 step %scan3A_3  : i32 {
      %mul3A_169 = arith.constant 1 : i32
      %mul3A_170 = arith.muli %scan3A_168, %mul3A_169 : i32
      %add3A_171 = arith.constant 0 : i32
      %add3A_172 = arith.addi %add3A_171, %mul3A_170 : i32
      %broadcast_in_dim3A = arith.constant 0.000000e+00 : f32
      %broadcast_in_dim3A_173 = vector.broadcast %broadcast_in_dim3A : f32 to vector<16xf32>
      %mul3A_174 = arith.constant 16 : i32
      %mul3A_175 = arith.muli %add3A_172, %mul3A_174 : i32
      %swap3A = arith.index_cast %mul3A_175 : i32 to index
      %swap3A_176 = tpu.vector_load %arg14[%swap3A] {strides = array<i32>} : memref<6272xf32, #tpu.memory_space<vmem>>, vector<16xf32>,
      %swap3A_177 = vector.shape_cast %swap3A_176 : vector<16xf32> to vector<16xf32>
      %swap3A_178 = vector.shape_cast %broadcast_in_dim3A_173 : vector<16xf32> to vector<16xf32>
      tpu.vector_store %arg14[%swap3A], %swap3A_178 {strides = array<i32>} : memref<6272xf32, #tpu.memory_space<vmem>>, vector<16xf32>,
    }
    %scan3A_4 = arith.constant 392 : i32
    %scan3A_5 = arith.constant 0 : i32
    %scan3A_6 = arith.constant 8 : i32
    %scan3A_7 = arith.addi %scan3A_5, %scan3A_6 : i32
    %scan3A_8 = arith.constant 1 : i32
    scf.for %scan3A_168 = %scan3A_5 to %scan3A_7 step %scan3A_8  : i32 {
      %mul3A_169 = arith.constant 1 : i32
      %mul3A_170 = arith.muli %scan3A_168, %mul3A_169 : i32
      %add3A_171 = arith.constant 0 : i32
      %add3A_172 = arith.addi %add3A_171, %mul3A_170 : i32
      %broadcast_in_dim3A = arith.constant 1.000000e+00 : f32
      %broadcast_in_dim3A_173 = vector.broadcast %broadcast_in_dim3A : f32 to vector<16xf32>
      %mul3A_174 = arith.constant 16 : i32
      %mul3A_175 = arith.muli %add3A_172, %mul3A_174 : i32
      %swap3A = arith.index_cast %mul3A_175 : i32 to index
      %swap3A_176 = tpu.vector_load %arg10[%swap3A] {strides = array<i32>} : memref<128xf32, #tpu.memory_space<vmem>>, vector<16xf32>,
      %swap3A_177 = vector.shape_cast %swap3A_176 : vector<16xf32> to vector<16xf32>
      %swap3A_178 = vector.shape_cast %broadcast_in_dim3A_173 : vector<16xf32> to vector<16xf32>
      tpu.vector_store %arg10[%swap3A], %swap3A_178 {strides = array<i32>} : memref<128xf32, #tpu.memory_space<vmem>>, vector<16xf32>,
    }
    %scan3A_9 = arith.constant 8 : i32
    %mul3A_10 = arith.constant 6272 : i32
    %mul3A_11 = arith.muli %arg1, %mul3A_10 : i32
    "tpu.region"() ({
      %run_scoped3A = tpu.sem_alloc : memref<!tpu.dma_semaphore, #tpu.memory_space<semaphore_mem>>
      %dma_start3A_168 = tpu.memref_slice %arg7[%mul3A_11] : memref<100352xf32, #tpu.memory_space<vmem_shared>> -> memref<6272xf32, #tpu.memory_space<vmem_shared>>
      %dma_start3A_169 = tpu.memref_slice %arg7[%mul3A_11] : memref<100352xf32, #tpu.memory_space<vmem_shared>> -> memref<6272xf32, #tpu.memory_space<vmem_shared>>
      tpu.enqueue_dma source(%arg14 : memref<6272xf32, #tpu.memory_space<vmem>>) target(%dma_start3A_169 : memref<6272xf32, #tpu.memory_space<vmem_shared>>) target_semaphore(%run_scoped3A : memref<!tpu.dma_semaphore, #tpu.memory_space<semaphore_mem>>)
      %dma_wait3A_170 = tpu.memref_slice %arg7[%mul3A_11] : memref<100352xf32, #tpu.memory_space<vmem_shared>> -> memref<6272xf32, #tpu.memory_space<vmem_shared>>
      %dma_wait3A_171 = tpu.memref_slice %arg7[%mul3A_11] : memref<100352xf32, #tpu.memory_space<vmem_shared>> -> memref<6272xf32, #tpu.memory_space<vmem_shared>>
      tpu.wait_dma2 semaphore(%run_scoped3A : memref<!tpu.dma_semaphore, #tpu.memory_space<semaphore_mem>>) src(%arg14 : memref<6272xf32, #tpu.memory_space<vmem>>) dst(%dma_wait3A_171 : memref<6272xf32, #tpu.memory_space<vmem_shared>>)
      tpu.yield
    }) : () -> ()
    %barrier3A = arith.constant 0 : index
    tpu.barrier barrier_id(%barrier3A)
    %mul3A_12 = arith.constant 3200 : i32
    %mul3A_13 = arith.muli %add3A, %mul3A_12 : i32
    "tpu.region"() ({
      %run_scoped3A = tpu.sem_alloc : memref<!tpu.dma_semaphore, #tpu.memory_space<semaphore_mem>>
      %dma_start3A_168 = tpu.memref_slice %arg3[%mul3A_13] : memref<102400xi32, #tpu.memory_space<hbm>> -> memref<3200xi32, #tpu.memory_space<hbm>>
      %dma_start3A_169 = tpu.memref_slice %arg3[%mul3A_13] : memref<102400xi32, #tpu.memory_space<hbm>> -> memref<3200xi32, #tpu.memory_space<hbm>>
      tpu.enqueue_dma source(%dma_start3A_169 : memref<3200xi32, #tpu.memory_space<hbm>>) target(%arg11 : memref<3200xi32, #tpu.memory_space<vmem>>) target_semaphore(%run_scoped3A : memref<!tpu.dma_semaphore, #tpu.memory_space<semaphore_mem>>)
      %dma_wait3A_170 = tpu.memref_slice %arg3[%mul3A_13] : memref<102400xi32, #tpu.memory_space<hbm>> -> memref<3200xi32, #tpu.memory_space<hbm>>
      %dma_wait3A_171 = tpu.memref_slice %arg3[%mul3A_13] : memref<102400xi32, #tpu.memory_space<hbm>> -> memref<3200xi32, #tpu.memory_space<hbm>>
      tpu.wait_dma2 semaphore(%run_scoped3A : memref<!tpu.dma_semaphore, #tpu.memory_space<semaphore_mem>>) src(%dma_wait3A_171 : memref<3200xi32, #tpu.memory_space<hbm>>) dst(%arg11 : memref<3200xi32, #tpu.memory_space<vmem>>)
      tpu.yield
    }) : () -> ()
    %dma_start3A = arith.constant 0 : i32
    %dma_start3A_14 = tpu.memref_slice %arg11[%dma_start3A] : memref<3200xi32, #tpu.memory_space<vmem>> -> memref<128xi32, #tpu.memory_space<vmem>>
    %dma_start3A_15 = arith.constant 0 : i32
    %dma_start3A_16 = arith.constant 0 : i32
    %dma_start3A_17 = tpu.memref_slice %arg4[%dma_start3A_15, %dma_start3A_16] : memref<10000x32xf32, #tpu.memory_space<hbm>> -> memref<10000x32xf32, #tpu.memory_space<hbm>>
    tpu.enqueue_indirect_dma source(%dma_start3A_17 : memref<10000x32xf32, #tpu.memory_space<hbm>>) target(%arg12 : memref<128x32xf32, #tpu.memory_space<vmem>>) offsets(%dma_start3A_14 : memref<128xi32, #tpu.memory_space<vmem>>) semaphore(%arg15 : memref<!tpu.dma_semaphore, #tpu.memory_space<semaphore_mem>>)
    %scan3A_18 = arith.constant 0 : i32
    %scan3A_19 = arith.constant 12 : i32
    %scan3A_20 = arith.addi %scan3A_18, %scan3A_19 : i32
    %scan3A_21 = arith.constant 1 : i32
    scf.for %scan3A_168 = %scan3A_18 to %scan3A_20 step %scan3A_21  : i32 {
      %mul3A_169 = arith.constant 1 : i32
      %mul3A_170 = arith.muli %scan3A_168, %mul3A_169 : i32
      %add3A_171 = arith.constant 0 : i32
      %add3A_172 = arith.addi %add3A_171, %mul3A_170 : i32
      %mul3A_173 = arith.constant 2 : i32
      %mul3A_174 = arith.muli %mul3A_173, %add3A_172 : i32
      %add3A_175 = arith.constant 0 : i32
      %add3A_176 = arith.addi %mul3A_174, %add3A_175 : i32
      %ge3A = arith.constant 1 : i32
      %ge3A_177 = arith.cmpi sge, %add3A_176, %ge3A : i32
      %convert_element_type3A = arith.extui %ge3A_177 : i1 to i32
      %cond3A = arith.constant 0 : i32
      %cond3A_178 = arith.cmpi ne, %convert_element_type3A, %cond3A : i32
      scf.if %cond3A_178 {
        %dma_wait3A_230 = arith.constant 0 : i32
        %dma_wait3A_231 = arith.constant 0 : i32
        %dma_wait3A_232 = tpu.memref_slice %arg4[%dma_wait3A_230, %dma_wait3A_231] : memref<10000x32xf32, #tpu.memory_space<hbm>> -> memref<128x32xf32, #tpu.memory_space<hbm>>
        %dma_wait3A_233 = arith.constant 0 : i32
        %dma_wait3A_234 = arith.constant 0 : i32
        %dma_wait3A_235 = tpu.memref_slice %arg4[%dma_wait3A_233, %dma_wait3A_234] : memref<10000x32xf32, #tpu.memory_space<hbm>> -> memref<128x32xf32, #tpu.memory_space<hbm>>
        tpu.wait_dma2 semaphore(%arg16 : memref<!tpu.dma_semaphore, #tpu.memory_space<semaphore_mem>>) src(%dma_wait3A_235 : memref<128x32xf32, #tpu.memory_space<hbm>>) dst(%arg13 : memref<128x32xf32, #tpu.memory_space<vmem>>)
      } else {
      }
      %add3A_179 = arith.constant 1 : i32
      %add3A_180 = arith.addi %add3A_176, %add3A_179 : i32
      %mul3A_181 = arith.constant 128 : i32
      %mul3A_182 = arith.muli %add3A_180, %mul3A_181 : i32
      %dma_start3A_183 = tpu.memref_slice %arg11[%mul3A_182] : memref<3200xi32, #tpu.memory_space<vmem>> -> memref<128xi32, #tpu.memory_space<vmem>>
      %dma_start3A_184 = arith.constant 0 : i32
      %dma_start3A_185 = arith.constant 0 : i32
      %dma_start3A_186 = tpu.memref_slice %arg4[%dma_start3A_184, %dma_start3A_185] : memref<10000x32xf32, #tpu.memory_space<hbm>> -> memref<10000x32xf32, #tpu.memory_space<hbm>>
      tpu.enqueue_indirect_dma source(%dma_start3A_186 : memref<10000x32xf32, #tpu.memory_space<hbm>>) target(%arg13 : memref<128x32xf32, #tpu.memory_space<vmem>>) offsets(%dma_start3A_183 : memref<128xi32, #tpu.memory_space<vmem>>) semaphore(%arg15 : memref<!tpu.dma_semaphore, #tpu.memory_space<semaphore_mem>>)
      %dma_wait3A_187 = arith.constant 0 : i32
      %dma_wait3A_188 = arith.constant 0 : i32
      %dma_wait3A_189 = tpu.memref_slice %arg4[%dma_wait3A_187, %dma_wait3A_188] : memref<10000x32xf32, #tpu.memory_space<hbm>> -> memref<128x32xf32, #tpu.memory_space<hbm>>
      %dma_wait3A_190 = arith.constant 0 : i32
      %dma_wait3A_191 = arith.constant 0 : i32
      %dma_wait3A_192 = tpu.memref_slice %arg4[%dma_wait3A_190, %dma_wait3A_191] : memref<10000x32xf32, #tpu.memory_space<hbm>> -> memref<128x32xf32, #tpu.memory_space<hbm>>
      tpu.wait_dma2 semaphore(%arg15 : memref<!tpu.dma_semaphore, #tpu.memory_space<semaphore_mem>>) src(%dma_wait3A_192 : memref<128x32xf32, #tpu.memory_space<hbm>>) dst(%arg12 : memref<128x32xf32, #tpu.memory_space<vmem>>)
      %mul3A_193 = arith.constant 128 : i32
      %mul3A_194 = arith.muli %add3A_176, %mul3A_193 : i32
      %add3A_195 = arith.addi %mul3A_13, %mul3A_194 : i32
      %dma_start3A_196 = arith.constant 0 : i32
      %dma_start3A_197 = tpu.memref_slice %arg6[%add3A_195, %dma_start3A_196] : memref<102400x32xf32, #tpu.memory_space<hbm>> -> memref<128x32xf32, #tpu.memory_space<hbm>>
      %dma_start3A_198 = arith.constant 0 : i32
      %dma_start3A_199 = tpu.memref_slice %arg6[%add3A_195, %dma_start3A_198] : memref<102400x32xf32, #tpu.memory_space<hbm>> -> memref<128x32xf32, #tpu.memory_space<hbm>>
      tpu.enqueue_dma source(%arg12 : memref<128x32xf32, #tpu.memory_space<vmem>>) target(%dma_start3A_199 : memref<128x32xf32, #tpu.memory_space<hbm>>) target_semaphore(%arg16 : memref<!tpu.dma_semaphore, #tpu.memory_space<semaphore_mem>>)
      %mul3A_200 = arith.constant 2 : i32
      %mul3A_201 = arith.muli %mul3A_200, %add3A_172 : i32
      %add3A_202 = arith.constant 1 : i32
      %add3A_203 = arith.addi %mul3A_201, %add3A_202 : i32
      %ge3A_204 = arith.constant 1 : i32
      %ge3A_205 = arith.cmpi sge, %add3A_203, %ge3A_204 : i32
      %convert_element_type3A_206 = arith.extui %ge3A_205 : i1 to i32
      %cond3A_207 = arith.constant 0 : i32
      %cond3A_208 = arith.cmpi ne, %convert_element_type3A_206, %cond3A_207 : i32
      scf.if %cond3A_208 {
        %dma_wait3A_230 = arith.constant 0 : i32
        %dma_wait3A_231 = arith.constant 0 : i32
        %dma_wait3A_232 = tpu.memref_slice %arg4[%dma_wait3A_230, %dma_wait3A_231] : memref<10000x32xf32, #tpu.memory_space<hbm>> -> memref<128x32xf32, #tpu.memory_space<hbm>>
        %dma_wait3A_233 = arith.constant 0 : i32
        %dma_wait3A_234 = arith.constant 0 : i32
        %dma_wait3A_235 = tpu.memref_slice %arg4[%dma_wait3A_233, %dma_wait3A_234] : memref<10000x32xf32, #tpu.memory_space<hbm>> -> memref<128x32xf32, #tpu.memory_space<hbm>>
        tpu.wait_dma2 semaphore(%arg16 : memref<!tpu.dma_semaphore, #tpu.memory_space<semaphore_mem>>) src(%dma_wait3A_235 : memref<128x32xf32, #tpu.memory_space<hbm>>) dst(%arg12 : memref<128x32xf32, #tpu.memory_space<vmem>>)
      } else {
      }
      %add3A_209 = arith.constant 1 : i32
      %add3A_210 = arith.addi %add3A_203, %add3A_209 : i32
      %mul3A_211 = arith.constant 128 : i32
      %mul3A_212 = arith.muli %add3A_210, %mul3A_211 : i32
      %dma_start3A_213 = tpu.memref_slice %arg11[%mul3A_212] : memref<3200xi32, #tpu.memory_space<vmem>> -> memref<128xi32, #tpu.memory_space<vmem>>
      %dma_start3A_214 = arith.constant 0 : i32
      %dma_start3A_215 = arith.constant 0 : i32
      %dma_start3A_216 = tpu.memref_slice %arg4[%dma_start3A_214, %dma_start3A_215] : memref<10000x32xf32, #tpu.memory_space<hbm>> -> memref<10000x32xf32, #tpu.memory_space<hbm>>
      tpu.enqueue_indirect_dma source(%dma_start3A_216 : memref<10000x32xf32, #tpu.memory_space<hbm>>) target(%arg12 : memref<128x32xf32, #tpu.memory_space<vmem>>) offsets(%dma_start3A_213 : memref<128xi32, #tpu.memory_space<vmem>>) semaphore(%arg15 : memref<!tpu.dma_semaphore, #tpu.memory_space<semaphore_mem>>)
      %dma_wait3A_217 = arith.constant 0 : i32
      %dma_wait3A_218 = arith.constant 0 : i32
      %dma_wait3A_219 = tpu.memref_slice %arg4[%dma_wait3A_217, %dma_wait3A_218] : memref<10000x32xf32, #tpu.memory_space<hbm>> -> memref<128x32xf32, #tpu.memory_space<hbm>>
      %dma_wait3A_220 = arith.constant 0 : i32
      %dma_wait3A_221 = arith.constant 0 : i32
      %dma_wait3A_222 = tpu.memref_slice %arg4[%dma_wait3A_220, %dma_wait3A_221] : memref<10000x32xf32, #tpu.memory_space<hbm>> -> memref<128x32xf32, #tpu.memory_space<hbm>>
      tpu.wait_dma2 semaphore(%arg15 : memref<!tpu.dma_semaphore, #tpu.memory_space<semaphore_mem>>) src(%dma_wait3A_222 : memref<128x32xf32, #tpu.memory_space<hbm>>) dst(%arg13 : memref<128x32xf32, #tpu.memory_space<vmem>>)
      %mul3A_223 = arith.constant 128 : i32
      %mul3A_224 = arith.muli %add3A_203, %mul3A_223 : i32
      %add3A_225 = arith.addi %mul3A_13, %mul3A_224 : i32
      %dma_start3A_226 = arith.constant 0 : i32
      %dma_start3A_227 = tpu.memref_slice %arg6[%add3A_225, %dma_start3A_226] : memref<102400x32xf32, #tpu.memory_space<hbm>> -> memref<128x32xf32, #tpu.memory_space<hbm>>
      %dma_start3A_228 = arith.constant 0 : i32
      %dma_start3A_229 = tpu.memref_slice %arg6[%add3A_225, %dma_start3A_228] : memref<102400x32xf32, #tpu.memory_space<hbm>> -> memref<128x32xf32, #tpu.memory_space<hbm>>
      tpu.enqueue_dma source(%arg13 : memref<128x32xf32, #tpu.memory_space<vmem>>) target(%dma_start3A_229 : memref<128x32xf32, #tpu.memory_space<hbm>>) target_semaphore(%arg16 : memref<!tpu.dma_semaphore, #tpu.memory_space<semaphore_mem>>)
    }
    %scan3A_22 = arith.constant 12 : i32
    %dma_wait3A = arith.constant 0 : i32
    %dma_wait3A_23 = arith.constant 0 : i32
    %dma_wait3A_24 = tpu.memref_slice %arg4[%dma_wait3A, %dma_wait3A_23] : memref<10000x32xf32, #tpu.memory_space<hbm>> -> memref<128x32xf32, #tpu.memory_space<hbm>>
    %dma_wait3A_25 = arith.constant 0 : i32
    %dma_wait3A_26 = arith.constant 0 : i32
    %dma_wait3A_27 = tpu.memref_slice %arg4[%dma_wait3A_25, %dma_wait3A_26] : memref<10000x32xf32, #tpu.memory_space<hbm>> -> memref<128x32xf32, #tpu.memory_space<hbm>>
    tpu.wait_dma2 semaphore(%arg16 : memref<!tpu.dma_semaphore, #tpu.memory_space<semaphore_mem>>) src(%dma_wait3A_27 : memref<128x32xf32, #tpu.memory_space<hbm>>) dst(%arg13 : memref<128x32xf32, #tpu.memory_space<vmem>>)
    %dma_wait3A_28 = arith.constant 0 : i32
    %dma_wait3A_29 = arith.constant 0 : i32
    %dma_wait3A_30 = tpu.memref_slice %arg4[%dma_wait3A_28, %dma_wait3A_29] : memref<10000x32xf32, #tpu.memory_space<hbm>> -> memref<128x32xf32, #tpu.memory_space<hbm>>
    %dma_wait3A_31 = arith.constant 0 : i32
    %dma_wait3A_32 = arith.constant 0 : i32
    %dma_wait3A_33 = tpu.memref_slice %arg4[%dma_wait3A_31, %dma_wait3A_32] : memref<10000x32xf32, #tpu.memory_space<hbm>> -> memref<128x32xf32, #tpu.memory_space<hbm>>
    tpu.wait_dma2 semaphore(%arg15 : memref<!tpu.dma_semaphore, #tpu.memory_space<semaphore_mem>>) src(%dma_wait3A_33 : memref<128x32xf32, #tpu.memory_space<hbm>>) dst(%arg12 : memref<128x32xf32, #tpu.memory_space<vmem>>)
    %add3A_34 = arith.constant 3072 : i32
    %add3A_35 = arith.addi %mul3A_13, %add3A_34 : i32
    %dma_start3A_36 = arith.constant 0 : i32
    %dma_start3A_37 = tpu.memref_slice %arg6[%add3A_35, %dma_start3A_36] : memref<102400x32xf32, #tpu.memory_space<hbm>> -> memref<128x32xf32, #tpu.memory_space<hbm>>
    %dma_start3A_38 = arith.constant 0 : i32
    %dma_start3A_39 = tpu.memref_slice %arg6[%add3A_35, %dma_start3A_38] : memref<102400x32xf32, #tpu.memory_space<hbm>> -> memref<128x32xf32, #tpu.memory_space<hbm>>
    tpu.enqueue_dma source(%arg12 : memref<128x32xf32, #tpu.memory_space<vmem>>) target(%dma_start3A_39 : memref<128x32xf32, #tpu.memory_space<hbm>>) target_semaphore(%arg16 : memref<!tpu.dma_semaphore, #tpu.memory_space<semaphore_mem>>)
    %dma_wait3A_40 = arith.constant 0 : i32
    %dma_wait3A_41 = arith.constant 0 : i32
    %dma_wait3A_42 = tpu.memref_slice %arg4[%dma_wait3A_40, %dma_wait3A_41] : memref<10000x32xf32, #tpu.memory_space<hbm>> -> memref<128x32xf32, #tpu.memory_space<hbm>>
    %dma_wait3A_43 = arith.constant 0 : i32
    %dma_wait3A_44 = arith.constant 0 : i32
    %dma_wait3A_45 = tpu.memref_slice %arg4[%dma_wait3A_43, %dma_wait3A_44] : memref<10000x32xf32, #tpu.memory_space<hbm>> -> memref<128x32xf32, #tpu.memory_space<hbm>>
    tpu.wait_dma2 semaphore(%arg16 : memref<!tpu.dma_semaphore, #tpu.memory_space<semaphore_mem>>) src(%dma_wait3A_45 : memref<128x32xf32, #tpu.memory_space<hbm>>) dst(%arg12 : memref<128x32xf32, #tpu.memory_space<vmem>>)
    %mul3A_46 = arith.constant 784 : i32
    %mul3A_47 = arith.muli %add3A, %mul3A_46 : i32
    %scan3A_48 = arith.constant 0 : i32
    %scan3A_49 = arith.constant 24 : i32
    %scan3A_50 = arith.addi %scan3A_48, %scan3A_49 : i32
    %scan3A_51 = arith.constant 1 : i32
    scf.for %scan3A_168 = %scan3A_48 to %scan3A_50 step %scan3A_51  : i32 {
      %mul3A_169 = arith.constant 1 : i32
      %mul3A_170 = arith.muli %scan3A_168, %mul3A_169 : i32
      %add3A_171 = arith.constant 0 : i32
      %add3A_172 = arith.addi %add3A_171, %mul3A_170 : i32
      %mul3A_173 = arith.constant 2 : i32
      %mul3A_174 = arith.muli %mul3A_173, %add3A_172 : i32
      %add3A_175 = arith.constant 0 : i32
      %add3A_176 = arith.addi %mul3A_174, %add3A_175 : i32
      %ge3A = arith.constant 1 : i32
      %ge3A_177 = arith.cmpi sge, %add3A_176, %ge3A : i32
      %convert_element_type3A = arith.extui %ge3A_177 : i1 to i32
      %cond3A = arith.constant 0 : i32
      %cond3A_178 = arith.cmpi ne, %convert_element_type3A, %cond3A : i32
      scf.if %cond3A_178 {
        %dma_wait3A_386 = arith.constant 0 : i32
        %dma_wait3A_387 = arith.constant 0 : i32
        %dma_wait3A_388 = tpu.memref_slice %arg2[%dma_wait3A_386, %dma_wait3A_387] : memref<25088x128xi32, #tpu.memory_space<hbm>> -> memref<16x128xi32, #tpu.memory_space<hbm>>
        %dma_wait3A_389 = arith.constant 0 : i32
        %dma_wait3A_390 = arith.constant 0 : i32
        %dma_wait3A_391 = tpu.memref_slice %arg2[%dma_wait3A_389, %dma_wait3A_390] : memref<25088x128xi32, #tpu.memory_space<hbm>> -> memref<16x128xi32, #tpu.memory_space<hbm>>
        tpu.wait_dma2 semaphore(%arg17 : memref<!tpu.dma_semaphore, #tpu.memory_space<semaphore_mem>>) src(%dma_wait3A_391 : memref<16x128xi32, #tpu.memory_space<hbm>>) dst(%arg9 : memref<16x128xi32, #tpu.memory_space<vmem>>)
      } else {
      }
      %mul3A_179 = arith.constant 16 : i32
      %mul3A_180 = arith.muli %add3A_176, %mul3A_179 : i32
      %add3A_181 = arith.addi %mul3A_47, %mul3A_180 : i32
      "tpu.region"() ({
        %run_scoped3A = tpu.sem_alloc : memref<!tpu.dma_semaphore, #tpu.memory_space<semaphore_mem>>
        %dma_start3A_386 = arith.constant 0 : i32
        %dma_start3A_387 = tpu.memref_slice %arg2[%add3A_181, %dma_start3A_386] : memref<25088x128xi32, #tpu.memory_space<hbm>> -> memref<16x128xi32, #tpu.memory_space<hbm>>
        %dma_start3A_388 = arith.constant 0 : i32
        %dma_start3A_389 = tpu.memref_slice %arg2[%add3A_181, %dma_start3A_388] : memref<25088x128xi32, #tpu.memory_space<hbm>> -> memref<16x128xi32, #tpu.memory_space<hbm>>
        tpu.enqueue_dma source(%dma_start3A_389 : memref<16x128xi32, #tpu.memory_space<hbm>>) target(%arg8 : memref<16x128xi32, #tpu.memory_space<vmem>>) target_semaphore(%run_scoped3A : memref<!tpu.dma_semaphore, #tpu.memory_space<semaphore_mem>>)
        %dma_wait3A_390 = arith.constant 0 : i32
        %dma_wait3A_391 = tpu.memref_slice %arg2[%add3A_181, %dma_wait3A_390] : memref<25088x128xi32, #tpu.memory_space<hbm>> -> memref<16x128xi32, #tpu.memory_space<hbm>>
        %dma_wait3A_392 = arith.constant 0 : i32
        %dma_wait3A_393 = tpu.memref_slice %arg2[%add3A_181, %dma_wait3A_392] : memref<25088x128xi32, #tpu.memory_space<hbm>> -> memref<16x128xi32, #tpu.memory_space<hbm>>
        tpu.wait_dma2 semaphore(%run_scoped3A : memref<!tpu.dma_semaphore, #tpu.memory_space<semaphore_mem>>) src(%dma_wait3A_393 : memref<16x128xi32, #tpu.memory_space<hbm>>) dst(%arg8 : memref<16x128xi32, #tpu.memory_space<vmem>>)
        tpu.yield
      }) : () -> ()
      %dma_start3A_182 = arith.constant 0 : i32
      %dma_start3A_183 = arith.constant 0 : i32
      %dma_start3A_184 = tpu.memref_slice %arg8[%dma_start3A_182, %dma_start3A_183] : memref<16x128xi32, #tpu.memory_space<vmem>> -> memref<1x128xi32, #tpu.memory_space<vmem>>
      %dma_start3A_185 = tpu.memref_squeeze %dma_start3A_184 : memref<1x128xi32, #tpu.memory_space<vmem>> -> memref<128xi32, #tpu.memory_space<vmem>>
      %dma_start3A_186 = arith.constant 0 : i32
      %dma_start3A_187 = tpu.memref_slice %arg7[%dma_start3A_186] : memref<100352xf32, #tpu.memory_space<vmem_shared>> -> memref<100352xf32, #tpu.memory_space<vmem_shared>>
      tpu.enqueue_indirect_dma source(%arg10 : memref<128xf32, #tpu.memory_space<vmem>>) target(%dma_start3A_187 : memref<100352xf32, #tpu.memory_space<vmem_shared>>) offsets(%dma_start3A_185 : memref<128xi32, #tpu.memory_space<vmem>>) semaphore(%arg17 : memref<!tpu.dma_semaphore, #tpu.memory_space<semaphore_mem>>) {add = true}
      %dma_start3A_188 = arith.constant 1 : i32
      %dma_start3A_189 = arith.constant 0 : i32
      %dma_start3A_190 = tpu.memref_slice %arg8[%dma_start3A_188, %dma_start3A_189] : memref<16x128xi32, #tpu.memory_space<vmem>> -> memref<1x128xi32, #tpu.memory_space<vmem>>
      %dma_start3A_191 = tpu.memref_squeeze %dma_start3A_190 : memref<1x128xi32, #tpu.memory_space<vmem>> -> memref<128xi32, #tpu.memory_space<vmem>>
      %dma_start3A_192 = arith.constant 0 : i32
      %dma_start3A_193 = tpu.memref_slice %arg7[%dma_start3A_192] : memref<100352xf32, #tpu.memory_space<vmem_shared>> -> memref<100352xf32, #tpu.memory_space<vmem_shared>>
      tpu.enqueue_indirect_dma source(%arg10 : memref<128xf32, #tpu.memory_space<vmem>>) target(%dma_start3A_193 : memref<100352xf32, #tpu.memory_space<vmem_shared>>) offsets(%dma_start3A_191 : memref<128xi32, #tpu.memory_space<vmem>>) semaphore(%arg17 : memref<!tpu.dma_semaphore, #tpu.memory_space<semaphore_mem>>) {add = true}
      %dma_start3A_194 = arith.constant 2 : i32
      %dma_start3A_195 = arith.constant 0 : i32
      %dma_start3A_196 = tpu.memref_slice %arg8[%dma_start3A_194, %dma_start3A_195] : memref<16x128xi32, #tpu.memory_space<vmem>> -> memref<1x128xi32, #tpu.memory_space<vmem>>
      %dma_start3A_197 = tpu.memref_squeeze %dma_start3A_196 : memref<1x128xi32, #tpu.memory_space<vmem>> -> memref<128xi32, #tpu.memory_space<vmem>>
      %dma_start3A_198 = arith.constant 0 : i32
      %dma_start3A_199 = tpu.memref_slice %arg7[%dma_start3A_198] : memref<100352xf32, #tpu.memory_space<vmem_shared>> -> memref<100352xf32, #tpu.memory_space<vmem_shared>>
      tpu.enqueue_indirect_dma source(%arg10 : memref<128xf32, #tpu.memory_space<vmem>>) target(%dma_start3A_199 : memref<100352xf32, #tpu.memory_space<vmem_shared>>) offsets(%dma_start3A_197 : memref<128xi32, #tpu.memory_space<vmem>>) semaphore(%arg17 : memref<!tpu.dma_semaphore, #tpu.memory_space<semaphore_mem>>) {add = true}
      %dma_start3A_200 = arith.constant 3 : i32
      %dma_start3A_201 = arith.constant 0 : i32
      %dma_start3A_202 = tpu.memref_slice %arg8[%dma_start3A_200, %dma_start3A_201] : memref<16x128xi32, #tpu.memory_space<vmem>> -> memref<1x128xi32, #tpu.memory_space<vmem>>
      %dma_start3A_203 = tpu.memref_squeeze %dma_start3A_202 : memref<1x128xi32, #tpu.memory_space<vmem>> -> memref<128xi32, #tpu.memory_space<vmem>>
      %dma_start3A_204 = arith.constant 0 : i32
      %dma_start3A_205 = tpu.memref_slice %arg7[%dma_start3A_204] : memref<100352xf32, #tpu.memory_space<vmem_shared>> -> memref<100352xf32, #tpu.memory_space<vmem_shared>>
      tpu.enqueue_indirect_dma source(%arg10 : memref<128xf32, #tpu.memory_space<vmem>>) target(%dma_start3A_205 : memref<100352xf32, #tpu.memory_space<vmem_shared>>) offsets(%dma_start3A_203 : memref<128xi32, #tpu.memory_space<vmem>>) semaphore(%arg17 : memref<!tpu.dma_semaphore, #tpu.memory_space<semaphore_mem>>) {add = true}
      %dma_start3A_206 = arith.constant 4 : i32
      %dma_start3A_207 = arith.constant 0 : i32
      %dma_start3A_208 = tpu.memref_slice %arg8[%dma_start3A_206, %dma_start3A_207] : memref<16x128xi32, #tpu.memory_space<vmem>> -> memref<1x128xi32, #tpu.memory_space<vmem>>
      %dma_start3A_209 = tpu.memref_squeeze %dma_start3A_208 : memref<1x128xi32, #tpu.memory_space<vmem>> -> memref<128xi32, #tpu.memory_space<vmem>>
      %dma_start3A_210 = arith.constant 0 : i32
      %dma_start3A_211 = tpu.memref_slice %arg7[%dma_start3A_210] : memref<100352xf32, #tpu.memory_space<vmem_shared>> -> memref<100352xf32, #tpu.memory_space<vmem_shared>>
      tpu.enqueue_indirect_dma source(%arg10 : memref<128xf32, #tpu.memory_space<vmem>>) target(%dma_start3A_211 : memref<100352xf32, #tpu.memory_space<vmem_shared>>) offsets(%dma_start3A_209 : memref<128xi32, #tpu.memory_space<vmem>>) semaphore(%arg17 : memref<!tpu.dma_semaphore, #tpu.memory_space<semaphore_mem>>) {add = true}
      %dma_start3A_212 = arith.constant 5 : i32
      %dma_start3A_213 = arith.constant 0 : i32
      %dma_start3A_214 = tpu.memref_slice %arg8[%dma_start3A_212, %dma_start3A_213] : memref<16x128xi32, #tpu.memory_space<vmem>> -> memref<1x128xi32, #tpu.memory_space<vmem>>
      %dma_start3A_215 = tpu.memref_squeeze %dma_start3A_214 : memref<1x128xi32, #tpu.memory_space<vmem>> -> memref<128xi32, #tpu.memory_space<vmem>>
      %dma_start3A_216 = arith.constant 0 : i32
      %dma_start3A_217 = tpu.memref_slice %arg7[%dma_start3A_216] : memref<100352xf32, #tpu.memory_space<vmem_shared>> -> memref<100352xf32, #tpu.memory_space<vmem_shared>>
      tpu.enqueue_indirect_dma source(%arg10 : memref<128xf32, #tpu.memory_space<vmem>>) target(%dma_start3A_217 : memref<100352xf32, #tpu.memory_space<vmem_shared>>) offsets(%dma_start3A_215 : memref<128xi32, #tpu.memory_space<vmem>>) semaphore(%arg17 : memref<!tpu.dma_semaphore, #tpu.memory_space<semaphore_mem>>) {add = true}
      %dma_start3A_218 = arith.constant 6 : i32
      %dma_start3A_219 = arith.constant 0 : i32
      %dma_start3A_220 = tpu.memref_slice %arg8[%dma_start3A_218, %dma_start3A_219] : memref<16x128xi32, #tpu.memory_space<vmem>> -> memref<1x128xi32, #tpu.memory_space<vmem>>
      %dma_start3A_221 = tpu.memref_squeeze %dma_start3A_220 : memref<1x128xi32, #tpu.memory_space<vmem>> -> memref<128xi32, #tpu.memory_space<vmem>>
      %dma_start3A_222 = arith.constant 0 : i32
      %dma_start3A_223 = tpu.memref_slice %arg7[%dma_start3A_222] : memref<100352xf32, #tpu.memory_space<vmem_shared>> -> memref<100352xf32, #tpu.memory_space<vmem_shared>>
      tpu.enqueue_indirect_dma source(%arg10 : memref<128xf32, #tpu.memory_space<vmem>>) target(%dma_start3A_223 : memref<100352xf32, #tpu.memory_space<vmem_shared>>) offsets(%dma_start3A_221 : memref<128xi32, #tpu.memory_space<vmem>>) semaphore(%arg17 : memref<!tpu.dma_semaphore, #tpu.memory_space<semaphore_mem>>) {add = true}
      %dma_start3A_224 = arith.constant 7 : i32
      %dma_start3A_225 = arith.constant 0 : i32
      %dma_start3A_226 = tpu.memref_slice %arg8[%dma_start3A_224, %dma_start3A_225] : memref<16x128xi32, #tpu.memory_space<vmem>> -> memref<1x128xi32, #tpu.memory_space<vmem>>
      %dma_start3A_227 = tpu.memref_squeeze %dma_start3A_226 : memref<1x128xi32, #tpu.memory_space<vmem>> -> memref<128xi32, #tpu.memory_space<vmem>>
      %dma_start3A_228 = arith.constant 0 : i32
      %dma_start3A_229 = tpu.memref_slice %arg7[%dma_start3A_228] : memref<100352xf32, #tpu.memory_space<vmem_shared>> -> memref<100352xf32, #tpu.memory_space<vmem_shared>>
      tpu.enqueue_indirect_dma source(%arg10 : memref<128xf32, #tpu.memory_space<vmem>>) target(%dma_start3A_229 : memref<100352xf32, #tpu.memory_space<vmem_shared>>) offsets(%dma_start3A_227 : memref<128xi32, #tpu.memory_space<vmem>>) semaphore(%arg17 : memref<!tpu.dma_semaphore, #tpu.memory_space<semaphore_mem>>) {add = true}
      %dma_start3A_230 = arith.constant 8 : i32
      %dma_start3A_231 = arith.constant 0 : i32
      %dma_start3A_232 = tpu.memref_slice %arg8[%dma_start3A_230, %dma_start3A_231] : memref<16x128xi32, #tpu.memory_space<vmem>> -> memref<1x128xi32, #tpu.memory_space<vmem>>
      %dma_start3A_233 = tpu.memref_squeeze %dma_start3A_232 : memref<1x128xi32, #tpu.memory_space<vmem>> -> memref<128xi32, #tpu.memory_space<vmem>>
      %dma_start3A_234 = arith.constant 0 : i32
      %dma_start3A_235 = tpu.memref_slice %arg7[%dma_start3A_234] : memref<100352xf32, #tpu.memory_space<vmem_shared>> -> memref<100352xf32, #tpu.memory_space<vmem_shared>>
      tpu.enqueue_indirect_dma source(%arg10 : memref<128xf32, #tpu.memory_space<vmem>>) target(%dma_start3A_235 : memref<100352xf32, #tpu.memory_space<vmem_shared>>) offsets(%dma_start3A_233 : memref<128xi32, #tpu.memory_space<vmem>>) semaphore(%arg17 : memref<!tpu.dma_semaphore, #tpu.memory_space<semaphore_mem>>) {add = true}
      %dma_start3A_236 = arith.constant 9 : i32
      %dma_start3A_237 = arith.constant 0 : i32
      %dma_start3A_238 = tpu.memref_slice %arg8[%dma_start3A_236, %dma_start3A_237] : memref<16x128xi32, #tpu.memory_space<vmem>> -> memref<1x128xi32, #tpu.memory_space<vmem>>
      %dma_start3A_239 = tpu.memref_squeeze %dma_start3A_238 : memref<1x128xi32, #tpu.memory_space<vmem>> -> memref<128xi32, #tpu.memory_space<vmem>>
      %dma_start3A_240 = arith.constant 0 : i32
      %dma_start3A_241 = tpu.memref_slice %arg7[%dma_start3A_240] : memref<100352xf32, #tpu.memory_space<vmem_shared>> -> memref<100352xf32, #tpu.memory_space<vmem_shared>>
      tpu.enqueue_indirect_dma source(%arg10 : memref<128xf32, #tpu.memory_space<vmem>>) target(%dma_start3A_241 : memref<100352xf32, #tpu.memory_space<vmem_shared>>) offsets(%dma_start3A_239 : memref<128xi32, #tpu.memory_space<vmem>>) semaphore(%arg17 : memref<!tpu.dma_semaphore, #tpu.memory_space<semaphore_mem>>) {add = true}
      %dma_start3A_242 = arith.constant 10 : i32
      %dma_start3A_243 = arith.constant 0 : i32
      %dma_start3A_244 = tpu.memref_slice %arg8[%dma_start3A_242, %dma_start3A_243] : memref<16x128xi32, #tpu.memory_space<vmem>> -> memref<1x128xi32, #tpu.memory_space<vmem>>
      %dma_start3A_245 = tpu.memref_squeeze %dma_start3A_244 : memref<1x128xi32, #tpu.memory_space<vmem>> -> memref<128xi32, #tpu.memory_space<vmem>>
      %dma_start3A_246 = arith.constant 0 : i32
      %dma_start3A_247 = tpu.memref_slice %arg7[%dma_start3A_246] : memref<100352xf32, #tpu.memory_space<vmem_shared>> -> memref<100352xf32, #tpu.memory_space<vmem_shared>>
      tpu.enqueue_indirect_dma source(%arg10 : memref<128xf32, #tpu.memory_space<vmem>>) target(%dma_start3A_247 : memref<100352xf32, #tpu.memory_space<vmem_shared>>) offsets(%dma_start3A_245 : memref<128xi32, #tpu.memory_space<vmem>>) semaphore(%arg17 : memref<!tpu.dma_semaphore, #tpu.memory_space<semaphore_mem>>) {add = true}
      %dma_start3A_248 = arith.constant 11 : i32
      %dma_start3A_249 = arith.constant 0 : i32
      %dma_start3A_250 = tpu.memref_slice %arg8[%dma_start3A_248, %dma_start3A_249] : memref<16x128xi32, #tpu.memory_space<vmem>> -> memref<1x128xi32, #tpu.memory_space<vmem>>
      %dma_start3A_251 = tpu.memref_squeeze %dma_start3A_250 : memref<1x128xi32, #tpu.memory_space<vmem>> -> memref<128xi32, #tpu.memory_space<vmem>>
      %dma_start3A_252 = arith.constant 0 : i32
      %dma_start3A_253 = tpu.memref_slice %arg7[%dma_start3A_252] : memref<100352xf32, #tpu.memory_space<vmem_shared>> -> memref<100352xf32, #tpu.memory_space<vmem_shared>>
      tpu.enqueue_indirect_dma source(%arg10 : memref<128xf32, #tpu.memory_space<vmem>>) target(%dma_start3A_253 : memref<100352xf32, #tpu.memory_space<vmem_shared>>) offsets(%dma_start3A_251 : memref<128xi32, #tpu.memory_space<vmem>>) semaphore(%arg17 : memref<!tpu.dma_semaphore, #tpu.memory_space<semaphore_mem>>) {add = true}
      %dma_start3A_254 = arith.constant 12 : i32
      %dma_start3A_255 = arith.constant 0 : i32
      %dma_start3A_256 = tpu.memref_slice %arg8[%dma_start3A_254, %dma_start3A_255] : memref<16x128xi32, #tpu.memory_space<vmem>> -> memref<1x128xi32, #tpu.memory_space<vmem>>
      %dma_start3A_257 = tpu.memref_squeeze %dma_start3A_256 : memref<1x128xi32, #tpu.memory_space<vmem>> -> memref<128xi32, #tpu.memory_space<vmem>>
      %dma_start3A_258 = arith.constant 0 : i32
      %dma_start3A_259 = tpu.memref_slice %arg7[%dma_start3A_258] : memref<100352xf32, #tpu.memory_space<vmem_shared>> -> memref<100352xf32, #tpu.memory_space<vmem_shared>>
      tpu.enqueue_indirect_dma source(%arg10 : memref<128xf32, #tpu.memory_space<vmem>>) target(%dma_start3A_259 : memref<100352xf32, #tpu.memory_space<vmem_shared>>) offsets(%dma_start3A_257 : memref<128xi32, #tpu.memory_space<vmem>>) semaphore(%arg17 : memref<!tpu.dma_semaphore, #tpu.memory_space<semaphore_mem>>) {add = true}
      %dma_start3A_260 = arith.constant 13 : i32
      %dma_start3A_261 = arith.constant 0 : i32
      %dma_start3A_262 = tpu.memref_slice %arg8[%dma_start3A_260, %dma_start3A_261] : memref<16x128xi32, #tpu.memory_space<vmem>> -> memref<1x128xi32, #tpu.memory_space<vmem>>
      %dma_start3A_263 = tpu.memref_squeeze %dma_start3A_262 : memref<1x128xi32, #tpu.memory_space<vmem>> -> memref<128xi32, #tpu.memory_space<vmem>>
      %dma_start3A_264 = arith.constant 0 : i32
      %dma_start3A_265 = tpu.memref_slice %arg7[%dma_start3A_264] : memref<100352xf32, #tpu.memory_space<vmem_shared>> -> memref<100352xf32, #tpu.memory_space<vmem_shared>>
      tpu.enqueue_indirect_dma source(%arg10 : memref<128xf32, #tpu.memory_space<vmem>>) target(%dma_start3A_265 : memref<100352xf32, #tpu.memory_space<vmem_shared>>) offsets(%dma_start3A_263 : memref<128xi32, #tpu.memory_space<vmem>>) semaphore(%arg17 : memref<!tpu.dma_semaphore, #tpu.memory_space<semaphore_mem>>) {add = true}
      %dma_start3A_266 = arith.constant 14 : i32
      %dma_start3A_267 = arith.constant 0 : i32
      %dma_start3A_268 = tpu.memref_slice %arg8[%dma_start3A_266, %dma_start3A_267] : memref<16x128xi32, #tpu.memory_space<vmem>> -> memref<1x128xi32, #tpu.memory_space<vmem>>
      %dma_start3A_269 = tpu.memref_squeeze %dma_start3A_268 : memref<1x128xi32, #tpu.memory_space<vmem>> -> memref<128xi32, #tpu.memory_space<vmem>>
      %dma_start3A_270 = arith.constant 0 : i32
      %dma_start3A_271 = tpu.memref_slice %arg7[%dma_start3A_270] : memref<100352xf32, #tpu.memory_space<vmem_shared>> -> memref<100352xf32, #tpu.memory_space<vmem_shared>>
      tpu.enqueue_indirect_dma source(%arg10 : memref<128xf32, #tpu.memory_space<vmem>>) target(%dma_start3A_271 : memref<100352xf32, #tpu.memory_space<vmem_shared>>) offsets(%dma_start3A_269 : memref<128xi32, #tpu.memory_space<vmem>>) semaphore(%arg17 : memref<!tpu.dma_semaphore, #tpu.memory_space<semaphore_mem>>) {add = true}
      %dma_start3A_272 = arith.constant 15 : i32
      %dma_start3A_273 = arith.constant 0 : i32
      %dma_start3A_274 = tpu.memref_slice %arg8[%dma_start3A_272, %dma_start3A_273] : memref<16x128xi32, #tpu.memory_space<vmem>> -> memref<1x128xi32, #tpu.memory_space<vmem>>
      %dma_start3A_275 = tpu.memref_squeeze %dma_start3A_274 : memref<1x128xi32, #tpu.memory_space<vmem>> -> memref<128xi32, #tpu.memory_space<vmem>>
      %dma_start3A_276 = arith.constant 0 : i32
      %dma_start3A_277 = tpu.memref_slice %arg7[%dma_start3A_276] : memref<100352xf32, #tpu.memory_space<vmem_shared>> -> memref<100352xf32, #tpu.memory_space<vmem_shared>>
      tpu.enqueue_indirect_dma source(%arg10 : memref<128xf32, #tpu.memory_space<vmem>>) target(%dma_start3A_277 : memref<100352xf32, #tpu.memory_space<vmem_shared>>) offsets(%dma_start3A_275 : memref<128xi32, #tpu.memory_space<vmem>>) semaphore(%arg17 : memref<!tpu.dma_semaphore, #tpu.memory_space<semaphore_mem>>) {add = true}
      %mul3A_278 = arith.constant 2 : i32
      %mul3A_279 = arith.muli %mul3A_278, %add3A_172 : i32
      %add3A_280 = arith.constant 1 : i32
      %add3A_281 = arith.addi %mul3A_279, %add3A_280 : i32
      %ge3A_282 = arith.constant 1 : i32
      %ge3A_283 = arith.cmpi sge, %add3A_281, %ge3A_282 : i32
      %convert_element_type3A_284 = arith.extui %ge3A_283 : i1 to i32
      %cond3A_285 = arith.constant 0 : i32
      %cond3A_286 = arith.cmpi ne, %convert_element_type3A_284, %cond3A_285 : i32
      scf.if %cond3A_286 {
        %dma_wait3A_386 = arith.constant 0 : i32
        %dma_wait3A_387 = arith.constant 0 : i32
        %dma_wait3A_388 = tpu.memref_slice %arg2[%dma_wait3A_386, %dma_wait3A_387] : memref<25088x128xi32, #tpu.memory_space<hbm>> -> memref<16x128xi32, #tpu.memory_space<hbm>>
        %dma_wait3A_389 = arith.constant 0 : i32
        %dma_wait3A_390 = arith.constant 0 : i32
        %dma_wait3A_391 = tpu.memref_slice %arg2[%dma_wait3A_389, %dma_wait3A_390] : memref<25088x128xi32, #tpu.memory_space<hbm>> -> memref<16x128xi32, #tpu.memory_space<hbm>>
        tpu.wait_dma2 semaphore(%arg17 : memref<!tpu.dma_semaphore, #tpu.memory_space<semaphore_mem>>) src(%dma_wait3A_391 : memref<16x128xi32, #tpu.memory_space<hbm>>) dst(%arg8 : memref<16x128xi32, #tpu.memory_space<vmem>>)
      } else {
      }
      %mul3A_287 = arith.constant 16 : i32
      %mul3A_288 = arith.muli %add3A_281, %mul3A_287 : i32
      %add3A_289 = arith.addi %mul3A_47, %mul3A_288 : i32
      "tpu.region"() ({
        %run_scoped3A = tpu.sem_alloc : memref<!tpu.dma_semaphore, #tpu.memory_space<semaphore_mem>>
        %dma_start3A_386 = arith.constant 0 : i32
        %dma_start3A_387 = tpu.memref_slice %arg2[%add3A_289, %dma_start3A_386] : memref<25088x128xi32, #tpu.memory_space<hbm>> -> memref<16x128xi32, #tpu.memory_space<hbm>>
        %dma_start3A_388 = arith.constant 0 : i32
        %dma_start3A_389 = tpu.memref_slice %arg2[%add3A_289, %dma_start3A_388] : memref<25088x128xi32, #tpu.memory_space<hbm>> -> memref<16x128xi32, #tpu.memory_space<hbm>>
        tpu.enqueue_dma source(%dma_start3A_389 : memref<16x128xi32, #tpu.memory_space<hbm>>) target(%arg9 : memref<16x128xi32, #tpu.memory_space<vmem>>) target_semaphore(%run_scoped3A : memref<!tpu.dma_semaphore, #tpu.memory_space<semaphore_mem>>)
        %dma_wait3A_390 = arith.constant 0 : i32
        %dma_wait3A_391 = tpu.memref_slice %arg2[%add3A_289, %dma_wait3A_390] : memref<25088x128xi32, #tpu.memory_space<hbm>> -> memref<16x128xi32, #tpu.memory_space<hbm>>
        %dma_wait3A_392 = arith.constant 0 : i32
        %dma_wait3A_393 = tpu.memref_slice %arg2[%add3A_289, %dma_wait3A_392] : memref<25088x128xi32, #tpu.memory_space<hbm>> -> memref<16x128xi32, #tpu.memory_space<hbm>>
        tpu.wait_dma2 semaphore(%run_scoped3A : memref<!tpu.dma_semaphore, #tpu.memory_space<semaphore_mem>>) src(%dma_wait3A_393 : memref<16x128xi32, #tpu.memory_space<hbm>>) dst(%arg9 : memref<16x128xi32, #tpu.memory_space<vmem>>)
        tpu.yield
      }) : () -> ()
      %dma_start3A_290 = arith.constant 0 : i32
      %dma_start3A_291 = arith.constant 0 : i32
      %dma_start3A_292 = tpu.memref_slice %arg9[%dma_start3A_290, %dma_start3A_291] : memref<16x128xi32, #tpu.memory_space<vmem>> -> memref<1x128xi32, #tpu.memory_space<vmem>>
      %dma_start3A_293 = tpu.memref_squeeze %dma_start3A_292 : memref<1x128xi32, #tpu.memory_space<vmem>> -> memref<128xi32, #tpu.memory_space<vmem>>
      %dma_start3A_294 = arith.constant 0 : i32
      %dma_start3A_295 = tpu.memref_slice %arg7[%dma_start3A_294] : memref<100352xf32, #tpu.memory_space<vmem_shared>> -> memref<100352xf32, #tpu.memory_space<vmem_shared>>
      tpu.enqueue_indirect_dma source(%arg10 : memref<128xf32, #tpu.memory_space<vmem>>) target(%dma_start3A_295 : memref<100352xf32, #tpu.memory_space<vmem_shared>>) offsets(%dma_start3A_293 : memref<128xi32, #tpu.memory_space<vmem>>) semaphore(%arg17 : memref<!tpu.dma_semaphore, #tpu.memory_space<semaphore_mem>>) {add = true}
      %dma_start3A_296 = arith.constant 1 : i32
      %dma_start3A_297 = arith.constant 0 : i32
      %dma_start3A_298 = tpu.memref_slice %arg9[%dma_start3A_296, %dma_start3A_297] : memref<16x128xi32, #tpu.memory_space<vmem>> -> memref<1x128xi32, #tpu.memory_space<vmem>>
      %dma_start3A_299 = tpu.memref_squeeze %dma_start3A_298 : memref<1x128xi32, #tpu.memory_space<vmem>> -> memref<128xi32, #tpu.memory_space<vmem>>
      %dma_start3A_300 = arith.constant 0 : i32
      %dma_start3A_301 = tpu.memref_slice %arg7[%dma_start3A_300] : memref<100352xf32, #tpu.memory_space<vmem_shared>> -> memref<100352xf32, #tpu.memory_space<vmem_shared>>
      tpu.enqueue_indirect_dma source(%arg10 : memref<128xf32, #tpu.memory_space<vmem>>) target(%dma_start3A_301 : memref<100352xf32, #tpu.memory_space<vmem_shared>>) offsets(%dma_start3A_299 : memref<128xi32, #tpu.memory_space<vmem>>) semaphore(%arg17 : memref<!tpu.dma_semaphore, #tpu.memory_space<semaphore_mem>>) {add = true}
      %dma_start3A_302 = arith.constant 2 : i32
      %dma_start3A_303 = arith.constant 0 : i32
      %dma_start3A_304 = tpu.memref_slice %arg9[%dma_start3A_302, %dma_start3A_303] : memref<16x128xi32, #tpu.memory_space<vmem>> -> memref<1x128xi32, #tpu.memory_space<vmem>>
      %dma_start3A_305 = tpu.memref_squeeze %dma_start3A_304 : memref<1x128xi32, #tpu.memory_space<vmem>> -> memref<128xi32, #tpu.memory_space<vmem>>
      %dma_start3A_306 = arith.constant 0 : i32
      %dma_start3A_307 = tpu.memref_slice %arg7[%dma_start3A_306] : memref<100352xf32, #tpu.memory_space<vmem_shared>> -> memref<100352xf32, #tpu.memory_space<vmem_shared>>
      tpu.enqueue_indirect_dma source(%arg10 : memref<128xf32, #tpu.memory_space<vmem>>) target(%dma_start3A_307 : memref<100352xf32, #tpu.memory_space<vmem_shared>>) offsets(%dma_start3A_305 : memref<128xi32, #tpu.memory_space<vmem>>) semaphore(%arg17 : memref<!tpu.dma_semaphore, #tpu.memory_space<semaphore_mem>>) {add = true}
      %dma_start3A_308 = arith.constant 3 : i32
      %dma_start3A_309 = arith.constant 0 : i32
      %dma_start3A_310 = tpu.memref_slice %arg9[%dma_start3A_308, %dma_start3A_309] : memref<16x128xi32, #tpu.memory_space<vmem>> -> memref<1x128xi32, #tpu.memory_space<vmem>>
      %dma_start3A_311 = tpu.memref_squeeze %dma_start3A_310 : memref<1x128xi32, #tpu.memory_space<vmem>> -> memref<128xi32, #tpu.memory_space<vmem>>
      %dma_start3A_312 = arith.constant 0 : i32
      %dma_start3A_313 = tpu.memref_slice %arg7[%dma_start3A_312] : memref<100352xf32, #tpu.memory_space<vmem_shared>> -> memref<100352xf32, #tpu.memory_space<vmem_shared>>
      tpu.enqueue_indirect_dma source(%arg10 : memref<128xf32, #tpu.memory_space<vmem>>) target(%dma_start3A_313 : memref<100352xf32, #tpu.memory_space<vmem_shared>>) offsets(%dma_start3A_311 : memref<128xi32, #tpu.memory_space<vmem>>) semaphore(%arg17 : memref<!tpu.dma_semaphore, #tpu.memory_space<semaphore_mem>>) {add = true}
      %dma_start3A_314 = arith.constant 4 : i32
      %dma_start3A_315 = arith.constant 0 : i32
      %dma_start3A_316 = tpu.memref_slice %arg9[%dma_start3A_314, %dma_start3A_315] : memref<16x128xi32, #tpu.memory_space<vmem>> -> memref<1x128xi32, #tpu.memory_space<vmem>>
      %dma_start3A_317 = tpu.memref_squeeze %dma_start3A_316 : memref<1x128xi32, #tpu.memory_space<vmem>> -> memref<128xi32, #tpu.memory_space<vmem>>
      %dma_start3A_318 = arith.constant 0 : i32
      %dma_start3A_319 = tpu.memref_slice %arg7[%dma_start3A_318] : memref<100352xf32, #tpu.memory_space<vmem_shared>> -> memref<100352xf32, #tpu.memory_space<vmem_shared>>
      tpu.enqueue_indirect_dma source(%arg10 : memref<128xf32, #tpu.memory_space<vmem>>) target(%dma_start3A_319 : memref<100352xf32, #tpu.memory_space<vmem_shared>>) offsets(%dma_start3A_317 : memref<128xi32, #tpu.memory_space<vmem>>) semaphore(%arg17 : memref<!tpu.dma_semaphore, #tpu.memory_space<semaphore_mem>>) {add = true}
      %dma_start3A_320 = arith.constant 5 : i32
      %dma_start3A_321 = arith.constant 0 : i32
      %dma_start3A_322 = tpu.memref_slice %arg9[%dma_start3A_320, %dma_start3A_321] : memref<16x128xi32, #tpu.memory_space<vmem>> -> memref<1x128xi32, #tpu.memory_space<vmem>>
      %dma_start3A_323 = tpu.memref_squeeze %dma_start3A_322 : memref<1x128xi32, #tpu.memory_space<vmem>> -> memref<128xi32, #tpu.memory_space<vmem>>
      %dma_start3A_324 = arith.constant 0 : i32
      %dma_start3A_325 = tpu.memref_slice %arg7[%dma_start3A_324] : memref<100352xf32, #tpu.memory_space<vmem_shared>> -> memref<100352xf32, #tpu.memory_space<vmem_shared>>
      tpu.enqueue_indirect_dma source(%arg10 : memref<128xf32, #tpu.memory_space<vmem>>) target(%dma_start3A_325 : memref<100352xf32, #tpu.memory_space<vmem_shared>>) offsets(%dma_start3A_323 : memref<128xi32, #tpu.memory_space<vmem>>) semaphore(%arg17 : memref<!tpu.dma_semaphore, #tpu.memory_space<semaphore_mem>>) {add = true}
      %dma_start3A_326 = arith.constant 6 : i32
      %dma_start3A_327 = arith.constant 0 : i32
      %dma_start3A_328 = tpu.memref_slice %arg9[%dma_start3A_326, %dma_start3A_327] : memref<16x128xi32, #tpu.memory_space<vmem>> -> memref<1x128xi32, #tpu.memory_space<vmem>>
      %dma_start3A_329 = tpu.memref_squeeze %dma_start3A_328 : memref<1x128xi32, #tpu.memory_space<vmem>> -> memref<128xi32, #tpu.memory_space<vmem>>
      %dma_start3A_330 = arith.constant 0 : i32
      %dma_start3A_331 = tpu.memref_slice %arg7[%dma_start3A_330] : memref<100352xf32, #tpu.memory_space<vmem_shared>> -> memref<100352xf32, #tpu.memory_space<vmem_shared>>
      tpu.enqueue_indirect_dma source(%arg10 : memref<128xf32, #tpu.memory_space<vmem>>) target(%dma_start3A_331 : memref<100352xf32, #tpu.memory_space<vmem_shared>>) offsets(%dma_start3A_329 : memref<128xi32, #tpu.memory_space<vmem>>) semaphore(%arg17 : memref<!tpu.dma_semaphore, #tpu.memory_space<semaphore_mem>>) {add = true}
      %dma_start3A_332 = arith.constant 7 : i32
      %dma_start3A_333 = arith.constant 0 : i32
      %dma_start3A_334 = tpu.memref_slice %arg9[%dma_start3A_332, %dma_start3A_333] : memref<16x128xi32, #tpu.memory_space<vmem>> -> memref<1x128xi32, #tpu.memory_space<vmem>>
      %dma_start3A_335 = tpu.memref_squeeze %dma_start3A_334 : memref<1x128xi32, #tpu.memory_space<vmem>> -> memref<128xi32, #tpu.memory_space<vmem>>
      %dma_start3A_336 = arith.constant 0 : i32
      %dma_start3A_337 = tpu.memref_slice %arg7[%dma_start3A_336] : memref<100352xf32, #tpu.memory_space<vmem_shared>> -> memref<100352xf32, #tpu.memory_space<vmem_shared>>
      tpu.enqueue_indirect_dma source(%arg10 : memref<128xf32, #tpu.memory_space<vmem>>) target(%dma_start3A_337 : memref<100352xf32, #tpu.memory_space<vmem_shared>>) offsets(%dma_start3A_335 : memref<128xi32, #tpu.memory_space<vmem>>) semaphore(%arg17 : memref<!tpu.dma_semaphore, #tpu.memory_space<semaphore_mem>>) {add = true}
      %dma_start3A_338 = arith.constant 8 : i32
      %dma_start3A_339 = arith.constant 0 : i32
      %dma_start3A_340 = tpu.memref_slice %arg9[%dma_start3A_338, %dma_start3A_339] : memref<16x128xi32, #tpu.memory_space<vmem>> -> memref<1x128xi32, #tpu.memory_space<vmem>>
      %dma_start3A_341 = tpu.memref_squeeze %dma_start3A_340 : memref<1x128xi32, #tpu.memory_space<vmem>> -> memref<128xi32, #tpu.memory_space<vmem>>
      %dma_start3A_342 = arith.constant 0 : i32
      %dma_start3A_343 = tpu.memref_slice %arg7[%dma_start3A_342] : memref<100352xf32, #tpu.memory_space<vmem_shared>> -> memref<100352xf32, #tpu.memory_space<vmem_shared>>
      tpu.enqueue_indirect_dma source(%arg10 : memref<128xf32, #tpu.memory_space<vmem>>) target(%dma_start3A_343 : memref<100352xf32, #tpu.memory_space<vmem_shared>>) offsets(%dma_start3A_341 : memref<128xi32, #tpu.memory_space<vmem>>) semaphore(%arg17 : memref<!tpu.dma_semaphore, #tpu.memory_space<semaphore_mem>>) {add = true}
      %dma_start3A_344 = arith.constant 9 : i32
      %dma_start3A_345 = arith.constant 0 : i32
      %dma_start3A_346 = tpu.memref_slice %arg9[%dma_start3A_344, %dma_start3A_345] : memref<16x128xi32, #tpu.memory_space<vmem>> -> memref<1x128xi32, #tpu.memory_space<vmem>>
      %dma_start3A_347 = tpu.memref_squeeze %dma_start3A_346 : memref<1x128xi32, #tpu.memory_space<vmem>> -> memref<128xi32, #tpu.memory_space<vmem>>
      %dma_start3A_348 = arith.constant 0 : i32
      %dma_start3A_349 = tpu.memref_slice %arg7[%dma_start3A_348] : memref<100352xf32, #tpu.memory_space<vmem_shared>> -> memref<100352xf32, #tpu.memory_space<vmem_shared>>
      tpu.enqueue_indirect_dma source(%arg10 : memref<128xf32, #tpu.memory_space<vmem>>) target(%dma_start3A_349 : memref<100352xf32, #tpu.memory_space<vmem_shared>>) offsets(%dma_start3A_347 : memref<128xi32, #tpu.memory_space<vmem>>) semaphore(%arg17 : memref<!tpu.dma_semaphore, #tpu.memory_space<semaphore_mem>>) {add = true}
      %dma_start3A_350 = arith.constant 10 : i32
      %dma_start3A_351 = arith.constant 0 : i32
      %dma_start3A_352 = tpu.memref_slice %arg9[%dma_start3A_350, %dma_start3A_351] : memref<16x128xi32, #tpu.memory_space<vmem>> -> memref<1x128xi32, #tpu.memory_space<vmem>>
      %dma_start3A_353 = tpu.memref_squeeze %dma_start3A_352 : memref<1x128xi32, #tpu.memory_space<vmem>> -> memref<128xi32, #tpu.memory_space<vmem>>
      %dma_start3A_354 = arith.constant 0 : i32
      %dma_start3A_355 = tpu.memref_slice %arg7[%dma_start3A_354] : memref<100352xf32, #tpu.memory_space<vmem_shared>> -> memref<100352xf32, #tpu.memory_space<vmem_shared>>
      tpu.enqueue_indirect_dma source(%arg10 : memref<128xf32, #tpu.memory_space<vmem>>) target(%dma_start3A_355 : memref<100352xf32, #tpu.memory_space<vmem_shared>>) offsets(%dma_start3A_353 : memref<128xi32, #tpu.memory_space<vmem>>) semaphore(%arg17 : memref<!tpu.dma_semaphore, #tpu.memory_space<semaphore_mem>>) {add = true}
      %dma_start3A_356 = arith.constant 11 : i32
      %dma_start3A_357 = arith.constant 0 : i32
      %dma_start3A_358 = tpu.memref_slice %arg9[%dma_start3A_356, %dma_start3A_357] : memref<16x128xi32, #tpu.memory_space<vmem>> -> memref<1x128xi32, #tpu.memory_space<vmem>>
      %dma_start3A_359 = tpu.memref_squeeze %dma_start3A_358 : memref<1x128xi32, #tpu.memory_space<vmem>> -> memref<128xi32, #tpu.memory_space<vmem>>
      %dma_start3A_360 = arith.constant 0 : i32
      %dma_start3A_361 = tpu.memref_slice %arg7[%dma_start3A_360] : memref<100352xf32, #tpu.memory_space<vmem_shared>> -> memref<100352xf32, #tpu.memory_space<vmem_shared>>
      tpu.enqueue_indirect_dma source(%arg10 : memref<128xf32, #tpu.memory_space<vmem>>) target(%dma_start3A_361 : memref<100352xf32, #tpu.memory_space<vmem_shared>>) offsets(%dma_start3A_359 : memref<128xi32, #tpu.memory_space<vmem>>) semaphore(%arg17 : memref<!tpu.dma_semaphore, #tpu.memory_space<semaphore_mem>>) {add = true}
      %dma_start3A_362 = arith.constant 12 : i32
      %dma_start3A_363 = arith.constant 0 : i32
      %dma_start3A_364 = tpu.memref_slice %arg9[%dma_start3A_362, %dma_start3A_363] : memref<16x128xi32, #tpu.memory_space<vmem>> -> memref<1x128xi32, #tpu.memory_space<vmem>>
      %dma_start3A_365 = tpu.memref_squeeze %dma_start3A_364 : memref<1x128xi32, #tpu.memory_space<vmem>> -> memref<128xi32, #tpu.memory_space<vmem>>
      %dma_start3A_366 = arith.constant 0 : i32
      %dma_start3A_367 = tpu.memref_slice %arg7[%dma_start3A_366] : memref<100352xf32, #tpu.memory_space<vmem_shared>> -> memref<100352xf32, #tpu.memory_space<vmem_shared>>
      tpu.enqueue_indirect_dma source(%arg10 : memref<128xf32, #tpu.memory_space<vmem>>) target(%dma_start3A_367 : memref<100352xf32, #tpu.memory_space<vmem_shared>>) offsets(%dma_start3A_365 : memref<128xi32, #tpu.memory_space<vmem>>) semaphore(%arg17 : memref<!tpu.dma_semaphore, #tpu.memory_space<semaphore_mem>>) {add = true}
      %dma_start3A_368 = arith.constant 13 : i32
      %dma_start3A_369 = arith.constant 0 : i32
      %dma_start3A_370 = tpu.memref_slice %arg9[%dma_start3A_368, %dma_start3A_369] : memref<16x128xi32, #tpu.memory_space<vmem>> -> memref<1x128xi32, #tpu.memory_space<vmem>>
      %dma_start3A_371 = tpu.memref_squeeze %dma_start3A_370 : memref<1x128xi32, #tpu.memory_space<vmem>> -> memref<128xi32, #tpu.memory_space<vmem>>
      %dma_start3A_372 = arith.constant 0 : i32
      %dma_start3A_373 = tpu.memref_slice %arg7[%dma_start3A_372] : memref<100352xf32, #tpu.memory_space<vmem_shared>> -> memref<100352xf32, #tpu.memory_space<vmem_shared>>
      tpu.enqueue_indirect_dma source(%arg10 : memref<128xf32, #tpu.memory_space<vmem>>) target(%dma_start3A_373 : memref<100352xf32, #tpu.memory_space<vmem_shared>>) offsets(%dma_start3A_371 : memref<128xi32, #tpu.memory_space<vmem>>) semaphore(%arg17 : memref<!tpu.dma_semaphore, #tpu.memory_space<semaphore_mem>>) {add = true}
      %dma_start3A_374 = arith.constant 14 : i32
      %dma_start3A_375 = arith.constant 0 : i32
      %dma_start3A_376 = tpu.memref_slice %arg9[%dma_start3A_374, %dma_start3A_375] : memref<16x128xi32, #tpu.memory_space<vmem>> -> memref<1x128xi32, #tpu.memory_space<vmem>>
      %dma_start3A_377 = tpu.memref_squeeze %dma_start3A_376 : memref<1x128xi32, #tpu.memory_space<vmem>> -> memref<128xi32, #tpu.memory_space<vmem>>
      %dma_start3A_378 = arith.constant 0 : i32
      %dma_start3A_379 = tpu.memref_slice %arg7[%dma_start3A_378] : memref<100352xf32, #tpu.memory_space<vmem_shared>> -> memref<100352xf32, #tpu.memory_space<vmem_shared>>
      tpu.enqueue_indirect_dma source(%arg10 : memref<128xf32, #tpu.memory_space<vmem>>) target(%dma_start3A_379 : memref<100352xf32, #tpu.memory_space<vmem_shared>>) offsets(%dma_start3A_377 : memref<128xi32, #tpu.memory_space<vmem>>) semaphore(%arg17 : memref<!tpu.dma_semaphore, #tpu.memory_space<semaphore_mem>>) {add = true}
      %dma_start3A_380 = arith.constant 15 : i32
      %dma_start3A_381 = arith.constant 0 : i32
      %dma_start3A_382 = tpu.memref_slice %arg9[%dma_start3A_380, %dma_start3A_381] : memref<16x128xi32, #tpu.memory_space<vmem>> -> memref<1x128xi32, #tpu.memory_space<vmem>>
      %dma_start3A_383 = tpu.memref_squeeze %dma_start3A_382 : memref<1x128xi32, #tpu.memory_space<vmem>> -> memref<128xi32, #tpu.memory_space<vmem>>
      %dma_start3A_384 = arith.constant 0 : i32
      %dma_start3A_385 = tpu.memref_slice %arg7[%dma_start3A_384] : memref<100352xf32, #tpu.memory_space<vmem_shared>> -> memref<100352xf32, #tpu.memory_space<vmem_shared>>
      tpu.enqueue_indirect_dma source(%arg10 : memref<128xf32, #tpu.memory_space<vmem>>) target(%dma_start3A_385 : memref<100352xf32, #tpu.memory_space<vmem_shared>>) offsets(%dma_start3A_383 : memref<128xi32, #tpu.memory_space<vmem>>) semaphore(%arg17 : memref<!tpu.dma_semaphore, #tpu.memory_space<semaphore_mem>>) {add = true}
    }
    %scan3A_52 = arith.constant 24 : i32
    %dma_wait3A_53 = arith.constant 0 : i32
    %dma_wait3A_54 = arith.constant 0 : i32
    %dma_wait3A_55 = tpu.memref_slice %arg2[%dma_wait3A_53, %dma_wait3A_54] : memref<25088x128xi32, #tpu.memory_space<hbm>> -> memref<16x128xi32, #tpu.memory_space<hbm>>
    %dma_wait3A_56 = arith.constant 0 : i32
    %dma_wait3A_57 = arith.constant 0 : i32
    %dma_wait3A_58 = tpu.memref_slice %arg2[%dma_wait3A_56, %dma_wait3A_57] : memref<25088x128xi32, #tpu.memory_space<hbm>> -> memref<16x128xi32, #tpu.memory_space<hbm>>
    tpu.wait_dma2 semaphore(%arg17 : memref<!tpu.dma_semaphore, #tpu.memory_space<semaphore_mem>>) src(%dma_wait3A_58 : memref<16x128xi32, #tpu.memory_space<hbm>>) dst(%arg9 : memref<16x128xi32, #tpu.memory_space<vmem>>)
    %add3A_59 = arith.constant 768 : i32
    %add3A_60 = arith.addi %mul3A_47, %add3A_59 : i32
    "tpu.region"() ({
      %run_scoped3A = tpu.sem_alloc : memref<!tpu.dma_semaphore, #tpu.memory_space<semaphore_mem>>
      %dma_start3A_168 = arith.constant 0 : i32
      %dma_start3A_169 = tpu.memref_slice %arg2[%add3A_60, %dma_start3A_168] : memref<25088x128xi32, #tpu.memory_space<hbm>> -> memref<16x128xi32, #tpu.memory_space<hbm>>
      %dma_start3A_170 = arith.constant 0 : i32
      %dma_start3A_171 = tpu.memref_slice %arg2[%add3A_60, %dma_start3A_170] : memref<25088x128xi32, #tpu.memory_space<hbm>> -> memref<16x128xi32, #tpu.memory_space<hbm>>
      tpu.enqueue_dma source(%dma_start3A_171 : memref<16x128xi32, #tpu.memory_space<hbm>>) target(%arg8 : memref<16x128xi32, #tpu.memory_space<vmem>>) target_semaphore(%run_scoped3A : memref<!tpu.dma_semaphore, #tpu.memory_space<semaphore_mem>>)
      %dma_wait3A_172 = arith.constant 0 : i32
      %dma_wait3A_173 = tpu.memref_slice %arg2[%add3A_60, %dma_wait3A_172] : memref<25088x128xi32, #tpu.memory_space<hbm>> -> memref<16x128xi32, #tpu.memory_space<hbm>>
      %dma_wait3A_174 = arith.constant 0 : i32
      %dma_wait3A_175 = tpu.memref_slice %arg2[%add3A_60, %dma_wait3A_174] : memref<25088x128xi32, #tpu.memory_space<hbm>> -> memref<16x128xi32, #tpu.memory_space<hbm>>
      tpu.wait_dma2 semaphore(%run_scoped3A : memref<!tpu.dma_semaphore, #tpu.memory_space<semaphore_mem>>) src(%dma_wait3A_175 : memref<16x128xi32, #tpu.memory_space<hbm>>) dst(%arg8 : memref<16x128xi32, #tpu.memory_space<vmem>>)
      tpu.yield
    }) : () -> ()
    %dma_start3A_61 = arith.constant 0 : i32
    %dma_start3A_62 = arith.constant 0 : i32
    %dma_start3A_63 = tpu.memref_slice %arg8[%dma_start3A_61, %dma_start3A_62] : memref<16x128xi32, #tpu.memory_space<vmem>> -> memref<1x128xi32, #tpu.memory_space<vmem>>
    %dma_start3A_64 = tpu.memref_squeeze %dma_start3A_63 : memref<1x128xi32, #tpu.memory_space<vmem>> -> memref<128xi32, #tpu.memory_space<vmem>>
    %dma_start3A_65 = arith.constant 0 : i32
    %dma_start3A_66 = tpu.memref_slice %arg7[%dma_start3A_65] : memref<100352xf32, #tpu.memory_space<vmem_shared>> -> memref<100352xf32, #tpu.memory_space<vmem_shared>>
    tpu.enqueue_indirect_dma source(%arg10 : memref<128xf32, #tpu.memory_space<vmem>>) target(%dma_start3A_66 : memref<100352xf32, #tpu.memory_space<vmem_shared>>) offsets(%dma_start3A_64 : memref<128xi32, #tpu.memory_space<vmem>>) semaphore(%arg17 : memref<!tpu.dma_semaphore, #tpu.memory_space<semaphore_mem>>) {add = true}
    %dma_start3A_67 = arith.constant 1 : i32
    %dma_start3A_68 = arith.constant 0 : i32
    %dma_start3A_69 = tpu.memref_slice %arg8[%dma_start3A_67, %dma_start3A_68] : memref<16x128xi32, #tpu.memory_space<vmem>> -> memref<1x128xi32, #tpu.memory_space<vmem>>
    %dma_start3A_70 = tpu.memref_squeeze %dma_start3A_69 : memref<1x128xi32, #tpu.memory_space<vmem>> -> memref<128xi32, #tpu.memory_space<vmem>>
    %dma_start3A_71 = arith.constant 0 : i32
    %dma_start3A_72 = tpu.memref_slice %arg7[%dma_start3A_71] : memref<100352xf32, #tpu.memory_space<vmem_shared>> -> memref<100352xf32, #tpu.memory_space<vmem_shared>>
    tpu.enqueue_indirect_dma source(%arg10 : memref<128xf32, #tpu.memory_space<vmem>>) target(%dma_start3A_72 : memref<100352xf32, #tpu.memory_space<vmem_shared>>) offsets(%dma_start3A_70 : memref<128xi32, #tpu.memory_space<vmem>>) semaphore(%arg17 : memref<!tpu.dma_semaphore, #tpu.memory_space<semaphore_mem>>) {add = true}
    %dma_start3A_73 = arith.constant 2 : i32
    %dma_start3A_74 = arith.constant 0 : i32
    %dma_start3A_75 = tpu.memref_slice %arg8[%dma_start3A_73, %dma_start3A_74] : memref<16x128xi32, #tpu.memory_space<vmem>> -> memref<1x128xi32, #tpu.memory_space<vmem>>
    %dma_start3A_76 = tpu.memref_squeeze %dma_start3A_75 : memref<1x128xi32, #tpu.memory_space<vmem>> -> memref<128xi32, #tpu.memory_space<vmem>>
    %dma_start3A_77 = arith.constant 0 : i32
    %dma_start3A_78 = tpu.memref_slice %arg7[%dma_start3A_77] : memref<100352xf32, #tpu.memory_space<vmem_shared>> -> memref<100352xf32, #tpu.memory_space<vmem_shared>>
    tpu.enqueue_indirect_dma source(%arg10 : memref<128xf32, #tpu.memory_space<vmem>>) target(%dma_start3A_78 : memref<100352xf32, #tpu.memory_space<vmem_shared>>) offsets(%dma_start3A_76 : memref<128xi32, #tpu.memory_space<vmem>>) semaphore(%arg17 : memref<!tpu.dma_semaphore, #tpu.memory_space<semaphore_mem>>) {add = true}
    %dma_start3A_79 = arith.constant 3 : i32
    %dma_start3A_80 = arith.constant 0 : i32
    %dma_start3A_81 = tpu.memref_slice %arg8[%dma_start3A_79, %dma_start3A_80] : memref<16x128xi32, #tpu.memory_space<vmem>> -> memref<1x128xi32, #tpu.memory_space<vmem>>
    %dma_start3A_82 = tpu.memref_squeeze %dma_start3A_81 : memref<1x128xi32, #tpu.memory_space<vmem>> -> memref<128xi32, #tpu.memory_space<vmem>>
    %dma_start3A_83 = arith.constant 0 : i32
    %dma_start3A_84 = tpu.memref_slice %arg7[%dma_start3A_83] : memref<100352xf32, #tpu.memory_space<vmem_shared>> -> memref<100352xf32, #tpu.memory_space<vmem_shared>>
    tpu.enqueue_indirect_dma source(%arg10 : memref<128xf32, #tpu.memory_space<vmem>>) target(%dma_start3A_84 : memref<100352xf32, #tpu.memory_space<vmem_shared>>) offsets(%dma_start3A_82 : memref<128xi32, #tpu.memory_space<vmem>>) semaphore(%arg17 : memref<!tpu.dma_semaphore, #tpu.memory_space<semaphore_mem>>) {add = true}
    %dma_start3A_85 = arith.constant 4 : i32
    %dma_start3A_86 = arith.constant 0 : i32
    %dma_start3A_87 = tpu.memref_slice %arg8[%dma_start3A_85, %dma_start3A_86] : memref<16x128xi32, #tpu.memory_space<vmem>> -> memref<1x128xi32, #tpu.memory_space<vmem>>
    %dma_start3A_88 = tpu.memref_squeeze %dma_start3A_87 : memref<1x128xi32, #tpu.memory_space<vmem>> -> memref<128xi32, #tpu.memory_space<vmem>>
    %dma_start3A_89 = arith.constant 0 : i32
    %dma_start3A_90 = tpu.memref_slice %arg7[%dma_start3A_89] : memref<100352xf32, #tpu.memory_space<vmem_shared>> -> memref<100352xf32, #tpu.memory_space<vmem_shared>>
    tpu.enqueue_indirect_dma source(%arg10 : memref<128xf32, #tpu.memory_space<vmem>>) target(%dma_start3A_90 : memref<100352xf32, #tpu.memory_space<vmem_shared>>) offsets(%dma_start3A_88 : memref<128xi32, #tpu.memory_space<vmem>>) semaphore(%arg17 : memref<!tpu.dma_semaphore, #tpu.memory_space<semaphore_mem>>) {add = true}
    %dma_start3A_91 = arith.constant 5 : i32
    %dma_start3A_92 = arith.constant 0 : i32
    %dma_start3A_93 = tpu.memref_slice %arg8[%dma_start3A_91, %dma_start3A_92] : memref<16x128xi32, #tpu.memory_space<vmem>> -> memref<1x128xi32, #tpu.memory_space<vmem>>
    %dma_start3A_94 = tpu.memref_squeeze %dma_start3A_93 : memref<1x128xi32, #tpu.memory_space<vmem>> -> memref<128xi32, #tpu.memory_space<vmem>>
    %dma_start3A_95 = arith.constant 0 : i32
    %dma_start3A_96 = tpu.memref_slice %arg7[%dma_start3A_95] : memref<100352xf32, #tpu.memory_space<vmem_shared>> -> memref<100352xf32, #tpu.memory_space<vmem_shared>>
    tpu.enqueue_indirect_dma source(%arg10 : memref<128xf32, #tpu.memory_space<vmem>>) target(%dma_start3A_96 : memref<100352xf32, #tpu.memory_space<vmem_shared>>) offsets(%dma_start3A_94 : memref<128xi32, #tpu.memory_space<vmem>>) semaphore(%arg17 : memref<!tpu.dma_semaphore, #tpu.memory_space<semaphore_mem>>) {add = true}
    %dma_start3A_97 = arith.constant 6 : i32
    %dma_start3A_98 = arith.constant 0 : i32
    %dma_start3A_99 = tpu.memref_slice %arg8[%dma_start3A_97, %dma_start3A_98] : memref<16x128xi32, #tpu.memory_space<vmem>> -> memref<1x128xi32, #tpu.memory_space<vmem>>
    %dma_start3A_100 = tpu.memref_squeeze %dma_start3A_99 : memref<1x128xi32, #tpu.memory_space<vmem>> -> memref<128xi32, #tpu.memory_space<vmem>>
    %dma_start3A_101 = arith.constant 0 : i32
    %dma_start3A_102 = tpu.memref_slice %arg7[%dma_start3A_101] : memref<100352xf32, #tpu.memory_space<vmem_shared>> -> memref<100352xf32, #tpu.memory_space<vmem_shared>>
    tpu.enqueue_indirect_dma source(%arg10 : memref<128xf32, #tpu.memory_space<vmem>>) target(%dma_start3A_102 : memref<100352xf32, #tpu.memory_space<vmem_shared>>) offsets(%dma_start3A_100 : memref<128xi32, #tpu.memory_space<vmem>>) semaphore(%arg17 : memref<!tpu.dma_semaphore, #tpu.memory_space<semaphore_mem>>) {add = true}
    %dma_start3A_103 = arith.constant 7 : i32
    %dma_start3A_104 = arith.constant 0 : i32
    %dma_start3A_105 = tpu.memref_slice %arg8[%dma_start3A_103, %dma_start3A_104] : memref<16x128xi32, #tpu.memory_space<vmem>> -> memref<1x128xi32, #tpu.memory_space<vmem>>
    %dma_start3A_106 = tpu.memref_squeeze %dma_start3A_105 : memref<1x128xi32, #tpu.memory_space<vmem>> -> memref<128xi32, #tpu.memory_space<vmem>>
    %dma_start3A_107 = arith.constant 0 : i32
    %dma_start3A_108 = tpu.memref_slice %arg7[%dma_start3A_107] : memref<100352xf32, #tpu.memory_space<vmem_shared>> -> memref<100352xf32, #tpu.memory_space<vmem_shared>>
    tpu.enqueue_indirect_dma source(%arg10 : memref<128xf32, #tpu.memory_space<vmem>>) target(%dma_start3A_108 : memref<100352xf32, #tpu.memory_space<vmem_shared>>) offsets(%dma_start3A_106 : memref<128xi32, #tpu.memory_space<vmem>>) semaphore(%arg17 : memref<!tpu.dma_semaphore, #tpu.memory_space<semaphore_mem>>) {add = true}
    %dma_start3A_109 = arith.constant 8 : i32
    %dma_start3A_110 = arith.constant 0 : i32
    %dma_start3A_111 = tpu.memref_slice %arg8[%dma_start3A_109, %dma_start3A_110] : memref<16x128xi32, #tpu.memory_space<vmem>> -> memref<1x128xi32, #tpu.memory_space<vmem>>
    %dma_start3A_112 = tpu.memref_squeeze %dma_start3A_111 : memref<1x128xi32, #tpu.memory_space<vmem>> -> memref<128xi32, #tpu.memory_space<vmem>>
    %dma_start3A_113 = arith.constant 0 : i32
    %dma_start3A_114 = tpu.memref_slice %arg7[%dma_start3A_113] : memref<100352xf32, #tpu.memory_space<vmem_shared>> -> memref<100352xf32, #tpu.memory_space<vmem_shared>>
    tpu.enqueue_indirect_dma source(%arg10 : memref<128xf32, #tpu.memory_space<vmem>>) target(%dma_start3A_114 : memref<100352xf32, #tpu.memory_space<vmem_shared>>) offsets(%dma_start3A_112 : memref<128xi32, #tpu.memory_space<vmem>>) semaphore(%arg17 : memref<!tpu.dma_semaphore, #tpu.memory_space<semaphore_mem>>) {add = true}
    %dma_start3A_115 = arith.constant 9 : i32
    %dma_start3A_116 = arith.constant 0 : i32
    %dma_start3A_117 = tpu.memref_slice %arg8[%dma_start3A_115, %dma_start3A_116] : memref<16x128xi32, #tpu.memory_space<vmem>> -> memref<1x128xi32, #tpu.memory_space<vmem>>
    %dma_start3A_118 = tpu.memref_squeeze %dma_start3A_117 : memref<1x128xi32, #tpu.memory_space<vmem>> -> memref<128xi32, #tpu.memory_space<vmem>>
    %dma_start3A_119 = arith.constant 0 : i32
    %dma_start3A_120 = tpu.memref_slice %arg7[%dma_start3A_119] : memref<100352xf32, #tpu.memory_space<vmem_shared>> -> memref<100352xf32, #tpu.memory_space<vmem_shared>>
    tpu.enqueue_indirect_dma source(%arg10 : memref<128xf32, #tpu.memory_space<vmem>>) target(%dma_start3A_120 : memref<100352xf32, #tpu.memory_space<vmem_shared>>) offsets(%dma_start3A_118 : memref<128xi32, #tpu.memory_space<vmem>>) semaphore(%arg17 : memref<!tpu.dma_semaphore, #tpu.memory_space<semaphore_mem>>) {add = true}
    %dma_start3A_121 = arith.constant 10 : i32
    %dma_start3A_122 = arith.constant 0 : i32
    %dma_start3A_123 = tpu.memref_slice %arg8[%dma_start3A_121, %dma_start3A_122] : memref<16x128xi32, #tpu.memory_space<vmem>> -> memref<1x128xi32, #tpu.memory_space<vmem>>
    %dma_start3A_124 = tpu.memref_squeeze %dma_start3A_123 : memref<1x128xi32, #tpu.memory_space<vmem>> -> memref<128xi32, #tpu.memory_space<vmem>>
    %dma_start3A_125 = arith.constant 0 : i32
    %dma_start3A_126 = tpu.memref_slice %arg7[%dma_start3A_125] : memref<100352xf32, #tpu.memory_space<vmem_shared>> -> memref<100352xf32, #tpu.memory_space<vmem_shared>>
    tpu.enqueue_indirect_dma source(%arg10 : memref<128xf32, #tpu.memory_space<vmem>>) target(%dma_start3A_126 : memref<100352xf32, #tpu.memory_space<vmem_shared>>) offsets(%dma_start3A_124 : memref<128xi32, #tpu.memory_space<vmem>>) semaphore(%arg17 : memref<!tpu.dma_semaphore, #tpu.memory_space<semaphore_mem>>) {add = true}
    %dma_start3A_127 = arith.constant 11 : i32
    %dma_start3A_128 = arith.constant 0 : i32
    %dma_start3A_129 = tpu.memref_slice %arg8[%dma_start3A_127, %dma_start3A_128] : memref<16x128xi32, #tpu.memory_space<vmem>> -> memref<1x128xi32, #tpu.memory_space<vmem>>
    %dma_start3A_130 = tpu.memref_squeeze %dma_start3A_129 : memref<1x128xi32, #tpu.memory_space<vmem>> -> memref<128xi32, #tpu.memory_space<vmem>>
    %dma_start3A_131 = arith.constant 0 : i32
    %dma_start3A_132 = tpu.memref_slice %arg7[%dma_start3A_131] : memref<100352xf32, #tpu.memory_space<vmem_shared>> -> memref<100352xf32, #tpu.memory_space<vmem_shared>>
    tpu.enqueue_indirect_dma source(%arg10 : memref<128xf32, #tpu.memory_space<vmem>>) target(%dma_start3A_132 : memref<100352xf32, #tpu.memory_space<vmem_shared>>) offsets(%dma_start3A_130 : memref<128xi32, #tpu.memory_space<vmem>>) semaphore(%arg17 : memref<!tpu.dma_semaphore, #tpu.memory_space<semaphore_mem>>) {add = true}
    %dma_start3A_133 = arith.constant 12 : i32
    %dma_start3A_134 = arith.constant 0 : i32
    %dma_start3A_135 = tpu.memref_slice %arg8[%dma_start3A_133, %dma_start3A_134] : memref<16x128xi32, #tpu.memory_space<vmem>> -> memref<1x128xi32, #tpu.memory_space<vmem>>
    %dma_start3A_136 = tpu.memref_squeeze %dma_start3A_135 : memref<1x128xi32, #tpu.memory_space<vmem>> -> memref<128xi32, #tpu.memory_space<vmem>>
    %dma_start3A_137 = arith.constant 0 : i32
    %dma_start3A_138 = tpu.memref_slice %arg7[%dma_start3A_137] : memref<100352xf32, #tpu.memory_space<vmem_shared>> -> memref<100352xf32, #tpu.memory_space<vmem_shared>>
    tpu.enqueue_indirect_dma source(%arg10 : memref<128xf32, #tpu.memory_space<vmem>>) target(%dma_start3A_138 : memref<100352xf32, #tpu.memory_space<vmem_shared>>) offsets(%dma_start3A_136 : memref<128xi32, #tpu.memory_space<vmem>>) semaphore(%arg17 : memref<!tpu.dma_semaphore, #tpu.memory_space<semaphore_mem>>) {add = true}
    %dma_start3A_139 = arith.constant 13 : i32
    %dma_start3A_140 = arith.constant 0 : i32
    %dma_start3A_141 = tpu.memref_slice %arg8[%dma_start3A_139, %dma_start3A_140] : memref<16x128xi32, #tpu.memory_space<vmem>> -> memref<1x128xi32, #tpu.memory_space<vmem>>
    %dma_start3A_142 = tpu.memref_squeeze %dma_start3A_141 : memref<1x128xi32, #tpu.memory_space<vmem>> -> memref<128xi32, #tpu.memory_space<vmem>>
    %dma_start3A_143 = arith.constant 0 : i32
    %dma_start3A_144 = tpu.memref_slice %arg7[%dma_start3A_143] : memref<100352xf32, #tpu.memory_space<vmem_shared>> -> memref<100352xf32, #tpu.memory_space<vmem_shared>>
    tpu.enqueue_indirect_dma source(%arg10 : memref<128xf32, #tpu.memory_space<vmem>>) target(%dma_start3A_144 : memref<100352xf32, #tpu.memory_space<vmem_shared>>) offsets(%dma_start3A_142 : memref<128xi32, #tpu.memory_space<vmem>>) semaphore(%arg17 : memref<!tpu.dma_semaphore, #tpu.memory_space<semaphore_mem>>) {add = true}
    %dma_start3A_145 = arith.constant 14 : i32
    %dma_start3A_146 = arith.constant 0 : i32
    %dma_start3A_147 = tpu.memref_slice %arg8[%dma_start3A_145, %dma_start3A_146] : memref<16x128xi32, #tpu.memory_space<vmem>> -> memref<1x128xi32, #tpu.memory_space<vmem>>
    %dma_start3A_148 = tpu.memref_squeeze %dma_start3A_147 : memref<1x128xi32, #tpu.memory_space<vmem>> -> memref<128xi32, #tpu.memory_space<vmem>>
    %dma_start3A_149 = arith.constant 0 : i32
    %dma_start3A_150 = tpu.memref_slice %arg7[%dma_start3A_149] : memref<100352xf32, #tpu.memory_space<vmem_shared>> -> memref<100352xf32, #tpu.memory_space<vmem_shared>>
    tpu.enqueue_indirect_dma source(%arg10 : memref<128xf32, #tpu.memory_space<vmem>>) target(%dma_start3A_150 : memref<100352xf32, #tpu.memory_space<vmem_shared>>) offsets(%dma_start3A_148 : memref<128xi32, #tpu.memory_space<vmem>>) semaphore(%arg17 : memref<!tpu.dma_semaphore, #tpu.memory_space<semaphore_mem>>) {add = true}
    %dma_start3A_151 = arith.constant 15 : i32
    %dma_start3A_152 = arith.constant 0 : i32
    %dma_start3A_153 = tpu.memref_slice %arg8[%dma_start3A_151, %dma_start3A_152] : memref<16x128xi32, #tpu.memory_space<vmem>> -> memref<1x128xi32, #tpu.memory_space<vmem>>
    %dma_start3A_154 = tpu.memref_squeeze %dma_start3A_153 : memref<1x128xi32, #tpu.memory_space<vmem>> -> memref<128xi32, #tpu.memory_space<vmem>>
    %dma_start3A_155 = arith.constant 0 : i32
    %dma_start3A_156 = tpu.memref_slice %arg7[%dma_start3A_155] : memref<100352xf32, #tpu.memory_space<vmem_shared>> -> memref<100352xf32, #tpu.memory_space<vmem_shared>>
    tpu.enqueue_indirect_dma source(%arg10 : memref<128xf32, #tpu.memory_space<vmem>>) target(%dma_start3A_156 : memref<100352xf32, #tpu.memory_space<vmem_shared>>) offsets(%dma_start3A_154 : memref<128xi32, #tpu.memory_space<vmem>>) semaphore(%arg17 : memref<!tpu.dma_semaphore, #tpu.memory_space<semaphore_mem>>) {add = true}
    %dma_wait3A_157 = arith.constant 0 : i32
    %dma_wait3A_158 = arith.constant 0 : i32
    %dma_wait3A_159 = tpu.memref_slice %arg2[%dma_wait3A_157, %dma_wait3A_158] : memref<25088x128xi32, #tpu.memory_space<hbm>> -> memref<16x128xi32, #tpu.memory_space<hbm>>
    %dma_wait3A_160 = arith.constant 0 : i32
    %dma_wait3A_161 = arith.constant 0 : i32
    %dma_wait3A_162 = tpu.memref_slice %arg2[%dma_wait3A_160, %dma_wait3A_161] : memref<25088x128xi32, #tpu.memory_space<hbm>> -> memref<16x128xi32, #tpu.memory_space<hbm>>
    tpu.wait_dma2 semaphore(%arg17 : memref<!tpu.dma_semaphore, #tpu.memory_space<semaphore_mem>>) src(%dma_wait3A_162 : memref<16x128xi32, #tpu.memory_space<hbm>>) dst(%arg8 : memref<16x128xi32, #tpu.memory_space<vmem>>)
    %barrier3A_163 = arith.constant 0 : index
    tpu.barrier barrier_id(%barrier3A_163)
    %mul3A_164 = arith.constant 6272 : i32
    %mul3A_165 = arith.muli %arg1, %mul3A_164 : i32
    %mul3A_166 = arith.constant 6272 : i32
    %mul3A_167 = arith.muli %arg1, %mul3A_166 : i32
    "tpu.region"() ({
      %run_scoped3A = tpu.sem_alloc : memref<!tpu.dma_semaphore, #tpu.memory_space<semaphore_mem>>
      %dma_start3A_168 = tpu.memref_slice %arg5[%arg0, %mul3A_167] : memref<2x100352xf32, #tpu.memory_space<hbm>> -> memref<1x6272xf32, #tpu.memory_space<hbm>>
      %dma_start3A_169 = tpu.memref_squeeze %dma_start3A_168 : memref<1x6272xf32, #tpu.memory_space<hbm>> -> memref<6272xf32, #tpu.memory_space<hbm>>
      %dma_start3A_170 = tpu.memref_slice %arg7[%mul3A_165] : memref<100352xf32, #tpu.memory_space<vmem_shared>> -> memref<6272xf32, #tpu.memory_space<vmem_shared>>
      tpu.enqueue_dma source(%dma_start3A_170 : memref<6272xf32, #tpu.memory_space<vmem_shared>>) target(%dma_start3A_169 : memref<6272xf32, #tpu.memory_space<hbm>>) target_semaphore(%run_scoped3A : memref<!tpu.dma_semaphore, #tpu.memory_space<semaphore_mem>>)
      %dma_wait3A_171 = tpu.memref_slice %arg5[%arg0, %mul3A_167] : memref<2x100352xf32, #tpu.memory_space<hbm>> -> memref<1x6272xf32, #tpu.memory_space<hbm>>
      %dma_wait3A_172 = tpu.memref_squeeze %dma_wait3A_171 : memref<1x6272xf32, #tpu.memory_space<hbm>> -> memref<6272xf32, #tpu.memory_space<hbm>>
      %dma_wait3A_173 = tpu.memref_slice %arg7[%mul3A_165] : memref<100352xf32, #tpu.memory_space<vmem_shared>> -> memref<6272xf32, #tpu.memory_space<vmem_shared>>
      tpu.wait_dma2 semaphore(%run_scoped3A : memref<!tpu.dma_semaphore, #tpu.memory_space<semaphore_mem>>) src(%dma_wait3A_173 : memref<6272xf32, #tpu.memory_space<vmem_shared>>) dst(%dma_wait3A_172 : memref<6272xf32, #tpu.memory_space<hbm>>)
      tpu.yield
    }) : () -> ()
    return
  }
}

#map = affine_map<(d0, d1) -> (0, 0, 0)>
#map1 = affine_map<(d0, d1) -> (0, 0)>
module attributes {stable_mosaic.version = 14 : i64} {
  func.func @_sc_msg_body(%arg0: i32, %arg1: i32, %arg2: memref<2x25088x128xi32, #tpu.memory_space<hbm>>, %arg3: memref<25088x128xi32, #tpu.memory_space<hbm>>, %arg4: memref<100352x32xf32, #tpu.memory_space<hbm>>, %arg5: memref<100352x32xf32, #tpu.memory_space<hbm>>, %arg6: memref<200704x16xf32, #tpu.memory_space<hbm>>, %arg7: memref<100352x16xf32, #tpu.memory_space<vmem_shared>>, %arg8: memref<4x128xi32, #tpu.memory_space<vmem>>, %arg9: memref<4x128xi32, #tpu.memory_space<vmem>>, %arg10: memref<4x128xi32, #tpu.memory_space<vmem>>, %arg11: memref<4x128xi32, #tpu.memory_space<vmem>>, %arg12: memref<4x128xi32, #tpu.memory_space<vmem>>, %arg13: memref<4x128xi32, #tpu.memory_space<vmem>>, %arg14: memref<512x16xf32, #tpu.memory_space<vmem>>, %arg15: memref<512x16xf32, #tpu.memory_space<vmem>>, %arg16: memref<512x16xf32, #tpu.memory_space<vmem>>, %arg17: memref<!tpu.dma_semaphore, #tpu.memory_space<semaphore_mem>>, %arg18: memref<!tpu.dma_semaphore, #tpu.memory_space<semaphore_mem>>) attributes {dimension_semantics = [#tpu.dimension_semantics<core_parallel>, #tpu.dimension_semantics<subcore_parallel>], iteration_bounds = array<i64: 2, 16>, scalar_prefetch = 0 : i64, scratch_operands = 12 : i64, tpu.core_type = #tpu.core_type<sc_vector_subcore>, window_params = [{transform_indices = #map}, {transform_indices = #map1}, {transform_indices = #map1}, {transform_indices = #map1}, {transform_indices = #map1}]} {
    %scan3A = arith.constant 0 : i32
    %scan3A_0 = arith.constant 12 : i32
    %scan3A_1 = arith.addi %scan3A, %scan3A_0 : i32
    %scan3A_2 = arith.constant 1 : i32
    scf.for %scan3A_227 = %scan3A to %scan3A_1 step %scan3A_2  : i32 {
      %mul3A_228 = arith.constant 1 : i32
      %mul3A_229 = arith.muli %scan3A_227, %mul3A_228 : i32
      %add3A_230 = arith.constant 0 : i32
      %add3A_231 = arith.addi %add3A_230, %mul3A_229 : i32
      %mul3A_232 = arith.constant 6272 : i32
      %mul3A_233 = arith.muli %arg1, %mul3A_232 : i32
      %mul3A_234 = arith.constant 512 : i32
      %mul3A_235 = arith.muli %add3A_231, %mul3A_234 : i32
      %add3A_236 = arith.addi %mul3A_233, %mul3A_235 : i32
      %mul3A_237 = arith.constant 16 : i32
      %mul3A_238 = arith.muli %arg0, %mul3A_237 : i32
      "tpu.region"() ({
        %run_scoped3A = tpu.sem_alloc : memref<!tpu.dma_semaphore, #tpu.memory_space<semaphore_mem>>
        %dma_start3A_242 = tpu.memref_slice %arg4[%add3A_236, %mul3A_238] : memref<100352x32xf32, #tpu.memory_space<hbm>> -> memref<512x16xf32, #tpu.memory_space<hbm>>
        %dma_start3A_243 = tpu.memref_slice %arg4[%add3A_236, %mul3A_238] : memref<100352x32xf32, #tpu.memory_space<hbm>> -> memref<512x16xf32, #tpu.memory_space<hbm>>
        tpu.enqueue_dma source(%dma_start3A_243 : memref<512x16xf32, #tpu.memory_space<hbm>>) target(%arg14 : memref<512x16xf32, #tpu.memory_space<vmem>>) target_semaphore(%run_scoped3A : memref<!tpu.dma_semaphore, #tpu.memory_space<semaphore_mem>>)
        %dma_wait3A_244 = tpu.memref_slice %arg4[%add3A_236, %mul3A_238] : memref<100352x32xf32, #tpu.memory_space<hbm>> -> memref<512x16xf32, #tpu.memory_space<hbm>>
        %dma_wait3A_245 = tpu.memref_slice %arg4[%add3A_236, %mul3A_238] : memref<100352x32xf32, #tpu.memory_space<hbm>> -> memref<512x16xf32, #tpu.memory_space<hbm>>
        tpu.wait_dma2 semaphore(%run_scoped3A : memref<!tpu.dma_semaphore, #tpu.memory_space<semaphore_mem>>) src(%dma_wait3A_245 : memref<512x16xf32, #tpu.memory_space<hbm>>) dst(%arg14 : memref<512x16xf32, #tpu.memory_space<vmem>>)
        tpu.yield
      }) : () -> ()
      %mul3A_239 = arith.constant 100352 : i32
      %mul3A_240 = arith.muli %arg0, %mul3A_239 : i32
      %add3A_241 = arith.addi %mul3A_240, %add3A_236 : i32
      "tpu.region"() ({
        %run_scoped3A = tpu.sem_alloc : memref<!tpu.dma_semaphore, #tpu.memory_space<semaphore_mem>>
        %dma_start3A_242 = arith.constant 0 : i32
        %dma_start3A_243 = tpu.memref_slice %arg6[%add3A_241, %dma_start3A_242] : memref<200704x16xf32, #tpu.memory_space<hbm>> -> memref<512x16xf32, #tpu.memory_space<hbm>>
        %dma_start3A_244 = arith.constant 0 : i32
        %dma_start3A_245 = tpu.memref_slice %arg6[%add3A_241, %dma_start3A_244] : memref<200704x16xf32, #tpu.memory_space<hbm>> -> memref<512x16xf32, #tpu.memory_space<hbm>>
        tpu.enqueue_dma source(%arg14 : memref<512x16xf32, #tpu.memory_space<vmem>>) target(%dma_start3A_245 : memref<512x16xf32, #tpu.memory_space<hbm>>) target_semaphore(%run_scoped3A : memref<!tpu.dma_semaphore, #tpu.memory_space<semaphore_mem>>)
        %dma_wait3A_246 = arith.constant 0 : i32
        %dma_wait3A_247 = tpu.memref_slice %arg6[%add3A_241, %dma_wait3A_246] : memref<200704x16xf32, #tpu.memory_space<hbm>> -> memref<512x16xf32, #tpu.memory_space<hbm>>
        %dma_wait3A_248 = arith.constant 0 : i32
        %dma_wait3A_249 = tpu.memref_slice %arg6[%add3A_241, %dma_wait3A_248] : memref<200704x16xf32, #tpu.memory_space<hbm>> -> memref<512x16xf32, #tpu.memory_space<hbm>>
        tpu.wait_dma2 semaphore(%run_scoped3A : memref<!tpu.dma_semaphore, #tpu.memory_space<semaphore_mem>>) src(%arg14 : memref<512x16xf32, #tpu.memory_space<vmem>>) dst(%dma_wait3A_249 : memref<512x16xf32, #tpu.memory_space<hbm>>)
        tpu.yield
      }) : () -> ()
      "tpu.region"() ({
        %run_scoped3A = tpu.sem_alloc : memref<!tpu.dma_semaphore, #tpu.memory_space<semaphore_mem>>
        %dma_start3A_242 = arith.constant 0 : i32
        %dma_start3A_243 = tpu.memref_slice %arg7[%add3A_236, %dma_start3A_242] : memref<100352x16xf32, #tpu.memory_space<vmem_shared>> -> memref<512x16xf32, #tpu.memory_space<vmem_shared>>
        %dma_start3A_244 = arith.constant 0 : i32
        %dma_start3A_245 = tpu.memref_slice %arg7[%add3A_236, %dma_start3A_244] : memref<100352x16xf32, #tpu.memory_space<vmem_shared>> -> memref<512x16xf32, #tpu.memory_space<vmem_shared>>
        tpu.enqueue_dma source(%arg14 : memref<512x16xf32, #tpu.memory_space<vmem>>) target(%dma_start3A_245 : memref<512x16xf32, #tpu.memory_space<vmem_shared>>) target_semaphore(%run_scoped3A : memref<!tpu.dma_semaphore, #tpu.memory_space<semaphore_mem>>)
        %dma_wait3A_246 = arith.constant 0 : i32
        %dma_wait3A_247 = tpu.memref_slice %arg7[%add3A_236, %dma_wait3A_246] : memref<100352x16xf32, #tpu.memory_space<vmem_shared>> -> memref<512x16xf32, #tpu.memory_space<vmem_shared>>
        %dma_wait3A_248 = arith.constant 0 : i32
        %dma_wait3A_249 = tpu.memref_slice %arg7[%add3A_236, %dma_wait3A_248] : memref<100352x16xf32, #tpu.memory_space<vmem_shared>> -> memref<512x16xf32, #tpu.memory_space<vmem_shared>>
        tpu.wait_dma2 semaphore(%run_scoped3A : memref<!tpu.dma_semaphore, #tpu.memory_space<semaphore_mem>>) src(%arg14 : memref<512x16xf32, #tpu.memory_space<vmem>>) dst(%dma_wait3A_249 : memref<512x16xf32, #tpu.memory_space<vmem_shared>>)
        tpu.yield
      }) : () -> ()
    }
    %scan3A_3 = arith.constant 12 : i32
    %mul3A = arith.constant 6272 : i32
    %mul3A_4 = arith.muli %arg1, %mul3A : i32
    %add3A = arith.constant 6144 : i32
    %add3A_5 = arith.addi %mul3A_4, %add3A : i32
    %mul3A_6 = arith.constant 16 : i32
    %mul3A_7 = arith.muli %arg0, %mul3A_6 : i32
    "tpu.region"() ({
      %run_scoped3A = tpu.sem_alloc : memref<!tpu.dma_semaphore, #tpu.memory_space<semaphore_mem>>
      %dma_start3A_227 = arith.constant 0 : i32
      %dma_start3A_228 = arith.constant 0 : i32
      %dma_start3A_229 = tpu.memref_slice %arg14[%dma_start3A_227, %dma_start3A_228] : memref<512x16xf32, #tpu.memory_space<vmem>> -> memref<128x16xf32, #tpu.memory_space<vmem>>
      %dma_start3A_230 = tpu.memref_slice %arg4[%add3A_5, %mul3A_7] : memref<100352x32xf32, #tpu.memory_space<hbm>> -> memref<128x16xf32, #tpu.memory_space<hbm>>
      %dma_start3A_231 = arith.constant 0 : i32
      %dma_start3A_232 = arith.constant 0 : i32
      %dma_start3A_233 = tpu.memref_slice %arg14[%dma_start3A_231, %dma_start3A_232] : memref<512x16xf32, #tpu.memory_space<vmem>> -> memref<128x16xf32, #tpu.memory_space<vmem>>
      %dma_start3A_234 = tpu.memref_slice %arg4[%add3A_5, %mul3A_7] : memref<100352x32xf32, #tpu.memory_space<hbm>> -> memref<128x16xf32, #tpu.memory_space<hbm>>
      tpu.enqueue_dma source(%dma_start3A_234 : memref<128x16xf32, #tpu.memory_space<hbm>>) target(%dma_start3A_233 : memref<128x16xf32, #tpu.memory_space<vmem>>) target_semaphore(%run_scoped3A : memref<!tpu.dma_semaphore, #tpu.memory_space<semaphore_mem>>)
      %dma_wait3A_235 = arith.constant 0 : i32
      %dma_wait3A_236 = arith.constant 0 : i32
      %dma_wait3A_237 = tpu.memref_slice %arg14[%dma_wait3A_235, %dma_wait3A_236] : memref<512x16xf32, #tpu.memory_space<vmem>> -> memref<128x16xf32, #tpu.memory_space<vmem>>
      %dma_wait3A_238 = tpu.memref_slice %arg4[%add3A_5, %mul3A_7] : memref<100352x32xf32, #tpu.memory_space<hbm>> -> memref<128x16xf32, #tpu.memory_space<hbm>>
      %dma_wait3A_239 = arith.constant 0 : i32
      %dma_wait3A_240 = arith.constant 0 : i32
      %dma_wait3A_241 = tpu.memref_slice %arg14[%dma_wait3A_239, %dma_wait3A_240] : memref<512x16xf32, #tpu.memory_space<vmem>> -> memref<128x16xf32, #tpu.memory_space<vmem>>
      %dma_wait3A_242 = tpu.memref_slice %arg4[%add3A_5, %mul3A_7] : memref<100352x32xf32, #tpu.memory_space<hbm>> -> memref<128x16xf32, #tpu.memory_space<hbm>>
      tpu.wait_dma2 semaphore(%run_scoped3A : memref<!tpu.dma_semaphore, #tpu.memory_space<semaphore_mem>>) src(%dma_wait3A_242 : memref<128x16xf32, #tpu.memory_space<hbm>>) dst(%dma_wait3A_241 : memref<128x16xf32, #tpu.memory_space<vmem>>)
      tpu.yield
    }) : () -> ()
    %mul3A_8 = arith.constant 100352 : i32
    %mul3A_9 = arith.muli %arg0, %mul3A_8 : i32
    %add3A_10 = arith.addi %mul3A_9, %add3A_5 : i32
    "tpu.region"() ({
      %run_scoped3A = tpu.sem_alloc : memref<!tpu.dma_semaphore, #tpu.memory_space<semaphore_mem>>
      %dma_start3A_227 = arith.constant 0 : i32
      %dma_start3A_228 = arith.constant 0 : i32
      %dma_start3A_229 = tpu.memref_slice %arg14[%dma_start3A_227, %dma_start3A_228] : memref<512x16xf32, #tpu.memory_space<vmem>> -> memref<128x16xf32, #tpu.memory_space<vmem>>
      %dma_start3A_230 = arith.constant 0 : i32
      %dma_start3A_231 = tpu.memref_slice %arg6[%add3A_10, %dma_start3A_230] : memref<200704x16xf32, #tpu.memory_space<hbm>> -> memref<128x16xf32, #tpu.memory_space<hbm>>
      %dma_start3A_232 = arith.constant 0 : i32
      %dma_start3A_233 = tpu.memref_slice %arg6[%add3A_10, %dma_start3A_232] : memref<200704x16xf32, #tpu.memory_space<hbm>> -> memref<128x16xf32, #tpu.memory_space<hbm>>
      %dma_start3A_234 = arith.constant 0 : i32
      %dma_start3A_235 = arith.constant 0 : i32
      %dma_start3A_236 = tpu.memref_slice %arg14[%dma_start3A_234, %dma_start3A_235] : memref<512x16xf32, #tpu.memory_space<vmem>> -> memref<128x16xf32, #tpu.memory_space<vmem>>
      tpu.enqueue_dma source(%dma_start3A_236 : memref<128x16xf32, #tpu.memory_space<vmem>>) target(%dma_start3A_233 : memref<128x16xf32, #tpu.memory_space<hbm>>) target_semaphore(%run_scoped3A : memref<!tpu.dma_semaphore, #tpu.memory_space<semaphore_mem>>)
      %dma_wait3A_237 = arith.constant 0 : i32
      %dma_wait3A_238 = arith.constant 0 : i32
      %dma_wait3A_239 = tpu.memref_slice %arg14[%dma_wait3A_237, %dma_wait3A_238] : memref<512x16xf32, #tpu.memory_space<vmem>> -> memref<128x16xf32, #tpu.memory_space<vmem>>
      %dma_wait3A_240 = arith.constant 0 : i32
      %dma_wait3A_241 = tpu.memref_slice %arg6[%add3A_10, %dma_wait3A_240] : memref<200704x16xf32, #tpu.memory_space<hbm>> -> memref<128x16xf32, #tpu.memory_space<hbm>>
      %dma_wait3A_242 = arith.constant 0 : i32
      %dma_wait3A_243 = tpu.memref_slice %arg6[%add3A_10, %dma_wait3A_242] : memref<200704x16xf32, #tpu.memory_space<hbm>> -> memref<128x16xf32, #tpu.memory_space<hbm>>
      %dma_wait3A_244 = arith.constant 0 : i32
      %dma_wait3A_245 = arith.constant 0 : i32
      %dma_wait3A_246 = tpu.memref_slice %arg14[%dma_wait3A_244, %dma_wait3A_245] : memref<512x16xf32, #tpu.memory_space<vmem>> -> memref<128x16xf32, #tpu.memory_space<vmem>>
      tpu.wait_dma2 semaphore(%run_scoped3A : memref<!tpu.dma_semaphore, #tpu.memory_space<semaphore_mem>>) src(%dma_wait3A_246 : memref<128x16xf32, #tpu.memory_space<vmem>>) dst(%dma_wait3A_243 : memref<128x16xf32, #tpu.memory_space<hbm>>)
      tpu.yield
    }) : () -> ()
    "tpu.region"() ({
      %run_scoped3A = tpu.sem_alloc : memref<!tpu.dma_semaphore, #tpu.memory_space<semaphore_mem>>
      %dma_start3A_227 = arith.constant 0 : i32
      %dma_start3A_228 = arith.constant 0 : i32
      %dma_start3A_229 = tpu.memref_slice %arg14[%dma_start3A_227, %dma_start3A_228] : memref<512x16xf32, #tpu.memory_space<vmem>> -> memref<128x16xf32, #tpu.memory_space<vmem>>
      %dma_start3A_230 = arith.constant 0 : i32
      %dma_start3A_231 = tpu.memref_slice %arg7[%add3A_5, %dma_start3A_230] : memref<100352x16xf32, #tpu.memory_space<vmem_shared>> -> memref<128x16xf32, #tpu.memory_space<vmem_shared>>
      %dma_start3A_232 = arith.constant 0 : i32
      %dma_start3A_233 = tpu.memref_slice %arg7[%add3A_5, %dma_start3A_232] : memref<100352x16xf32, #tpu.memory_space<vmem_shared>> -> memref<128x16xf32, #tpu.memory_space<vmem_shared>>
      %dma_start3A_234 = arith.constant 0 : i32
      %dma_start3A_235 = arith.constant 0 : i32
      %dma_start3A_236 = tpu.memref_slice %arg14[%dma_start3A_234, %dma_start3A_235] : memref<512x16xf32, #tpu.memory_space<vmem>> -> memref<128x16xf32, #tpu.memory_space<vmem>>
      tpu.enqueue_dma source(%dma_start3A_236 : memref<128x16xf32, #tpu.memory_space<vmem>>) target(%dma_start3A_233 : memref<128x16xf32, #tpu.memory_space<vmem_shared>>) target_semaphore(%run_scoped3A : memref<!tpu.dma_semaphore, #tpu.memory_space<semaphore_mem>>)
      %dma_wait3A_237 = arith.constant 0 : i32
      %dma_wait3A_238 = arith.constant 0 : i32
      %dma_wait3A_239 = tpu.memref_slice %arg14[%dma_wait3A_237, %dma_wait3A_238] : memref<512x16xf32, #tpu.memory_space<vmem>> -> memref<128x16xf32, #tpu.memory_space<vmem>>
      %dma_wait3A_240 = arith.constant 0 : i32
      %dma_wait3A_241 = tpu.memref_slice %arg7[%add3A_5, %dma_wait3A_240] : memref<100352x16xf32, #tpu.memory_space<vmem_shared>> -> memref<128x16xf32, #tpu.memory_space<vmem_shared>>
      %dma_wait3A_242 = arith.constant 0 : i32
      %dma_wait3A_243 = tpu.memref_slice %arg7[%add3A_5, %dma_wait3A_242] : memref<100352x16xf32, #tpu.memory_space<vmem_shared>> -> memref<128x16xf32, #tpu.memory_space<vmem_shared>>
      %dma_wait3A_244 = arith.constant 0 : i32
      %dma_wait3A_245 = arith.constant 0 : i32
      %dma_wait3A_246 = tpu.memref_slice %arg14[%dma_wait3A_244, %dma_wait3A_245] : memref<512x16xf32, #tpu.memory_space<vmem>> -> memref<128x16xf32, #tpu.memory_space<vmem>>
      tpu.wait_dma2 semaphore(%run_scoped3A : memref<!tpu.dma_semaphore, #tpu.memory_space<semaphore_mem>>) src(%dma_wait3A_246 : memref<128x16xf32, #tpu.memory_space<vmem>>) dst(%dma_wait3A_243 : memref<128x16xf32, #tpu.memory_space<vmem_shared>>)
      tpu.yield
    }) : () -> ()
    %barrier3A = arith.constant 0 : index
    tpu.barrier barrier_id(%barrier3A)
    %mul3A_11 = arith.constant 1568 : i32
    %mul3A_12 = arith.muli %arg1, %mul3A_11 : i32
    %add3A_13 = arith.constant 0 : i32
    %add3A_14 = arith.addi %mul3A_12, %add3A_13 : i32
    "tpu.region"() ({
      %run_scoped3A = tpu.sem_alloc : memref<!tpu.dma_semaphore, #tpu.memory_space<semaphore_mem>>
      %dma_start3A_227 = arith.constant 0 : i32
      %dma_start3A_228 = tpu.memref_slice %arg2[%arg0, %add3A_14, %dma_start3A_227] : memref<2x25088x128xi32, #tpu.memory_space<hbm>> -> memref<1x4x128xi32, #tpu.memory_space<hbm>>
      %dma_start3A_229 = tpu.memref_squeeze %dma_start3A_228 : memref<1x4x128xi32, #tpu.memory_space<hbm>> -> memref<4x128xi32, #tpu.memory_space<hbm>>
      %dma_start3A_230 = arith.constant 0 : i32
      %dma_start3A_231 = tpu.memref_slice %arg2[%arg0, %add3A_14, %dma_start3A_230] : memref<2x25088x128xi32, #tpu.memory_space<hbm>> -> memref<1x4x128xi32, #tpu.memory_space<hbm>>
      %dma_start3A_232 = tpu.memref_squeeze %dma_start3A_231 : memref<1x4x128xi32, #tpu.memory_space<hbm>> -> memref<4x128xi32, #tpu.memory_space<hbm>>
      tpu.enqueue_dma source(%dma_start3A_232 : memref<4x128xi32, #tpu.memory_space<hbm>>) target(%arg8 : memref<4x128xi32, #tpu.memory_space<vmem>>) target_semaphore(%run_scoped3A : memref<!tpu.dma_semaphore, #tpu.memory_space<semaphore_mem>>)
      %dma_wait3A_233 = arith.constant 0 : i32
      %dma_wait3A_234 = tpu.memref_slice %arg2[%arg0, %add3A_14, %dma_wait3A_233] : memref<2x25088x128xi32, #tpu.memory_space<hbm>> -> memref<1x4x128xi32, #tpu.memory_space<hbm>>
      %dma_wait3A_235 = tpu.memref_squeeze %dma_wait3A_234 : memref<1x4x128xi32, #tpu.memory_space<hbm>> -> memref<4x128xi32, #tpu.memory_space<hbm>>
      %dma_wait3A_236 = arith.constant 0 : i32
      %dma_wait3A_237 = tpu.memref_slice %arg2[%arg0, %add3A_14, %dma_wait3A_236] : memref<2x25088x128xi32, #tpu.memory_space<hbm>> -> memref<1x4x128xi32, #tpu.memory_space<hbm>>
      %dma_wait3A_238 = tpu.memref_squeeze %dma_wait3A_237 : memref<1x4x128xi32, #tpu.memory_space<hbm>> -> memref<4x128xi32, #tpu.memory_space<hbm>>
      tpu.wait_dma2 semaphore(%run_scoped3A : memref<!tpu.dma_semaphore, #tpu.memory_space<semaphore_mem>>) src(%dma_wait3A_238 : memref<4x128xi32, #tpu.memory_space<hbm>>) dst(%arg8 : memref<4x128xi32, #tpu.memory_space<vmem>>)
      tpu.yield
    }) : () -> ()
    %add3A_15 = arith.constant 0 : i32
    %add3A_16 = arith.addi %mul3A_12, %add3A_15 : i32
    "tpu.region"() ({
      %run_scoped3A = tpu.sem_alloc : memref<!tpu.dma_semaphore, #tpu.memory_space<semaphore_mem>>
      %dma_start3A_227 = arith.constant 0 : i32
      %dma_start3A_228 = tpu.memref_slice %arg3[%add3A_16, %dma_start3A_227] : memref<25088x128xi32, #tpu.memory_space<hbm>> -> memref<4x128xi32, #tpu.memory_space<hbm>>
      %dma_start3A_229 = arith.constant 0 : i32
      %dma_start3A_230 = tpu.memref_slice %arg3[%add3A_16, %dma_start3A_229] : memref<25088x128xi32, #tpu.memory_space<hbm>> -> memref<4x128xi32, #tpu.memory_space<hbm>>
      tpu.enqueue_dma source(%dma_start3A_230 : memref<4x128xi32, #tpu.memory_space<hbm>>) target(%arg11 : memref<4x128xi32, #tpu.memory_space<vmem>>) target_semaphore(%run_scoped3A : memref<!tpu.dma_semaphore, #tpu.memory_space<semaphore_mem>>)
      %dma_wait3A_231 = arith.constant 0 : i32
      %dma_wait3A_232 = tpu.memref_slice %arg3[%add3A_16, %dma_wait3A_231] : memref<25088x128xi32, #tpu.memory_space<hbm>> -> memref<4x128xi32, #tpu.memory_space<hbm>>
      %dma_wait3A_233 = arith.constant 0 : i32
      %dma_wait3A_234 = tpu.memref_slice %arg3[%add3A_16, %dma_wait3A_233] : memref<25088x128xi32, #tpu.memory_space<hbm>> -> memref<4x128xi32, #tpu.memory_space<hbm>>
      tpu.wait_dma2 semaphore(%run_scoped3A : memref<!tpu.dma_semaphore, #tpu.memory_space<semaphore_mem>>) src(%dma_wait3A_234 : memref<4x128xi32, #tpu.memory_space<hbm>>) dst(%arg11 : memref<4x128xi32, #tpu.memory_space<vmem>>)
      tpu.yield
    }) : () -> ()
    %dma_start3A = arith.constant 0 : i32
    %dma_start3A_17 = arith.constant 0 : i32
    %dma_start3A_18 = arith.constant 0 : i32
    %dma_start3A_19 = tpu.memref_slice %arg14[%dma_start3A_17, %dma_start3A_18] : memref<512x16xf32, #tpu.memory_space<vmem>> -> memref<128x16xf32, #tpu.memory_space<vmem>>
    %dma_start3A_20 = arith.constant 0 : i32
    %dma_start3A_21 = tpu.memref_slice %arg8[%dma_start3A, %dma_start3A_20] : memref<4x128xi32, #tpu.memory_space<vmem>> -> memref<1x128xi32, #tpu.memory_space<vmem>>
    %dma_start3A_22 = tpu.memref_squeeze %dma_start3A_21 : memref<1x128xi32, #tpu.memory_space<vmem>> -> memref<128xi32, #tpu.memory_space<vmem>>
    %dma_start3A_23 = arith.constant 0 : i32
    %dma_start3A_24 = arith.constant 0 : i32
    %dma_start3A_25 = tpu.memref_slice %arg6[%dma_start3A_23, %dma_start3A_24] : memref<200704x16xf32, #tpu.memory_space<hbm>> -> memref<200704x16xf32, #tpu.memory_space<hbm>>
    tpu.enqueue_indirect_dma source(%dma_start3A_25 : memref<200704x16xf32, #tpu.memory_space<hbm>>) target(%dma_start3A_19 : memref<128x16xf32, #tpu.memory_space<vmem>>) offsets(%dma_start3A_22 : memref<128xi32, #tpu.memory_space<vmem>>) semaphore(%arg17 : memref<!tpu.dma_semaphore, #tpu.memory_space<semaphore_mem>>)
    %dma_start3A_26 = arith.constant 1 : i32
    %dma_start3A_27 = arith.constant 128 : i32
    %dma_start3A_28 = arith.constant 0 : i32
    %dma_start3A_29 = tpu.memref_slice %arg14[%dma_start3A_27, %dma_start3A_28] : memref<512x16xf32, #tpu.memory_space<vmem>> -> memref<128x16xf32, #tpu.memory_space<vmem>>
    %dma_start3A_30 = arith.constant 0 : i32
    %dma_start3A_31 = tpu.memref_slice %arg8[%dma_start3A_26, %dma_start3A_30] : memref<4x128xi32, #tpu.memory_space<vmem>> -> memref<1x128xi32, #tpu.memory_space<vmem>>
    %dma_start3A_32 = tpu.memref_squeeze %dma_start3A_31 : memref<1x128xi32, #tpu.memory_space<vmem>> -> memref<128xi32, #tpu.memory_space<vmem>>
    %dma_start3A_33 = arith.constant 0 : i32
    %dma_start3A_34 = arith.constant 0 : i32
    %dma_start3A_35 = tpu.memref_slice %arg6[%dma_start3A_33, %dma_start3A_34] : memref<200704x16xf32, #tpu.memory_space<hbm>> -> memref<200704x16xf32, #tpu.memory_space<hbm>>
    tpu.enqueue_indirect_dma source(%dma_start3A_35 : memref<200704x16xf32, #tpu.memory_space<hbm>>) target(%dma_start3A_29 : memref<128x16xf32, #tpu.memory_space<vmem>>) offsets(%dma_start3A_32 : memref<128xi32, #tpu.memory_space<vmem>>) semaphore(%arg17 : memref<!tpu.dma_semaphore, #tpu.memory_space<semaphore_mem>>)
    %dma_start3A_36 = arith.constant 2 : i32
    %dma_start3A_37 = arith.constant 256 : i32
    %dma_start3A_38 = arith.constant 0 : i32
    %dma_start3A_39 = tpu.memref_slice %arg14[%dma_start3A_37, %dma_start3A_38] : memref<512x16xf32, #tpu.memory_space<vmem>> -> memref<128x16xf32, #tpu.memory_space<vmem>>
    %dma_start3A_40 = arith.constant 0 : i32
    %dma_start3A_41 = tpu.memref_slice %arg8[%dma_start3A_36, %dma_start3A_40] : memref<4x128xi32, #tpu.memory_space<vmem>> -> memref<1x128xi32, #tpu.memory_space<vmem>>
    %dma_start3A_42 = tpu.memref_squeeze %dma_start3A_41 : memref<1x128xi32, #tpu.memory_space<vmem>> -> memref<128xi32, #tpu.memory_space<vmem>>
    %dma_start3A_43 = arith.constant 0 : i32
    %dma_start3A_44 = arith.constant 0 : i32
    %dma_start3A_45 = tpu.memref_slice %arg6[%dma_start3A_43, %dma_start3A_44] : memref<200704x16xf32, #tpu.memory_space<hbm>> -> memref<200704x16xf32, #tpu.memory_space<hbm>>
    tpu.enqueue_indirect_dma source(%dma_start3A_45 : memref<200704x16xf32, #tpu.memory_space<hbm>>) target(%dma_start3A_39 : memref<128x16xf32, #tpu.memory_space<vmem>>) offsets(%dma_start3A_42 : memref<128xi32, #tpu.memory_space<vmem>>) semaphore(%arg17 : memref<!tpu.dma_semaphore, #tpu.memory_space<semaphore_mem>>)
    %dma_start3A_46 = arith.constant 3 : i32
    %dma_start3A_47 = arith.constant 384 : i32
    %dma_start3A_48 = arith.constant 0 : i32
    %dma_start3A_49 = tpu.memref_slice %arg14[%dma_start3A_47, %dma_start3A_48] : memref<512x16xf32, #tpu.memory_space<vmem>> -> memref<128x16xf32, #tpu.memory_space<vmem>>
    %dma_start3A_50 = arith.constant 0 : i32
    %dma_start3A_51 = tpu.memref_slice %arg8[%dma_start3A_46, %dma_start3A_50] : memref<4x128xi32, #tpu.memory_space<vmem>> -> memref<1x128xi32, #tpu.memory_space<vmem>>
    %dma_start3A_52 = tpu.memref_squeeze %dma_start3A_51 : memref<1x128xi32, #tpu.memory_space<vmem>> -> memref<128xi32, #tpu.memory_space<vmem>>
    %dma_start3A_53 = arith.constant 0 : i32
    %dma_start3A_54 = arith.constant 0 : i32
    %dma_start3A_55 = tpu.memref_slice %arg6[%dma_start3A_53, %dma_start3A_54] : memref<200704x16xf32, #tpu.memory_space<hbm>> -> memref<200704x16xf32, #tpu.memory_space<hbm>>
    tpu.enqueue_indirect_dma source(%dma_start3A_55 : memref<200704x16xf32, #tpu.memory_space<hbm>>) target(%dma_start3A_49 : memref<128x16xf32, #tpu.memory_space<vmem>>) offsets(%dma_start3A_52 : memref<128xi32, #tpu.memory_space<vmem>>) semaphore(%arg17 : memref<!tpu.dma_semaphore, #tpu.memory_space<semaphore_mem>>)
    %scan3A_56 = arith.constant 0 : i32
    %scan3A_57 = arith.constant 130 : i32
    %scan3A_58 = arith.addi %scan3A_56, %scan3A_57 : i32
    %scan3A_59 = arith.constant 1 : i32
    scf.for %scan3A_227 = %scan3A_56 to %scan3A_58 step %scan3A_59  : i32 {
      %mul3A_228 = arith.constant 1 : i32
      %mul3A_229 = arith.muli %scan3A_227, %mul3A_228 : i32
      %add3A_230 = arith.constant 0 : i32
      %add3A_231 = arith.addi %add3A_230, %mul3A_229 : i32
      %mul3A_232 = arith.constant 3 : i32
      %mul3A_233 = arith.muli %mul3A_232, %add3A_231 : i32
      %add3A_234 = arith.constant 0 : i32
      %add3A_235 = arith.addi %mul3A_233, %add3A_234 : i32
      %ge3A = arith.constant 2 : i32
      %ge3A_236 = arith.cmpi sge, %add3A_235, %ge3A : i32
      %convert_element_type3A = arith.extui %ge3A_236 : i1 to i32
      %cond3A = arith.constant 0 : i32
      %cond3A_237 = arith.cmpi ne, %convert_element_type3A, %cond3A : i32
      scf.if %cond3A_237 {
        %dma_wait3A_538 = arith.constant 0 : i32
        %dma_wait3A_539 = arith.constant 0 : i32
        %dma_wait3A_540 = tpu.memref_slice %arg6[%dma_wait3A_538, %dma_wait3A_539] : memref<200704x16xf32, #tpu.memory_space<hbm>> -> memref<512x16xf32, #tpu.memory_space<hbm>>
        %dma_wait3A_541 = arith.constant 0 : i32
        %dma_wait3A_542 = arith.constant 0 : i32
        %dma_wait3A_543 = tpu.memref_slice %arg6[%dma_wait3A_541, %dma_wait3A_542] : memref<200704x16xf32, #tpu.memory_space<hbm>> -> memref<512x16xf32, #tpu.memory_space<hbm>>
        tpu.wait_dma2 semaphore(%arg18 : memref<!tpu.dma_semaphore, #tpu.memory_space<semaphore_mem>>) src(%dma_wait3A_543 : memref<512x16xf32, #tpu.memory_space<hbm>>) dst(%arg15 : memref<512x16xf32, #tpu.memory_space<vmem>>)
      } else {
      }
      %add3A_238 = arith.constant 1 : i32
      %add3A_239 = arith.addi %add3A_235, %add3A_238 : i32
      %mul3A_240 = arith.constant 4 : i32
      %mul3A_241 = arith.muli %add3A_239, %mul3A_240 : i32
      %add3A_242 = arith.addi %mul3A_12, %mul3A_241 : i32
      "tpu.region"() ({
        %run_scoped3A = tpu.sem_alloc : memref<!tpu.dma_semaphore, #tpu.memory_space<semaphore_mem>>
        %dma_start3A_538 = arith.constant 0 : i32
        %dma_start3A_539 = tpu.memref_slice %arg2[%arg0, %add3A_242, %dma_start3A_538] : memref<2x25088x128xi32, #tpu.memory_space<hbm>> -> memref<1x4x128xi32, #tpu.memory_space<hbm>>
        %dma_start3A_540 = tpu.memref_squeeze %dma_start3A_539 : memref<1x4x128xi32, #tpu.memory_space<hbm>> -> memref<4x128xi32, #tpu.memory_space<hbm>>
        %dma_start3A_541 = arith.constant 0 : i32
        %dma_start3A_542 = tpu.memref_slice %arg2[%arg0, %add3A_242, %dma_start3A_541] : memref<2x25088x128xi32, #tpu.memory_space<hbm>> -> memref<1x4x128xi32, #tpu.memory_space<hbm>>
        %dma_start3A_543 = tpu.memref_squeeze %dma_start3A_542 : memref<1x4x128xi32, #tpu.memory_space<hbm>> -> memref<4x128xi32, #tpu.memory_space<hbm>>
        tpu.enqueue_dma source(%dma_start3A_543 : memref<4x128xi32, #tpu.memory_space<hbm>>) target(%arg9 : memref<4x128xi32, #tpu.memory_space<vmem>>) target_semaphore(%run_scoped3A : memref<!tpu.dma_semaphore, #tpu.memory_space<semaphore_mem>>)
        %dma_wait3A_544 = arith.constant 0 : i32
        %dma_wait3A_545 = tpu.memref_slice %arg2[%arg0, %add3A_242, %dma_wait3A_544] : memref<2x25088x128xi32, #tpu.memory_space<hbm>> -> memref<1x4x128xi32, #tpu.memory_space<hbm>>
        %dma_wait3A_546 = tpu.memref_squeeze %dma_wait3A_545 : memref<1x4x128xi32, #tpu.memory_space<hbm>> -> memref<4x128xi32, #tpu.memory_space<hbm>>
        %dma_wait3A_547 = arith.constant 0 : i32
        %dma_wait3A_548 = tpu.memref_slice %arg2[%arg0, %add3A_242, %dma_wait3A_547] : memref<2x25088x128xi32, #tpu.memory_space<hbm>> -> memref<1x4x128xi32, #tpu.memory_space<hbm>>
        %dma_wait3A_549 = tpu.memref_squeeze %dma_wait3A_548 : memref<1x4x128xi32, #tpu.memory_space<hbm>> -> memref<4x128xi32, #tpu.memory_space<hbm>>
        tpu.wait_dma2 semaphore(%run_scoped3A : memref<!tpu.dma_semaphore, #tpu.memory_space<semaphore_mem>>) src(%dma_wait3A_549 : memref<4x128xi32, #tpu.memory_space<hbm>>) dst(%arg9 : memref<4x128xi32, #tpu.memory_space<vmem>>)
        tpu.yield
      }) : () -> ()
      %mul3A_243 = arith.constant 4 : i32
      %mul3A_244 = arith.muli %add3A_239, %mul3A_243 : i32
      %add3A_245 = arith.addi %mul3A_12, %mul3A_244 : i32
      "tpu.region"() ({
        %run_scoped3A = tpu.sem_alloc : memref<!tpu.dma_semaphore, #tpu.memory_space<semaphore_mem>>
        %dma_start3A_538 = arith.constant 0 : i32
        %dma_start3A_539 = tpu.memref_slice %arg3[%add3A_245, %dma_start3A_538] : memref<25088x128xi32, #tpu.memory_space<hbm>> -> memref<4x128xi32, #tpu.memory_space<hbm>>
        %dma_start3A_540 = arith.constant 0 : i32
        %dma_start3A_541 = tpu.memref_slice %arg3[%add3A_245, %dma_start3A_540] : memref<25088x128xi32, #tpu.memory_space<hbm>> -> memref<4x128xi32, #tpu.memory_space<hbm>>
        tpu.enqueue_dma source(%dma_start3A_541 : memref<4x128xi32, #tpu.memory_space<hbm>>) target(%arg12 : memref<4x128xi32, #tpu.memory_space<vmem>>) target_semaphore(%run_scoped3A : memref<!tpu.dma_semaphore, #tpu.memory_space<semaphore_mem>>)
        %dma_wait3A_542 = arith.constant 0 : i32
        %dma_wait3A_543 = tpu.memref_slice %arg3[%add3A_245, %dma_wait3A_542] : memref<25088x128xi32, #tpu.memory_space<hbm>> -> memref<4x128xi32, #tpu.memory_space<hbm>>
        %dma_wait3A_544 = arith.constant 0 : i32
        %dma_wait3A_545 = tpu.memref_slice %arg3[%add3A_245, %dma_wait3A_544] : memref<25088x128xi32, #tpu.memory_space<hbm>> -> memref<4x128xi32, #tpu.memory_space<hbm>>
        tpu.wait_dma2 semaphore(%run_scoped3A : memref<!tpu.dma_semaphore, #tpu.memory_space<semaphore_mem>>) src(%dma_wait3A_545 : memref<4x128xi32, #tpu.memory_space<hbm>>) dst(%arg12 : memref<4x128xi32, #tpu.memory_space<vmem>>)
        tpu.yield
      }) : () -> ()
      %dma_start3A_246 = arith.constant 0 : i32
      %dma_start3A_247 = arith.constant 0 : i32
      %dma_start3A_248 = arith.constant 0 : i32
      %dma_start3A_249 = tpu.memref_slice %arg15[%dma_start3A_247, %dma_start3A_248] : memref<512x16xf32, #tpu.memory_space<vmem>> -> memref<128x16xf32, #tpu.memory_space<vmem>>
      %dma_start3A_250 = arith.constant 0 : i32
      %dma_start3A_251 = tpu.memref_slice %arg9[%dma_start3A_246, %dma_start3A_250] : memref<4x128xi32, #tpu.memory_space<vmem>> -> memref<1x128xi32, #tpu.memory_space<vmem>>
      %dma_start3A_252 = tpu.memref_squeeze %dma_start3A_251 : memref<1x128xi32, #tpu.memory_space<vmem>> -> memref<128xi32, #tpu.memory_space<vmem>>
      %dma_start3A_253 = arith.constant 0 : i32
      %dma_start3A_254 = arith.constant 0 : i32
      %dma_start3A_255 = tpu.memref_slice %arg6[%dma_start3A_253, %dma_start3A_254] : memref<200704x16xf32, #tpu.memory_space<hbm>> -> memref<200704x16xf32, #tpu.memory_space<hbm>>
      tpu.enqueue_indirect_dma source(%dma_start3A_255 : memref<200704x16xf32, #tpu.memory_space<hbm>>) target(%dma_start3A_249 : memref<128x16xf32, #tpu.memory_space<vmem>>) offsets(%dma_start3A_252 : memref<128xi32, #tpu.memory_space<vmem>>) semaphore(%arg17 : memref<!tpu.dma_semaphore, #tpu.memory_space<semaphore_mem>>)
      %dma_start3A_256 = arith.constant 1 : i32
      %dma_start3A_257 = arith.constant 128 : i32
      %dma_start3A_258 = arith.constant 0 : i32
      %dma_start3A_259 = tpu.memref_slice %arg15[%dma_start3A_257, %dma_start3A_258] : memref<512x16xf32, #tpu.memory_space<vmem>> -> memref<128x16xf32, #tpu.memory_space<vmem>>
      %dma_start3A_260 = arith.constant 0 : i32
      %dma_start3A_261 = tpu.memref_slice %arg9[%dma_start3A_256, %dma_start3A_260] : memref<4x128xi32, #tpu.memory_space<vmem>> -> memref<1x128xi32, #tpu.memory_space<vmem>>
      %dma_start3A_262 = tpu.memref_squeeze %dma_start3A_261 : memref<1x128xi32, #tpu.memory_space<vmem>> -> memref<128xi32, #tpu.memory_space<vmem>>
      %dma_start3A_263 = arith.constant 0 : i32
      %dma_start3A_264 = arith.constant 0 : i32
      %dma_start3A_265 = tpu.memref_slice %arg6[%dma_start3A_263, %dma_start3A_264] : memref<200704x16xf32, #tpu.memory_space<hbm>> -> memref<200704x16xf32, #tpu.memory_space<hbm>>
      tpu.enqueue_indirect_dma source(%dma_start3A_265 : memref<200704x16xf32, #tpu.memory_space<hbm>>) target(%dma_start3A_259 : memref<128x16xf32, #tpu.memory_space<vmem>>) offsets(%dma_start3A_262 : memref<128xi32, #tpu.memory_space<vmem>>) semaphore(%arg17 : memref<!tpu.dma_semaphore, #tpu.memory_space<semaphore_mem>>)
      %dma_start3A_266 = arith.constant 2 : i32
      %dma_start3A_267 = arith.constant 256 : i32
      %dma_start3A_268 = arith.constant 0 : i32
      %dma_start3A_269 = tpu.memref_slice %arg15[%dma_start3A_267, %dma_start3A_268] : memref<512x16xf32, #tpu.memory_space<vmem>> -> memref<128x16xf32, #tpu.memory_space<vmem>>
      %dma_start3A_270 = arith.constant 0 : i32
      %dma_start3A_271 = tpu.memref_slice %arg9[%dma_start3A_266, %dma_start3A_270] : memref<4x128xi32, #tpu.memory_space<vmem>> -> memref<1x128xi32, #tpu.memory_space<vmem>>
      %dma_start3A_272 = tpu.memref_squeeze %dma_start3A_271 : memref<1x128xi32, #tpu.memory_space<vmem>> -> memref<128xi32, #tpu.memory_space<vmem>>
      %dma_start3A_273 = arith.constant 0 : i32
      %dma_start3A_274 = arith.constant 0 : i32
      %dma_start3A_275 = tpu.memref_slice %arg6[%dma_start3A_273, %dma_start3A_274] : memref<200704x16xf32, #tpu.memory_space<hbm>> -> memref<200704x16xf32, #tpu.memory_space<hbm>>
      tpu.enqueue_indirect_dma source(%dma_start3A_275 : memref<200704x16xf32, #tpu.memory_space<hbm>>) target(%dma_start3A_269 : memref<128x16xf32, #tpu.memory_space<vmem>>) offsets(%dma_start3A_272 : memref<128xi32, #tpu.memory_space<vmem>>) semaphore(%arg17 : memref<!tpu.dma_semaphore, #tpu.memory_space<semaphore_mem>>)
      %dma_start3A_276 = arith.constant 3 : i32
      %dma_start3A_277 = arith.constant 384 : i32
      %dma_start3A_278 = arith.constant 0 : i32
      %dma_start3A_279 = tpu.memref_slice %arg15[%dma_start3A_277, %dma_start3A_278] : memref<512x16xf32, #tpu.memory_space<vmem>> -> memref<128x16xf32, #tpu.memory_space<vmem>>
      %dma_start3A_280 = arith.constant 0 : i32
      %dma_start3A_281 = tpu.memref_slice %arg9[%dma_start3A_276, %dma_start3A_280] : memref<4x128xi32, #tpu.memory_space<vmem>> -> memref<1x128xi32, #tpu.memory_space<vmem>>
      %dma_start3A_282 = tpu.memref_squeeze %dma_start3A_281 : memref<1x128xi32, #tpu.memory_space<vmem>> -> memref<128xi32, #tpu.memory_space<vmem>>
      %dma_start3A_283 = arith.constant 0 : i32
      %dma_start3A_284 = arith.constant 0 : i32
      %dma_start3A_285 = tpu.memref_slice %arg6[%dma_start3A_283, %dma_start3A_284] : memref<200704x16xf32, #tpu.memory_space<hbm>> -> memref<200704x16xf32, #tpu.memory_space<hbm>>
      tpu.enqueue_indirect_dma source(%dma_start3A_285 : memref<200704x16xf32, #tpu.memory_space<hbm>>) target(%dma_start3A_279 : memref<128x16xf32, #tpu.memory_space<vmem>>) offsets(%dma_start3A_282 : memref<128xi32, #tpu.memory_space<vmem>>) semaphore(%arg17 : memref<!tpu.dma_semaphore, #tpu.memory_space<semaphore_mem>>)
      %dma_wait3A_286 = arith.constant 0 : i32
      %dma_wait3A_287 = arith.constant 0 : i32
      %dma_wait3A_288 = tpu.memref_slice %arg6[%dma_wait3A_286, %dma_wait3A_287] : memref<200704x16xf32, #tpu.memory_space<hbm>> -> memref<512x16xf32, #tpu.memory_space<hbm>>
      %dma_wait3A_289 = arith.constant 0 : i32
      %dma_wait3A_290 = arith.constant 0 : i32
      %dma_wait3A_291 = tpu.memref_slice %arg6[%dma_wait3A_289, %dma_wait3A_290] : memref<200704x16xf32, #tpu.memory_space<hbm>> -> memref<512x16xf32, #tpu.memory_space<hbm>>
      tpu.wait_dma2 semaphore(%arg17 : memref<!tpu.dma_semaphore, #tpu.memory_space<semaphore_mem>>) src(%dma_wait3A_291 : memref<512x16xf32, #tpu.memory_space<hbm>>) dst(%arg14 : memref<512x16xf32, #tpu.memory_space<vmem>>)
      %dma_start3A_292 = arith.constant 0 : i32
      %dma_start3A_293 = arith.constant 0 : i32
      %dma_start3A_294 = arith.constant 0 : i32
      %dma_start3A_295 = tpu.memref_slice %arg14[%dma_start3A_293, %dma_start3A_294] : memref<512x16xf32, #tpu.memory_space<vmem>> -> memref<128x16xf32, #tpu.memory_space<vmem>>
      %dma_start3A_296 = arith.constant 0 : i32
      %dma_start3A_297 = tpu.memref_slice %arg11[%dma_start3A_292, %dma_start3A_296] : memref<4x128xi32, #tpu.memory_space<vmem>> -> memref<1x128xi32, #tpu.memory_space<vmem>>
      %dma_start3A_298 = tpu.memref_squeeze %dma_start3A_297 : memref<1x128xi32, #tpu.memory_space<vmem>> -> memref<128xi32, #tpu.memory_space<vmem>>
      %dma_start3A_299 = arith.constant 0 : i32
      %dma_start3A_300 = arith.constant 0 : i32
      %dma_start3A_301 = tpu.memref_slice %arg7[%dma_start3A_299, %dma_start3A_300] : memref<100352x16xf32, #tpu.memory_space<vmem_shared>> -> memref<100352x16xf32, #tpu.memory_space<vmem_shared>>
      tpu.enqueue_indirect_dma source(%dma_start3A_295 : memref<128x16xf32, #tpu.memory_space<vmem>>) target(%dma_start3A_301 : memref<100352x16xf32, #tpu.memory_space<vmem_shared>>) offsets(%dma_start3A_298 : memref<128xi32, #tpu.memory_space<vmem>>) semaphore(%arg18 : memref<!tpu.dma_semaphore, #tpu.memory_space<semaphore_mem>>) {add = true}
      %dma_start3A_302 = arith.constant 1 : i32
      %dma_start3A_303 = arith.constant 128 : i32
      %dma_start3A_304 = arith.constant 0 : i32
      %dma_start3A_305 = tpu.memref_slice %arg14[%dma_start3A_303, %dma_start3A_304] : memref<512x16xf32, #tpu.memory_space<vmem>> -> memref<128x16xf32, #tpu.memory_space<vmem>>
      %dma_start3A_306 = arith.constant 0 : i32
      %dma_start3A_307 = tpu.memref_slice %arg11[%dma_start3A_302, %dma_start3A_306] : memref<4x128xi32, #tpu.memory_space<vmem>> -> memref<1x128xi32, #tpu.memory_space<vmem>>
      %dma_start3A_308 = tpu.memref_squeeze %dma_start3A_307 : memref<1x128xi32, #tpu.memory_space<vmem>> -> memref<128xi32, #tpu.memory_space<vmem>>
      %dma_start3A_309 = arith.constant 0 : i32
      %dma_start3A_310 = arith.constant 0 : i32
      %dma_start3A_311 = tpu.memref_slice %arg7[%dma_start3A_309, %dma_start3A_310] : memref<100352x16xf32, #tpu.memory_space<vmem_shared>> -> memref<100352x16xf32, #tpu.memory_space<vmem_shared>>
      tpu.enqueue_indirect_dma source(%dma_start3A_305 : memref<128x16xf32, #tpu.memory_space<vmem>>) target(%dma_start3A_311 : memref<100352x16xf32, #tpu.memory_space<vmem_shared>>) offsets(%dma_start3A_308 : memref<128xi32, #tpu.memory_space<vmem>>) semaphore(%arg18 : memref<!tpu.dma_semaphore, #tpu.memory_space<semaphore_mem>>) {add = true}
      %dma_start3A_312 = arith.constant 2 : i32
      %dma_start3A_313 = arith.constant 256 : i32
      %dma_start3A_314 = arith.constant 0 : i32
      %dma_start3A_315 = tpu.memref_slice %arg14[%dma_start3A_313, %dma_start3A_314] : memref<512x16xf32, #tpu.memory_space<vmem>> -> memref<128x16xf32, #tpu.memory_space<vmem>>
      %dma_start3A_316 = arith.constant 0 : i32
      %dma_start3A_317 = tpu.memref_slice %arg11[%dma_start3A_312, %dma_start3A_316] : memref<4x128xi32, #tpu.memory_space<vmem>> -> memref<1x128xi32, #tpu.memory_space<vmem>>
      %dma_start3A_318 = tpu.memref_squeeze %dma_start3A_317 : memref<1x128xi32, #tpu.memory_space<vmem>> -> memref<128xi32, #tpu.memory_space<vmem>>
      %dma_start3A_319 = arith.constant 0 : i32
      %dma_start3A_320 = arith.constant 0 : i32
      %dma_start3A_321 = tpu.memref_slice %arg7[%dma_start3A_319, %dma_start3A_320] : memref<100352x16xf32, #tpu.memory_space<vmem_shared>> -> memref<100352x16xf32, #tpu.memory_space<vmem_shared>>
      tpu.enqueue_indirect_dma source(%dma_start3A_315 : memref<128x16xf32, #tpu.memory_space<vmem>>) target(%dma_start3A_321 : memref<100352x16xf32, #tpu.memory_space<vmem_shared>>) offsets(%dma_start3A_318 : memref<128xi32, #tpu.memory_space<vmem>>) semaphore(%arg18 : memref<!tpu.dma_semaphore, #tpu.memory_space<semaphore_mem>>) {add = true}
      %dma_start3A_322 = arith.constant 3 : i32
      %dma_start3A_323 = arith.constant 384 : i32
      %dma_start3A_324 = arith.constant 0 : i32
      %dma_start3A_325 = tpu.memref_slice %arg14[%dma_start3A_323, %dma_start3A_324] : memref<512x16xf32, #tpu.memory_space<vmem>> -> memref<128x16xf32, #tpu.memory_space<vmem>>
      %dma_start3A_326 = arith.constant 0 : i32
      %dma_start3A_327 = tpu.memref_slice %arg11[%dma_start3A_322, %dma_start3A_326] : memref<4x128xi32, #tpu.memory_space<vmem>> -> memref<1x128xi32, #tpu.memory_space<vmem>>
      %dma_start3A_328 = tpu.memref_squeeze %dma_start3A_327 : memref<1x128xi32, #tpu.memory_space<vmem>> -> memref<128xi32, #tpu.memory_space<vmem>>
      %dma_start3A_329 = arith.constant 0 : i32
      %dma_start3A_330 = arith.constant 0 : i32
      %dma_start3A_331 = tpu.memref_slice %arg7[%dma_start3A_329, %dma_start3A_330] : memref<100352x16xf32, #tpu.memory_space<vmem_shared>> -> memref<100352x16xf32, #tpu.memory_space<vmem_shared>>
      tpu.enqueue_indirect_dma source(%dma_start3A_325 : memref<128x16xf32, #tpu.memory_space<vmem>>) target(%dma_start3A_331 : memref<100352x16xf32, #tpu.memory_space<vmem_shared>>) offsets(%dma_start3A_328 : memref<128xi32, #tpu.memory_space<vmem>>) semaphore(%arg18 : memref<!tpu.dma_semaphore, #tpu.memory_space<semaphore_mem>>) {add = true}
      %mul3A_332 = arith.constant 3 : i32
      %mul3A_333 = arith.muli %mul3A_332, %add3A_231 : i32
      %add3A_334 = arith.constant 1 : i32
      %add3A_335 = arith.addi %mul3A_333, %add3A_334 : i32
      %ge3A_336 = arith.constant 2 : i32
      %ge3A_337 = arith.cmpi sge, %add3A_335, %ge3A_336 : i32
      %convert_element_type3A_338 = arith.extui %ge3A_337 : i1 to i32
      %cond3A_339 = arith.constant 0 : i32
      %cond3A_340 = arith.cmpi ne, %convert_element_type3A_338, %cond3A_339 : i32
      scf.if %cond3A_340 {
        %dma_wait3A_538 = arith.constant 0 : i32
        %dma_wait3A_539 = arith.constant 0 : i32
        %dma_wait3A_540 = tpu.memref_slice %arg6[%dma_wait3A_538, %dma_wait3A_539] : memref<200704x16xf32, #tpu.memory_space<hbm>> -> memref<512x16xf32, #tpu.memory_space<hbm>>
        %dma_wait3A_541 = arith.constant 0 : i32
        %dma_wait3A_542 = arith.constant 0 : i32
        %dma_wait3A_543 = tpu.memref_slice %arg6[%dma_wait3A_541, %dma_wait3A_542] : memref<200704x16xf32, #tpu.memory_space<hbm>> -> memref<512x16xf32, #tpu.memory_space<hbm>>
        tpu.wait_dma2 semaphore(%arg18 : memref<!tpu.dma_semaphore, #tpu.memory_space<semaphore_mem>>) src(%dma_wait3A_543 : memref<512x16xf32, #tpu.memory_space<hbm>>) dst(%arg16 : memref<512x16xf32, #tpu.memory_space<vmem>>)
      } else {
      }
      %add3A_341 = arith.constant 1 : i32
      %add3A_342 = arith.addi %add3A_335, %add3A_341 : i32
      %mul3A_343 = arith.constant 4 : i32
      %mul3A_344 = arith.muli %add3A_342, %mul3A_343 : i32
      %add3A_345 = arith.addi %mul3A_12, %mul3A_344 : i32
      "tpu.region"() ({
        %run_scoped3A = tpu.sem_alloc : memref<!tpu.dma_semaphore, #tpu.memory_space<semaphore_mem>>
        %dma_start3A_538 = arith.constant 0 : i32
        %dma_start3A_539 = tpu.memref_slice %arg2[%arg0, %add3A_345, %dma_start3A_538] : memref<2x25088x128xi32, #tpu.memory_space<hbm>> -> memref<1x4x128xi32, #tpu.memory_space<hbm>>
        %dma_start3A_540 = tpu.memref_squeeze %dma_start3A_539 : memref<1x4x128xi32, #tpu.memory_space<hbm>> -> memref<4x128xi32, #tpu.memory_space<hbm>>
        %dma_start3A_541 = arith.constant 0 : i32
        %dma_start3A_542 = tpu.memref_slice %arg2[%arg0, %add3A_345, %dma_start3A_541] : memref<2x25088x128xi32, #tpu.memory_space<hbm>> -> memref<1x4x128xi32, #tpu.memory_space<hbm>>
        %dma_start3A_543 = tpu.memref_squeeze %dma_start3A_542 : memref<1x4x128xi32, #tpu.memory_space<hbm>> -> memref<4x128xi32, #tpu.memory_space<hbm>>
        tpu.enqueue_dma source(%dma_start3A_543 : memref<4x128xi32, #tpu.memory_space<hbm>>) target(%arg10 : memref<4x128xi32, #tpu.memory_space<vmem>>) target_semaphore(%run_scoped3A : memref<!tpu.dma_semaphore, #tpu.memory_space<semaphore_mem>>)
        %dma_wait3A_544 = arith.constant 0 : i32
        %dma_wait3A_545 = tpu.memref_slice %arg2[%arg0, %add3A_345, %dma_wait3A_544] : memref<2x25088x128xi32, #tpu.memory_space<hbm>> -> memref<1x4x128xi32, #tpu.memory_space<hbm>>
        %dma_wait3A_546 = tpu.memref_squeeze %dma_wait3A_545 : memref<1x4x128xi32, #tpu.memory_space<hbm>> -> memref<4x128xi32, #tpu.memory_space<hbm>>
        %dma_wait3A_547 = arith.constant 0 : i32
        %dma_wait3A_548 = tpu.memref_slice %arg2[%arg0, %add3A_345, %dma_wait3A_547] : memref<2x25088x128xi32, #tpu.memory_space<hbm>> -> memref<1x4x128xi32, #tpu.memory_space<hbm>>
        %dma_wait3A_549 = tpu.memref_squeeze %dma_wait3A_548 : memref<1x4x128xi32, #tpu.memory_space<hbm>> -> memref<4x128xi32, #tpu.memory_space<hbm>>
        tpu.wait_dma2 semaphore(%run_scoped3A : memref<!tpu.dma_semaphore, #tpu.memory_space<semaphore_mem>>) src(%dma_wait3A_549 : memref<4x128xi32, #tpu.memory_space<hbm>>) dst(%arg10 : memref<4x128xi32, #tpu.memory_space<vmem>>)
        tpu.yield
      }) : () -> ()
      %mul3A_346 = arith.constant 4 : i32
      %mul3A_347 = arith.muli %add3A_342, %mul3A_346 : i32
      %add3A_348 = arith.addi %mul3A_12, %mul3A_347 : i32
      "tpu.region"() ({
        %run_scoped3A = tpu.sem_alloc : memref<!tpu.dma_semaphore, #tpu.memory_space<semaphore_mem>>
        %dma_start3A_538 = arith.constant 0 : i32
        %dma_start3A_539 = tpu.memref_slice %arg3[%add3A_348, %dma_start3A_538] : memref<25088x128xi32, #tpu.memory_space<hbm>> -> memref<4x128xi32, #tpu.memory_space<hbm>>
        %dma_start3A_540 = arith.constant 0 : i32
        %dma_start3A_541 = tpu.memref_slice %arg3[%add3A_348, %dma_start3A_540] : memref<25088x128xi32, #tpu.memory_space<hbm>> -> memref<4x128xi32, #tpu.memory_space<hbm>>
        tpu.enqueue_dma source(%dma_start3A_541 : memref<4x128xi32, #tpu.memory_space<hbm>>) target(%arg13 : memref<4x128xi32, #tpu.memory_space<vmem>>) target_semaphore(%run_scoped3A : memref<!tpu.dma_semaphore, #tpu.memory_space<semaphore_mem>>)
        %dma_wait3A_542 = arith.constant 0 : i32
        %dma_wait3A_543 = tpu.memref_slice %arg3[%add3A_348, %dma_wait3A_542] : memref<25088x128xi32, #tpu.memory_space<hbm>> -> memref<4x128xi32, #tpu.memory_space<hbm>>
        %dma_wait3A_544 = arith.constant 0 : i32
        %dma_wait3A_545 = tpu.memref_slice %arg3[%add3A_348, %dma_wait3A_544] : memref<25088x128xi32, #tpu.memory_space<hbm>> -> memref<4x128xi32, #tpu.memory_space<hbm>>
        tpu.wait_dma2 semaphore(%run_scoped3A : memref<!tpu.dma_semaphore, #tpu.memory_space<semaphore_mem>>) src(%dma_wait3A_545 : memref<4x128xi32, #tpu.memory_space<hbm>>) dst(%arg13 : memref<4x128xi32, #tpu.memory_space<vmem>>)
        tpu.yield
      }) : () -> ()
      %dma_start3A_349 = arith.constant 0 : i32
      %dma_start3A_350 = arith.constant 0 : i32
      %dma_start3A_351 = arith.constant 0 : i32
      %dma_start3A_352 = tpu.memref_slice %arg16[%dma_start3A_350, %dma_start3A_351] : memref<512x16xf32, #tpu.memory_space<vmem>> -> memref<128x16xf32, #tpu.memory_space<vmem>>
      %dma_start3A_353 = arith.constant 0 : i32
      %dma_start3A_354 = tpu.memref_slice %arg10[%dma_start3A_349, %dma_start3A_353] : memref<4x128xi32, #tpu.memory_space<vmem>> -> memref<1x128xi32, #tpu.memory_space<vmem>>
      %dma_start3A_355 = tpu.memref_squeeze %dma_start3A_354 : memref<1x128xi32, #tpu.memory_space<vmem>> -> memref<128xi32, #tpu.memory_space<vmem>>
      %dma_start3A_356 = arith.constant 0 : i32
      %dma_start3A_357 = arith.constant 0 : i32
      %dma_start3A_358 = tpu.memref_slice %arg6[%dma_start3A_356, %dma_start3A_357] : memref<200704x16xf32, #tpu.memory_space<hbm>> -> memref<200704x16xf32, #tpu.memory_space<hbm>>
      tpu.enqueue_indirect_dma source(%dma_start3A_358 : memref<200704x16xf32, #tpu.memory_space<hbm>>) target(%dma_start3A_352 : memref<128x16xf32, #tpu.memory_space<vmem>>) offsets(%dma_start3A_355 : memref<128xi32, #tpu.memory_space<vmem>>) semaphore(%arg17 : memref<!tpu.dma_semaphore, #tpu.memory_space<semaphore_mem>>)
      %dma_start3A_359 = arith.constant 1 : i32
      %dma_start3A_360 = arith.constant 128 : i32
      %dma_start3A_361 = arith.constant 0 : i32
      %dma_start3A_362 = tpu.memref_slice %arg16[%dma_start3A_360, %dma_start3A_361] : memref<512x16xf32, #tpu.memory_space<vmem>> -> memref<128x16xf32, #tpu.memory_space<vmem>>
      %dma_start3A_363 = arith.constant 0 : i32
      %dma_start3A_364 = tpu.memref_slice %arg10[%dma_start3A_359, %dma_start3A_363] : memref<4x128xi32, #tpu.memory_space<vmem>> -> memref<1x128xi32, #tpu.memory_space<vmem>>
      %dma_start3A_365 = tpu.memref_squeeze %dma_start3A_364 : memref<1x128xi32, #tpu.memory_space<vmem>> -> memref<128xi32, #tpu.memory_space<vmem>>
      %dma_start3A_366 = arith.constant 0 : i32
      %dma_start3A_367 = arith.constant 0 : i32
      %dma_start3A_368 = tpu.memref_slice %arg6[%dma_start3A_366, %dma_start3A_367] : memref<200704x16xf32, #tpu.memory_space<hbm>> -> memref<200704x16xf32, #tpu.memory_space<hbm>>
      tpu.enqueue_indirect_dma source(%dma_start3A_368 : memref<200704x16xf32, #tpu.memory_space<hbm>>) target(%dma_start3A_362 : memref<128x16xf32, #tpu.memory_space<vmem>>) offsets(%dma_start3A_365 : memref<128xi32, #tpu.memory_space<vmem>>) semaphore(%arg17 : memref<!tpu.dma_semaphore, #tpu.memory_space<semaphore_mem>>)
      %dma_start3A_369 = arith.constant 2 : i32
      %dma_start3A_370 = arith.constant 256 : i32
      %dma_start3A_371 = arith.constant 0 : i32
      %dma_start3A_372 = tpu.memref_slice %arg16[%dma_start3A_370, %dma_start3A_371] : memref<512x16xf32, #tpu.memory_space<vmem>> -> memref<128x16xf32, #tpu.memory_space<vmem>>
      %dma_start3A_373 = arith.constant 0 : i32
      %dma_start3A_374 = tpu.memref_slice %arg10[%dma_start3A_369, %dma_start3A_373] : memref<4x128xi32, #tpu.memory_space<vmem>> -> memref<1x128xi32, #tpu.memory_space<vmem>>
      %dma_start3A_375 = tpu.memref_squeeze %dma_start3A_374 : memref<1x128xi32, #tpu.memory_space<vmem>> -> memref<128xi32, #tpu.memory_space<vmem>>
      %dma_start3A_376 = arith.constant 0 : i32
      %dma_start3A_377 = arith.constant 0 : i32
      %dma_start3A_378 = tpu.memref_slice %arg6[%dma_start3A_376, %dma_start3A_377] : memref<200704x16xf32, #tpu.memory_space<hbm>> -> memref<200704x16xf32, #tpu.memory_space<hbm>>
      tpu.enqueue_indirect_dma source(%dma_start3A_378 : memref<200704x16xf32, #tpu.memory_space<hbm>>) target(%dma_start3A_372 : memref<128x16xf32, #tpu.memory_space<vmem>>) offsets(%dma_start3A_375 : memref<128xi32, #tpu.memory_space<vmem>>) semaphore(%arg17 : memref<!tpu.dma_semaphore, #tpu.memory_space<semaphore_mem>>)
      %dma_start3A_379 = arith.constant 3 : i32
      %dma_start3A_380 = arith.constant 384 : i32
      %dma_start3A_381 = arith.constant 0 : i32
      %dma_start3A_382 = tpu.memref_slice %arg16[%dma_start3A_380, %dma_start3A_381] : memref<512x16xf32, #tpu.memory_space<vmem>> -> memref<128x16xf32, #tpu.memory_space<vmem>>
      %dma_start3A_383 = arith.constant 0 : i32
      %dma_start3A_384 = tpu.memref_slice %arg10[%dma_start3A_379, %dma_start3A_383] : memref<4x128xi32, #tpu.memory_space<vmem>> -> memref<1x128xi32, #tpu.memory_space<vmem>>
      %dma_start3A_385 = tpu.memref_squeeze %dma_start3A_384 : memref<1x128xi32, #tpu.memory_space<vmem>> -> memref<128xi32, #tpu.memory_space<vmem>>
      %dma_start3A_386 = arith.constant 0 : i32
      %dma_start3A_387 = arith.constant 0 : i32
      %dma_start3A_388 = tpu.memref_slice %arg6[%dma_start3A_386, %dma_start3A_387] : memref<200704x16xf32, #tpu.memory_space<hbm>> -> memref<200704x16xf32, #tpu.memory_space<hbm>>
      tpu.enqueue_indirect_dma source(%dma_start3A_388 : memref<200704x16xf32, #tpu.memory_space<hbm>>) target(%dma_start3A_382 : memref<128x16xf32, #tpu.memory_space<vmem>>) offsets(%dma_start3A_385 : memref<128xi32, #tpu.memory_space<vmem>>) semaphore(%arg17 : memref<!tpu.dma_semaphore, #tpu.memory_space<semaphore_mem>>)
      %dma_wait3A_389 = arith.constant 0 : i32
      %dma_wait3A_390 = arith.constant 0 : i32
      %dma_wait3A_391 = tpu.memref_slice %arg6[%dma_wait3A_389, %dma_wait3A_390] : memref<200704x16xf32, #tpu.memory_space<hbm>> -> memref<512x16xf32, #tpu.memory_space<hbm>>
      %dma_wait3A_392 = arith.constant 0 : i32
      %dma_wait3A_393 = arith.constant 0 : i32
      %dma_wait3A_394 = tpu.memref_slice %arg6[%dma_wait3A_392, %dma_wait3A_393] : memref<200704x16xf32, #tpu.memory_space<hbm>> -> memref<512x16xf32, #tpu.memory_space<hbm>>
      tpu.wait_dma2 semaphore(%arg17 : memref<!tpu.dma_semaphore, #tpu.memory_space<semaphore_mem>>) src(%dma_wait3A_394 : memref<512x16xf32, #tpu.memory_space<hbm>>) dst(%arg15 : memref<512x16xf32, #tpu.memory_space<vmem>>)
      %dma_start3A_395 = arith.constant 0 : i32
      %dma_start3A_396 = arith.constant 0 : i32
      %dma_start3A_397 = arith.constant 0 : i32
      %dma_start3A_398 = tpu.memref_slice %arg15[%dma_start3A_396, %dma_start3A_397] : memref<512x16xf32, #tpu.memory_space<vmem>> -> memref<128x16xf32, #tpu.memory_space<vmem>>
      %dma_start3A_399 = arith.constant 0 : i32
      %dma_start3A_400 = tpu.memref_slice %arg12[%dma_start3A_395, %dma_start3A_399] : memref<4x128xi32, #tpu.memory_space<vmem>> -> memref<1x128xi32, #tpu.memory_space<vmem>>
      %dma_start3A_401 = tpu.memref_squeeze %dma_start3A_400 : memref<1x128xi32, #tpu.memory_space<vmem>> -> memref<128xi32, #tpu.memory_space<vmem>>
      %dma_start3A_402 = arith.constant 0 : i32
      %dma_start3A_403 = arith.constant 0 : i32
      %dma_start3A_404 = tpu.memref_slice %arg7[%dma_start3A_402, %dma_start3A_403] : memref<100352x16xf32, #tpu.memory_space<vmem_shared>> -> memref<100352x16xf32, #tpu.memory_space<vmem_shared>>
      tpu.enqueue_indirect_dma source(%dma_start3A_398 : memref<128x16xf32, #tpu.memory_space<vmem>>) target(%dma_start3A_404 : memref<100352x16xf32, #tpu.memory_space<vmem_shared>>) offsets(%dma_start3A_401 : memref<128xi32, #tpu.memory_space<vmem>>) semaphore(%arg18 : memref<!tpu.dma_semaphore, #tpu.memory_space<semaphore_mem>>) {add = true}
      %dma_start3A_405 = arith.constant 1 : i32
      %dma_start3A_406 = arith.constant 128 : i32
      %dma_start3A_407 = arith.constant 0 : i32
      %dma_start3A_408 = tpu.memref_slice %arg15[%dma_start3A_406, %dma_start3A_407] : memref<512x16xf32, #tpu.memory_space<vmem>> -> memref<128x16xf32, #tpu.memory_space<vmem>>
      %dma_start3A_409 = arith.constant 0 : i32
      %dma_start3A_410 = tpu.memref_slice %arg12[%dma_start3A_405, %dma_start3A_409] : memref<4x128xi32, #tpu.memory_space<vmem>> -> memref<1x128xi32, #tpu.memory_space<vmem>>
      %dma_start3A_411 = tpu.memref_squeeze %dma_start3A_410 : memref<1x128xi32, #tpu.memory_space<vmem>> -> memref<128xi32, #tpu.memory_space<vmem>>
      %dma_start3A_412 = arith.constant 0 : i32
      %dma_start3A_413 = arith.constant 0 : i32
      %dma_start3A_414 = tpu.memref_slice %arg7[%dma_start3A_412, %dma_start3A_413] : memref<100352x16xf32, #tpu.memory_space<vmem_shared>> -> memref<100352x16xf32, #tpu.memory_space<vmem_shared>>
      tpu.enqueue_indirect_dma source(%dma_start3A_408 : memref<128x16xf32, #tpu.memory_space<vmem>>) target(%dma_start3A_414 : memref<100352x16xf32, #tpu.memory_space<vmem_shared>>) offsets(%dma_start3A_411 : memref<128xi32, #tpu.memory_space<vmem>>) semaphore(%arg18 : memref<!tpu.dma_semaphore, #tpu.memory_space<semaphore_mem>>) {add = true}
      %dma_start3A_415 = arith.constant 2 : i32
      %dma_start3A_416 = arith.constant 256 : i32
      %dma_start3A_417 = arith.constant 0 : i32
      %dma_start3A_418 = tpu.memref_slice %arg15[%dma_start3A_416, %dma_start3A_417] : memref<512x16xf32, #tpu.memory_space<vmem>> -> memref<128x16xf32, #tpu.memory_space<vmem>>
      %dma_start3A_419 = arith.constant 0 : i32
      %dma_start3A_420 = tpu.memref_slice %arg12[%dma_start3A_415, %dma_start3A_419] : memref<4x128xi32, #tpu.memory_space<vmem>> -> memref<1x128xi32, #tpu.memory_space<vmem>>
      %dma_start3A_421 = tpu.memref_squeeze %dma_start3A_420 : memref<1x128xi32, #tpu.memory_space<vmem>> -> memref<128xi32, #tpu.memory_space<vmem>>
      %dma_start3A_422 = arith.constant 0 : i32
      %dma_start3A_423 = arith.constant 0 : i32
      %dma_start3A_424 = tpu.memref_slice %arg7[%dma_start3A_422, %dma_start3A_423] : memref<100352x16xf32, #tpu.memory_space<vmem_shared>> -> memref<100352x16xf32, #tpu.memory_space<vmem_shared>>
      tpu.enqueue_indirect_dma source(%dma_start3A_418 : memref<128x16xf32, #tpu.memory_space<vmem>>) target(%dma_start3A_424 : memref<100352x16xf32, #tpu.memory_space<vmem_shared>>) offsets(%dma_start3A_421 : memref<128xi32, #tpu.memory_space<vmem>>) semaphore(%arg18 : memref<!tpu.dma_semaphore, #tpu.memory_space<semaphore_mem>>) {add = true}
      %dma_start3A_425 = arith.constant 3 : i32
      %dma_start3A_426 = arith.constant 384 : i32
      %dma_start3A_427 = arith.constant 0 : i32
      %dma_start3A_428 = tpu.memref_slice %arg15[%dma_start3A_426, %dma_start3A_427] : memref<512x16xf32, #tpu.memory_space<vmem>> -> memref<128x16xf32, #tpu.memory_space<vmem>>
      %dma_start3A_429 = arith.constant 0 : i32
      %dma_start3A_430 = tpu.memref_slice %arg12[%dma_start3A_425, %dma_start3A_429] : memref<4x128xi32, #tpu.memory_space<vmem>> -> memref<1x128xi32, #tpu.memory_space<vmem>>
      %dma_start3A_431 = tpu.memref_squeeze %dma_start3A_430 : memref<1x128xi32, #tpu.memory_space<vmem>> -> memref<128xi32, #tpu.memory_space<vmem>>
      %dma_start3A_432 = arith.constant 0 : i32
      %dma_start3A_433 = arith.constant 0 : i32
      %dma_start3A_434 = tpu.memref_slice %arg7[%dma_start3A_432, %dma_start3A_433] : memref<100352x16xf32, #tpu.memory_space<vmem_shared>> -> memref<100352x16xf32, #tpu.memory_space<vmem_shared>>
      tpu.enqueue_indirect_dma source(%dma_start3A_428 : memref<128x16xf32, #tpu.memory_space<vmem>>) target(%dma_start3A_434 : memref<100352x16xf32, #tpu.memory_space<vmem_shared>>) offsets(%dma_start3A_431 : memref<128xi32, #tpu.memory_space<vmem>>) semaphore(%arg18 : memref<!tpu.dma_semaphore, #tpu.memory_space<semaphore_mem>>) {add = true}
      %mul3A_435 = arith.constant 3 : i32
      %mul3A_436 = arith.muli %mul3A_435, %add3A_231 : i32
      %add3A_437 = arith.constant 2 : i32
      %add3A_438 = arith.addi %mul3A_436, %add3A_437 : i32
      %ge3A_439 = arith.constant 2 : i32
      %ge3A_440 = arith.cmpi sge, %add3A_438, %ge3A_439 : i32
      %convert_element_type3A_441 = arith.extui %ge3A_440 : i1 to i32
      %cond3A_442 = arith.constant 0 : i32
      %cond3A_443 = arith.cmpi ne, %convert_element_type3A_441, %cond3A_442 : i32
      scf.if %cond3A_443 {
        %dma_wait3A_538 = arith.constant 0 : i32
        %dma_wait3A_539 = arith.constant 0 : i32
        %dma_wait3A_540 = tpu.memref_slice %arg6[%dma_wait3A_538, %dma_wait3A_539] : memref<200704x16xf32, #tpu.memory_space<hbm>> -> memref<512x16xf32, #tpu.memory_space<hbm>>
        %dma_wait3A_541 = arith.constant 0 : i32
        %dma_wait3A_542 = arith.constant 0 : i32
        %dma_wait3A_543 = tpu.memref_slice %arg6[%dma_wait3A_541, %dma_wait3A_542] : memref<200704x16xf32, #tpu.memory_space<hbm>> -> memref<512x16xf32, #tpu.memory_space<hbm>>
        tpu.wait_dma2 semaphore(%arg18 : memref<!tpu.dma_semaphore, #tpu.memory_space<semaphore_mem>>) src(%dma_wait3A_543 : memref<512x16xf32, #tpu.memory_space<hbm>>) dst(%arg14 : memref<512x16xf32, #tpu.memory_space<vmem>>)
      } else {
      }
      %add3A_444 = arith.constant 1 : i32
      %add3A_445 = arith.addi %add3A_438, %add3A_444 : i32
      %mul3A_446 = arith.constant 4 : i32
      %mul3A_447 = arith.muli %add3A_445, %mul3A_446 : i32
      %add3A_448 = arith.addi %mul3A_12, %mul3A_447 : i32
      "tpu.region"() ({
        %run_scoped3A = tpu.sem_alloc : memref<!tpu.dma_semaphore, #tpu.memory_space<semaphore_mem>>
        %dma_start3A_538 = arith.constant 0 : i32
        %dma_start3A_539 = tpu.memref_slice %arg2[%arg0, %add3A_448, %dma_start3A_538] : memref<2x25088x128xi32, #tpu.memory_space<hbm>> -> memref<1x4x128xi32, #tpu.memory_space<hbm>>
        %dma_start3A_540 = tpu.memref_squeeze %dma_start3A_539 : memref<1x4x128xi32, #tpu.memory_space<hbm>> -> memref<4x128xi32, #tpu.memory_space<hbm>>
        %dma_start3A_541 = arith.constant 0 : i32
        %dma_start3A_542 = tpu.memref_slice %arg2[%arg0, %add3A_448, %dma_start3A_541] : memref<2x25088x128xi32, #tpu.memory_space<hbm>> -> memref<1x4x128xi32, #tpu.memory_space<hbm>>
        %dma_start3A_543 = tpu.memref_squeeze %dma_start3A_542 : memref<1x4x128xi32, #tpu.memory_space<hbm>> -> memref<4x128xi32, #tpu.memory_space<hbm>>
        tpu.enqueue_dma source(%dma_start3A_543 : memref<4x128xi32, #tpu.memory_space<hbm>>) target(%arg8 : memref<4x128xi32, #tpu.memory_space<vmem>>) target_semaphore(%run_scoped3A : memref<!tpu.dma_semaphore, #tpu.memory_space<semaphore_mem>>)
        %dma_wait3A_544 = arith.constant 0 : i32
        %dma_wait3A_545 = tpu.memref_slice %arg2[%arg0, %add3A_448, %dma_wait3A_544] : memref<2x25088x128xi32, #tpu.memory_space<hbm>> -> memref<1x4x128xi32, #tpu.memory_space<hbm>>
        %dma_wait3A_546 = tpu.memref_squeeze %dma_wait3A_545 : memref<1x4x128xi32, #tpu.memory_space<hbm>> -> memref<4x128xi32, #tpu.memory_space<hbm>>
        %dma_wait3A_547 = arith.constant 0 : i32
        %dma_wait3A_548 = tpu.memref_slice %arg2[%arg0, %add3A_448, %dma_wait3A_547] : memref<2x25088x128xi32, #tpu.memory_space<hbm>> -> memref<1x4x128xi32, #tpu.memory_space<hbm>>
        %dma_wait3A_549 = tpu.memref_squeeze %dma_wait3A_548 : memref<1x4x128xi32, #tpu.memory_space<hbm>> -> memref<4x128xi32, #tpu.memory_space<hbm>>
        tpu.wait_dma2 semaphore(%run_scoped3A : memref<!tpu.dma_semaphore, #tpu.memory_space<semaphore_mem>>) src(%dma_wait3A_549 : memref<4x128xi32, #tpu.memory_space<hbm>>) dst(%arg8 : memref<4x128xi32, #tpu.memory_space<vmem>>)
        tpu.yield
      }) : () -> ()
      %mul3A_449 = arith.constant 4 : i32
      %mul3A_450 = arith.muli %add3A_445, %mul3A_449 : i32
      %add3A_451 = arith.addi %mul3A_12, %mul3A_450 : i32
      "tpu.region"() ({
        %run_scoped3A = tpu.sem_alloc : memref<!tpu.dma_semaphore, #tpu.memory_space<semaphore_mem>>
        %dma_start3A_538 = arith.constant 0 : i32
        %dma_start3A_539 = tpu.memref_slice %arg3[%add3A_451, %dma_start3A_538] : memref<25088x128xi32, #tpu.memory_space<hbm>> -> memref<4x128xi32, #tpu.memory_space<hbm>>
        %dma_start3A_540 = arith.constant 0 : i32
        %dma_start3A_541 = tpu.memref_slice %arg3[%add3A_451, %dma_start3A_540] : memref<25088x128xi32, #tpu.memory_space<hbm>> -> memref<4x128xi32, #tpu.memory_space<hbm>>
        tpu.enqueue_dma source(%dma_start3A_541 : memref<4x128xi32, #tpu.memory_space<hbm>>) target(%arg11 : memref<4x128xi32, #tpu.memory_space<vmem>>) target_semaphore(%run_scoped3A : memref<!tpu.dma_semaphore, #tpu.memory_space<semaphore_mem>>)
        %dma_wait3A_542 = arith.constant 0 : i32
        %dma_wait3A_543 = tpu.memref_slice %arg3[%add3A_451, %dma_wait3A_542] : memref<25088x128xi32, #tpu.memory_space<hbm>> -> memref<4x128xi32, #tpu.memory_space<hbm>>
        %dma_wait3A_544 = arith.constant 0 : i32
        %dma_wait3A_545 = tpu.memref_slice %arg3[%add3A_451, %dma_wait3A_544] : memref<25088x128xi32, #tpu.memory_space<hbm>> -> memref<4x128xi32, #tpu.memory_space<hbm>>
        tpu.wait_dma2 semaphore(%run_scoped3A : memref<!tpu.dma_semaphore, #tpu.memory_space<semaphore_mem>>) src(%dma_wait3A_545 : memref<4x128xi32, #tpu.memory_space<hbm>>) dst(%arg11 : memref<4x128xi32, #tpu.memory_space<vmem>>)
        tpu.yield
      }) : () -> ()
      %dma_start3A_452 = arith.constant 0 : i32
      %dma_start3A_453 = arith.constant 0 : i32
      %dma_start3A_454 = arith.constant 0 : i32
      %dma_start3A_455 = tpu.memref_slice %arg14[%dma_start3A_453, %dma_start3A_454] : memref<512x16xf32, #tpu.memory_space<vmem>> -> memref<128x16xf32, #tpu.memory_space<vmem>>
      %dma_start3A_456 = arith.constant 0 : i32
      %dma_start3A_457 = tpu.memref_slice %arg8[%dma_start3A_452, %dma_start3A_456] : memref<4x128xi32, #tpu.memory_space<vmem>> -> memref<1x128xi32, #tpu.memory_space<vmem>>
      %dma_start3A_458 = tpu.memref_squeeze %dma_start3A_457 : memref<1x128xi32, #tpu.memory_space<vmem>> -> memref<128xi32, #tpu.memory_space<vmem>>
      %dma_start3A_459 = arith.constant 0 : i32
      %dma_start3A_460 = arith.constant 0 : i32
      %dma_start3A_461 = tpu.memref_slice %arg6[%dma_start3A_459, %dma_start3A_460] : memref<200704x16xf32, #tpu.memory_space<hbm>> -> memref<200704x16xf32, #tpu.memory_space<hbm>>
      tpu.enqueue_indirect_dma source(%dma_start3A_461 : memref<200704x16xf32, #tpu.memory_space<hbm>>) target(%dma_start3A_455 : memref<128x16xf32, #tpu.memory_space<vmem>>) offsets(%dma_start3A_458 : memref<128xi32, #tpu.memory_space<vmem>>) semaphore(%arg17 : memref<!tpu.dma_semaphore, #tpu.memory_space<semaphore_mem>>)
      %dma_start3A_462 = arith.constant 1 : i32
      %dma_start3A_463 = arith.constant 128 : i32
      %dma_start3A_464 = arith.constant 0 : i32
      %dma_start3A_465 = tpu.memref_slice %arg14[%dma_start3A_463, %dma_start3A_464] : memref<512x16xf32, #tpu.memory_space<vmem>> -> memref<128x16xf32, #tpu.memory_space<vmem>>
      %dma_start3A_466 = arith.constant 0 : i32
      %dma_start3A_467 = tpu.memref_slice %arg8[%dma_start3A_462, %dma_start3A_466] : memref<4x128xi32, #tpu.memory_space<vmem>> -> memref<1x128xi32, #tpu.memory_space<vmem>>
      %dma_start3A_468 = tpu.memref_squeeze %dma_start3A_467 : memref<1x128xi32, #tpu.memory_space<vmem>> -> memref<128xi32, #tpu.memory_space<vmem>>
      %dma_start3A_469 = arith.constant 0 : i32
      %dma_start3A_470 = arith.constant 0 : i32
      %dma_start3A_471 = tpu.memref_slice %arg6[%dma_start3A_469, %dma_start3A_470] : memref<200704x16xf32, #tpu.memory_space<hbm>> -> memref<200704x16xf32, #tpu.memory_space<hbm>>
      tpu.enqueue_indirect_dma source(%dma_start3A_471 : memref<200704x16xf32, #tpu.memory_space<hbm>>) target(%dma_start3A_465 : memref<128x16xf32, #tpu.memory_space<vmem>>) offsets(%dma_start3A_468 : memref<128xi32, #tpu.memory_space<vmem>>) semaphore(%arg17 : memref<!tpu.dma_semaphore, #tpu.memory_space<semaphore_mem>>)
      %dma_start3A_472 = arith.constant 2 : i32
      %dma_start3A_473 = arith.constant 256 : i32
      %dma_start3A_474 = arith.constant 0 : i32
      %dma_start3A_475 = tpu.memref_slice %arg14[%dma_start3A_473, %dma_start3A_474] : memref<512x16xf32, #tpu.memory_space<vmem>> -> memref<128x16xf32, #tpu.memory_space<vmem>>
      %dma_start3A_476 = arith.constant 0 : i32
      %dma_start3A_477 = tpu.memref_slice %arg8[%dma_start3A_472, %dma_start3A_476] : memref<4x128xi32, #tpu.memory_space<vmem>> -> memref<1x128xi32, #tpu.memory_space<vmem>>
      %dma_start3A_478 = tpu.memref_squeeze %dma_start3A_477 : memref<1x128xi32, #tpu.memory_space<vmem>> -> memref<128xi32, #tpu.memory_space<vmem>>
      %dma_start3A_479 = arith.constant 0 : i32
      %dma_start3A_480 = arith.constant 0 : i32
      %dma_start3A_481 = tpu.memref_slice %arg6[%dma_start3A_479, %dma_start3A_480] : memref<200704x16xf32, #tpu.memory_space<hbm>> -> memref<200704x16xf32, #tpu.memory_space<hbm>>
      tpu.enqueue_indirect_dma source(%dma_start3A_481 : memref<200704x16xf32, #tpu.memory_space<hbm>>) target(%dma_start3A_475 : memref<128x16xf32, #tpu.memory_space<vmem>>) offsets(%dma_start3A_478 : memref<128xi32, #tpu.memory_space<vmem>>) semaphore(%arg17 : memref<!tpu.dma_semaphore, #tpu.memory_space<semaphore_mem>>)
      %dma_start3A_482 = arith.constant 3 : i32
      %dma_start3A_483 = arith.constant 384 : i32
      %dma_start3A_484 = arith.constant 0 : i32
      %dma_start3A_485 = tpu.memref_slice %arg14[%dma_start3A_483, %dma_start3A_484] : memref<512x16xf32, #tpu.memory_space<vmem>> -> memref<128x16xf32, #tpu.memory_space<vmem>>
      %dma_start3A_486 = arith.constant 0 : i32
      %dma_start3A_487 = tpu.memref_slice %arg8[%dma_start3A_482, %dma_start3A_486] : memref<4x128xi32, #tpu.memory_space<vmem>> -> memref<1x128xi32, #tpu.memory_space<vmem>>
      %dma_start3A_488 = tpu.memref_squeeze %dma_start3A_487 : memref<1x128xi32, #tpu.memory_space<vmem>> -> memref<128xi32, #tpu.memory_space<vmem>>
      %dma_start3A_489 = arith.constant 0 : i32
      %dma_start3A_490 = arith.constant 0 : i32
      %dma_start3A_491 = tpu.memref_slice %arg6[%dma_start3A_489, %dma_start3A_490] : memref<200704x16xf32, #tpu.memory_space<hbm>> -> memref<200704x16xf32, #tpu.memory_space<hbm>>
      tpu.enqueue_indirect_dma source(%dma_start3A_491 : memref<200704x16xf32, #tpu.memory_space<hbm>>) target(%dma_start3A_485 : memref<128x16xf32, #tpu.memory_space<vmem>>) offsets(%dma_start3A_488 : memref<128xi32, #tpu.memory_space<vmem>>) semaphore(%arg17 : memref<!tpu.dma_semaphore, #tpu.memory_space<semaphore_mem>>)
      %dma_wait3A_492 = arith.constant 0 : i32
      %dma_wait3A_493 = arith.constant 0 : i32
      %dma_wait3A_494 = tpu.memref_slice %arg6[%dma_wait3A_492, %dma_wait3A_493] : memref<200704x16xf32, #tpu.memory_space<hbm>> -> memref<512x16xf32, #tpu.memory_space<hbm>>
      %dma_wait3A_495 = arith.constant 0 : i32
      %dma_wait3A_496 = arith.constant 0 : i32
      %dma_wait3A_497 = tpu.memref_slice %arg6[%dma_wait3A_495, %dma_wait3A_496] : memref<200704x16xf32, #tpu.memory_space<hbm>> -> memref<512x16xf32, #tpu.memory_space<hbm>>
      tpu.wait_dma2 semaphore(%arg17 : memref<!tpu.dma_semaphore, #tpu.memory_space<semaphore_mem>>) src(%dma_wait3A_497 : memref<512x16xf32, #tpu.memory_space<hbm>>) dst(%arg16 : memref<512x16xf32, #tpu.memory_space<vmem>>)
      %dma_start3A_498 = arith.constant 0 : i32
      %dma_start3A_499 = arith.constant 0 : i32
      %dma_start3A_500 = arith.constant 0 : i32
      %dma_start3A_501 = tpu.memref_slice %arg16[%dma_start3A_499, %dma_start3A_500] : memref<512x16xf32, #tpu.memory_space<vmem>> -> memref<128x16xf32, #tpu.memory_space<vmem>>
      %dma_start3A_502 = arith.constant 0 : i32
      %dma_start3A_503 = tpu.memref_slice %arg13[%dma_start3A_498, %dma_start3A_502] : memref<4x128xi32, #tpu.memory_space<vmem>> -> memref<1x128xi32, #tpu.memory_space<vmem>>
      %dma_start3A_504 = tpu.memref_squeeze %dma_start3A_503 : memref<1x128xi32, #tpu.memory_space<vmem>> -> memref<128xi32, #tpu.memory_space<vmem>>
      %dma_start3A_505 = arith.constant 0 : i32
      %dma_start3A_506 = arith.constant 0 : i32
      %dma_start3A_507 = tpu.memref_slice %arg7[%dma_start3A_505, %dma_start3A_506] : memref<100352x16xf32, #tpu.memory_space<vmem_shared>> -> memref<100352x16xf32, #tpu.memory_space<vmem_shared>>
      tpu.enqueue_indirect_dma source(%dma_start3A_501 : memref<128x16xf32, #tpu.memory_space<vmem>>) target(%dma_start3A_507 : memref<100352x16xf32, #tpu.memory_space<vmem_shared>>) offsets(%dma_start3A_504 : memref<128xi32, #tpu.memory_space<vmem>>) semaphore(%arg18 : memref<!tpu.dma_semaphore, #tpu.memory_space<semaphore_mem>>) {add = true}
      %dma_start3A_508 = arith.constant 1 : i32
      %dma_start3A_509 = arith.constant 128 : i32
      %dma_start3A_510 = arith.constant 0 : i32
      %dma_start3A_511 = tpu.memref_slice %arg16[%dma_start3A_509, %dma_start3A_510] : memref<512x16xf32, #tpu.memory_space<vmem>> -> memref<128x16xf32, #tpu.memory_space<vmem>>
      %dma_start3A_512 = arith.constant 0 : i32
      %dma_start3A_513 = tpu.memref_slice %arg13[%dma_start3A_508, %dma_start3A_512] : memref<4x128xi32, #tpu.memory_space<vmem>> -> memref<1x128xi32, #tpu.memory_space<vmem>>
      %dma_start3A_514 = tpu.memref_squeeze %dma_start3A_513 : memref<1x128xi32, #tpu.memory_space<vmem>> -> memref<128xi32, #tpu.memory_space<vmem>>
      %dma_start3A_515 = arith.constant 0 : i32
      %dma_start3A_516 = arith.constant 0 : i32
      %dma_start3A_517 = tpu.memref_slice %arg7[%dma_start3A_515, %dma_start3A_516] : memref<100352x16xf32, #tpu.memory_space<vmem_shared>> -> memref<100352x16xf32, #tpu.memory_space<vmem_shared>>
      tpu.enqueue_indirect_dma source(%dma_start3A_511 : memref<128x16xf32, #tpu.memory_space<vmem>>) target(%dma_start3A_517 : memref<100352x16xf32, #tpu.memory_space<vmem_shared>>) offsets(%dma_start3A_514 : memref<128xi32, #tpu.memory_space<vmem>>) semaphore(%arg18 : memref<!tpu.dma_semaphore, #tpu.memory_space<semaphore_mem>>) {add = true}
      %dma_start3A_518 = arith.constant 2 : i32
      %dma_start3A_519 = arith.constant 256 : i32
      %dma_start3A_520 = arith.constant 0 : i32
      %dma_start3A_521 = tpu.memref_slice %arg16[%dma_start3A_519, %dma_start3A_520] : memref<512x16xf32, #tpu.memory_space<vmem>> -> memref<128x16xf32, #tpu.memory_space<vmem>>
      %dma_start3A_522 = arith.constant 0 : i32
      %dma_start3A_523 = tpu.memref_slice %arg13[%dma_start3A_518, %dma_start3A_522] : memref<4x128xi32, #tpu.memory_space<vmem>> -> memref<1x128xi32, #tpu.memory_space<vmem>>
      %dma_start3A_524 = tpu.memref_squeeze %dma_start3A_523 : memref<1x128xi32, #tpu.memory_space<vmem>> -> memref<128xi32, #tpu.memory_space<vmem>>
      %dma_start3A_525 = arith.constant 0 : i32
      %dma_start3A_526 = arith.constant 0 : i32
      %dma_start3A_527 = tpu.memref_slice %arg7[%dma_start3A_525, %dma_start3A_526] : memref<100352x16xf32, #tpu.memory_space<vmem_shared>> -> memref<100352x16xf32, #tpu.memory_space<vmem_shared>>
      tpu.enqueue_indirect_dma source(%dma_start3A_521 : memref<128x16xf32, #tpu.memory_space<vmem>>) target(%dma_start3A_527 : memref<100352x16xf32, #tpu.memory_space<vmem_shared>>) offsets(%dma_start3A_524 : memref<128xi32, #tpu.memory_space<vmem>>) semaphore(%arg18 : memref<!tpu.dma_semaphore, #tpu.memory_space<semaphore_mem>>) {add = true}
      %dma_start3A_528 = arith.constant 3 : i32
      %dma_start3A_529 = arith.constant 384 : i32
      %dma_start3A_530 = arith.constant 0 : i32
      %dma_start3A_531 = tpu.memref_slice %arg16[%dma_start3A_529, %dma_start3A_530] : memref<512x16xf32, #tpu.memory_space<vmem>> -> memref<128x16xf32, #tpu.memory_space<vmem>>
      %dma_start3A_532 = arith.constant 0 : i32
      %dma_start3A_533 = tpu.memref_slice %arg13[%dma_start3A_528, %dma_start3A_532] : memref<4x128xi32, #tpu.memory_space<vmem>> -> memref<1x128xi32, #tpu.memory_space<vmem>>
      %dma_start3A_534 = tpu.memref_squeeze %dma_start3A_533 : memref<1x128xi32, #tpu.memory_space<vmem>> -> memref<128xi32, #tpu.memory_space<vmem>>
      %dma_start3A_535 = arith.constant 0 : i32
      %dma_start3A_536 = arith.constant 0 : i32
      %dma_start3A_537 = tpu.memref_slice %arg7[%dma_start3A_535, %dma_start3A_536] : memref<100352x16xf32, #tpu.memory_space<vmem_shared>> -> memref<100352x16xf32, #tpu.memory_space<vmem_shared>>
      tpu.enqueue_indirect_dma source(%dma_start3A_531 : memref<128x16xf32, #tpu.memory_space<vmem>>) target(%dma_start3A_537 : memref<100352x16xf32, #tpu.memory_space<vmem_shared>>) offsets(%dma_start3A_534 : memref<128xi32, #tpu.memory_space<vmem>>) semaphore(%arg18 : memref<!tpu.dma_semaphore, #tpu.memory_space<semaphore_mem>>) {add = true}
    }
    %scan3A_60 = arith.constant 130 : i32
    %dma_wait3A = arith.constant 0 : i32
    %dma_wait3A_61 = arith.constant 0 : i32
    %dma_wait3A_62 = tpu.memref_slice %arg6[%dma_wait3A, %dma_wait3A_61] : memref<200704x16xf32, #tpu.memory_space<hbm>> -> memref<512x16xf32, #tpu.memory_space<hbm>>
    %dma_wait3A_63 = arith.constant 0 : i32
    %dma_wait3A_64 = arith.constant 0 : i32
    %dma_wait3A_65 = tpu.memref_slice %arg6[%dma_wait3A_63, %dma_wait3A_64] : memref<200704x16xf32, #tpu.memory_space<hbm>> -> memref<512x16xf32, #tpu.memory_space<hbm>>
    tpu.wait_dma2 semaphore(%arg18 : memref<!tpu.dma_semaphore, #tpu.memory_space<semaphore_mem>>) src(%dma_wait3A_65 : memref<512x16xf32, #tpu.memory_space<hbm>>) dst(%arg15 : memref<512x16xf32, #tpu.memory_space<vmem>>)
    %add3A_66 = arith.constant 1564 : i32
    %add3A_67 = arith.addi %mul3A_12, %add3A_66 : i32
    "tpu.region"() ({
      %run_scoped3A = tpu.sem_alloc : memref<!tpu.dma_semaphore, #tpu.memory_space<semaphore_mem>>
      %dma_start3A_227 = arith.constant 0 : i32
      %dma_start3A_228 = tpu.memref_slice %arg2[%arg0, %add3A_67, %dma_start3A_227] : memref<2x25088x128xi32, #tpu.memory_space<hbm>> -> memref<1x4x128xi32, #tpu.memory_space<hbm>>
      %dma_start3A_229 = tpu.memref_squeeze %dma_start3A_228 : memref<1x4x128xi32, #tpu.memory_space<hbm>> -> memref<4x128xi32, #tpu.memory_space<hbm>>
      %dma_start3A_230 = arith.constant 0 : i32
      %dma_start3A_231 = tpu.memref_slice %arg2[%arg0, %add3A_67, %dma_start3A_230] : memref<2x25088x128xi32, #tpu.memory_space<hbm>> -> memref<1x4x128xi32, #tpu.memory_space<hbm>>
      %dma_start3A_232 = tpu.memref_squeeze %dma_start3A_231 : memref<1x4x128xi32, #tpu.memory_space<hbm>> -> memref<4x128xi32, #tpu.memory_space<hbm>>
      tpu.enqueue_dma source(%dma_start3A_232 : memref<4x128xi32, #tpu.memory_space<hbm>>) target(%arg9 : memref<4x128xi32, #tpu.memory_space<vmem>>) target_semaphore(%run_scoped3A : memref<!tpu.dma_semaphore, #tpu.memory_space<semaphore_mem>>)
      %dma_wait3A_233 = arith.constant 0 : i32
      %dma_wait3A_234 = tpu.memref_slice %arg2[%arg0, %add3A_67, %dma_wait3A_233] : memref<2x25088x128xi32, #tpu.memory_space<hbm>> -> memref<1x4x128xi32, #tpu.memory_space<hbm>>
      %dma_wait3A_235 = tpu.memref_squeeze %dma_wait3A_234 : memref<1x4x128xi32, #tpu.memory_space<hbm>> -> memref<4x128xi32, #tpu.memory_space<hbm>>
      %dma_wait3A_236 = arith.constant 0 : i32
      %dma_wait3A_237 = tpu.memref_slice %arg2[%arg0, %add3A_67, %dma_wait3A_236] : memref<2x25088x128xi32, #tpu.memory_space<hbm>> -> memref<1x4x128xi32, #tpu.memory_space<hbm>>
      %dma_wait3A_238 = tpu.memref_squeeze %dma_wait3A_237 : memref<1x4x128xi32, #tpu.memory_space<hbm>> -> memref<4x128xi32, #tpu.memory_space<hbm>>
      tpu.wait_dma2 semaphore(%run_scoped3A : memref<!tpu.dma_semaphore, #tpu.memory_space<semaphore_mem>>) src(%dma_wait3A_238 : memref<4x128xi32, #tpu.memory_space<hbm>>) dst(%arg9 : memref<4x128xi32, #tpu.memory_space<vmem>>)
      tpu.yield
    }) : () -> ()
    %add3A_68 = arith.constant 1564 : i32
    %add3A_69 = arith.addi %mul3A_12, %add3A_68 : i32
    "tpu.region"() ({
      %run_scoped3A = tpu.sem_alloc : memref<!tpu.dma_semaphore, #tpu.memory_space<semaphore_mem>>
      %dma_start3A_227 = arith.constant 0 : i32
      %dma_start3A_228 = tpu.memref_slice %arg3[%add3A_69, %dma_start3A_227] : memref<25088x128xi32, #tpu.memory_space<hbm>> -> memref<4x128xi32, #tpu.memory_space<hbm>>
      %dma_start3A_229 = arith.constant 0 : i32
      %dma_start3A_230 = tpu.memref_slice %arg3[%add3A_69, %dma_start3A_229] : memref<25088x128xi32, #tpu.memory_space<hbm>> -> memref<4x128xi32, #tpu.memory_space<hbm>>
      tpu.enqueue_dma source(%dma_start3A_230 : memref<4x128xi32, #tpu.memory_space<hbm>>) target(%arg12 : memref<4x128xi32, #tpu.memory_space<vmem>>) target_semaphore(%run_scoped3A : memref<!tpu.dma_semaphore, #tpu.memory_space<semaphore_mem>>)
      %dma_wait3A_231 = arith.constant 0 : i32
      %dma_wait3A_232 = tpu.memref_slice %arg3[%add3A_69, %dma_wait3A_231] : memref<25088x128xi32, #tpu.memory_space<hbm>> -> memref<4x128xi32, #tpu.memory_space<hbm>>
      %dma_wait3A_233 = arith.constant 0 : i32
      %dma_wait3A_234 = tpu.memref_slice %arg3[%add3A_69, %dma_wait3A_233] : memref<25088x128xi32, #tpu.memory_space<hbm>> -> memref<4x128xi32, #tpu.memory_space<hbm>>
      tpu.wait_dma2 semaphore(%run_scoped3A : memref<!tpu.dma_semaphore, #tpu.memory_space<semaphore_mem>>) src(%dma_wait3A_234 : memref<4x128xi32, #tpu.memory_space<hbm>>) dst(%arg12 : memref<4x128xi32, #tpu.memory_space<vmem>>)
      tpu.yield
    }) : () -> ()
    %dma_start3A_70 = arith.constant 0 : i32
    %dma_start3A_71 = arith.constant 0 : i32
    %dma_start3A_72 = arith.constant 0 : i32
    %dma_start3A_73 = tpu.memref_slice %arg15[%dma_start3A_71, %dma_start3A_72] : memref<512x16xf32, #tpu.memory_space<vmem>> -> memref<128x16xf32, #tpu.memory_space<vmem>>
    %dma_start3A_74 = arith.constant 0 : i32
    %dma_start3A_75 = tpu.memref_slice %arg9[%dma_start3A_70, %dma_start3A_74] : memref<4x128xi32, #tpu.memory_space<vmem>> -> memref<1x128xi32, #tpu.memory_space<vmem>>
    %dma_start3A_76 = tpu.memref_squeeze %dma_start3A_75 : memref<1x128xi32, #tpu.memory_space<vmem>> -> memref<128xi32, #tpu.memory_space<vmem>>
    %dma_start3A_77 = arith.constant 0 : i32
    %dma_start3A_78 = arith.constant 0 : i32
    %dma_start3A_79 = tpu.memref_slice %arg6[%dma_start3A_77, %dma_start3A_78] : memref<200704x16xf32, #tpu.memory_space<hbm>> -> memref<200704x16xf32, #tpu.memory_space<hbm>>
    tpu.enqueue_indirect_dma source(%dma_start3A_79 : memref<200704x16xf32, #tpu.memory_space<hbm>>) target(%dma_start3A_73 : memref<128x16xf32, #tpu.memory_space<vmem>>) offsets(%dma_start3A_76 : memref<128xi32, #tpu.memory_space<vmem>>) semaphore(%arg17 : memref<!tpu.dma_semaphore, #tpu.memory_space<semaphore_mem>>)
    %dma_start3A_80 = arith.constant 1 : i32
    %dma_start3A_81 = arith.constant 128 : i32
    %dma_start3A_82 = arith.constant 0 : i32
    %dma_start3A_83 = tpu.memref_slice %arg15[%dma_start3A_81, %dma_start3A_82] : memref<512x16xf32, #tpu.memory_space<vmem>> -> memref<128x16xf32, #tpu.memory_space<vmem>>
    %dma_start3A_84 = arith.constant 0 : i32
    %dma_start3A_85 = tpu.memref_slice %arg9[%dma_start3A_80, %dma_start3A_84] : memref<4x128xi32, #tpu.memory_space<vmem>> -> memref<1x128xi32, #tpu.memory_space<vmem>>
    %dma_start3A_86 = tpu.memref_squeeze %dma_start3A_85 : memref<1x128xi32, #tpu.memory_space<vmem>> -> memref<128xi32, #tpu.memory_space<vmem>>
    %dma_start3A_87 = arith.constant 0 : i32
    %dma_start3A_88 = arith.constant 0 : i32
    %dma_start3A_89 = tpu.memref_slice %arg6[%dma_start3A_87, %dma_start3A_88] : memref<200704x16xf32, #tpu.memory_space<hbm>> -> memref<200704x16xf32, #tpu.memory_space<hbm>>
    tpu.enqueue_indirect_dma source(%dma_start3A_89 : memref<200704x16xf32, #tpu.memory_space<hbm>>) target(%dma_start3A_83 : memref<128x16xf32, #tpu.memory_space<vmem>>) offsets(%dma_start3A_86 : memref<128xi32, #tpu.memory_space<vmem>>) semaphore(%arg17 : memref<!tpu.dma_semaphore, #tpu.memory_space<semaphore_mem>>)
    %dma_start3A_90 = arith.constant 2 : i32
    %dma_start3A_91 = arith.constant 256 : i32
    %dma_start3A_92 = arith.constant 0 : i32
    %dma_start3A_93 = tpu.memref_slice %arg15[%dma_start3A_91, %dma_start3A_92] : memref<512x16xf32, #tpu.memory_space<vmem>> -> memref<128x16xf32, #tpu.memory_space<vmem>>
    %dma_start3A_94 = arith.constant 0 : i32
    %dma_start3A_95 = tpu.memref_slice %arg9[%dma_start3A_90, %dma_start3A_94] : memref<4x128xi32, #tpu.memory_space<vmem>> -> memref<1x128xi32, #tpu.memory_space<vmem>>
    %dma_start3A_96 = tpu.memref_squeeze %dma_start3A_95 : memref<1x128xi32, #tpu.memory_space<vmem>> -> memref<128xi32, #tpu.memory_space<vmem>>
    %dma_start3A_97 = arith.constant 0 : i32
    %dma_start3A_98 = arith.constant 0 : i32
    %dma_start3A_99 = tpu.memref_slice %arg6[%dma_start3A_97, %dma_start3A_98] : memref<200704x16xf32, #tpu.memory_space<hbm>> -> memref<200704x16xf32, #tpu.memory_space<hbm>>
    tpu.enqueue_indirect_dma source(%dma_start3A_99 : memref<200704x16xf32, #tpu.memory_space<hbm>>) target(%dma_start3A_93 : memref<128x16xf32, #tpu.memory_space<vmem>>) offsets(%dma_start3A_96 : memref<128xi32, #tpu.memory_space<vmem>>) semaphore(%arg17 : memref<!tpu.dma_semaphore, #tpu.memory_space<semaphore_mem>>)
    %dma_start3A_100 = arith.constant 3 : i32
    %dma_start3A_101 = arith.constant 384 : i32
    %dma_start3A_102 = arith.constant 0 : i32
    %dma_start3A_103 = tpu.memref_slice %arg15[%dma_start3A_101, %dma_start3A_102] : memref<512x16xf32, #tpu.memory_space<vmem>> -> memref<128x16xf32, #tpu.memory_space<vmem>>
    %dma_start3A_104 = arith.constant 0 : i32
    %dma_start3A_105 = tpu.memref_slice %arg9[%dma_start3A_100, %dma_start3A_104] : memref<4x128xi32, #tpu.memory_space<vmem>> -> memref<1x128xi32, #tpu.memory_space<vmem>>
    %dma_start3A_106 = tpu.memref_squeeze %dma_start3A_105 : memref<1x128xi32, #tpu.memory_space<vmem>> -> memref<128xi32, #tpu.memory_space<vmem>>
    %dma_start3A_107 = arith.constant 0 : i32
    %dma_start3A_108 = arith.constant 0 : i32
    %dma_start3A_109 = tpu.memref_slice %arg6[%dma_start3A_107, %dma_start3A_108] : memref<200704x16xf32, #tpu.memory_space<hbm>> -> memref<200704x16xf32, #tpu.memory_space<hbm>>
    tpu.enqueue_indirect_dma source(%dma_start3A_109 : memref<200704x16xf32, #tpu.memory_space<hbm>>) target(%dma_start3A_103 : memref<128x16xf32, #tpu.memory_space<vmem>>) offsets(%dma_start3A_106 : memref<128xi32, #tpu.memory_space<vmem>>) semaphore(%arg17 : memref<!tpu.dma_semaphore, #tpu.memory_space<semaphore_mem>>)
    %dma_wait3A_110 = arith.constant 0 : i32
    %dma_wait3A_111 = arith.constant 0 : i32
    %dma_wait3A_112 = tpu.memref_slice %arg6[%dma_wait3A_110, %dma_wait3A_111] : memref<200704x16xf32, #tpu.memory_space<hbm>> -> memref<512x16xf32, #tpu.memory_space<hbm>>
    %dma_wait3A_113 = arith.constant 0 : i32
    %dma_wait3A_114 = arith.constant 0 : i32
    %dma_wait3A_115 = tpu.memref_slice %arg6[%dma_wait3A_113, %dma_wait3A_114] : memref<200704x16xf32, #tpu.memory_space<hbm>> -> memref<512x16xf32, #tpu.memory_space<hbm>>
    tpu.wait_dma2 semaphore(%arg17 : memref<!tpu.dma_semaphore, #tpu.memory_space<semaphore_mem>>) src(%dma_wait3A_115 : memref<512x16xf32, #tpu.memory_space<hbm>>) dst(%arg14 : memref<512x16xf32, #tpu.memory_space<vmem>>)
    %dma_start3A_116 = arith.constant 0 : i32
    %dma_start3A_117 = arith.constant 0 : i32
    %dma_start3A_118 = arith.constant 0 : i32
    %dma_start3A_119 = tpu.memref_slice %arg14[%dma_start3A_117, %dma_start3A_118] : memref<512x16xf32, #tpu.memory_space<vmem>> -> memref<128x16xf32, #tpu.memory_space<vmem>>
    %dma_start3A_120 = arith.constant 0 : i32
    %dma_start3A_121 = tpu.memref_slice %arg11[%dma_start3A_116, %dma_start3A_120] : memref<4x128xi32, #tpu.memory_space<vmem>> -> memref<1x128xi32, #tpu.memory_space<vmem>>
    %dma_start3A_122 = tpu.memref_squeeze %dma_start3A_121 : memref<1x128xi32, #tpu.memory_space<vmem>> -> memref<128xi32, #tpu.memory_space<vmem>>
    %dma_start3A_123 = arith.constant 0 : i32
    %dma_start3A_124 = arith.constant 0 : i32
    %dma_start3A_125 = tpu.memref_slice %arg7[%dma_start3A_123, %dma_start3A_124] : memref<100352x16xf32, #tpu.memory_space<vmem_shared>> -> memref<100352x16xf32, #tpu.memory_space<vmem_shared>>
    tpu.enqueue_indirect_dma source(%dma_start3A_119 : memref<128x16xf32, #tpu.memory_space<vmem>>) target(%dma_start3A_125 : memref<100352x16xf32, #tpu.memory_space<vmem_shared>>) offsets(%dma_start3A_122 : memref<128xi32, #tpu.memory_space<vmem>>) semaphore(%arg18 : memref<!tpu.dma_semaphore, #tpu.memory_space<semaphore_mem>>) {add = true}
    %dma_start3A_126 = arith.constant 1 : i32
    %dma_start3A_127 = arith.constant 128 : i32
    %dma_start3A_128 = arith.constant 0 : i32
    %dma_start3A_129 = tpu.memref_slice %arg14[%dma_start3A_127, %dma_start3A_128] : memref<512x16xf32, #tpu.memory_space<vmem>> -> memref<128x16xf32, #tpu.memory_space<vmem>>
    %dma_start3A_130 = arith.constant 0 : i32
    %dma_start3A_131 = tpu.memref_slice %arg11[%dma_start3A_126, %dma_start3A_130] : memref<4x128xi32, #tpu.memory_space<vmem>> -> memref<1x128xi32, #tpu.memory_space<vmem>>
    %dma_start3A_132 = tpu.memref_squeeze %dma_start3A_131 : memref<1x128xi32, #tpu.memory_space<vmem>> -> memref<128xi32, #tpu.memory_space<vmem>>
    %dma_start3A_133 = arith.constant 0 : i32
    %dma_start3A_134 = arith.constant 0 : i32
    %dma_start3A_135 = tpu.memref_slice %arg7[%dma_start3A_133, %dma_start3A_134] : memref<100352x16xf32, #tpu.memory_space<vmem_shared>> -> memref<100352x16xf32, #tpu.memory_space<vmem_shared>>
    tpu.enqueue_indirect_dma source(%dma_start3A_129 : memref<128x16xf32, #tpu.memory_space<vmem>>) target(%dma_start3A_135 : memref<100352x16xf32, #tpu.memory_space<vmem_shared>>) offsets(%dma_start3A_132 : memref<128xi32, #tpu.memory_space<vmem>>) semaphore(%arg18 : memref<!tpu.dma_semaphore, #tpu.memory_space<semaphore_mem>>) {add = true}
    %dma_start3A_136 = arith.constant 2 : i32
    %dma_start3A_137 = arith.constant 256 : i32
    %dma_start3A_138 = arith.constant 0 : i32
    %dma_start3A_139 = tpu.memref_slice %arg14[%dma_start3A_137, %dma_start3A_138] : memref<512x16xf32, #tpu.memory_space<vmem>> -> memref<128x16xf32, #tpu.memory_space<vmem>>
    %dma_start3A_140 = arith.constant 0 : i32
    %dma_start3A_141 = tpu.memref_slice %arg11[%dma_start3A_136, %dma_start3A_140] : memref<4x128xi32, #tpu.memory_space<vmem>> -> memref<1x128xi32, #tpu.memory_space<vmem>>
    %dma_start3A_142 = tpu.memref_squeeze %dma_start3A_141 : memref<1x128xi32, #tpu.memory_space<vmem>> -> memref<128xi32, #tpu.memory_space<vmem>>
    %dma_start3A_143 = arith.constant 0 : i32
    %dma_start3A_144 = arith.constant 0 : i32
    %dma_start3A_145 = tpu.memref_slice %arg7[%dma_start3A_143, %dma_start3A_144] : memref<100352x16xf32, #tpu.memory_space<vmem_shared>> -> memref<100352x16xf32, #tpu.memory_space<vmem_shared>>
    tpu.enqueue_indirect_dma source(%dma_start3A_139 : memref<128x16xf32, #tpu.memory_space<vmem>>) target(%dma_start3A_145 : memref<100352x16xf32, #tpu.memory_space<vmem_shared>>) offsets(%dma_start3A_142 : memref<128xi32, #tpu.memory_space<vmem>>) semaphore(%arg18 : memref<!tpu.dma_semaphore, #tpu.memory_space<semaphore_mem>>) {add = true}
    %dma_start3A_146 = arith.constant 3 : i32
    %dma_start3A_147 = arith.constant 384 : i32
    %dma_start3A_148 = arith.constant 0 : i32
    %dma_start3A_149 = tpu.memref_slice %arg14[%dma_start3A_147, %dma_start3A_148] : memref<512x16xf32, #tpu.memory_space<vmem>> -> memref<128x16xf32, #tpu.memory_space<vmem>>
    %dma_start3A_150 = arith.constant 0 : i32
    %dma_start3A_151 = tpu.memref_slice %arg11[%dma_start3A_146, %dma_start3A_150] : memref<4x128xi32, #tpu.memory_space<vmem>> -> memref<1x128xi32, #tpu.memory_space<vmem>>
    %dma_start3A_152 = tpu.memref_squeeze %dma_start3A_151 : memref<1x128xi32, #tpu.memory_space<vmem>> -> memref<128xi32, #tpu.memory_space<vmem>>
    %dma_start3A_153 = arith.constant 0 : i32
    %dma_start3A_154 = arith.constant 0 : i32
    %dma_start3A_155 = tpu.memref_slice %arg7[%dma_start3A_153, %dma_start3A_154] : memref<100352x16xf32, #tpu.memory_space<vmem_shared>> -> memref<100352x16xf32, #tpu.memory_space<vmem_shared>>
    tpu.enqueue_indirect_dma source(%dma_start3A_149 : memref<128x16xf32, #tpu.memory_space<vmem>>) target(%dma_start3A_155 : memref<100352x16xf32, #tpu.memory_space<vmem_shared>>) offsets(%dma_start3A_152 : memref<128xi32, #tpu.memory_space<vmem>>) semaphore(%arg18 : memref<!tpu.dma_semaphore, #tpu.memory_space<semaphore_mem>>) {add = true}
    %dma_wait3A_156 = arith.constant 0 : i32
    %dma_wait3A_157 = arith.constant 0 : i32
    %dma_wait3A_158 = tpu.memref_slice %arg6[%dma_wait3A_156, %dma_wait3A_157] : memref<200704x16xf32, #tpu.memory_space<hbm>> -> memref<512x16xf32, #tpu.memory_space<hbm>>
    %dma_wait3A_159 = arith.constant 0 : i32
    %dma_wait3A_160 = arith.constant 0 : i32
    %dma_wait3A_161 = tpu.memref_slice %arg6[%dma_wait3A_159, %dma_wait3A_160] : memref<200704x16xf32, #tpu.memory_space<hbm>> -> memref<512x16xf32, #tpu.memory_space<hbm>>
    tpu.wait_dma2 semaphore(%arg18 : memref<!tpu.dma_semaphore, #tpu.memory_space<semaphore_mem>>) src(%dma_wait3A_161 : memref<512x16xf32, #tpu.memory_space<hbm>>) dst(%arg16 : memref<512x16xf32, #tpu.memory_space<vmem>>)
    %dma_wait3A_162 = arith.constant 0 : i32
    %dma_wait3A_163 = arith.constant 0 : i32
    %dma_wait3A_164 = tpu.memref_slice %arg6[%dma_wait3A_162, %dma_wait3A_163] : memref<200704x16xf32, #tpu.memory_space<hbm>> -> memref<512x16xf32, #tpu.memory_space<hbm>>
    %dma_wait3A_165 = arith.constant 0 : i32
    %dma_wait3A_166 = arith.constant 0 : i32
    %dma_wait3A_167 = tpu.memref_slice %arg6[%dma_wait3A_165, %dma_wait3A_166] : memref<200704x16xf32, #tpu.memory_space<hbm>> -> memref<512x16xf32, #tpu.memory_space<hbm>>
    tpu.wait_dma2 semaphore(%arg17 : memref<!tpu.dma_semaphore, #tpu.memory_space<semaphore_mem>>) src(%dma_wait3A_167 : memref<512x16xf32, #tpu.memory_space<hbm>>) dst(%arg15 : memref<512x16xf32, #tpu.memory_space<vmem>>)
    %dma_start3A_168 = arith.constant 0 : i32
    %dma_start3A_169 = arith.constant 0 : i32
    %dma_start3A_170 = arith.constant 0 : i32
    %dma_start3A_171 = tpu.memref_slice %arg15[%dma_start3A_169, %dma_start3A_170] : memref<512x16xf32, #tpu.memory_space<vmem>> -> memref<128x16xf32, #tpu.memory_space<vmem>>
    %dma_start3A_172 = arith.constant 0 : i32
    %dma_start3A_173 = tpu.memref_slice %arg12[%dma_start3A_168, %dma_start3A_172] : memref<4x128xi32, #tpu.memory_space<vmem>> -> memref<1x128xi32, #tpu.memory_space<vmem>>
    %dma_start3A_174 = tpu.memref_squeeze %dma_start3A_173 : memref<1x128xi32, #tpu.memory_space<vmem>> -> memref<128xi32, #tpu.memory_space<vmem>>
    %dma_start3A_175 = arith.constant 0 : i32
    %dma_start3A_176 = arith.constant 0 : i32
    %dma_start3A_177 = tpu.memref_slice %arg7[%dma_start3A_175, %dma_start3A_176] : memref<100352x16xf32, #tpu.memory_space<vmem_shared>> -> memref<100352x16xf32, #tpu.memory_space<vmem_shared>>
    tpu.enqueue_indirect_dma source(%dma_start3A_171 : memref<128x16xf32, #tpu.memory_space<vmem>>) target(%dma_start3A_177 : memref<100352x16xf32, #tpu.memory_space<vmem_shared>>) offsets(%dma_start3A_174 : memref<128xi32, #tpu.memory_space<vmem>>) semaphore(%arg18 : memref<!tpu.dma_semaphore, #tpu.memory_space<semaphore_mem>>) {add = true}
    %dma_start3A_178 = arith.constant 1 : i32
    %dma_start3A_179 = arith.constant 128 : i32
    %dma_start3A_180 = arith.constant 0 : i32
    %dma_start3A_181 = tpu.memref_slice %arg15[%dma_start3A_179, %dma_start3A_180] : memref<512x16xf32, #tpu.memory_space<vmem>> -> memref<128x16xf32, #tpu.memory_space<vmem>>
    %dma_start3A_182 = arith.constant 0 : i32
    %dma_start3A_183 = tpu.memref_slice %arg12[%dma_start3A_178, %dma_start3A_182] : memref<4x128xi32, #tpu.memory_space<vmem>> -> memref<1x128xi32, #tpu.memory_space<vmem>>
    %dma_start3A_184 = tpu.memref_squeeze %dma_start3A_183 : memref<1x128xi32, #tpu.memory_space<vmem>> -> memref<128xi32, #tpu.memory_space<vmem>>
    %dma_start3A_185 = arith.constant 0 : i32
    %dma_start3A_186 = arith.constant 0 : i32
    %dma_start3A_187 = tpu.memref_slice %arg7[%dma_start3A_185, %dma_start3A_186] : memref<100352x16xf32, #tpu.memory_space<vmem_shared>> -> memref<100352x16xf32, #tpu.memory_space<vmem_shared>>
    tpu.enqueue_indirect_dma source(%dma_start3A_181 : memref<128x16xf32, #tpu.memory_space<vmem>>) target(%dma_start3A_187 : memref<100352x16xf32, #tpu.memory_space<vmem_shared>>) offsets(%dma_start3A_184 : memref<128xi32, #tpu.memory_space<vmem>>) semaphore(%arg18 : memref<!tpu.dma_semaphore, #tpu.memory_space<semaphore_mem>>) {add = true}
    %dma_start3A_188 = arith.constant 2 : i32
    %dma_start3A_189 = arith.constant 256 : i32
    %dma_start3A_190 = arith.constant 0 : i32
    %dma_start3A_191 = tpu.memref_slice %arg15[%dma_start3A_189, %dma_start3A_190] : memref<512x16xf32, #tpu.memory_space<vmem>> -> memref<128x16xf32, #tpu.memory_space<vmem>>
    %dma_start3A_192 = arith.constant 0 : i32
    %dma_start3A_193 = tpu.memref_slice %arg12[%dma_start3A_188, %dma_start3A_192] : memref<4x128xi32, #tpu.memory_space<vmem>> -> memref<1x128xi32, #tpu.memory_space<vmem>>
    %dma_start3A_194 = tpu.memref_squeeze %dma_start3A_193 : memref<1x128xi32, #tpu.memory_space<vmem>> -> memref<128xi32, #tpu.memory_space<vmem>>
    %dma_start3A_195 = arith.constant 0 : i32
    %dma_start3A_196 = arith.constant 0 : i32
    %dma_start3A_197 = tpu.memref_slice %arg7[%dma_start3A_195, %dma_start3A_196] : memref<100352x16xf32, #tpu.memory_space<vmem_shared>> -> memref<100352x16xf32, #tpu.memory_space<vmem_shared>>
    tpu.enqueue_indirect_dma source(%dma_start3A_191 : memref<128x16xf32, #tpu.memory_space<vmem>>) target(%dma_start3A_197 : memref<100352x16xf32, #tpu.memory_space<vmem_shared>>) offsets(%dma_start3A_194 : memref<128xi32, #tpu.memory_space<vmem>>) semaphore(%arg18 : memref<!tpu.dma_semaphore, #tpu.memory_space<semaphore_mem>>) {add = true}
    %dma_start3A_198 = arith.constant 3 : i32
    %dma_start3A_199 = arith.constant 384 : i32
    %dma_start3A_200 = arith.constant 0 : i32
    %dma_start3A_201 = tpu.memref_slice %arg15[%dma_start3A_199, %dma_start3A_200] : memref<512x16xf32, #tpu.memory_space<vmem>> -> memref<128x16xf32, #tpu.memory_space<vmem>>
    %dma_start3A_202 = arith.constant 0 : i32
    %dma_start3A_203 = tpu.memref_slice %arg12[%dma_start3A_198, %dma_start3A_202] : memref<4x128xi32, #tpu.memory_space<vmem>> -> memref<1x128xi32, #tpu.memory_space<vmem>>
    %dma_start3A_204 = tpu.memref_squeeze %dma_start3A_203 : memref<1x128xi32, #tpu.memory_space<vmem>> -> memref<128xi32, #tpu.memory_space<vmem>>
    %dma_start3A_205 = arith.constant 0 : i32
    %dma_start3A_206 = arith.constant 0 : i32
    %dma_start3A_207 = tpu.memref_slice %arg7[%dma_start3A_205, %dma_start3A_206] : memref<100352x16xf32, #tpu.memory_space<vmem_shared>> -> memref<100352x16xf32, #tpu.memory_space<vmem_shared>>
    tpu.enqueue_indirect_dma source(%dma_start3A_201 : memref<128x16xf32, #tpu.memory_space<vmem>>) target(%dma_start3A_207 : memref<100352x16xf32, #tpu.memory_space<vmem_shared>>) offsets(%dma_start3A_204 : memref<128xi32, #tpu.memory_space<vmem>>) semaphore(%arg18 : memref<!tpu.dma_semaphore, #tpu.memory_space<semaphore_mem>>) {add = true}
    %dma_wait3A_208 = arith.constant 0 : i32
    %dma_wait3A_209 = arith.constant 0 : i32
    %dma_wait3A_210 = tpu.memref_slice %arg6[%dma_wait3A_208, %dma_wait3A_209] : memref<200704x16xf32, #tpu.memory_space<hbm>> -> memref<512x16xf32, #tpu.memory_space<hbm>>
    %dma_wait3A_211 = arith.constant 0 : i32
    %dma_wait3A_212 = arith.constant 0 : i32
    %dma_wait3A_213 = tpu.memref_slice %arg6[%dma_wait3A_211, %dma_wait3A_212] : memref<200704x16xf32, #tpu.memory_space<hbm>> -> memref<512x16xf32, #tpu.memory_space<hbm>>
    tpu.wait_dma2 semaphore(%arg18 : memref<!tpu.dma_semaphore, #tpu.memory_space<semaphore_mem>>) src(%dma_wait3A_213 : memref<512x16xf32, #tpu.memory_space<hbm>>) dst(%arg14 : memref<512x16xf32, #tpu.memory_space<vmem>>)
    %dma_wait3A_214 = arith.constant 0 : i32
    %dma_wait3A_215 = arith.constant 0 : i32
    %dma_wait3A_216 = tpu.memref_slice %arg6[%dma_wait3A_214, %dma_wait3A_215] : memref<200704x16xf32, #tpu.memory_space<hbm>> -> memref<512x16xf32, #tpu.memory_space<hbm>>
    %dma_wait3A_217 = arith.constant 0 : i32
    %dma_wait3A_218 = arith.constant 0 : i32
    %dma_wait3A_219 = tpu.memref_slice %arg6[%dma_wait3A_217, %dma_wait3A_218] : memref<200704x16xf32, #tpu.memory_space<hbm>> -> memref<512x16xf32, #tpu.memory_space<hbm>>
    tpu.wait_dma2 semaphore(%arg18 : memref<!tpu.dma_semaphore, #tpu.memory_space<semaphore_mem>>) src(%dma_wait3A_219 : memref<512x16xf32, #tpu.memory_space<hbm>>) dst(%arg15 : memref<512x16xf32, #tpu.memory_space<vmem>>)
    %barrier3A_220 = arith.constant 0 : index
    tpu.barrier barrier_id(%barrier3A_220)
    %mul3A_221 = arith.constant 6272 : i32
    %mul3A_222 = arith.muli %arg1, %mul3A_221 : i32
    %mul3A_223 = arith.constant 6272 : i32
    %mul3A_224 = arith.muli %arg1, %mul3A_223 : i32
    %mul3A_225 = arith.constant 16 : i32
    %mul3A_226 = arith.muli %arg0, %mul3A_225 : i32
    "tpu.region"() ({
      %run_scoped3A = tpu.sem_alloc : memref<!tpu.dma_semaphore, #tpu.memory_space<semaphore_mem>>
      %dma_start3A_227 = tpu.memref_slice %arg5[%mul3A_224, %mul3A_226] : memref<100352x32xf32, #tpu.memory_space<hbm>> -> memref<6272x16xf32, #tpu.memory_space<hbm>>
      %dma_start3A_228 = arith.constant 0 : i32
      %dma_start3A_229 = tpu.memref_slice %arg7[%mul3A_222, %dma_start3A_228] : memref<100352x16xf32, #tpu.memory_space<vmem_shared>> -> memref<6272x16xf32, #tpu.memory_space<vmem_shared>>
      tpu.enqueue_dma source(%dma_start3A_229 : memref<6272x16xf32, #tpu.memory_space<vmem_shared>>) target(%dma_start3A_227 : memref<6272x16xf32, #tpu.memory_space<hbm>>) target_semaphore(%run_scoped3A : memref<!tpu.dma_semaphore, #tpu.memory_space<semaphore_mem>>)
      %dma_wait3A_230 = tpu.memref_slice %arg5[%mul3A_224, %mul3A_226] : memref<100352x32xf32, #tpu.memory_space<hbm>> -> memref<6272x16xf32, #tpu.memory_space<hbm>>
      %dma_wait3A_231 = arith.constant 0 : i32
      %dma_wait3A_232 = tpu.memref_slice %arg7[%mul3A_222, %dma_wait3A_231] : memref<100352x16xf32, #tpu.memory_space<vmem_shared>> -> memref<6272x16xf32, #tpu.memory_space<vmem_shared>>
      tpu.wait_dma2 semaphore(%run_scoped3A : memref<!tpu.dma_semaphore, #tpu.memory_space<semaphore_mem>>) src(%dma_wait3A_232 : memref<6272x16xf32, #tpu.memory_space<vmem_shared>>) dst(%dma_wait3A_230 : memref<6272x16xf32, #tpu.memory_space<hbm>>)
      tpu.yield
    }) : () -> ()
    return
  }
}

#map = affine_map<(d0, d1) -> (0, 0, 0)>
#map1 = affine_map<(d0, d1) -> (0, 0)>
module attributes {stable_mosaic.version = 14 : i64} {
  func.func @_sc_msg_body(%arg0: i32, %arg1: i32, %arg2: memref<2x25088x128xi32, #tpu.memory_space<hbm>>, %arg3: memref<25088x128xi32, #tpu.memory_space<hbm>>, %arg4: memref<100352x32xf32, #tpu.memory_space<hbm>>, %arg5: memref<100352x32xf32, #tpu.memory_space<hbm>>, %arg6: memref<200704x16xf32, #tpu.memory_space<hbm>>, %arg7: memref<100352x16xf32, #tpu.memory_space<vmem_shared>>, %arg8: memref<4x128xi32, #tpu.memory_space<vmem>>, %arg9: memref<4x128xi32, #tpu.memory_space<vmem>>, %arg10: memref<4x128xi32, #tpu.memory_space<vmem>>, %arg11: memref<4x128xi32, #tpu.memory_space<vmem>>, %arg12: memref<4x128xi32, #tpu.memory_space<vmem>>, %arg13: memref<4x128xi32, #tpu.memory_space<vmem>>, %arg14: memref<512x16xf32, #tpu.memory_space<vmem>>, %arg15: memref<512x16xf32, #tpu.memory_space<vmem>>, %arg16: memref<512x16xf32, #tpu.memory_space<vmem>>, %arg17: memref<!tpu.dma_semaphore, #tpu.memory_space<semaphore_mem>>, %arg18: memref<!tpu.dma_semaphore, #tpu.memory_space<semaphore_mem>>) attributes {dimension_semantics = [#tpu.dimension_semantics<core_parallel>, #tpu.dimension_semantics<subcore_parallel>], iteration_bounds = array<i64: 2, 16>, scalar_prefetch = 0 : i64, scratch_operands = 12 : i64, tpu.core_type = #tpu.core_type<sc_vector_subcore>, window_params = [{transform_indices = #map}, {transform_indices = #map1}, {transform_indices = #map1}, {transform_indices = #map1}, {transform_indices = #map1}]} {
    %scan3A = arith.constant 0 : i32
    %scan3A_0 = arith.constant 12 : i32
    %scan3A_1 = arith.addi %scan3A, %scan3A_0 : i32
    %scan3A_2 = arith.constant 1 : i32
    scf.for %scan3A_227 = %scan3A to %scan3A_1 step %scan3A_2  : i32 {
      %mul3A_228 = arith.constant 1 : i32
      %mul3A_229 = arith.muli %scan3A_227, %mul3A_228 : i32
      %add3A_230 = arith.constant 0 : i32
      %add3A_231 = arith.addi %add3A_230, %mul3A_229 : i32
      %mul3A_232 = arith.constant 6272 : i32
      %mul3A_233 = arith.muli %arg1, %mul3A_232 : i32
      %mul3A_234 = arith.constant 512 : i32
      %mul3A_235 = arith.muli %add3A_231, %mul3A_234 : i32
      %add3A_236 = arith.addi %mul3A_233, %mul3A_235 : i32
      %mul3A_237 = arith.constant 16 : i32
      %mul3A_238 = arith.muli %arg0, %mul3A_237 : i32
      "tpu.region"() ({
        %run_scoped3A = tpu.sem_alloc : memref<!tpu.dma_semaphore, #tpu.memory_space<semaphore_mem>>
        %dma_start3A_242 = tpu.memref_slice %arg4[%add3A_236, %mul3A_238] : memref<100352x32xf32, #tpu.memory_space<hbm>> -> memref<512x16xf32, #tpu.memory_space<hbm>>
        %dma_start3A_243 = tpu.memref_slice %arg4[%add3A_236, %mul3A_238] : memref<100352x32xf32, #tpu.memory_space<hbm>> -> memref<512x16xf32, #tpu.memory_space<hbm>>
        tpu.enqueue_dma source(%dma_start3A_243 : memref<512x16xf32, #tpu.memory_space<hbm>>) target(%arg14 : memref<512x16xf32, #tpu.memory_space<vmem>>) target_semaphore(%run_scoped3A : memref<!tpu.dma_semaphore, #tpu.memory_space<semaphore_mem>>)
        %dma_wait3A_244 = tpu.memref_slice %arg4[%add3A_236, %mul3A_238] : memref<100352x32xf32, #tpu.memory_space<hbm>> -> memref<512x16xf32, #tpu.memory_space<hbm>>
        %dma_wait3A_245 = tpu.memref_slice %arg4[%add3A_236, %mul3A_238] : memref<100352x32xf32, #tpu.memory_space<hbm>> -> memref<512x16xf32, #tpu.memory_space<hbm>>
        tpu.wait_dma2 semaphore(%run_scoped3A : memref<!tpu.dma_semaphore, #tpu.memory_space<semaphore_mem>>) src(%dma_wait3A_245 : memref<512x16xf32, #tpu.memory_space<hbm>>) dst(%arg14 : memref<512x16xf32, #tpu.memory_space<vmem>>)
        tpu.yield
      }) : () -> ()
      %mul3A_239 = arith.constant 100352 : i32
      %mul3A_240 = arith.muli %arg0, %mul3A_239 : i32
      %add3A_241 = arith.addi %mul3A_240, %add3A_236 : i32
      "tpu.region"() ({
        %run_scoped3A = tpu.sem_alloc : memref<!tpu.dma_semaphore, #tpu.memory_space<semaphore_mem>>
        %dma_start3A_242 = arith.constant 0 : i32
        %dma_start3A_243 = tpu.memref_slice %arg6[%add3A_241, %dma_start3A_242] : memref<200704x16xf32, #tpu.memory_space<hbm>> -> memref<512x16xf32, #tpu.memory_space<hbm>>
        %dma_start3A_244 = arith.constant 0 : i32
        %dma_start3A_245 = tpu.memref_slice %arg6[%add3A_241, %dma_start3A_244] : memref<200704x16xf32, #tpu.memory_space<hbm>> -> memref<512x16xf32, #tpu.memory_space<hbm>>
        tpu.enqueue_dma source(%arg14 : memref<512x16xf32, #tpu.memory_space<vmem>>) target(%dma_start3A_245 : memref<512x16xf32, #tpu.memory_space<hbm>>) target_semaphore(%run_scoped3A : memref<!tpu.dma_semaphore, #tpu.memory_space<semaphore_mem>>)
        %dma_wait3A_246 = arith.constant 0 : i32
        %dma_wait3A_247 = tpu.memref_slice %arg6[%add3A_241, %dma_wait3A_246] : memref<200704x16xf32, #tpu.memory_space<hbm>> -> memref<512x16xf32, #tpu.memory_space<hbm>>
        %dma_wait3A_248 = arith.constant 0 : i32
        %dma_wait3A_249 = tpu.memref_slice %arg6[%add3A_241, %dma_wait3A_248] : memref<200704x16xf32, #tpu.memory_space<hbm>> -> memref<512x16xf32, #tpu.memory_space<hbm>>
        tpu.wait_dma2 semaphore(%run_scoped3A : memref<!tpu.dma_semaphore, #tpu.memory_space<semaphore_mem>>) src(%arg14 : memref<512x16xf32, #tpu.memory_space<vmem>>) dst(%dma_wait3A_249 : memref<512x16xf32, #tpu.memory_space<hbm>>)
        tpu.yield
      }) : () -> ()
      "tpu.region"() ({
        %run_scoped3A = tpu.sem_alloc : memref<!tpu.dma_semaphore, #tpu.memory_space<semaphore_mem>>
        %dma_start3A_242 = arith.constant 0 : i32
        %dma_start3A_243 = tpu.memref_slice %arg7[%add3A_236, %dma_start3A_242] : memref<100352x16xf32, #tpu.memory_space<vmem_shared>> -> memref<512x16xf32, #tpu.memory_space<vmem_shared>>
        %dma_start3A_244 = arith.constant 0 : i32
        %dma_start3A_245 = tpu.memref_slice %arg7[%add3A_236, %dma_start3A_244] : memref<100352x16xf32, #tpu.memory_space<vmem_shared>> -> memref<512x16xf32, #tpu.memory_space<vmem_shared>>
        tpu.enqueue_dma source(%arg14 : memref<512x16xf32, #tpu.memory_space<vmem>>) target(%dma_start3A_245 : memref<512x16xf32, #tpu.memory_space<vmem_shared>>) target_semaphore(%run_scoped3A : memref<!tpu.dma_semaphore, #tpu.memory_space<semaphore_mem>>)
        %dma_wait3A_246 = arith.constant 0 : i32
        %dma_wait3A_247 = tpu.memref_slice %arg7[%add3A_236, %dma_wait3A_246] : memref<100352x16xf32, #tpu.memory_space<vmem_shared>> -> memref<512x16xf32, #tpu.memory_space<vmem_shared>>
        %dma_wait3A_248 = arith.constant 0 : i32
        %dma_wait3A_249 = tpu.memref_slice %arg7[%add3A_236, %dma_wait3A_248] : memref<100352x16xf32, #tpu.memory_space<vmem_shared>> -> memref<512x16xf32, #tpu.memory_space<vmem_shared>>
        tpu.wait_dma2 semaphore(%run_scoped3A : memref<!tpu.dma_semaphore, #tpu.memory_space<semaphore_mem>>) src(%arg14 : memref<512x16xf32, #tpu.memory_space<vmem>>) dst(%dma_wait3A_249 : memref<512x16xf32, #tpu.memory_space<vmem_shared>>)
        tpu.yield
      }) : () -> ()
    }
    %scan3A_3 = arith.constant 12 : i32
    %mul3A = arith.constant 6272 : i32
    %mul3A_4 = arith.muli %arg1, %mul3A : i32
    %add3A = arith.constant 6144 : i32
    %add3A_5 = arith.addi %mul3A_4, %add3A : i32
    %mul3A_6 = arith.constant 16 : i32
    %mul3A_7 = arith.muli %arg0, %mul3A_6 : i32
    "tpu.region"() ({
      %run_scoped3A = tpu.sem_alloc : memref<!tpu.dma_semaphore, #tpu.memory_space<semaphore_mem>>
      %dma_start3A_227 = arith.constant 0 : i32
      %dma_start3A_228 = arith.constant 0 : i32
      %dma_start3A_229 = tpu.memref_slice %arg14[%dma_start3A_227, %dma_start3A_228] : memref<512x16xf32, #tpu.memory_space<vmem>> -> memref<128x16xf32, #tpu.memory_space<vmem>>
      %dma_start3A_230 = tpu.memref_slice %arg4[%add3A_5, %mul3A_7] : memref<100352x32xf32, #tpu.memory_space<hbm>> -> memref<128x16xf32, #tpu.memory_space<hbm>>
      %dma_start3A_231 = arith.constant 0 : i32
      %dma_start3A_232 = arith.constant 0 : i32
      %dma_start3A_233 = tpu.memref_slice %arg14[%dma_start3A_231, %dma_start3A_232] : memref<512x16xf32, #tpu.memory_space<vmem>> -> memref<128x16xf32, #tpu.memory_space<vmem>>
      %dma_start3A_234 = tpu.memref_slice %arg4[%add3A_5, %mul3A_7] : memref<100352x32xf32, #tpu.memory_space<hbm>> -> memref<128x16xf32, #tpu.memory_space<hbm>>
      tpu.enqueue_dma source(%dma_start3A_234 : memref<128x16xf32, #tpu.memory_space<hbm>>) target(%dma_start3A_233 : memref<128x16xf32, #tpu.memory_space<vmem>>) target_semaphore(%run_scoped3A : memref<!tpu.dma_semaphore, #tpu.memory_space<semaphore_mem>>)
      %dma_wait3A_235 = arith.constant 0 : i32
      %dma_wait3A_236 = arith.constant 0 : i32
      %dma_wait3A_237 = tpu.memref_slice %arg14[%dma_wait3A_235, %dma_wait3A_236] : memref<512x16xf32, #tpu.memory_space<vmem>> -> memref<128x16xf32, #tpu.memory_space<vmem>>
      %dma_wait3A_238 = tpu.memref_slice %arg4[%add3A_5, %mul3A_7] : memref<100352x32xf32, #tpu.memory_space<hbm>> -> memref<128x16xf32, #tpu.memory_space<hbm>>
      %dma_wait3A_239 = arith.constant 0 : i32
      %dma_wait3A_240 = arith.constant 0 : i32
      %dma_wait3A_241 = tpu.memref_slice %arg14[%dma_wait3A_239, %dma_wait3A_240] : memref<512x16xf32, #tpu.memory_space<vmem>> -> memref<128x16xf32, #tpu.memory_space<vmem>>
      %dma_wait3A_242 = tpu.memref_slice %arg4[%add3A_5, %mul3A_7] : memref<100352x32xf32, #tpu.memory_space<hbm>> -> memref<128x16xf32, #tpu.memory_space<hbm>>
      tpu.wait_dma2 semaphore(%run_scoped3A : memref<!tpu.dma_semaphore, #tpu.memory_space<semaphore_mem>>) src(%dma_wait3A_242 : memref<128x16xf32, #tpu.memory_space<hbm>>) dst(%dma_wait3A_241 : memref<128x16xf32, #tpu.memory_space<vmem>>)
      tpu.yield
    }) : () -> ()
    %mul3A_8 = arith.constant 100352 : i32
    %mul3A_9 = arith.muli %arg0, %mul3A_8 : i32
    %add3A_10 = arith.addi %mul3A_9, %add3A_5 : i32
    "tpu.region"() ({
      %run_scoped3A = tpu.sem_alloc : memref<!tpu.dma_semaphore, #tpu.memory_space<semaphore_mem>>
      %dma_start3A_227 = arith.constant 0 : i32
      %dma_start3A_228 = arith.constant 0 : i32
      %dma_start3A_229 = tpu.memref_slice %arg14[%dma_start3A_227, %dma_start3A_228] : memref<512x16xf32, #tpu.memory_space<vmem>> -> memref<128x16xf32, #tpu.memory_space<vmem>>
      %dma_start3A_230 = arith.constant 0 : i32
      %dma_start3A_231 = tpu.memref_slice %arg6[%add3A_10, %dma_start3A_230] : memref<200704x16xf32, #tpu.memory_space<hbm>> -> memref<128x16xf32, #tpu.memory_space<hbm>>
      %dma_start3A_232 = arith.constant 0 : i32
      %dma_start3A_233 = tpu.memref_slice %arg6[%add3A_10, %dma_start3A_232] : memref<200704x16xf32, #tpu.memory_space<hbm>> -> memref<128x16xf32, #tpu.memory_space<hbm>>
      %dma_start3A_234 = arith.constant 0 : i32
      %dma_start3A_235 = arith.constant 0 : i32
      %dma_start3A_236 = tpu.memref_slice %arg14[%dma_start3A_234, %dma_start3A_235] : memref<512x16xf32, #tpu.memory_space<vmem>> -> memref<128x16xf32, #tpu.memory_space<vmem>>
      tpu.enqueue_dma source(%dma_start3A_236 : memref<128x16xf32, #tpu.memory_space<vmem>>) target(%dma_start3A_233 : memref<128x16xf32, #tpu.memory_space<hbm>>) target_semaphore(%run_scoped3A : memref<!tpu.dma_semaphore, #tpu.memory_space<semaphore_mem>>)
      %dma_wait3A_237 = arith.constant 0 : i32
      %dma_wait3A_238 = arith.constant 0 : i32
      %dma_wait3A_239 = tpu.memref_slice %arg14[%dma_wait3A_237, %dma_wait3A_238] : memref<512x16xf32, #tpu.memory_space<vmem>> -> memref<128x16xf32, #tpu.memory_space<vmem>>
      %dma_wait3A_240 = arith.constant 0 : i32
      %dma_wait3A_241 = tpu.memref_slice %arg6[%add3A_10, %dma_wait3A_240] : memref<200704x16xf32, #tpu.memory_space<hbm>> -> memref<128x16xf32, #tpu.memory_space<hbm>>
      %dma_wait3A_242 = arith.constant 0 : i32
      %dma_wait3A_243 = tpu.memref_slice %arg6[%add3A_10, %dma_wait3A_242] : memref<200704x16xf32, #tpu.memory_space<hbm>> -> memref<128x16xf32, #tpu.memory_space<hbm>>
      %dma_wait3A_244 = arith.constant 0 : i32
      %dma_wait3A_245 = arith.constant 0 : i32
      %dma_wait3A_246 = tpu.memref_slice %arg14[%dma_wait3A_244, %dma_wait3A_245] : memref<512x16xf32, #tpu.memory_space<vmem>> -> memref<128x16xf32, #tpu.memory_space<vmem>>
      tpu.wait_dma2 semaphore(%run_scoped3A : memref<!tpu.dma_semaphore, #tpu.memory_space<semaphore_mem>>) src(%dma_wait3A_246 : memref<128x16xf32, #tpu.memory_space<vmem>>) dst(%dma_wait3A_243 : memref<128x16xf32, #tpu.memory_space<hbm>>)
      tpu.yield
    }) : () -> ()
    "tpu.region"() ({
      %run_scoped3A = tpu.sem_alloc : memref<!tpu.dma_semaphore, #tpu.memory_space<semaphore_mem>>
      %dma_start3A_227 = arith.constant 0 : i32
      %dma_start3A_228 = arith.constant 0 : i32
      %dma_start3A_229 = tpu.memref_slice %arg14[%dma_start3A_227, %dma_start3A_228] : memref<512x16xf32, #tpu.memory_space<vmem>> -> memref<128x16xf32, #tpu.memory_space<vmem>>
      %dma_start3A_230 = arith.constant 0 : i32
      %dma_start3A_231 = tpu.memref_slice %arg7[%add3A_5, %dma_start3A_230] : memref<100352x16xf32, #tpu.memory_space<vmem_shared>> -> memref<128x16xf32, #tpu.memory_space<vmem_shared>>
      %dma_start3A_232 = arith.constant 0 : i32
      %dma_start3A_233 = tpu.memref_slice %arg7[%add3A_5, %dma_start3A_232] : memref<100352x16xf32, #tpu.memory_space<vmem_shared>> -> memref<128x16xf32, #tpu.memory_space<vmem_shared>>
      %dma_start3A_234 = arith.constant 0 : i32
      %dma_start3A_235 = arith.constant 0 : i32
      %dma_start3A_236 = tpu.memref_slice %arg14[%dma_start3A_234, %dma_start3A_235] : memref<512x16xf32, #tpu.memory_space<vmem>> -> memref<128x16xf32, #tpu.memory_space<vmem>>
      tpu.enqueue_dma source(%dma_start3A_236 : memref<128x16xf32, #tpu.memory_space<vmem>>) target(%dma_start3A_233 : memref<128x16xf32, #tpu.memory_space<vmem_shared>>) target_semaphore(%run_scoped3A : memref<!tpu.dma_semaphore, #tpu.memory_space<semaphore_mem>>)
      %dma_wait3A_237 = arith.constant 0 : i32
      %dma_wait3A_238 = arith.constant 0 : i32
      %dma_wait3A_239 = tpu.memref_slice %arg14[%dma_wait3A_237, %dma_wait3A_238] : memref<512x16xf32, #tpu.memory_space<vmem>> -> memref<128x16xf32, #tpu.memory_space<vmem>>
      %dma_wait3A_240 = arith.constant 0 : i32
      %dma_wait3A_241 = tpu.memref_slice %arg7[%add3A_5, %dma_wait3A_240] : memref<100352x16xf32, #tpu.memory_space<vmem_shared>> -> memref<128x16xf32, #tpu.memory_space<vmem_shared>>
      %dma_wait3A_242 = arith.constant 0 : i32
      %dma_wait3A_243 = tpu.memref_slice %arg7[%add3A_5, %dma_wait3A_242] : memref<100352x16xf32, #tpu.memory_space<vmem_shared>> -> memref<128x16xf32, #tpu.memory_space<vmem_shared>>
      %dma_wait3A_244 = arith.constant 0 : i32
      %dma_wait3A_245 = arith.constant 0 : i32
      %dma_wait3A_246 = tpu.memref_slice %arg14[%dma_wait3A_244, %dma_wait3A_245] : memref<512x16xf32, #tpu.memory_space<vmem>> -> memref<128x16xf32, #tpu.memory_space<vmem>>
      tpu.wait_dma2 semaphore(%run_scoped3A : memref<!tpu.dma_semaphore, #tpu.memory_space<semaphore_mem>>) src(%dma_wait3A_246 : memref<128x16xf32, #tpu.memory_space<vmem>>) dst(%dma_wait3A_243 : memref<128x16xf32, #tpu.memory_space<vmem_shared>>)
      tpu.yield
    }) : () -> ()
    %barrier3A = arith.constant 0 : index
    tpu.barrier barrier_id(%barrier3A)
    %mul3A_11 = arith.constant 1568 : i32
    %mul3A_12 = arith.muli %arg1, %mul3A_11 : i32
    %add3A_13 = arith.constant 0 : i32
    %add3A_14 = arith.addi %mul3A_12, %add3A_13 : i32
    "tpu.region"() ({
      %run_scoped3A = tpu.sem_alloc : memref<!tpu.dma_semaphore, #tpu.memory_space<semaphore_mem>>
      %dma_start3A_227 = arith.constant 0 : i32
      %dma_start3A_228 = tpu.memref_slice %arg2[%arg0, %add3A_14, %dma_start3A_227] : memref<2x25088x128xi32, #tpu.memory_space<hbm>> -> memref<1x4x128xi32, #tpu.memory_space<hbm>>
      %dma_start3A_229 = tpu.memref_squeeze %dma_start3A_228 : memref<1x4x128xi32, #tpu.memory_space<hbm>> -> memref<4x128xi32, #tpu.memory_space<hbm>>
      %dma_start3A_230 = arith.constant 0 : i32
      %dma_start3A_231 = tpu.memref_slice %arg2[%arg0, %add3A_14, %dma_start3A_230] : memref<2x25088x128xi32, #tpu.memory_space<hbm>> -> memref<1x4x128xi32, #tpu.memory_space<hbm>>
      %dma_start3A_232 = tpu.memref_squeeze %dma_start3A_231 : memref<1x4x128xi32, #tpu.memory_space<hbm>> -> memref<4x128xi32, #tpu.memory_space<hbm>>
      tpu.enqueue_dma source(%dma_start3A_232 : memref<4x128xi32, #tpu.memory_space<hbm>>) target(%arg8 : memref<4x128xi32, #tpu.memory_space<vmem>>) target_semaphore(%run_scoped3A : memref<!tpu.dma_semaphore, #tpu.memory_space<semaphore_mem>>)
      %dma_wait3A_233 = arith.constant 0 : i32
      %dma_wait3A_234 = tpu.memref_slice %arg2[%arg0, %add3A_14, %dma_wait3A_233] : memref<2x25088x128xi32, #tpu.memory_space<hbm>> -> memref<1x4x128xi32, #tpu.memory_space<hbm>>
      %dma_wait3A_235 = tpu.memref_squeeze %dma_wait3A_234 : memref<1x4x128xi32, #tpu.memory_space<hbm>> -> memref<4x128xi32, #tpu.memory_space<hbm>>
      %dma_wait3A_236 = arith.constant 0 : i32
      %dma_wait3A_237 = tpu.memref_slice %arg2[%arg0, %add3A_14, %dma_wait3A_236] : memref<2x25088x128xi32, #tpu.memory_space<hbm>> -> memref<1x4x128xi32, #tpu.memory_space<hbm>>
      %dma_wait3A_238 = tpu.memref_squeeze %dma_wait3A_237 : memref<1x4x128xi32, #tpu.memory_space<hbm>> -> memref<4x128xi32, #tpu.memory_space<hbm>>
      tpu.wait_dma2 semaphore(%run_scoped3A : memref<!tpu.dma_semaphore, #tpu.memory_space<semaphore_mem>>) src(%dma_wait3A_238 : memref<4x128xi32, #tpu.memory_space<hbm>>) dst(%arg8 : memref<4x128xi32, #tpu.memory_space<vmem>>)
      tpu.yield
    }) : () -> ()
    %add3A_15 = arith.constant 0 : i32
    %add3A_16 = arith.addi %mul3A_12, %add3A_15 : i32
    "tpu.region"() ({
      %run_scoped3A = tpu.sem_alloc : memref<!tpu.dma_semaphore, #tpu.memory_space<semaphore_mem>>
      %dma_start3A_227 = arith.constant 0 : i32
      %dma_start3A_228 = tpu.memref_slice %arg3[%add3A_16, %dma_start3A_227] : memref<25088x128xi32, #tpu.memory_space<hbm>> -> memref<4x128xi32, #tpu.memory_space<hbm>>
      %dma_start3A_229 = arith.constant 0 : i32
      %dma_start3A_230 = tpu.memref_slice %arg3[%add3A_16, %dma_start3A_229] : memref<25088x128xi32, #tpu.memory_space<hbm>> -> memref<4x128xi32, #tpu.memory_space<hbm>>
      tpu.enqueue_dma source(%dma_start3A_230 : memref<4x128xi32, #tpu.memory_space<hbm>>) target(%arg11 : memref<4x128xi32, #tpu.memory_space<vmem>>) target_semaphore(%run_scoped3A : memref<!tpu.dma_semaphore, #tpu.memory_space<semaphore_mem>>)
      %dma_wait3A_231 = arith.constant 0 : i32
      %dma_wait3A_232 = tpu.memref_slice %arg3[%add3A_16, %dma_wait3A_231] : memref<25088x128xi32, #tpu.memory_space<hbm>> -> memref<4x128xi32, #tpu.memory_space<hbm>>
      %dma_wait3A_233 = arith.constant 0 : i32
      %dma_wait3A_234 = tpu.memref_slice %arg3[%add3A_16, %dma_wait3A_233] : memref<25088x128xi32, #tpu.memory_space<hbm>> -> memref<4x128xi32, #tpu.memory_space<hbm>>
      tpu.wait_dma2 semaphore(%run_scoped3A : memref<!tpu.dma_semaphore, #tpu.memory_space<semaphore_mem>>) src(%dma_wait3A_234 : memref<4x128xi32, #tpu.memory_space<hbm>>) dst(%arg11 : memref<4x128xi32, #tpu.memory_space<vmem>>)
      tpu.yield
    }) : () -> ()
    %dma_start3A = arith.constant 0 : i32
    %dma_start3A_17 = arith.constant 0 : i32
    %dma_start3A_18 = arith.constant 0 : i32
    %dma_start3A_19 = tpu.memref_slice %arg14[%dma_start3A_17, %dma_start3A_18] : memref<512x16xf32, #tpu.memory_space<vmem>> -> memref<128x16xf32, #tpu.memory_space<vmem>>
    %dma_start3A_20 = arith.constant 0 : i32
    %dma_start3A_21 = tpu.memref_slice %arg8[%dma_start3A, %dma_start3A_20] : memref<4x128xi32, #tpu.memory_space<vmem>> -> memref<1x128xi32, #tpu.memory_space<vmem>>
    %dma_start3A_22 = tpu.memref_squeeze %dma_start3A_21 : memref<1x128xi32, #tpu.memory_space<vmem>> -> memref<128xi32, #tpu.memory_space<vmem>>
    %dma_start3A_23 = arith.constant 0 : i32
    %dma_start3A_24 = arith.constant 0 : i32
    %dma_start3A_25 = tpu.memref_slice %arg6[%dma_start3A_23, %dma_start3A_24] : memref<200704x16xf32, #tpu.memory_space<hbm>> -> memref<200704x16xf32, #tpu.memory_space<hbm>>
    tpu.enqueue_indirect_dma source(%dma_start3A_25 : memref<200704x16xf32, #tpu.memory_space<hbm>>) target(%dma_start3A_19 : memref<128x16xf32, #tpu.memory_space<vmem>>) offsets(%dma_start3A_22 : memref<128xi32, #tpu.memory_space<vmem>>) semaphore(%arg17 : memref<!tpu.dma_semaphore, #tpu.memory_space<semaphore_mem>>)
    %dma_start3A_26 = arith.constant 1 : i32
    %dma_start3A_27 = arith.constant 128 : i32
    %dma_start3A_28 = arith.constant 0 : i32
    %dma_start3A_29 = tpu.memref_slice %arg14[%dma_start3A_27, %dma_start3A_28] : memref<512x16xf32, #tpu.memory_space<vmem>> -> memref<128x16xf32, #tpu.memory_space<vmem>>
    %dma_start3A_30 = arith.constant 0 : i32
    %dma_start3A_31 = tpu.memref_slice %arg8[%dma_start3A_26, %dma_start3A_30] : memref<4x128xi32, #tpu.memory_space<vmem>> -> memref<1x128xi32, #tpu.memory_space<vmem>>
    %dma_start3A_32 = tpu.memref_squeeze %dma_start3A_31 : memref<1x128xi32, #tpu.memory_space<vmem>> -> memref<128xi32, #tpu.memory_space<vmem>>
    %dma_start3A_33 = arith.constant 0 : i32
    %dma_start3A_34 = arith.constant 0 : i32
    %dma_start3A_35 = tpu.memref_slice %arg6[%dma_start3A_33, %dma_start3A_34] : memref<200704x16xf32, #tpu.memory_space<hbm>> -> memref<200704x16xf32, #tpu.memory_space<hbm>>
    tpu.enqueue_indirect_dma source(%dma_start3A_35 : memref<200704x16xf32, #tpu.memory_space<hbm>>) target(%dma_start3A_29 : memref<128x16xf32, #tpu.memory_space<vmem>>) offsets(%dma_start3A_32 : memref<128xi32, #tpu.memory_space<vmem>>) semaphore(%arg17 : memref<!tpu.dma_semaphore, #tpu.memory_space<semaphore_mem>>)
    %dma_start3A_36 = arith.constant 2 : i32
    %dma_start3A_37 = arith.constant 256 : i32
    %dma_start3A_38 = arith.constant 0 : i32
    %dma_start3A_39 = tpu.memref_slice %arg14[%dma_start3A_37, %dma_start3A_38] : memref<512x16xf32, #tpu.memory_space<vmem>> -> memref<128x16xf32, #tpu.memory_space<vmem>>
    %dma_start3A_40 = arith.constant 0 : i32
    %dma_start3A_41 = tpu.memref_slice %arg8[%dma_start3A_36, %dma_start3A_40] : memref<4x128xi32, #tpu.memory_space<vmem>> -> memref<1x128xi32, #tpu.memory_space<vmem>>
    %dma_start3A_42 = tpu.memref_squeeze %dma_start3A_41 : memref<1x128xi32, #tpu.memory_space<vmem>> -> memref<128xi32, #tpu.memory_space<vmem>>
    %dma_start3A_43 = arith.constant 0 : i32
    %dma_start3A_44 = arith.constant 0 : i32
    %dma_start3A_45 = tpu.memref_slice %arg6[%dma_start3A_43, %dma_start3A_44] : memref<200704x16xf32, #tpu.memory_space<hbm>> -> memref<200704x16xf32, #tpu.memory_space<hbm>>
    tpu.enqueue_indirect_dma source(%dma_start3A_45 : memref<200704x16xf32, #tpu.memory_space<hbm>>) target(%dma_start3A_39 : memref<128x16xf32, #tpu.memory_space<vmem>>) offsets(%dma_start3A_42 : memref<128xi32, #tpu.memory_space<vmem>>) semaphore(%arg17 : memref<!tpu.dma_semaphore, #tpu.memory_space<semaphore_mem>>)
    %dma_start3A_46 = arith.constant 3 : i32
    %dma_start3A_47 = arith.constant 384 : i32
    %dma_start3A_48 = arith.constant 0 : i32
    %dma_start3A_49 = tpu.memref_slice %arg14[%dma_start3A_47, %dma_start3A_48] : memref<512x16xf32, #tpu.memory_space<vmem>> -> memref<128x16xf32, #tpu.memory_space<vmem>>
    %dma_start3A_50 = arith.constant 0 : i32
    %dma_start3A_51 = tpu.memref_slice %arg8[%dma_start3A_46, %dma_start3A_50] : memref<4x128xi32, #tpu.memory_space<vmem>> -> memref<1x128xi32, #tpu.memory_space<vmem>>
    %dma_start3A_52 = tpu.memref_squeeze %dma_start3A_51 : memref<1x128xi32, #tpu.memory_space<vmem>> -> memref<128xi32, #tpu.memory_space<vmem>>
    %dma_start3A_53 = arith.constant 0 : i32
    %dma_start3A_54 = arith.constant 0 : i32
    %dma_start3A_55 = tpu.memref_slice %arg6[%dma_start3A_53, %dma_start3A_54] : memref<200704x16xf32, #tpu.memory_space<hbm>> -> memref<200704x16xf32, #tpu.memory_space<hbm>>
    tpu.enqueue_indirect_dma source(%dma_start3A_55 : memref<200704x16xf32, #tpu.memory_space<hbm>>) target(%dma_start3A_49 : memref<128x16xf32, #tpu.memory_space<vmem>>) offsets(%dma_start3A_52 : memref<128xi32, #tpu.memory_space<vmem>>) semaphore(%arg17 : memref<!tpu.dma_semaphore, #tpu.memory_space<semaphore_mem>>)
    %scan3A_56 = arith.constant 0 : i32
    %scan3A_57 = arith.constant 130 : i32
    %scan3A_58 = arith.addi %scan3A_56, %scan3A_57 : i32
    %scan3A_59 = arith.constant 1 : i32
    scf.for %scan3A_227 = %scan3A_56 to %scan3A_58 step %scan3A_59  : i32 {
      %mul3A_228 = arith.constant 1 : i32
      %mul3A_229 = arith.muli %scan3A_227, %mul3A_228 : i32
      %add3A_230 = arith.constant 0 : i32
      %add3A_231 = arith.addi %add3A_230, %mul3A_229 : i32
      %mul3A_232 = arith.constant 3 : i32
      %mul3A_233 = arith.muli %mul3A_232, %add3A_231 : i32
      %add3A_234 = arith.constant 0 : i32
      %add3A_235 = arith.addi %mul3A_233, %add3A_234 : i32
      %ge3A = arith.constant 2 : i32
      %ge3A_236 = arith.cmpi sge, %add3A_235, %ge3A : i32
      %convert_element_type3A = arith.extui %ge3A_236 : i1 to i32
      %cond3A = arith.constant 0 : i32
      %cond3A_237 = arith.cmpi ne, %convert_element_type3A, %cond3A : i32
      scf.if %cond3A_237 {
        %dma_wait3A_538 = arith.constant 0 : i32
        %dma_wait3A_539 = arith.constant 0 : i32
        %dma_wait3A_540 = tpu.memref_slice %arg6[%dma_wait3A_538, %dma_wait3A_539] : memref<200704x16xf32, #tpu.memory_space<hbm>> -> memref<512x16xf32, #tpu.memory_space<hbm>>
        %dma_wait3A_541 = arith.constant 0 : i32
        %dma_wait3A_542 = arith.constant 0 : i32
        %dma_wait3A_543 = tpu.memref_slice %arg6[%dma_wait3A_541, %dma_wait3A_542] : memref<200704x16xf32, #tpu.memory_space<hbm>> -> memref<512x16xf32, #tpu.memory_space<hbm>>
        tpu.wait_dma2 semaphore(%arg18 : memref<!tpu.dma_semaphore, #tpu.memory_space<semaphore_mem>>) src(%dma_wait3A_543 : memref<512x16xf32, #tpu.memory_space<hbm>>) dst(%arg15 : memref<512x16xf32, #tpu.memory_space<vmem>>)
      } else {
      }
      %add3A_238 = arith.constant 1 : i32
      %add3A_239 = arith.addi %add3A_235, %add3A_238 : i32
      %mul3A_240 = arith.constant 4 : i32
      %mul3A_241 = arith.muli %add3A_239, %mul3A_240 : i32
      %add3A_242 = arith.addi %mul3A_12, %mul3A_241 : i32
      "tpu.region"() ({
        %run_scoped3A = tpu.sem_alloc : memref<!tpu.dma_semaphore, #tpu.memory_space<semaphore_mem>>
        %dma_start3A_538 = arith.constant 0 : i32
        %dma_start3A_539 = tpu.memref_slice %arg2[%arg0, %add3A_242, %dma_start3A_538] : memref<2x25088x128xi32, #tpu.memory_space<hbm>> -> memref<1x4x128xi32, #tpu.memory_space<hbm>>
        %dma_start3A_540 = tpu.memref_squeeze %dma_start3A_539 : memref<1x4x128xi32, #tpu.memory_space<hbm>> -> memref<4x128xi32, #tpu.memory_space<hbm>>
        %dma_start3A_541 = arith.constant 0 : i32
        %dma_start3A_542 = tpu.memref_slice %arg2[%arg0, %add3A_242, %dma_start3A_541] : memref<2x25088x128xi32, #tpu.memory_space<hbm>> -> memref<1x4x128xi32, #tpu.memory_space<hbm>>
        %dma_start3A_543 = tpu.memref_squeeze %dma_start3A_542 : memref<1x4x128xi32, #tpu.memory_space<hbm>> -> memref<4x128xi32, #tpu.memory_space<hbm>>
        tpu.enqueue_dma source(%dma_start3A_543 : memref<4x128xi32, #tpu.memory_space<hbm>>) target(%arg9 : memref<4x128xi32, #tpu.memory_space<vmem>>) target_semaphore(%run_scoped3A : memref<!tpu.dma_semaphore, #tpu.memory_space<semaphore_mem>>)
        %dma_wait3A_544 = arith.constant 0 : i32
        %dma_wait3A_545 = tpu.memref_slice %arg2[%arg0, %add3A_242, %dma_wait3A_544] : memref<2x25088x128xi32, #tpu.memory_space<hbm>> -> memref<1x4x128xi32, #tpu.memory_space<hbm>>
        %dma_wait3A_546 = tpu.memref_squeeze %dma_wait3A_545 : memref<1x4x128xi32, #tpu.memory_space<hbm>> -> memref<4x128xi32, #tpu.memory_space<hbm>>
        %dma_wait3A_547 = arith.constant 0 : i32
        %dma_wait3A_548 = tpu.memref_slice %arg2[%arg0, %add3A_242, %dma_wait3A_547] : memref<2x25088x128xi32, #tpu.memory_space<hbm>> -> memref<1x4x128xi32, #tpu.memory_space<hbm>>
        %dma_wait3A_549 = tpu.memref_squeeze %dma_wait3A_548 : memref<1x4x128xi32, #tpu.memory_space<hbm>> -> memref<4x128xi32, #tpu.memory_space<hbm>>
        tpu.wait_dma2 semaphore(%run_scoped3A : memref<!tpu.dma_semaphore, #tpu.memory_space<semaphore_mem>>) src(%dma_wait3A_549 : memref<4x128xi32, #tpu.memory_space<hbm>>) dst(%arg9 : memref<4x128xi32, #tpu.memory_space<vmem>>)
        tpu.yield
      }) : () -> ()
      %mul3A_243 = arith.constant 4 : i32
      %mul3A_244 = arith.muli %add3A_239, %mul3A_243 : i32
      %add3A_245 = arith.addi %mul3A_12, %mul3A_244 : i32
      "tpu.region"() ({
        %run_scoped3A = tpu.sem_alloc : memref<!tpu.dma_semaphore, #tpu.memory_space<semaphore_mem>>
        %dma_start3A_538 = arith.constant 0 : i32
        %dma_start3A_539 = tpu.memref_slice %arg3[%add3A_245, %dma_start3A_538] : memref<25088x128xi32, #tpu.memory_space<hbm>> -> memref<4x128xi32, #tpu.memory_space<hbm>>
        %dma_start3A_540 = arith.constant 0 : i32
        %dma_start3A_541 = tpu.memref_slice %arg3[%add3A_245, %dma_start3A_540] : memref<25088x128xi32, #tpu.memory_space<hbm>> -> memref<4x128xi32, #tpu.memory_space<hbm>>
        tpu.enqueue_dma source(%dma_start3A_541 : memref<4x128xi32, #tpu.memory_space<hbm>>) target(%arg12 : memref<4x128xi32, #tpu.memory_space<vmem>>) target_semaphore(%run_scoped3A : memref<!tpu.dma_semaphore, #tpu.memory_space<semaphore_mem>>)
        %dma_wait3A_542 = arith.constant 0 : i32
        %dma_wait3A_543 = tpu.memref_slice %arg3[%add3A_245, %dma_wait3A_542] : memref<25088x128xi32, #tpu.memory_space<hbm>> -> memref<4x128xi32, #tpu.memory_space<hbm>>
        %dma_wait3A_544 = arith.constant 0 : i32
        %dma_wait3A_545 = tpu.memref_slice %arg3[%add3A_245, %dma_wait3A_544] : memref<25088x128xi32, #tpu.memory_space<hbm>> -> memref<4x128xi32, #tpu.memory_space<hbm>>
        tpu.wait_dma2 semaphore(%run_scoped3A : memref<!tpu.dma_semaphore, #tpu.memory_space<semaphore_mem>>) src(%dma_wait3A_545 : memref<4x128xi32, #tpu.memory_space<hbm>>) dst(%arg12 : memref<4x128xi32, #tpu.memory_space<vmem>>)
        tpu.yield
      }) : () -> ()
      %dma_start3A_246 = arith.constant 0 : i32
      %dma_start3A_247 = arith.constant 0 : i32
      %dma_start3A_248 = arith.constant 0 : i32
      %dma_start3A_249 = tpu.memref_slice %arg15[%dma_start3A_247, %dma_start3A_248] : memref<512x16xf32, #tpu.memory_space<vmem>> -> memref<128x16xf32, #tpu.memory_space<vmem>>
      %dma_start3A_250 = arith.constant 0 : i32
      %dma_start3A_251 = tpu.memref_slice %arg9[%dma_start3A_246, %dma_start3A_250] : memref<4x128xi32, #tpu.memory_space<vmem>> -> memref<1x128xi32, #tpu.memory_space<vmem>>
      %dma_start3A_252 = tpu.memref_squeeze %dma_start3A_251 : memref<1x128xi32, #tpu.memory_space<vmem>> -> memref<128xi32, #tpu.memory_space<vmem>>
      %dma_start3A_253 = arith.constant 0 : i32
      %dma_start3A_254 = arith.constant 0 : i32
      %dma_start3A_255 = tpu.memref_slice %arg6[%dma_start3A_253, %dma_start3A_254] : memref<200704x16xf32, #tpu.memory_space<hbm>> -> memref<200704x16xf32, #tpu.memory_space<hbm>>
      tpu.enqueue_indirect_dma source(%dma_start3A_255 : memref<200704x16xf32, #tpu.memory_space<hbm>>) target(%dma_start3A_249 : memref<128x16xf32, #tpu.memory_space<vmem>>) offsets(%dma_start3A_252 : memref<128xi32, #tpu.memory_space<vmem>>) semaphore(%arg17 : memref<!tpu.dma_semaphore, #tpu.memory_space<semaphore_mem>>)
      %dma_start3A_256 = arith.constant 1 : i32
      %dma_start3A_257 = arith.constant 128 : i32
      %dma_start3A_258 = arith.constant 0 : i32
      %dma_start3A_259 = tpu.memref_slice %arg15[%dma_start3A_257, %dma_start3A_258] : memref<512x16xf32, #tpu.memory_space<vmem>> -> memref<128x16xf32, #tpu.memory_space<vmem>>
      %dma_start3A_260 = arith.constant 0 : i32
      %dma_start3A_261 = tpu.memref_slice %arg9[%dma_start3A_256, %dma_start3A_260] : memref<4x128xi32, #tpu.memory_space<vmem>> -> memref<1x128xi32, #tpu.memory_space<vmem>>
      %dma_start3A_262 = tpu.memref_squeeze %dma_start3A_261 : memref<1x128xi32, #tpu.memory_space<vmem>> -> memref<128xi32, #tpu.memory_space<vmem>>
      %dma_start3A_263 = arith.constant 0 : i32
      %dma_start3A_264 = arith.constant 0 : i32
      %dma_start3A_265 = tpu.memref_slice %arg6[%dma_start3A_263, %dma_start3A_264] : memref<200704x16xf32, #tpu.memory_space<hbm>> -> memref<200704x16xf32, #tpu.memory_space<hbm>>
      tpu.enqueue_indirect_dma source(%dma_start3A_265 : memref<200704x16xf32, #tpu.memory_space<hbm>>) target(%dma_start3A_259 : memref<128x16xf32, #tpu.memory_space<vmem>>) offsets(%dma_start3A_262 : memref<128xi32, #tpu.memory_space<vmem>>) semaphore(%arg17 : memref<!tpu.dma_semaphore, #tpu.memory_space<semaphore_mem>>)
      %dma_start3A_266 = arith.constant 2 : i32
      %dma_start3A_267 = arith.constant 256 : i32
      %dma_start3A_268 = arith.constant 0 : i32
      %dma_start3A_269 = tpu.memref_slice %arg15[%dma_start3A_267, %dma_start3A_268] : memref<512x16xf32, #tpu.memory_space<vmem>> -> memref<128x16xf32, #tpu.memory_space<vmem>>
      %dma_start3A_270 = arith.constant 0 : i32
      %dma_start3A_271 = tpu.memref_slice %arg9[%dma_start3A_266, %dma_start3A_270] : memref<4x128xi32, #tpu.memory_space<vmem>> -> memref<1x128xi32, #tpu.memory_space<vmem>>
      %dma_start3A_272 = tpu.memref_squeeze %dma_start3A_271 : memref<1x128xi32, #tpu.memory_space<vmem>> -> memref<128xi32, #tpu.memory_space<vmem>>
      %dma_start3A_273 = arith.constant 0 : i32
      %dma_start3A_274 = arith.constant 0 : i32
      %dma_start3A_275 = tpu.memref_slice %arg6[%dma_start3A_273, %dma_start3A_274] : memref<200704x16xf32, #tpu.memory_space<hbm>> -> memref<200704x16xf32, #tpu.memory_space<hbm>>
      tpu.enqueue_indirect_dma source(%dma_start3A_275 : memref<200704x16xf32, #tpu.memory_space<hbm>>) target(%dma_start3A_269 : memref<128x16xf32, #tpu.memory_space<vmem>>) offsets(%dma_start3A_272 : memref<128xi32, #tpu.memory_space<vmem>>) semaphore(%arg17 : memref<!tpu.dma_semaphore, #tpu.memory_space<semaphore_mem>>)
      %dma_start3A_276 = arith.constant 3 : i32
      %dma_start3A_277 = arith.constant 384 : i32
      %dma_start3A_278 = arith.constant 0 : i32
      %dma_start3A_279 = tpu.memref_slice %arg15[%dma_start3A_277, %dma_start3A_278] : memref<512x16xf32, #tpu.memory_space<vmem>> -> memref<128x16xf32, #tpu.memory_space<vmem>>
      %dma_start3A_280 = arith.constant 0 : i32
      %dma_start3A_281 = tpu.memref_slice %arg9[%dma_start3A_276, %dma_start3A_280] : memref<4x128xi32, #tpu.memory_space<vmem>> -> memref<1x128xi32, #tpu.memory_space<vmem>>
      %dma_start3A_282 = tpu.memref_squeeze %dma_start3A_281 : memref<1x128xi32, #tpu.memory_space<vmem>> -> memref<128xi32, #tpu.memory_space<vmem>>
      %dma_start3A_283 = arith.constant 0 : i32
      %dma_start3A_284 = arith.constant 0 : i32
      %dma_start3A_285 = tpu.memref_slice %arg6[%dma_start3A_283, %dma_start3A_284] : memref<200704x16xf32, #tpu.memory_space<hbm>> -> memref<200704x16xf32, #tpu.memory_space<hbm>>
      tpu.enqueue_indirect_dma source(%dma_start3A_285 : memref<200704x16xf32, #tpu.memory_space<hbm>>) target(%dma_start3A_279 : memref<128x16xf32, #tpu.memory_space<vmem>>) offsets(%dma_start3A_282 : memref<128xi32, #tpu.memory_space<vmem>>) semaphore(%arg17 : memref<!tpu.dma_semaphore, #tpu.memory_space<semaphore_mem>>)
      %dma_wait3A_286 = arith.constant 0 : i32
      %dma_wait3A_287 = arith.constant 0 : i32
      %dma_wait3A_288 = tpu.memref_slice %arg6[%dma_wait3A_286, %dma_wait3A_287] : memref<200704x16xf32, #tpu.memory_space<hbm>> -> memref<512x16xf32, #tpu.memory_space<hbm>>
      %dma_wait3A_289 = arith.constant 0 : i32
      %dma_wait3A_290 = arith.constant 0 : i32
      %dma_wait3A_291 = tpu.memref_slice %arg6[%dma_wait3A_289, %dma_wait3A_290] : memref<200704x16xf32, #tpu.memory_space<hbm>> -> memref<512x16xf32, #tpu.memory_space<hbm>>
      tpu.wait_dma2 semaphore(%arg17 : memref<!tpu.dma_semaphore, #tpu.memory_space<semaphore_mem>>) src(%dma_wait3A_291 : memref<512x16xf32, #tpu.memory_space<hbm>>) dst(%arg14 : memref<512x16xf32, #tpu.memory_space<vmem>>)
      %dma_start3A_292 = arith.constant 0 : i32
      %dma_start3A_293 = arith.constant 0 : i32
      %dma_start3A_294 = arith.constant 0 : i32
      %dma_start3A_295 = tpu.memref_slice %arg14[%dma_start3A_293, %dma_start3A_294] : memref<512x16xf32, #tpu.memory_space<vmem>> -> memref<128x16xf32, #tpu.memory_space<vmem>>
      %dma_start3A_296 = arith.constant 0 : i32
      %dma_start3A_297 = tpu.memref_slice %arg11[%dma_start3A_292, %dma_start3A_296] : memref<4x128xi32, #tpu.memory_space<vmem>> -> memref<1x128xi32, #tpu.memory_space<vmem>>
      %dma_start3A_298 = tpu.memref_squeeze %dma_start3A_297 : memref<1x128xi32, #tpu.memory_space<vmem>> -> memref<128xi32, #tpu.memory_space<vmem>>
      %dma_start3A_299 = arith.constant 0 : i32
      %dma_start3A_300 = arith.constant 0 : i32
      %dma_start3A_301 = tpu.memref_slice %arg7[%dma_start3A_299, %dma_start3A_300] : memref<100352x16xf32, #tpu.memory_space<vmem_shared>> -> memref<100352x16xf32, #tpu.memory_space<vmem_shared>>
      tpu.enqueue_indirect_dma source(%dma_start3A_295 : memref<128x16xf32, #tpu.memory_space<vmem>>) target(%dma_start3A_301 : memref<100352x16xf32, #tpu.memory_space<vmem_shared>>) offsets(%dma_start3A_298 : memref<128xi32, #tpu.memory_space<vmem>>) semaphore(%arg18 : memref<!tpu.dma_semaphore, #tpu.memory_space<semaphore_mem>>) {add = true}
      %dma_start3A_302 = arith.constant 1 : i32
      %dma_start3A_303 = arith.constant 128 : i32
      %dma_start3A_304 = arith.constant 0 : i32
      %dma_start3A_305 = tpu.memref_slice %arg14[%dma_start3A_303, %dma_start3A_304] : memref<512x16xf32, #tpu.memory_space<vmem>> -> memref<128x16xf32, #tpu.memory_space<vmem>>
      %dma_start3A_306 = arith.constant 0 : i32
      %dma_start3A_307 = tpu.memref_slice %arg11[%dma_start3A_302, %dma_start3A_306] : memref<4x128xi32, #tpu.memory_space<vmem>> -> memref<1x128xi32, #tpu.memory_space<vmem>>
      %dma_start3A_308 = tpu.memref_squeeze %dma_start3A_307 : memref<1x128xi32, #tpu.memory_space<vmem>> -> memref<128xi32, #tpu.memory_space<vmem>>
      %dma_start3A_309 = arith.constant 0 : i32
      %dma_start3A_310 = arith.constant 0 : i32
      %dma_start3A_311 = tpu.memref_slice %arg7[%dma_start3A_309, %dma_start3A_310] : memref<100352x16xf32, #tpu.memory_space<vmem_shared>> -> memref<100352x16xf32, #tpu.memory_space<vmem_shared>>
      tpu.enqueue_indirect_dma source(%dma_start3A_305 : memref<128x16xf32, #tpu.memory_space<vmem>>) target(%dma_start3A_311 : memref<100352x16xf32, #tpu.memory_space<vmem_shared>>) offsets(%dma_start3A_308 : memref<128xi32, #tpu.memory_space<vmem>>) semaphore(%arg18 : memref<!tpu.dma_semaphore, #tpu.memory_space<semaphore_mem>>) {add = true}
      %dma_start3A_312 = arith.constant 2 : i32
      %dma_start3A_313 = arith.constant 256 : i32
      %dma_start3A_314 = arith.constant 0 : i32
      %dma_start3A_315 = tpu.memref_slice %arg14[%dma_start3A_313, %dma_start3A_314] : memref<512x16xf32, #tpu.memory_space<vmem>> -> memref<128x16xf32, #tpu.memory_space<vmem>>
      %dma_start3A_316 = arith.constant 0 : i32
      %dma_start3A_317 = tpu.memref_slice %arg11[%dma_start3A_312, %dma_start3A_316] : memref<4x128xi32, #tpu.memory_space<vmem>> -> memref<1x128xi32, #tpu.memory_space<vmem>>
      %dma_start3A_318 = tpu.memref_squeeze %dma_start3A_317 : memref<1x128xi32, #tpu.memory_space<vmem>> -> memref<128xi32, #tpu.memory_space<vmem>>
      %dma_start3A_319 = arith.constant 0 : i32
      %dma_start3A_320 = arith.constant 0 : i32
      %dma_start3A_321 = tpu.memref_slice %arg7[%dma_start3A_319, %dma_start3A_320] : memref<100352x16xf32, #tpu.memory_space<vmem_shared>> -> memref<100352x16xf32, #tpu.memory_space<vmem_shared>>
      tpu.enqueue_indirect_dma source(%dma_start3A_315 : memref<128x16xf32, #tpu.memory_space<vmem>>) target(%dma_start3A_321 : memref<100352x16xf32, #tpu.memory_space<vmem_shared>>) offsets(%dma_start3A_318 : memref<128xi32, #tpu.memory_space<vmem>>) semaphore(%arg18 : memref<!tpu.dma_semaphore, #tpu.memory_space<semaphore_mem>>) {add = true}
      %dma_start3A_322 = arith.constant 3 : i32
      %dma_start3A_323 = arith.constant 384 : i32
      %dma_start3A_324 = arith.constant 0 : i32
      %dma_start3A_325 = tpu.memref_slice %arg14[%dma_start3A_323, %dma_start3A_324] : memref<512x16xf32, #tpu.memory_space<vmem>> -> memref<128x16xf32, #tpu.memory_space<vmem>>
      %dma_start3A_326 = arith.constant 0 : i32
      %dma_start3A_327 = tpu.memref_slice %arg11[%dma_start3A_322, %dma_start3A_326] : memref<4x128xi32, #tpu.memory_space<vmem>> -> memref<1x128xi32, #tpu.memory_space<vmem>>
      %dma_start3A_328 = tpu.memref_squeeze %dma_start3A_327 : memref<1x128xi32, #tpu.memory_space<vmem>> -> memref<128xi32, #tpu.memory_space<vmem>>
      %dma_start3A_329 = arith.constant 0 : i32
      %dma_start3A_330 = arith.constant 0 : i32
      %dma_start3A_331 = tpu.memref_slice %arg7[%dma_start3A_329, %dma_start3A_330] : memref<100352x16xf32, #tpu.memory_space<vmem_shared>> -> memref<100352x16xf32, #tpu.memory_space<vmem_shared>>
      tpu.enqueue_indirect_dma source(%dma_start3A_325 : memref<128x16xf32, #tpu.memory_space<vmem>>) target(%dma_start3A_331 : memref<100352x16xf32, #tpu.memory_space<vmem_shared>>) offsets(%dma_start3A_328 : memref<128xi32, #tpu.memory_space<vmem>>) semaphore(%arg18 : memref<!tpu.dma_semaphore, #tpu.memory_space<semaphore_mem>>) {add = true}
      %mul3A_332 = arith.constant 3 : i32
      %mul3A_333 = arith.muli %mul3A_332, %add3A_231 : i32
      %add3A_334 = arith.constant 1 : i32
      %add3A_335 = arith.addi %mul3A_333, %add3A_334 : i32
      %ge3A_336 = arith.constant 2 : i32
      %ge3A_337 = arith.cmpi sge, %add3A_335, %ge3A_336 : i32
      %convert_element_type3A_338 = arith.extui %ge3A_337 : i1 to i32
      %cond3A_339 = arith.constant 0 : i32
      %cond3A_340 = arith.cmpi ne, %convert_element_type3A_338, %cond3A_339 : i32
      scf.if %cond3A_340 {
        %dma_wait3A_538 = arith.constant 0 : i32
        %dma_wait3A_539 = arith.constant 0 : i32
        %dma_wait3A_540 = tpu.memref_slice %arg6[%dma_wait3A_538, %dma_wait3A_539] : memref<200704x16xf32, #tpu.memory_space<hbm>> -> memref<512x16xf32, #tpu.memory_space<hbm>>
        %dma_wait3A_541 = arith.constant 0 : i32
        %dma_wait3A_542 = arith.constant 0 : i32
        %dma_wait3A_543 = tpu.memref_slice %arg6[%dma_wait3A_541, %dma_wait3A_542] : memref<200704x16xf32, #tpu.memory_space<hbm>> -> memref<512x16xf32, #tpu.memory_space<hbm>>
        tpu.wait_dma2 semaphore(%arg18 : memref<!tpu.dma_semaphore, #tpu.memory_space<semaphore_mem>>) src(%dma_wait3A_543 : memref<512x16xf32, #tpu.memory_space<hbm>>) dst(%arg16 : memref<512x16xf32, #tpu.memory_space<vmem>>)
      } else {
      }
      %add3A_341 = arith.constant 1 : i32
      %add3A_342 = arith.addi %add3A_335, %add3A_341 : i32
      %mul3A_343 = arith.constant 4 : i32
      %mul3A_344 = arith.muli %add3A_342, %mul3A_343 : i32
      %add3A_345 = arith.addi %mul3A_12, %mul3A_344 : i32
      "tpu.region"() ({
        %run_scoped3A = tpu.sem_alloc : memref<!tpu.dma_semaphore, #tpu.memory_space<semaphore_mem>>
        %dma_start3A_538 = arith.constant 0 : i32
        %dma_start3A_539 = tpu.memref_slice %arg2[%arg0, %add3A_345, %dma_start3A_538] : memref<2x25088x128xi32, #tpu.memory_space<hbm>> -> memref<1x4x128xi32, #tpu.memory_space<hbm>>
        %dma_start3A_540 = tpu.memref_squeeze %dma_start3A_539 : memref<1x4x128xi32, #tpu.memory_space<hbm>> -> memref<4x128xi32, #tpu.memory_space<hbm>>
        %dma_start3A_541 = arith.constant 0 : i32
        %dma_start3A_542 = tpu.memref_slice %arg2[%arg0, %add3A_345, %dma_start3A_541] : memref<2x25088x128xi32, #tpu.memory_space<hbm>> -> memref<1x4x128xi32, #tpu.memory_space<hbm>>
        %dma_start3A_543 = tpu.memref_squeeze %dma_start3A_542 : memref<1x4x128xi32, #tpu.memory_space<hbm>> -> memref<4x128xi32, #tpu.memory_space<hbm>>
        tpu.enqueue_dma source(%dma_start3A_543 : memref<4x128xi32, #tpu.memory_space<hbm>>) target(%arg10 : memref<4x128xi32, #tpu.memory_space<vmem>>) target_semaphore(%run_scoped3A : memref<!tpu.dma_semaphore, #tpu.memory_space<semaphore_mem>>)
        %dma_wait3A_544 = arith.constant 0 : i32
        %dma_wait3A_545 = tpu.memref_slice %arg2[%arg0, %add3A_345, %dma_wait3A_544] : memref<2x25088x128xi32, #tpu.memory_space<hbm>> -> memref<1x4x128xi32, #tpu.memory_space<hbm>>
        %dma_wait3A_546 = tpu.memref_squeeze %dma_wait3A_545 : memref<1x4x128xi32, #tpu.memory_space<hbm>> -> memref<4x128xi32, #tpu.memory_space<hbm>>
        %dma_wait3A_547 = arith.constant 0 : i32
        %dma_wait3A_548 = tpu.memref_slice %arg2[%arg0, %add3A_345, %dma_wait3A_547] : memref<2x25088x128xi32, #tpu.memory_space<hbm>> -> memref<1x4x128xi32, #tpu.memory_space<hbm>>
        %dma_wait3A_549 = tpu.memref_squeeze %dma_wait3A_548 : memref<1x4x128xi32, #tpu.memory_space<hbm>> -> memref<4x128xi32, #tpu.memory_space<hbm>>
        tpu.wait_dma2 semaphore(%run_scoped3A : memref<!tpu.dma_semaphore, #tpu.memory_space<semaphore_mem>>) src(%dma_wait3A_549 : memref<4x128xi32, #tpu.memory_space<hbm>>) dst(%arg10 : memref<4x128xi32, #tpu.memory_space<vmem>>)
        tpu.yield
      }) : () -> ()
      %mul3A_346 = arith.constant 4 : i32
      %mul3A_347 = arith.muli %add3A_342, %mul3A_346 : i32
      %add3A_348 = arith.addi %mul3A_12, %mul3A_347 : i32
      "tpu.region"() ({
        %run_scoped3A = tpu.sem_alloc : memref<!tpu.dma_semaphore, #tpu.memory_space<semaphore_mem>>
        %dma_start3A_538 = arith.constant 0 : i32
        %dma_start3A_539 = tpu.memref_slice %arg3[%add3A_348, %dma_start3A_538] : memref<25088x128xi32, #tpu.memory_space<hbm>> -> memref<4x128xi32, #tpu.memory_space<hbm>>
        %dma_start3A_540 = arith.constant 0 : i32
        %dma_start3A_541 = tpu.memref_slice %arg3[%add3A_348, %dma_start3A_540] : memref<25088x128xi32, #tpu.memory_space<hbm>> -> memref<4x128xi32, #tpu.memory_space<hbm>>
        tpu.enqueue_dma source(%dma_start3A_541 : memref<4x128xi32, #tpu.memory_space<hbm>>) target(%arg13 : memref<4x128xi32, #tpu.memory_space<vmem>>) target_semaphore(%run_scoped3A : memref<!tpu.dma_semaphore, #tpu.memory_space<semaphore_mem>>)
        %dma_wait3A_542 = arith.constant 0 : i32
        %dma_wait3A_543 = tpu.memref_slice %arg3[%add3A_348, %dma_wait3A_542] : memref<25088x128xi32, #tpu.memory_space<hbm>> -> memref<4x128xi32, #tpu.memory_space<hbm>>
        %dma_wait3A_544 = arith.constant 0 : i32
        %dma_wait3A_545 = tpu.memref_slice %arg3[%add3A_348, %dma_wait3A_544] : memref<25088x128xi32, #tpu.memory_space<hbm>> -> memref<4x128xi32, #tpu.memory_space<hbm>>
        tpu.wait_dma2 semaphore(%run_scoped3A : memref<!tpu.dma_semaphore, #tpu.memory_space<semaphore_mem>>) src(%dma_wait3A_545 : memref<4x128xi32, #tpu.memory_space<hbm>>) dst(%arg13 : memref<4x128xi32, #tpu.memory_space<vmem>>)
        tpu.yield
      }) : () -> ()
      %dma_start3A_349 = arith.constant 0 : i32
      %dma_start3A_350 = arith.constant 0 : i32
      %dma_start3A_351 = arith.constant 0 : i32
      %dma_start3A_352 = tpu.memref_slice %arg16[%dma_start3A_350, %dma_start3A_351] : memref<512x16xf32, #tpu.memory_space<vmem>> -> memref<128x16xf32, #tpu.memory_space<vmem>>
      %dma_start3A_353 = arith.constant 0 : i32
      %dma_start3A_354 = tpu.memref_slice %arg10[%dma_start3A_349, %dma_start3A_353] : memref<4x128xi32, #tpu.memory_space<vmem>> -> memref<1x128xi32, #tpu.memory_space<vmem>>
      %dma_start3A_355 = tpu.memref_squeeze %dma_start3A_354 : memref<1x128xi32, #tpu.memory_space<vmem>> -> memref<128xi32, #tpu.memory_space<vmem>>
      %dma_start3A_356 = arith.constant 0 : i32
      %dma_start3A_357 = arith.constant 0 : i32
      %dma_start3A_358 = tpu.memref_slice %arg6[%dma_start3A_356, %dma_start3A_357] : memref<200704x16xf32, #tpu.memory_space<hbm>> -> memref<200704x16xf32, #tpu.memory_space<hbm>>
      tpu.enqueue_indirect_dma source(%dma_start3A_358 : memref<200704x16xf32, #tpu.memory_space<hbm>>) target(%dma_start3A_352 : memref<128x16xf32, #tpu.memory_space<vmem>>) offsets(%dma_start3A_355 : memref<128xi32, #tpu.memory_space<vmem>>) semaphore(%arg17 : memref<!tpu.dma_semaphore, #tpu.memory_space<semaphore_mem>>)
      %dma_start3A_359 = arith.constant 1 : i32
      %dma_start3A_360 = arith.constant 128 : i32
      %dma_start3A_361 = arith.constant 0 : i32
      %dma_start3A_362 = tpu.memref_slice %arg16[%dma_start3A_360, %dma_start3A_361] : memref<512x16xf32, #tpu.memory_space<vmem>> -> memref<128x16xf32, #tpu.memory_space<vmem>>
      %dma_start3A_363 = arith.constant 0 : i32
      %dma_start3A_364 = tpu.memref_slice %arg10[%dma_start3A_359, %dma_start3A_363] : memref<4x128xi32, #tpu.memory_space<vmem>> -> memref<1x128xi32, #tpu.memory_space<vmem>>
      %dma_start3A_365 = tpu.memref_squeeze %dma_start3A_364 : memref<1x128xi32, #tpu.memory_space<vmem>> -> memref<128xi32, #tpu.memory_space<vmem>>
      %dma_start3A_366 = arith.constant 0 : i32
      %dma_start3A_367 = arith.constant 0 : i32
      %dma_start3A_368 = tpu.memref_slice %arg6[%dma_start3A_366, %dma_start3A_367] : memref<200704x16xf32, #tpu.memory_space<hbm>> -> memref<200704x16xf32, #tpu.memory_space<hbm>>
      tpu.enqueue_indirect_dma source(%dma_start3A_368 : memref<200704x16xf32, #tpu.memory_space<hbm>>) target(%dma_start3A_362 : memref<128x16xf32, #tpu.memory_space<vmem>>) offsets(%dma_start3A_365 : memref<128xi32, #tpu.memory_space<vmem>>) semaphore(%arg17 : memref<!tpu.dma_semaphore, #tpu.memory_space<semaphore_mem>>)
      %dma_start3A_369 = arith.constant 2 : i32
      %dma_start3A_370 = arith.constant 256 : i32
      %dma_start3A_371 = arith.constant 0 : i32
      %dma_start3A_372 = tpu.memref_slice %arg16[%dma_start3A_370, %dma_start3A_371] : memref<512x16xf32, #tpu.memory_space<vmem>> -> memref<128x16xf32, #tpu.memory_space<vmem>>
      %dma_start3A_373 = arith.constant 0 : i32
      %dma_start3A_374 = tpu.memref_slice %arg10[%dma_start3A_369, %dma_start3A_373] : memref<4x128xi32, #tpu.memory_space<vmem>> -> memref<1x128xi32, #tpu.memory_space<vmem>>
      %dma_start3A_375 = tpu.memref_squeeze %dma_start3A_374 : memref<1x128xi32, #tpu.memory_space<vmem>> -> memref<128xi32, #tpu.memory_space<vmem>>
      %dma_start3A_376 = arith.constant 0 : i32
      %dma_start3A_377 = arith.constant 0 : i32
      %dma_start3A_378 = tpu.memref_slice %arg6[%dma_start3A_376, %dma_start3A_377] : memref<200704x16xf32, #tpu.memory_space<hbm>> -> memref<200704x16xf32, #tpu.memory_space<hbm>>
      tpu.enqueue_indirect_dma source(%dma_start3A_378 : memref<200704x16xf32, #tpu.memory_space<hbm>>) target(%dma_start3A_372 : memref<128x16xf32, #tpu.memory_space<vmem>>) offsets(%dma_start3A_375 : memref<128xi32, #tpu.memory_space<vmem>>) semaphore(%arg17 : memref<!tpu.dma_semaphore, #tpu.memory_space<semaphore_mem>>)
      %dma_start3A_379 = arith.constant 3 : i32
      %dma_start3A_380 = arith.constant 384 : i32
      %dma_start3A_381 = arith.constant 0 : i32
      %dma_start3A_382 = tpu.memref_slice %arg16[%dma_start3A_380, %dma_start3A_381] : memref<512x16xf32, #tpu.memory_space<vmem>> -> memref<128x16xf32, #tpu.memory_space<vmem>>
      %dma_start3A_383 = arith.constant 0 : i32
      %dma_start3A_384 = tpu.memref_slice %arg10[%dma_start3A_379, %dma_start3A_383] : memref<4x128xi32, #tpu.memory_space<vmem>> -> memref<1x128xi32, #tpu.memory_space<vmem>>
      %dma_start3A_385 = tpu.memref_squeeze %dma_start3A_384 : memref<1x128xi32, #tpu.memory_space<vmem>> -> memref<128xi32, #tpu.memory_space<vmem>>
      %dma_start3A_386 = arith.constant 0 : i32
      %dma_start3A_387 = arith.constant 0 : i32
      %dma_start3A_388 = tpu.memref_slice %arg6[%dma_start3A_386, %dma_start3A_387] : memref<200704x16xf32, #tpu.memory_space<hbm>> -> memref<200704x16xf32, #tpu.memory_space<hbm>>
      tpu.enqueue_indirect_dma source(%dma_start3A_388 : memref<200704x16xf32, #tpu.memory_space<hbm>>) target(%dma_start3A_382 : memref<128x16xf32, #tpu.memory_space<vmem>>) offsets(%dma_start3A_385 : memref<128xi32, #tpu.memory_space<vmem>>) semaphore(%arg17 : memref<!tpu.dma_semaphore, #tpu.memory_space<semaphore_mem>>)
      %dma_wait3A_389 = arith.constant 0 : i32
      %dma_wait3A_390 = arith.constant 0 : i32
      %dma_wait3A_391 = tpu.memref_slice %arg6[%dma_wait3A_389, %dma_wait3A_390] : memref<200704x16xf32, #tpu.memory_space<hbm>> -> memref<512x16xf32, #tpu.memory_space<hbm>>
      %dma_wait3A_392 = arith.constant 0 : i32
      %dma_wait3A_393 = arith.constant 0 : i32
      %dma_wait3A_394 = tpu.memref_slice %arg6[%dma_wait3A_392, %dma_wait3A_393] : memref<200704x16xf32, #tpu.memory_space<hbm>> -> memref<512x16xf32, #tpu.memory_space<hbm>>
      tpu.wait_dma2 semaphore(%arg17 : memref<!tpu.dma_semaphore, #tpu.memory_space<semaphore_mem>>) src(%dma_wait3A_394 : memref<512x16xf32, #tpu.memory_space<hbm>>) dst(%arg15 : memref<512x16xf32, #tpu.memory_space<vmem>>)
      %dma_start3A_395 = arith.constant 0 : i32
      %dma_start3A_396 = arith.constant 0 : i32
      %dma_start3A_397 = arith.constant 0 : i32
      %dma_start3A_398 = tpu.memref_slice %arg15[%dma_start3A_396, %dma_start3A_397] : memref<512x16xf32, #tpu.memory_space<vmem>> -> memref<128x16xf32, #tpu.memory_space<vmem>>
      %dma_start3A_399 = arith.constant 0 : i32
      %dma_start3A_400 = tpu.memref_slice %arg12[%dma_start3A_395, %dma_start3A_399] : memref<4x128xi32, #tpu.memory_space<vmem>> -> memref<1x128xi32, #tpu.memory_space<vmem>>
      %dma_start3A_401 = tpu.memref_squeeze %dma_start3A_400 : memref<1x128xi32, #tpu.memory_space<vmem>> -> memref<128xi32, #tpu.memory_space<vmem>>
      %dma_start3A_402 = arith.constant 0 : i32
      %dma_start3A_403 = arith.constant 0 : i32
      %dma_start3A_404 = tpu.memref_slice %arg7[%dma_start3A_402, %dma_start3A_403] : memref<100352x16xf32, #tpu.memory_space<vmem_shared>> -> memref<100352x16xf32, #tpu.memory_space<vmem_shared>>
      tpu.enqueue_indirect_dma source(%dma_start3A_398 : memref<128x16xf32, #tpu.memory_space<vmem>>) target(%dma_start3A_404 : memref<100352x16xf32, #tpu.memory_space<vmem_shared>>) offsets(%dma_start3A_401 : memref<128xi32, #tpu.memory_space<vmem>>) semaphore(%arg18 : memref<!tpu.dma_semaphore, #tpu.memory_space<semaphore_mem>>) {add = true}
      %dma_start3A_405 = arith.constant 1 : i32
      %dma_start3A_406 = arith.constant 128 : i32
      %dma_start3A_407 = arith.constant 0 : i32
      %dma_start3A_408 = tpu.memref_slice %arg15[%dma_start3A_406, %dma_start3A_407] : memref<512x16xf32, #tpu.memory_space<vmem>> -> memref<128x16xf32, #tpu.memory_space<vmem>>
      %dma_start3A_409 = arith.constant 0 : i32
      %dma_start3A_410 = tpu.memref_slice %arg12[%dma_start3A_405, %dma_start3A_409] : memref<4x128xi32, #tpu.memory_space<vmem>> -> memref<1x128xi32, #tpu.memory_space<vmem>>
      %dma_start3A_411 = tpu.memref_squeeze %dma_start3A_410 : memref<1x128xi32, #tpu.memory_space<vmem>> -> memref<128xi32, #tpu.memory_space<vmem>>
      %dma_start3A_412 = arith.constant 0 : i32
      %dma_start3A_413 = arith.constant 0 : i32
      %dma_start3A_414 = tpu.memref_slice %arg7[%dma_start3A_412, %dma_start3A_413] : memref<100352x16xf32, #tpu.memory_space<vmem_shared>> -> memref<100352x16xf32, #tpu.memory_space<vmem_shared>>
      tpu.enqueue_indirect_dma source(%dma_start3A_408 : memref<128x16xf32, #tpu.memory_space<vmem>>) target(%dma_start3A_414 : memref<100352x16xf32, #tpu.memory_space<vmem_shared>>) offsets(%dma_start3A_411 : memref<128xi32, #tpu.memory_space<vmem>>) semaphore(%arg18 : memref<!tpu.dma_semaphore, #tpu.memory_space<semaphore_mem>>) {add = true}
      %dma_start3A_415 = arith.constant 2 : i32
      %dma_start3A_416 = arith.constant 256 : i32
      %dma_start3A_417 = arith.constant 0 : i32
      %dma_start3A_418 = tpu.memref_slice %arg15[%dma_start3A_416, %dma_start3A_417] : memref<512x16xf32, #tpu.memory_space<vmem>> -> memref<128x16xf32, #tpu.memory_space<vmem>>
      %dma_start3A_419 = arith.constant 0 : i32
      %dma_start3A_420 = tpu.memref_slice %arg12[%dma_start3A_415, %dma_start3A_419] : memref<4x128xi32, #tpu.memory_space<vmem>> -> memref<1x128xi32, #tpu.memory_space<vmem>>
      %dma_start3A_421 = tpu.memref_squeeze %dma_start3A_420 : memref<1x128xi32, #tpu.memory_space<vmem>> -> memref<128xi32, #tpu.memory_space<vmem>>
      %dma_start3A_422 = arith.constant 0 : i32
      %dma_start3A_423 = arith.constant 0 : i32
      %dma_start3A_424 = tpu.memref_slice %arg7[%dma_start3A_422, %dma_start3A_423] : memref<100352x16xf32, #tpu.memory_space<vmem_shared>> -> memref<100352x16xf32, #tpu.memory_space<vmem_shared>>
      tpu.enqueue_indirect_dma source(%dma_start3A_418 : memref<128x16xf32, #tpu.memory_space<vmem>>) target(%dma_start3A_424 : memref<100352x16xf32, #tpu.memory_space<vmem_shared>>) offsets(%dma_start3A_421 : memref<128xi32, #tpu.memory_space<vmem>>) semaphore(%arg18 : memref<!tpu.dma_semaphore, #tpu.memory_space<semaphore_mem>>) {add = true}
      %dma_start3A_425 = arith.constant 3 : i32
      %dma_start3A_426 = arith.constant 384 : i32
      %dma_start3A_427 = arith.constant 0 : i32
      %dma_start3A_428 = tpu.memref_slice %arg15[%dma_start3A_426, %dma_start3A_427] : memref<512x16xf32, #tpu.memory_space<vmem>> -> memref<128x16xf32, #tpu.memory_space<vmem>>
      %dma_start3A_429 = arith.constant 0 : i32
      %dma_start3A_430 = tpu.memref_slice %arg12[%dma_start3A_425, %dma_start3A_429] : memref<4x128xi32, #tpu.memory_space<vmem>> -> memref<1x128xi32, #tpu.memory_space<vmem>>
      %dma_start3A_431 = tpu.memref_squeeze %dma_start3A_430 : memref<1x128xi32, #tpu.memory_space<vmem>> -> memref<128xi32, #tpu.memory_space<vmem>>
      %dma_start3A_432 = arith.constant 0 : i32
      %dma_start3A_433 = arith.constant 0 : i32
      %dma_start3A_434 = tpu.memref_slice %arg7[%dma_start3A_432, %dma_start3A_433] : memref<100352x16xf32, #tpu.memory_space<vmem_shared>> -> memref<100352x16xf32, #tpu.memory_space<vmem_shared>>
      tpu.enqueue_indirect_dma source(%dma_start3A_428 : memref<128x16xf32, #tpu.memory_space<vmem>>) target(%dma_start3A_434 : memref<100352x16xf32, #tpu.memory_space<vmem_shared>>) offsets(%dma_start3A_431 : memref<128xi32, #tpu.memory_space<vmem>>) semaphore(%arg18 : memref<!tpu.dma_semaphore, #tpu.memory_space<semaphore_mem>>) {add = true}
      %mul3A_435 = arith.constant 3 : i32
      %mul3A_436 = arith.muli %mul3A_435, %add3A_231 : i32
      %add3A_437 = arith.constant 2 : i32
      %add3A_438 = arith.addi %mul3A_436, %add3A_437 : i32
      %ge3A_439 = arith.constant 2 : i32
      %ge3A_440 = arith.cmpi sge, %add3A_438, %ge3A_439 : i32
      %convert_element_type3A_441 = arith.extui %ge3A_440 : i1 to i32
      %cond3A_442 = arith.constant 0 : i32
      %cond3A_443 = arith.cmpi ne, %convert_element_type3A_441, %cond3A_442 : i32
      scf.if %cond3A_443 {
        %dma_wait3A_538 = arith.constant 0 : i32
        %dma_wait3A_539 = arith.constant 0 : i32
        %dma_wait3A_540 = tpu.memref_slice %arg6[%dma_wait3A_538, %dma_wait3A_539] : memref<200704x16xf32, #tpu.memory_space<hbm>> -> memref<512x16xf32, #tpu.memory_space<hbm>>
        %dma_wait3A_541 = arith.constant 0 : i32
        %dma_wait3A_542 = arith.constant 0 : i32
        %dma_wait3A_543 = tpu.memref_slice %arg6[%dma_wait3A_541, %dma_wait3A_542] : memref<200704x16xf32, #tpu.memory_space<hbm>> -> memref<512x16xf32, #tpu.memory_space<hbm>>
        tpu.wait_dma2 semaphore(%arg18 : memref<!tpu.dma_semaphore, #tpu.memory_space<semaphore_mem>>) src(%dma_wait3A_543 : memref<512x16xf32, #tpu.memory_space<hbm>>) dst(%arg14 : memref<512x16xf32, #tpu.memory_space<vmem>>)
      } else {
      }
      %add3A_444 = arith.constant 1 : i32
      %add3A_445 = arith.addi %add3A_438, %add3A_444 : i32
      %mul3A_446 = arith.constant 4 : i32
      %mul3A_447 = arith.muli %add3A_445, %mul3A_446 : i32
      %add3A_448 = arith.addi %mul3A_12, %mul3A_447 : i32
      "tpu.region"() ({
        %run_scoped3A = tpu.sem_alloc : memref<!tpu.dma_semaphore, #tpu.memory_space<semaphore_mem>>
        %dma_start3A_538 = arith.constant 0 : i32
        %dma_start3A_539 = tpu.memref_slice %arg2[%arg0, %add3A_448, %dma_start3A_538] : memref<2x25088x128xi32, #tpu.memory_space<hbm>> -> memref<1x4x128xi32, #tpu.memory_space<hbm>>
        %dma_start3A_540 = tpu.memref_squeeze %dma_start3A_539 : memref<1x4x128xi32, #tpu.memory_space<hbm>> -> memref<4x128xi32, #tpu.memory_space<hbm>>
        %dma_start3A_541 = arith.constant 0 : i32
        %dma_start3A_542 = tpu.memref_slice %arg2[%arg0, %add3A_448, %dma_start3A_541] : memref<2x25088x128xi32, #tpu.memory_space<hbm>> -> memref<1x4x128xi32, #tpu.memory_space<hbm>>
        %dma_start3A_543 = tpu.memref_squeeze %dma_start3A_542 : memref<1x4x128xi32, #tpu.memory_space<hbm>> -> memref<4x128xi32, #tpu.memory_space<hbm>>
        tpu.enqueue_dma source(%dma_start3A_543 : memref<4x128xi32, #tpu.memory_space<hbm>>) target(%arg8 : memref<4x128xi32, #tpu.memory_space<vmem>>) target_semaphore(%run_scoped3A : memref<!tpu.dma_semaphore, #tpu.memory_space<semaphore_mem>>)
        %dma_wait3A_544 = arith.constant 0 : i32
        %dma_wait3A_545 = tpu.memref_slice %arg2[%arg0, %add3A_448, %dma_wait3A_544] : memref<2x25088x128xi32, #tpu.memory_space<hbm>> -> memref<1x4x128xi32, #tpu.memory_space<hbm>>
        %dma_wait3A_546 = tpu.memref_squeeze %dma_wait3A_545 : memref<1x4x128xi32, #tpu.memory_space<hbm>> -> memref<4x128xi32, #tpu.memory_space<hbm>>
        %dma_wait3A_547 = arith.constant 0 : i32
        %dma_wait3A_548 = tpu.memref_slice %arg2[%arg0, %add3A_448, %dma_wait3A_547] : memref<2x25088x128xi32, #tpu.memory_space<hbm>> -> memref<1x4x128xi32, #tpu.memory_space<hbm>>
        %dma_wait3A_549 = tpu.memref_squeeze %dma_wait3A_548 : memref<1x4x128xi32, #tpu.memory_space<hbm>> -> memref<4x128xi32, #tpu.memory_space<hbm>>
        tpu.wait_dma2 semaphore(%run_scoped3A : memref<!tpu.dma_semaphore, #tpu.memory_space<semaphore_mem>>) src(%dma_wait3A_549 : memref<4x128xi32, #tpu.memory_space<hbm>>) dst(%arg8 : memref<4x128xi32, #tpu.memory_space<vmem>>)
        tpu.yield
      }) : () -> ()
      %mul3A_449 = arith.constant 4 : i32
      %mul3A_450 = arith.muli %add3A_445, %mul3A_449 : i32
      %add3A_451 = arith.addi %mul3A_12, %mul3A_450 : i32
      "tpu.region"() ({
        %run_scoped3A = tpu.sem_alloc : memref<!tpu.dma_semaphore, #tpu.memory_space<semaphore_mem>>
        %dma_start3A_538 = arith.constant 0 : i32
        %dma_start3A_539 = tpu.memref_slice %arg3[%add3A_451, %dma_start3A_538] : memref<25088x128xi32, #tpu.memory_space<hbm>> -> memref<4x128xi32, #tpu.memory_space<hbm>>
        %dma_start3A_540 = arith.constant 0 : i32
        %dma_start3A_541 = tpu.memref_slice %arg3[%add3A_451, %dma_start3A_540] : memref<25088x128xi32, #tpu.memory_space<hbm>> -> memref<4x128xi32, #tpu.memory_space<hbm>>
        tpu.enqueue_dma source(%dma_start3A_541 : memref<4x128xi32, #tpu.memory_space<hbm>>) target(%arg11 : memref<4x128xi32, #tpu.memory_space<vmem>>) target_semaphore(%run_scoped3A : memref<!tpu.dma_semaphore, #tpu.memory_space<semaphore_mem>>)
        %dma_wait3A_542 = arith.constant 0 : i32
        %dma_wait3A_543 = tpu.memref_slice %arg3[%add3A_451, %dma_wait3A_542] : memref<25088x128xi32, #tpu.memory_space<hbm>> -> memref<4x128xi32, #tpu.memory_space<hbm>>
        %dma_wait3A_544 = arith.constant 0 : i32
        %dma_wait3A_545 = tpu.memref_slice %arg3[%add3A_451, %dma_wait3A_544] : memref<25088x128xi32, #tpu.memory_space<hbm>> -> memref<4x128xi32, #tpu.memory_space<hbm>>
        tpu.wait_dma2 semaphore(%run_scoped3A : memref<!tpu.dma_semaphore, #tpu.memory_space<semaphore_mem>>) src(%dma_wait3A_545 : memref<4x128xi32, #tpu.memory_space<hbm>>) dst(%arg11 : memref<4x128xi32, #tpu.memory_space<vmem>>)
        tpu.yield
      }) : () -> ()
      %dma_start3A_452 = arith.constant 0 : i32
      %dma_start3A_453 = arith.constant 0 : i32
      %dma_start3A_454 = arith.constant 0 : i32
      %dma_start3A_455 = tpu.memref_slice %arg14[%dma_start3A_453, %dma_start3A_454] : memref<512x16xf32, #tpu.memory_space<vmem>> -> memref<128x16xf32, #tpu.memory_space<vmem>>
      %dma_start3A_456 = arith.constant 0 : i32
      %dma_start3A_457 = tpu.memref_slice %arg8[%dma_start3A_452, %dma_start3A_456] : memref<4x128xi32, #tpu.memory_space<vmem>> -> memref<1x128xi32, #tpu.memory_space<vmem>>
      %dma_start3A_458 = tpu.memref_squeeze %dma_start3A_457 : memref<1x128xi32, #tpu.memory_space<vmem>> -> memref<128xi32, #tpu.memory_space<vmem>>
      %dma_start3A_459 = arith.constant 0 : i32
      %dma_start3A_460 = arith.constant 0 : i32
      %dma_start3A_461 = tpu.memref_slice %arg6[%dma_start3A_459, %dma_start3A_460] : memref<200704x16xf32, #tpu.memory_space<hbm>> -> memref<200704x16xf32, #tpu.memory_space<hbm>>
      tpu.enqueue_indirect_dma source(%dma_start3A_461 : memref<200704x16xf32, #tpu.memory_space<hbm>>) target(%dma_start3A_455 : memref<128x16xf32, #tpu.memory_space<vmem>>) offsets(%dma_start3A_458 : memref<128xi32, #tpu.memory_space<vmem>>) semaphore(%arg17 : memref<!tpu.dma_semaphore, #tpu.memory_space<semaphore_mem>>)
      %dma_start3A_462 = arith.constant 1 : i32
      %dma_start3A_463 = arith.constant 128 : i32
      %dma_start3A_464 = arith.constant 0 : i32
      %dma_start3A_465 = tpu.memref_slice %arg14[%dma_start3A_463, %dma_start3A_464] : memref<512x16xf32, #tpu.memory_space<vmem>> -> memref<128x16xf32, #tpu.memory_space<vmem>>
      %dma_start3A_466 = arith.constant 0 : i32
      %dma_start3A_467 = tpu.memref_slice %arg8[%dma_start3A_462, %dma_start3A_466] : memref<4x128xi32, #tpu.memory_space<vmem>> -> memref<1x128xi32, #tpu.memory_space<vmem>>
      %dma_start3A_468 = tpu.memref_squeeze %dma_start3A_467 : memref<1x128xi32, #tpu.memory_space<vmem>> -> memref<128xi32, #tpu.memory_space<vmem>>
      %dma_start3A_469 = arith.constant 0 : i32
      %dma_start3A_470 = arith.constant 0 : i32
      %dma_start3A_471 = tpu.memref_slice %arg6[%dma_start3A_469, %dma_start3A_470] : memref<200704x16xf32, #tpu.memory_space<hbm>> -> memref<200704x16xf32, #tpu.memory_space<hbm>>
      tpu.enqueue_indirect_dma source(%dma_start3A_471 : memref<200704x16xf32, #tpu.memory_space<hbm>>) target(%dma_start3A_465 : memref<128x16xf32, #tpu.memory_space<vmem>>) offsets(%dma_start3A_468 : memref<128xi32, #tpu.memory_space<vmem>>) semaphore(%arg17 : memref<!tpu.dma_semaphore, #tpu.memory_space<semaphore_mem>>)
      %dma_start3A_472 = arith.constant 2 : i32
      %dma_start3A_473 = arith.constant 256 : i32
      %dma_start3A_474 = arith.constant 0 : i32
      %dma_start3A_475 = tpu.memref_slice %arg14[%dma_start3A_473, %dma_start3A_474] : memref<512x16xf32, #tpu.memory_space<vmem>> -> memref<128x16xf32, #tpu.memory_space<vmem>>
      %dma_start3A_476 = arith.constant 0 : i32
      %dma_start3A_477 = tpu.memref_slice %arg8[%dma_start3A_472, %dma_start3A_476] : memref<4x128xi32, #tpu.memory_space<vmem>> -> memref<1x128xi32, #tpu.memory_space<vmem>>
      %dma_start3A_478 = tpu.memref_squeeze %dma_start3A_477 : memref<1x128xi32, #tpu.memory_space<vmem>> -> memref<128xi32, #tpu.memory_space<vmem>>
      %dma_start3A_479 = arith.constant 0 : i32
      %dma_start3A_480 = arith.constant 0 : i32
      %dma_start3A_481 = tpu.memref_slice %arg6[%dma_start3A_479, %dma_start3A_480] : memref<200704x16xf32, #tpu.memory_space<hbm>> -> memref<200704x16xf32, #tpu.memory_space<hbm>>
      tpu.enqueue_indirect_dma source(%dma_start3A_481 : memref<200704x16xf32, #tpu.memory_space<hbm>>) target(%dma_start3A_475 : memref<128x16xf32, #tpu.memory_space<vmem>>) offsets(%dma_start3A_478 : memref<128xi32, #tpu.memory_space<vmem>>) semaphore(%arg17 : memref<!tpu.dma_semaphore, #tpu.memory_space<semaphore_mem>>)
      %dma_start3A_482 = arith.constant 3 : i32
      %dma_start3A_483 = arith.constant 384 : i32
      %dma_start3A_484 = arith.constant 0 : i32
      %dma_start3A_485 = tpu.memref_slice %arg14[%dma_start3A_483, %dma_start3A_484] : memref<512x16xf32, #tpu.memory_space<vmem>> -> memref<128x16xf32, #tpu.memory_space<vmem>>
      %dma_start3A_486 = arith.constant 0 : i32
      %dma_start3A_487 = tpu.memref_slice %arg8[%dma_start3A_482, %dma_start3A_486] : memref<4x128xi32, #tpu.memory_space<vmem>> -> memref<1x128xi32, #tpu.memory_space<vmem>>
      %dma_start3A_488 = tpu.memref_squeeze %dma_start3A_487 : memref<1x128xi32, #tpu.memory_space<vmem>> -> memref<128xi32, #tpu.memory_space<vmem>>
      %dma_start3A_489 = arith.constant 0 : i32
      %dma_start3A_490 = arith.constant 0 : i32
      %dma_start3A_491 = tpu.memref_slice %arg6[%dma_start3A_489, %dma_start3A_490] : memref<200704x16xf32, #tpu.memory_space<hbm>> -> memref<200704x16xf32, #tpu.memory_space<hbm>>
      tpu.enqueue_indirect_dma source(%dma_start3A_491 : memref<200704x16xf32, #tpu.memory_space<hbm>>) target(%dma_start3A_485 : memref<128x16xf32, #tpu.memory_space<vmem>>) offsets(%dma_start3A_488 : memref<128xi32, #tpu.memory_space<vmem>>) semaphore(%arg17 : memref<!tpu.dma_semaphore, #tpu.memory_space<semaphore_mem>>)
      %dma_wait3A_492 = arith.constant 0 : i32
      %dma_wait3A_493 = arith.constant 0 : i32
      %dma_wait3A_494 = tpu.memref_slice %arg6[%dma_wait3A_492, %dma_wait3A_493] : memref<200704x16xf32, #tpu.memory_space<hbm>> -> memref<512x16xf32, #tpu.memory_space<hbm>>
      %dma_wait3A_495 = arith.constant 0 : i32
      %dma_wait3A_496 = arith.constant 0 : i32
      %dma_wait3A_497 = tpu.memref_slice %arg6[%dma_wait3A_495, %dma_wait3A_496] : memref<200704x16xf32, #tpu.memory_space<hbm>> -> memref<512x16xf32, #tpu.memory_space<hbm>>
      tpu.wait_dma2 semaphore(%arg17 : memref<!tpu.dma_semaphore, #tpu.memory_space<semaphore_mem>>) src(%dma_wait3A_497 : memref<512x16xf32, #tpu.memory_space<hbm>>) dst(%arg16 : memref<512x16xf32, #tpu.memory_space<vmem>>)
      %dma_start3A_498 = arith.constant 0 : i32
      %dma_start3A_499 = arith.constant 0 : i32
      %dma_start3A_500 = arith.constant 0 : i32
      %dma_start3A_501 = tpu.memref_slice %arg16[%dma_start3A_499, %dma_start3A_500] : memref<512x16xf32, #tpu.memory_space<vmem>> -> memref<128x16xf32, #tpu.memory_space<vmem>>
      %dma_start3A_502 = arith.constant 0 : i32
      %dma_start3A_503 = tpu.memref_slice %arg13[%dma_start3A_498, %dma_start3A_502] : memref<4x128xi32, #tpu.memory_space<vmem>> -> memref<1x128xi32, #tpu.memory_space<vmem>>
      %dma_start3A_504 = tpu.memref_squeeze %dma_start3A_503 : memref<1x128xi32, #tpu.memory_space<vmem>> -> memref<128xi32, #tpu.memory_space<vmem>>
      %dma_start3A_505 = arith.constant 0 : i32
      %dma_start3A_506 = arith.constant 0 : i32
      %dma_start3A_507 = tpu.memref_slice %arg7[%dma_start3A_505, %dma_start3A_506] : memref<100352x16xf32, #tpu.memory_space<vmem_shared>> -> memref<100352x16xf32, #tpu.memory_space<vmem_shared>>
      tpu.enqueue_indirect_dma source(%dma_start3A_501 : memref<128x16xf32, #tpu.memory_space<vmem>>) target(%dma_start3A_507 : memref<100352x16xf32, #tpu.memory_space<vmem_shared>>) offsets(%dma_start3A_504 : memref<128xi32, #tpu.memory_space<vmem>>) semaphore(%arg18 : memref<!tpu.dma_semaphore, #tpu.memory_space<semaphore_mem>>) {add = true}
      %dma_start3A_508 = arith.constant 1 : i32
      %dma_start3A_509 = arith.constant 128 : i32
      %dma_start3A_510 = arith.constant 0 : i32
      %dma_start3A_511 = tpu.memref_slice %arg16[%dma_start3A_509, %dma_start3A_510] : memref<512x16xf32, #tpu.memory_space<vmem>> -> memref<128x16xf32, #tpu.memory_space<vmem>>
      %dma_start3A_512 = arith.constant 0 : i32
      %dma_start3A_513 = tpu.memref_slice %arg13[%dma_start3A_508, %dma_start3A_512] : memref<4x128xi32, #tpu.memory_space<vmem>> -> memref<1x128xi32, #tpu.memory_space<vmem>>
      %dma_start3A_514 = tpu.memref_squeeze %dma_start3A_513 : memref<1x128xi32, #tpu.memory_space<vmem>> -> memref<128xi32, #tpu.memory_space<vmem>>
      %dma_start3A_515 = arith.constant 0 : i32
      %dma_start3A_516 = arith.constant 0 : i32
      %dma_start3A_517 = tpu.memref_slice %arg7[%dma_start3A_515, %dma_start3A_516] : memref<100352x16xf32, #tpu.memory_space<vmem_shared>> -> memref<100352x16xf32, #tpu.memory_space<vmem_shared>>
      tpu.enqueue_indirect_dma source(%dma_start3A_511 : memref<128x16xf32, #tpu.memory_space<vmem>>) target(%dma_start3A_517 : memref<100352x16xf32, #tpu.memory_space<vmem_shared>>) offsets(%dma_start3A_514 : memref<128xi32, #tpu.memory_space<vmem>>) semaphore(%arg18 : memref<!tpu.dma_semaphore, #tpu.memory_space<semaphore_mem>>) {add = true}
      %dma_start3A_518 = arith.constant 2 : i32
      %dma_start3A_519 = arith.constant 256 : i32
      %dma_start3A_520 = arith.constant 0 : i32
      %dma_start3A_521 = tpu.memref_slice %arg16[%dma_start3A_519, %dma_start3A_520] : memref<512x16xf32, #tpu.memory_space<vmem>> -> memref<128x16xf32, #tpu.memory_space<vmem>>
      %dma_start3A_522 = arith.constant 0 : i32
      %dma_start3A_523 = tpu.memref_slice %arg13[%dma_start3A_518, %dma_start3A_522] : memref<4x128xi32, #tpu.memory_space<vmem>> -> memref<1x128xi32, #tpu.memory_space<vmem>>
      %dma_start3A_524 = tpu.memref_squeeze %dma_start3A_523 : memref<1x128xi32, #tpu.memory_space<vmem>> -> memref<128xi32, #tpu.memory_space<vmem>>
      %dma_start3A_525 = arith.constant 0 : i32
      %dma_start3A_526 = arith.constant 0 : i32
      %dma_start3A_527 = tpu.memref_slice %arg7[%dma_start3A_525, %dma_start3A_526] : memref<100352x16xf32, #tpu.memory_space<vmem_shared>> -> memref<100352x16xf32, #tpu.memory_space<vmem_shared>>
      tpu.enqueue_indirect_dma source(%dma_start3A_521 : memref<128x16xf32, #tpu.memory_space<vmem>>) target(%dma_start3A_527 : memref<100352x16xf32, #tpu.memory_space<vmem_shared>>) offsets(%dma_start3A_524 : memref<128xi32, #tpu.memory_space<vmem>>) semaphore(%arg18 : memref<!tpu.dma_semaphore, #tpu.memory_space<semaphore_mem>>) {add = true}
      %dma_start3A_528 = arith.constant 3 : i32
      %dma_start3A_529 = arith.constant 384 : i32
      %dma_start3A_530 = arith.constant 0 : i32
      %dma_start3A_531 = tpu.memref_slice %arg16[%dma_start3A_529, %dma_start3A_530] : memref<512x16xf32, #tpu.memory_space<vmem>> -> memref<128x16xf32, #tpu.memory_space<vmem>>
      %dma_start3A_532 = arith.constant 0 : i32
      %dma_start3A_533 = tpu.memref_slice %arg13[%dma_start3A_528, %dma_start3A_532] : memref<4x128xi32, #tpu.memory_space<vmem>> -> memref<1x128xi32, #tpu.memory_space<vmem>>
      %dma_start3A_534 = tpu.memref_squeeze %dma_start3A_533 : memref<1x128xi32, #tpu.memory_space<vmem>> -> memref<128xi32, #tpu.memory_space<vmem>>
      %dma_start3A_535 = arith.constant 0 : i32
      %dma_start3A_536 = arith.constant 0 : i32
      %dma_start3A_537 = tpu.memref_slice %arg7[%dma_start3A_535, %dma_start3A_536] : memref<100352x16xf32, #tpu.memory_space<vmem_shared>> -> memref<100352x16xf32, #tpu.memory_space<vmem_shared>>
      tpu.enqueue_indirect_dma source(%dma_start3A_531 : memref<128x16xf32, #tpu.memory_space<vmem>>) target(%dma_start3A_537 : memref<100352x16xf32, #tpu.memory_space<vmem_shared>>) offsets(%dma_start3A_534 : memref<128xi32, #tpu.memory_space<vmem>>) semaphore(%arg18 : memref<!tpu.dma_semaphore, #tpu.memory_space<semaphore_mem>>) {add = true}
    }
    %scan3A_60 = arith.constant 130 : i32
    %dma_wait3A = arith.constant 0 : i32
    %dma_wait3A_61 = arith.constant 0 : i32
    %dma_wait3A_62 = tpu.memref_slice %arg6[%dma_wait3A, %dma_wait3A_61] : memref<200704x16xf32, #tpu.memory_space<hbm>> -> memref<512x16xf32, #tpu.memory_space<hbm>>
    %dma_wait3A_63 = arith.constant 0 : i32
    %dma_wait3A_64 = arith.constant 0 : i32
    %dma_wait3A_65 = tpu.memref_slice %arg6[%dma_wait3A_63, %dma_wait3A_64] : memref<200704x16xf32, #tpu.memory_space<hbm>> -> memref<512x16xf32, #tpu.memory_space<hbm>>
    tpu.wait_dma2 semaphore(%arg18 : memref<!tpu.dma_semaphore, #tpu.memory_space<semaphore_mem>>) src(%dma_wait3A_65 : memref<512x16xf32, #tpu.memory_space<hbm>>) dst(%arg15 : memref<512x16xf32, #tpu.memory_space<vmem>>)
    %add3A_66 = arith.constant 1564 : i32
    %add3A_67 = arith.addi %mul3A_12, %add3A_66 : i32
    "tpu.region"() ({
      %run_scoped3A = tpu.sem_alloc : memref<!tpu.dma_semaphore, #tpu.memory_space<semaphore_mem>>
      %dma_start3A_227 = arith.constant 0 : i32
      %dma_start3A_228 = tpu.memref_slice %arg2[%arg0, %add3A_67, %dma_start3A_227] : memref<2x25088x128xi32, #tpu.memory_space<hbm>> -> memref<1x4x128xi32, #tpu.memory_space<hbm>>
      %dma_start3A_229 = tpu.memref_squeeze %dma_start3A_228 : memref<1x4x128xi32, #tpu.memory_space<hbm>> -> memref<4x128xi32, #tpu.memory_space<hbm>>
      %dma_start3A_230 = arith.constant 0 : i32
      %dma_start3A_231 = tpu.memref_slice %arg2[%arg0, %add3A_67, %dma_start3A_230] : memref<2x25088x128xi32, #tpu.memory_space<hbm>> -> memref<1x4x128xi32, #tpu.memory_space<hbm>>
      %dma_start3A_232 = tpu.memref_squeeze %dma_start3A_231 : memref<1x4x128xi32, #tpu.memory_space<hbm>> -> memref<4x128xi32, #tpu.memory_space<hbm>>
      tpu.enqueue_dma source(%dma_start3A_232 : memref<4x128xi32, #tpu.memory_space<hbm>>) target(%arg9 : memref<4x128xi32, #tpu.memory_space<vmem>>) target_semaphore(%run_scoped3A : memref<!tpu.dma_semaphore, #tpu.memory_space<semaphore_mem>>)
      %dma_wait3A_233 = arith.constant 0 : i32
      %dma_wait3A_234 = tpu.memref_slice %arg2[%arg0, %add3A_67, %dma_wait3A_233] : memref<2x25088x128xi32, #tpu.memory_space<hbm>> -> memref<1x4x128xi32, #tpu.memory_space<hbm>>
      %dma_wait3A_235 = tpu.memref_squeeze %dma_wait3A_234 : memref<1x4x128xi32, #tpu.memory_space<hbm>> -> memref<4x128xi32, #tpu.memory_space<hbm>>
      %dma_wait3A_236 = arith.constant 0 : i32
      %dma_wait3A_237 = tpu.memref_slice %arg2[%arg0, %add3A_67, %dma_wait3A_236] : memref<2x25088x128xi32, #tpu.memory_space<hbm>> -> memref<1x4x128xi32, #tpu.memory_space<hbm>>
      %dma_wait3A_238 = tpu.memref_squeeze %dma_wait3A_237 : memref<1x4x128xi32, #tpu.memory_space<hbm>> -> memref<4x128xi32, #tpu.memory_space<hbm>>
      tpu.wait_dma2 semaphore(%run_scoped3A : memref<!tpu.dma_semaphore, #tpu.memory_space<semaphore_mem>>) src(%dma_wait3A_238 : memref<4x128xi32, #tpu.memory_space<hbm>>) dst(%arg9 : memref<4x128xi32, #tpu.memory_space<vmem>>)
      tpu.yield
    }) : () -> ()
    %add3A_68 = arith.constant 1564 : i32
    %add3A_69 = arith.addi %mul3A_12, %add3A_68 : i32
    "tpu.region"() ({
      %run_scoped3A = tpu.sem_alloc : memref<!tpu.dma_semaphore, #tpu.memory_space<semaphore_mem>>
      %dma_start3A_227 = arith.constant 0 : i32
      %dma_start3A_228 = tpu.memref_slice %arg3[%add3A_69, %dma_start3A_227] : memref<25088x128xi32, #tpu.memory_space<hbm>> -> memref<4x128xi32, #tpu.memory_space<hbm>>
      %dma_start3A_229 = arith.constant 0 : i32
      %dma_start3A_230 = tpu.memref_slice %arg3[%add3A_69, %dma_start3A_229] : memref<25088x128xi32, #tpu.memory_space<hbm>> -> memref<4x128xi32, #tpu.memory_space<hbm>>
      tpu.enqueue_dma source(%dma_start3A_230 : memref<4x128xi32, #tpu.memory_space<hbm>>) target(%arg12 : memref<4x128xi32, #tpu.memory_space<vmem>>) target_semaphore(%run_scoped3A : memref<!tpu.dma_semaphore, #tpu.memory_space<semaphore_mem>>)
      %dma_wait3A_231 = arith.constant 0 : i32
      %dma_wait3A_232 = tpu.memref_slice %arg3[%add3A_69, %dma_wait3A_231] : memref<25088x128xi32, #tpu.memory_space<hbm>> -> memref<4x128xi32, #tpu.memory_space<hbm>>
      %dma_wait3A_233 = arith.constant 0 : i32
      %dma_wait3A_234 = tpu.memref_slice %arg3[%add3A_69, %dma_wait3A_233] : memref<25088x128xi32, #tpu.memory_space<hbm>> -> memref<4x128xi32, #tpu.memory_space<hbm>>
      tpu.wait_dma2 semaphore(%run_scoped3A : memref<!tpu.dma_semaphore, #tpu.memory_space<semaphore_mem>>) src(%dma_wait3A_234 : memref<4x128xi32, #tpu.memory_space<hbm>>) dst(%arg12 : memref<4x128xi32, #tpu.memory_space<vmem>>)
      tpu.yield
    }) : () -> ()
    %dma_start3A_70 = arith.constant 0 : i32
    %dma_start3A_71 = arith.constant 0 : i32
    %dma_start3A_72 = arith.constant 0 : i32
    %dma_start3A_73 = tpu.memref_slice %arg15[%dma_start3A_71, %dma_start3A_72] : memref<512x16xf32, #tpu.memory_space<vmem>> -> memref<128x16xf32, #tpu.memory_space<vmem>>
    %dma_start3A_74 = arith.constant 0 : i32
    %dma_start3A_75 = tpu.memref_slice %arg9[%dma_start3A_70, %dma_start3A_74] : memref<4x128xi32, #tpu.memory_space<vmem>> -> memref<1x128xi32, #tpu.memory_space<vmem>>
    %dma_start3A_76 = tpu.memref_squeeze %dma_start3A_75 : memref<1x128xi32, #tpu.memory_space<vmem>> -> memref<128xi32, #tpu.memory_space<vmem>>
    %dma_start3A_77 = arith.constant 0 : i32
    %dma_start3A_78 = arith.constant 0 : i32
    %dma_start3A_79 = tpu.memref_slice %arg6[%dma_start3A_77, %dma_start3A_78] : memref<200704x16xf32, #tpu.memory_space<hbm>> -> memref<200704x16xf32, #tpu.memory_space<hbm>>
    tpu.enqueue_indirect_dma source(%dma_start3A_79 : memref<200704x16xf32, #tpu.memory_space<hbm>>) target(%dma_start3A_73 : memref<128x16xf32, #tpu.memory_space<vmem>>) offsets(%dma_start3A_76 : memref<128xi32, #tpu.memory_space<vmem>>) semaphore(%arg17 : memref<!tpu.dma_semaphore, #tpu.memory_space<semaphore_mem>>)
    %dma_start3A_80 = arith.constant 1 : i32
    %dma_start3A_81 = arith.constant 128 : i32
    %dma_start3A_82 = arith.constant 0 : i32
    %dma_start3A_83 = tpu.memref_slice %arg15[%dma_start3A_81, %dma_start3A_82] : memref<512x16xf32, #tpu.memory_space<vmem>> -> memref<128x16xf32, #tpu.memory_space<vmem>>
    %dma_start3A_84 = arith.constant 0 : i32
    %dma_start3A_85 = tpu.memref_slice %arg9[%dma_start3A_80, %dma_start3A_84] : memref<4x128xi32, #tpu.memory_space<vmem>> -> memref<1x128xi32, #tpu.memory_space<vmem>>
    %dma_start3A_86 = tpu.memref_squeeze %dma_start3A_85 : memref<1x128xi32, #tpu.memory_space<vmem>> -> memref<128xi32, #tpu.memory_space<vmem>>
    %dma_start3A_87 = arith.constant 0 : i32
    %dma_start3A_88 = arith.constant 0 : i32
    %dma_start3A_89 = tpu.memref_slice %arg6[%dma_start3A_87, %dma_start3A_88] : memref<200704x16xf32, #tpu.memory_space<hbm>> -> memref<200704x16xf32, #tpu.memory_space<hbm>>
    tpu.enqueue_indirect_dma source(%dma_start3A_89 : memref<200704x16xf32, #tpu.memory_space<hbm>>) target(%dma_start3A_83 : memref<128x16xf32, #tpu.memory_space<vmem>>) offsets(%dma_start3A_86 : memref<128xi32, #tpu.memory_space<vmem>>) semaphore(%arg17 : memref<!tpu.dma_semaphore, #tpu.memory_space<semaphore_mem>>)
    %dma_start3A_90 = arith.constant 2 : i32
    %dma_start3A_91 = arith.constant 256 : i32
    %dma_start3A_92 = arith.constant 0 : i32
    %dma_start3A_93 = tpu.memref_slice %arg15[%dma_start3A_91, %dma_start3A_92] : memref<512x16xf32, #tpu.memory_space<vmem>> -> memref<128x16xf32, #tpu.memory_space<vmem>>
    %dma_start3A_94 = arith.constant 0 : i32
    %dma_start3A_95 = tpu.memref_slice %arg9[%dma_start3A_90, %dma_start3A_94] : memref<4x128xi32, #tpu.memory_space<vmem>> -> memref<1x128xi32, #tpu.memory_space<vmem>>
    %dma_start3A_96 = tpu.memref_squeeze %dma_start3A_95 : memref<1x128xi32, #tpu.memory_space<vmem>> -> memref<128xi32, #tpu.memory_space<vmem>>
    %dma_start3A_97 = arith.constant 0 : i32
    %dma_start3A_98 = arith.constant 0 : i32
    %dma_start3A_99 = tpu.memref_slice %arg6[%dma_start3A_97, %dma_start3A_98] : memref<200704x16xf32, #tpu.memory_space<hbm>> -> memref<200704x16xf32, #tpu.memory_space<hbm>>
    tpu.enqueue_indirect_dma source(%dma_start3A_99 : memref<200704x16xf32, #tpu.memory_space<hbm>>) target(%dma_start3A_93 : memref<128x16xf32, #tpu.memory_space<vmem>>) offsets(%dma_start3A_96 : memref<128xi32, #tpu.memory_space<vmem>>) semaphore(%arg17 : memref<!tpu.dma_semaphore, #tpu.memory_space<semaphore_mem>>)
    %dma_start3A_100 = arith.constant 3 : i32
    %dma_start3A_101 = arith.constant 384 : i32
    %dma_start3A_102 = arith.constant 0 : i32
    %dma_start3A_103 = tpu.memref_slice %arg15[%dma_start3A_101, %dma_start3A_102] : memref<512x16xf32, #tpu.memory_space<vmem>> -> memref<128x16xf32, #tpu.memory_space<vmem>>
    %dma_start3A_104 = arith.constant 0 : i32
    %dma_start3A_105 = tpu.memref_slice %arg9[%dma_start3A_100, %dma_start3A_104] : memref<4x128xi32, #tpu.memory_space<vmem>> -> memref<1x128xi32, #tpu.memory_space<vmem>>
    %dma_start3A_106 = tpu.memref_squeeze %dma_start3A_105 : memref<1x128xi32, #tpu.memory_space<vmem>> -> memref<128xi32, #tpu.memory_space<vmem>>
    %dma_start3A_107 = arith.constant 0 : i32
    %dma_start3A_108 = arith.constant 0 : i32
    %dma_start3A_109 = tpu.memref_slice %arg6[%dma_start3A_107, %dma_start3A_108] : memref<200704x16xf32, #tpu.memory_space<hbm>> -> memref<200704x16xf32, #tpu.memory_space<hbm>>
    tpu.enqueue_indirect_dma source(%dma_start3A_109 : memref<200704x16xf32, #tpu.memory_space<hbm>>) target(%dma_start3A_103 : memref<128x16xf32, #tpu.memory_space<vmem>>) offsets(%dma_start3A_106 : memref<128xi32, #tpu.memory_space<vmem>>) semaphore(%arg17 : memref<!tpu.dma_semaphore, #tpu.memory_space<semaphore_mem>>)
    %dma_wait3A_110 = arith.constant 0 : i32
    %dma_wait3A_111 = arith.constant 0 : i32
    %dma_wait3A_112 = tpu.memref_slice %arg6[%dma_wait3A_110, %dma_wait3A_111] : memref<200704x16xf32, #tpu.memory_space<hbm>> -> memref<512x16xf32, #tpu.memory_space<hbm>>
    %dma_wait3A_113 = arith.constant 0 : i32
    %dma_wait3A_114 = arith.constant 0 : i32
    %dma_wait3A_115 = tpu.memref_slice %arg6[%dma_wait3A_113, %dma_wait3A_114] : memref<200704x16xf32, #tpu.memory_space<hbm>> -> memref<512x16xf32, #tpu.memory_space<hbm>>
    tpu.wait_dma2 semaphore(%arg17 : memref<!tpu.dma_semaphore, #tpu.memory_space<semaphore_mem>>) src(%dma_wait3A_115 : memref<512x16xf32, #tpu.memory_space<hbm>>) dst(%arg14 : memref<512x16xf32, #tpu.memory_space<vmem>>)
    %dma_start3A_116 = arith.constant 0 : i32
    %dma_start3A_117 = arith.constant 0 : i32
    %dma_start3A_118 = arith.constant 0 : i32
    %dma_start3A_119 = tpu.memref_slice %arg14[%dma_start3A_117, %dma_start3A_118] : memref<512x16xf32, #tpu.memory_space<vmem>> -> memref<128x16xf32, #tpu.memory_space<vmem>>
    %dma_start3A_120 = arith.constant 0 : i32
    %dma_start3A_121 = tpu.memref_slice %arg11[%dma_start3A_116, %dma_start3A_120] : memref<4x128xi32, #tpu.memory_space<vmem>> -> memref<1x128xi32, #tpu.memory_space<vmem>>
    %dma_start3A_122 = tpu.memref_squeeze %dma_start3A_121 : memref<1x128xi32, #tpu.memory_space<vmem>> -> memref<128xi32, #tpu.memory_space<vmem>>
    %dma_start3A_123 = arith.constant 0 : i32
    %dma_start3A_124 = arith.constant 0 : i32
    %dma_start3A_125 = tpu.memref_slice %arg7[%dma_start3A_123, %dma_start3A_124] : memref<100352x16xf32, #tpu.memory_space<vmem_shared>> -> memref<100352x16xf32, #tpu.memory_space<vmem_shared>>
    tpu.enqueue_indirect_dma source(%dma_start3A_119 : memref<128x16xf32, #tpu.memory_space<vmem>>) target(%dma_start3A_125 : memref<100352x16xf32, #tpu.memory_space<vmem_shared>>) offsets(%dma_start3A_122 : memref<128xi32, #tpu.memory_space<vmem>>) semaphore(%arg18 : memref<!tpu.dma_semaphore, #tpu.memory_space<semaphore_mem>>) {add = true}
    %dma_start3A_126 = arith.constant 1 : i32
    %dma_start3A_127 = arith.constant 128 : i32
    %dma_start3A_128 = arith.constant 0 : i32
    %dma_start3A_129 = tpu.memref_slice %arg14[%dma_start3A_127, %dma_start3A_128] : memref<512x16xf32, #tpu.memory_space<vmem>> -> memref<128x16xf32, #tpu.memory_space<vmem>>
    %dma_start3A_130 = arith.constant 0 : i32
    %dma_start3A_131 = tpu.memref_slice %arg11[%dma_start3A_126, %dma_start3A_130] : memref<4x128xi32, #tpu.memory_space<vmem>> -> memref<1x128xi32, #tpu.memory_space<vmem>>
    %dma_start3A_132 = tpu.memref_squeeze %dma_start3A_131 : memref<1x128xi32, #tpu.memory_space<vmem>> -> memref<128xi32, #tpu.memory_space<vmem>>
    %dma_start3A_133 = arith.constant 0 : i32
    %dma_start3A_134 = arith.constant 0 : i32
    %dma_start3A_135 = tpu.memref_slice %arg7[%dma_start3A_133, %dma_start3A_134] : memref<100352x16xf32, #tpu.memory_space<vmem_shared>> -> memref<100352x16xf32, #tpu.memory_space<vmem_shared>>
    tpu.enqueue_indirect_dma source(%dma_start3A_129 : memref<128x16xf32, #tpu.memory_space<vmem>>) target(%dma_start3A_135 : memref<100352x16xf32, #tpu.memory_space<vmem_shared>>) offsets(%dma_start3A_132 : memref<128xi32, #tpu.memory_space<vmem>>) semaphore(%arg18 : memref<!tpu.dma_semaphore, #tpu.memory_space<semaphore_mem>>) {add = true}
    %dma_start3A_136 = arith.constant 2 : i32
    %dma_start3A_137 = arith.constant 256 : i32
    %dma_start3A_138 = arith.constant 0 : i32
    %dma_start3A_139 = tpu.memref_slice %arg14[%dma_start3A_137, %dma_start3A_138] : memref<512x16xf32, #tpu.memory_space<vmem>> -> memref<128x16xf32, #tpu.memory_space<vmem>>
    %dma_start3A_140 = arith.constant 0 : i32
    %dma_start3A_141 = tpu.memref_slice %arg11[%dma_start3A_136, %dma_start3A_140] : memref<4x128xi32, #tpu.memory_space<vmem>> -> memref<1x128xi32, #tpu.memory_space<vmem>>
    %dma_start3A_142 = tpu.memref_squeeze %dma_start3A_141 : memref<1x128xi32, #tpu.memory_space<vmem>> -> memref<128xi32, #tpu.memory_space<vmem>>
    %dma_start3A_143 = arith.constant 0 : i32
    %dma_start3A_144 = arith.constant 0 : i32
    %dma_start3A_145 = tpu.memref_slice %arg7[%dma_start3A_143, %dma_start3A_144] : memref<100352x16xf32, #tpu.memory_space<vmem_shared>> -> memref<100352x16xf32, #tpu.memory_space<vmem_shared>>
    tpu.enqueue_indirect_dma source(%dma_start3A_139 : memref<128x16xf32, #tpu.memory_space<vmem>>) target(%dma_start3A_145 : memref<100352x16xf32, #tpu.memory_space<vmem_shared>>) offsets(%dma_start3A_142 : memref<128xi32, #tpu.memory_space<vmem>>) semaphore(%arg18 : memref<!tpu.dma_semaphore, #tpu.memory_space<semaphore_mem>>) {add = true}
    %dma_start3A_146 = arith.constant 3 : i32
    %dma_start3A_147 = arith.constant 384 : i32
    %dma_start3A_148 = arith.constant 0 : i32
    %dma_start3A_149 = tpu.memref_slice %arg14[%dma_start3A_147, %dma_start3A_148] : memref<512x16xf32, #tpu.memory_space<vmem>> -> memref<128x16xf32, #tpu.memory_space<vmem>>
    %dma_start3A_150 = arith.constant 0 : i32
    %dma_start3A_151 = tpu.memref_slice %arg11[%dma_start3A_146, %dma_start3A_150] : memref<4x128xi32, #tpu.memory_space<vmem>> -> memref<1x128xi32, #tpu.memory_space<vmem>>
    %dma_start3A_152 = tpu.memref_squeeze %dma_start3A_151 : memref<1x128xi32, #tpu.memory_space<vmem>> -> memref<128xi32, #tpu.memory_space<vmem>>
    %dma_start3A_153 = arith.constant 0 : i32
    %dma_start3A_154 = arith.constant 0 : i32
    %dma_start3A_155 = tpu.memref_slice %arg7[%dma_start3A_153, %dma_start3A_154] : memref<100352x16xf32, #tpu.memory_space<vmem_shared>> -> memref<100352x16xf32, #tpu.memory_space<vmem_shared>>
    tpu.enqueue_indirect_dma source(%dma_start3A_149 : memref<128x16xf32, #tpu.memory_space<vmem>>) target(%dma_start3A_155 : memref<100352x16xf32, #tpu.memory_space<vmem_shared>>) offsets(%dma_start3A_152 : memref<128xi32, #tpu.memory_space<vmem>>) semaphore(%arg18 : memref<!tpu.dma_semaphore, #tpu.memory_space<semaphore_mem>>) {add = true}
    %dma_wait3A_156 = arith.constant 0 : i32
    %dma_wait3A_157 = arith.constant 0 : i32
    %dma_wait3A_158 = tpu.memref_slice %arg6[%dma_wait3A_156, %dma_wait3A_157] : memref<200704x16xf32, #tpu.memory_space<hbm>> -> memref<512x16xf32, #tpu.memory_space<hbm>>
    %dma_wait3A_159 = arith.constant 0 : i32
    %dma_wait3A_160 = arith.constant 0 : i32
    %dma_wait3A_161 = tpu.memref_slice %arg6[%dma_wait3A_159, %dma_wait3A_160] : memref<200704x16xf32, #tpu.memory_space<hbm>> -> memref<512x16xf32, #tpu.memory_space<hbm>>
    tpu.wait_dma2 semaphore(%arg18 : memref<!tpu.dma_semaphore, #tpu.memory_space<semaphore_mem>>) src(%dma_wait3A_161 : memref<512x16xf32, #tpu.memory_space<hbm>>) dst(%arg16 : memref<512x16xf32, #tpu.memory_space<vmem>>)
    %dma_wait3A_162 = arith.constant 0 : i32
    %dma_wait3A_163 = arith.constant 0 : i32
    %dma_wait3A_164 = tpu.memref_slice %arg6[%dma_wait3A_162, %dma_wait3A_163] : memref<200704x16xf32, #tpu.memory_space<hbm>> -> memref<512x16xf32, #tpu.memory_space<hbm>>
    %dma_wait3A_165 = arith.constant 0 : i32
    %dma_wait3A_166 = arith.constant 0 : i32
    %dma_wait3A_167 = tpu.memref_slice %arg6[%dma_wait3A_165, %dma_wait3A_166] : memref<200704x16xf32, #tpu.memory_space<hbm>> -> memref<512x16xf32, #tpu.memory_space<hbm>>
    tpu.wait_dma2 semaphore(%arg17 : memref<!tpu.dma_semaphore, #tpu.memory_space<semaphore_mem>>) src(%dma_wait3A_167 : memref<512x16xf32, #tpu.memory_space<hbm>>) dst(%arg15 : memref<512x16xf32, #tpu.memory_space<vmem>>)
    %dma_start3A_168 = arith.constant 0 : i32
    %dma_start3A_169 = arith.constant 0 : i32
    %dma_start3A_170 = arith.constant 0 : i32
    %dma_start3A_171 = tpu.memref_slice %arg15[%dma_start3A_169, %dma_start3A_170] : memref<512x16xf32, #tpu.memory_space<vmem>> -> memref<128x16xf32, #tpu.memory_space<vmem>>
    %dma_start3A_172 = arith.constant 0 : i32
    %dma_start3A_173 = tpu.memref_slice %arg12[%dma_start3A_168, %dma_start3A_172] : memref<4x128xi32, #tpu.memory_space<vmem>> -> memref<1x128xi32, #tpu.memory_space<vmem>>
    %dma_start3A_174 = tpu.memref_squeeze %dma_start3A_173 : memref<1x128xi32, #tpu.memory_space<vmem>> -> memref<128xi32, #tpu.memory_space<vmem>>
    %dma_start3A_175 = arith.constant 0 : i32
    %dma_start3A_176 = arith.constant 0 : i32
    %dma_start3A_177 = tpu.memref_slice %arg7[%dma_start3A_175, %dma_start3A_176] : memref<100352x16xf32, #tpu.memory_space<vmem_shared>> -> memref<100352x16xf32, #tpu.memory_space<vmem_shared>>
    tpu.enqueue_indirect_dma source(%dma_start3A_171 : memref<128x16xf32, #tpu.memory_space<vmem>>) target(%dma_start3A_177 : memref<100352x16xf32, #tpu.memory_space<vmem_shared>>) offsets(%dma_start3A_174 : memref<128xi32, #tpu.memory_space<vmem>>) semaphore(%arg18 : memref<!tpu.dma_semaphore, #tpu.memory_space<semaphore_mem>>) {add = true}
    %dma_start3A_178 = arith.constant 1 : i32
    %dma_start3A_179 = arith.constant 128 : i32
    %dma_start3A_180 = arith.constant 0 : i32
    %dma_start3A_181 = tpu.memref_slice %arg15[%dma_start3A_179, %dma_start3A_180] : memref<512x16xf32, #tpu.memory_space<vmem>> -> memref<128x16xf32, #tpu.memory_space<vmem>>
    %dma_start3A_182 = arith.constant 0 : i32
    %dma_start3A_183 = tpu.memref_slice %arg12[%dma_start3A_178, %dma_start3A_182] : memref<4x128xi32, #tpu.memory_space<vmem>> -> memref<1x128xi32, #tpu.memory_space<vmem>>
    %dma_start3A_184 = tpu.memref_squeeze %dma_start3A_183 : memref<1x128xi32, #tpu.memory_space<vmem>> -> memref<128xi32, #tpu.memory_space<vmem>>
    %dma_start3A_185 = arith.constant 0 : i32
    %dma_start3A_186 = arith.constant 0 : i32
    %dma_start3A_187 = tpu.memref_slice %arg7[%dma_start3A_185, %dma_start3A_186] : memref<100352x16xf32, #tpu.memory_space<vmem_shared>> -> memref<100352x16xf32, #tpu.memory_space<vmem_shared>>
    tpu.enqueue_indirect_dma source(%dma_start3A_181 : memref<128x16xf32, #tpu.memory_space<vmem>>) target(%dma_start3A_187 : memref<100352x16xf32, #tpu.memory_space<vmem_shared>>) offsets(%dma_start3A_184 : memref<128xi32, #tpu.memory_space<vmem>>) semaphore(%arg18 : memref<!tpu.dma_semaphore, #tpu.memory_space<semaphore_mem>>) {add = true}
    %dma_start3A_188 = arith.constant 2 : i32
    %dma_start3A_189 = arith.constant 256 : i32
    %dma_start3A_190 = arith.constant 0 : i32
    %dma_start3A_191 = tpu.memref_slice %arg15[%dma_start3A_189, %dma_start3A_190] : memref<512x16xf32, #tpu.memory_space<vmem>> -> memref<128x16xf32, #tpu.memory_space<vmem>>
    %dma_start3A_192 = arith.constant 0 : i32
    %dma_start3A_193 = tpu.memref_slice %arg12[%dma_start3A_188, %dma_start3A_192] : memref<4x128xi32, #tpu.memory_space<vmem>> -> memref<1x128xi32, #tpu.memory_space<vmem>>
    %dma_start3A_194 = tpu.memref_squeeze %dma_start3A_193 : memref<1x128xi32, #tpu.memory_space<vmem>> -> memref<128xi32, #tpu.memory_space<vmem>>
    %dma_start3A_195 = arith.constant 0 : i32
    %dma_start3A_196 = arith.constant 0 : i32
    %dma_start3A_197 = tpu.memref_slice %arg7[%dma_start3A_195, %dma_start3A_196] : memref<100352x16xf32, #tpu.memory_space<vmem_shared>> -> memref<100352x16xf32, #tpu.memory_space<vmem_shared>>
    tpu.enqueue_indirect_dma source(%dma_start3A_191 : memref<128x16xf32, #tpu.memory_space<vmem>>) target(%dma_start3A_197 : memref<100352x16xf32, #tpu.memory_space<vmem_shared>>) offsets(%dma_start3A_194 : memref<128xi32, #tpu.memory_space<vmem>>) semaphore(%arg18 : memref<!tpu.dma_semaphore, #tpu.memory_space<semaphore_mem>>) {add = true}
    %dma_start3A_198 = arith.constant 3 : i32
    %dma_start3A_199 = arith.constant 384 : i32
    %dma_start3A_200 = arith.constant 0 : i32
    %dma_start3A_201 = tpu.memref_slice %arg15[%dma_start3A_199, %dma_start3A_200] : memref<512x16xf32, #tpu.memory_space<vmem>> -> memref<128x16xf32, #tpu.memory_space<vmem>>
    %dma_start3A_202 = arith.constant 0 : i32
    %dma_start3A_203 = tpu.memref_slice %arg12[%dma_start3A_198, %dma_start3A_202] : memref<4x128xi32, #tpu.memory_space<vmem>> -> memref<1x128xi32, #tpu.memory_space<vmem>>
    %dma_start3A_204 = tpu.memref_squeeze %dma_start3A_203 : memref<1x128xi32, #tpu.memory_space<vmem>> -> memref<128xi32, #tpu.memory_space<vmem>>
    %dma_start3A_205 = arith.constant 0 : i32
    %dma_start3A_206 = arith.constant 0 : i32
    %dma_start3A_207 = tpu.memref_slice %arg7[%dma_start3A_205, %dma_start3A_206] : memref<100352x16xf32, #tpu.memory_space<vmem_shared>> -> memref<100352x16xf32, #tpu.memory_space<vmem_shared>>
    tpu.enqueue_indirect_dma source(%dma_start3A_201 : memref<128x16xf32, #tpu.memory_space<vmem>>) target(%dma_start3A_207 : memref<100352x16xf32, #tpu.memory_space<vmem_shared>>) offsets(%dma_start3A_204 : memref<128xi32, #tpu.memory_space<vmem>>) semaphore(%arg18 : memref<!tpu.dma_semaphore, #tpu.memory_space<semaphore_mem>>) {add = true}
    %dma_wait3A_208 = arith.constant 0 : i32
    %dma_wait3A_209 = arith.constant 0 : i32
    %dma_wait3A_210 = tpu.memref_slice %arg6[%dma_wait3A_208, %dma_wait3A_209] : memref<200704x16xf32, #tpu.memory_space<hbm>> -> memref<512x16xf32, #tpu.memory_space<hbm>>
    %dma_wait3A_211 = arith.constant 0 : i32
    %dma_wait3A_212 = arith.constant 0 : i32
    %dma_wait3A_213 = tpu.memref_slice %arg6[%dma_wait3A_211, %dma_wait3A_212] : memref<200704x16xf32, #tpu.memory_space<hbm>> -> memref<512x16xf32, #tpu.memory_space<hbm>>
    tpu.wait_dma2 semaphore(%arg18 : memref<!tpu.dma_semaphore, #tpu.memory_space<semaphore_mem>>) src(%dma_wait3A_213 : memref<512x16xf32, #tpu.memory_space<hbm>>) dst(%arg14 : memref<512x16xf32, #tpu.memory_space<vmem>>)
    %dma_wait3A_214 = arith.constant 0 : i32
    %dma_wait3A_215 = arith.constant 0 : i32
    %dma_wait3A_216 = tpu.memref_slice %arg6[%dma_wait3A_214, %dma_wait3A_215] : memref<200704x16xf32, #tpu.memory_space<hbm>> -> memref<512x16xf32, #tpu.memory_space<hbm>>
    %dma_wait3A_217 = arith.constant 0 : i32
    %dma_wait3A_218 = arith.constant 0 : i32
    %dma_wait3A_219 = tpu.memref_slice %arg6[%dma_wait3A_217, %dma_wait3A_218] : memref<200704x16xf32, #tpu.memory_space<hbm>> -> memref<512x16xf32, #tpu.memory_space<hbm>>
    tpu.wait_dma2 semaphore(%arg18 : memref<!tpu.dma_semaphore, #tpu.memory_space<semaphore_mem>>) src(%dma_wait3A_219 : memref<512x16xf32, #tpu.memory_space<hbm>>) dst(%arg15 : memref<512x16xf32, #tpu.memory_space<vmem>>)
    %barrier3A_220 = arith.constant 0 : index
    tpu.barrier barrier_id(%barrier3A_220)
    %mul3A_221 = arith.constant 6272 : i32
    %mul3A_222 = arith.muli %arg1, %mul3A_221 : i32
    %mul3A_223 = arith.constant 6272 : i32
    %mul3A_224 = arith.muli %arg1, %mul3A_223 : i32
    %mul3A_225 = arith.constant 16 : i32
    %mul3A_226 = arith.muli %arg0, %mul3A_225 : i32
    "tpu.region"() ({
      %run_scoped3A = tpu.sem_alloc : memref<!tpu.dma_semaphore, #tpu.memory_space<semaphore_mem>>
      %dma_start3A_227 = tpu.memref_slice %arg5[%mul3A_224, %mul3A_226] : memref<100352x32xf32, #tpu.memory_space<hbm>> -> memref<6272x16xf32, #tpu.memory_space<hbm>>
      %dma_start3A_228 = arith.constant 0 : i32
      %dma_start3A_229 = tpu.memref_slice %arg7[%mul3A_222, %dma_start3A_228] : memref<100352x16xf32, #tpu.memory_space<vmem_shared>> -> memref<6272x16xf32, #tpu.memory_space<vmem_shared>>
      tpu.enqueue_dma source(%dma_start3A_229 : memref<6272x16xf32, #tpu.memory_space<vmem_shared>>) target(%dma_start3A_227 : memref<6272x16xf32, #tpu.memory_space<hbm>>) target_semaphore(%run_scoped3A : memref<!tpu.dma_semaphore, #tpu.memory_space<semaphore_mem>>)
      %dma_wait3A_230 = tpu.memref_slice %arg5[%mul3A_224, %mul3A_226] : memref<100352x32xf32, #tpu.memory_space<hbm>> -> memref<6272x16xf32, #tpu.memory_space<hbm>>
      %dma_wait3A_231 = arith.constant 0 : i32
      %dma_wait3A_232 = tpu.memref_slice %arg7[%mul3A_222, %dma_wait3A_231] : memref<100352x16xf32, #tpu.memory_space<vmem_shared>> -> memref<6272x16xf32, #tpu.memory_space<vmem_shared>>
      tpu.wait_dma2 semaphore(%run_scoped3A : memref<!tpu.dma_semaphore, #tpu.memory_space<semaphore_mem>>) src(%dma_wait3A_232 : memref<6272x16xf32, #tpu.memory_space<vmem_shared>>) dst(%dma_wait3A_230 : memref<6272x16xf32, #tpu.memory_space<hbm>>)
      tpu.yield
    }) : () -> ()
    return
  }
}

module attributes {stable_mosaic.version = 14 : i64} {
  func.func @_p0_body(%arg0: memref<10000x32xf32, #tpu.memory_space<vmem>>, %arg1: memref<32x32xf32, #tpu.memory_space<vmem>>, %arg2: memref<10000x32xf32, #tpu.memory_space<vmem>>) attributes {dimension_semantics = [], scalar_prefetch = 0 : i64, scratch_operands = 0 : i64, tpu.core_type = #tpu.core_type<tc>} {
    %get3A = arith.constant 0 : index
    %get3A_0 = arith.constant 0 : index
    %get3A_1 = vector.load %arg0[%get3A, %get3A_0] : memref<10000x32xf32, #tpu.memory_space<vmem>>, vector<10000x32xf32>
    %get3A_2 = arith.constant 0 : index
    %get3A_3 = arith.constant 0 : index
    %get3A_4 = vector.load %arg1[%get3A_2, %get3A_3] : memref<32x32xf32, #tpu.memory_space<vmem>>, vector<32x32xf32>
    %dot_general3A = arith.constant dense<0.000000e+00> : vector<10000x32xf32>
    %dot_general3A_5 = tpu.matmul %get3A_1, %get3A_4, %dot_general3A {dimension_numbers = #tpu.dot_dimension_numbers<[1], [0], [0], [1], [0, 0, 1, 1], [], []>, transpose_lhs_hint = false} : vector<10000x32xf32>, vector<32x32xf32>, vector<10000x32xf32> -> vector<10000x32xf32>
    %swap3A = arith.constant 0 : index
    %swap3A_6 = arith.constant 0 : index
    %swap3A_7 = vector.load %arg2[%swap3A, %swap3A_6] : memref<10000x32xf32, #tpu.memory_space<vmem>>, vector<10000x32xf32>
    tpu.vector_store %arg2[%swap3A, %swap3A_6], %dot_general3A_5 {strides = array<i32>} : memref<10000x32xf32, #tpu.memory_space<vmem>>, vector<10000x32xf32>,
    return
  }
}

module attributes {stable_mosaic.version = 14 : i64} {
  func.func @_p1_body(%arg0: i32, %arg1: memref<2x100352xf32, #tpu.memory_space<vmem>>, %arg2: memref<2048x32xf32, #tpu.memory_space<vmem>>, %arg3: memref<2048x1xf32, #tpu.memory_space<vmem>>, %arg4: memref<2048x32xf32, #tpu.memory_space<vmem>>) attributes {dimension_semantics = [#tpu.dimension_semantics<arbitrary>], iteration_bounds = array<i64: 49>, scalar_prefetch = 0 : i64, scratch_operands = 0 : i64, tpu.core_type = #tpu.core_type<tc>, window_params = [{pipeline_mode = #tpu.pipeline_mode<synchronous>, transform_indices = @transform_0, window_bounds = array<i64: 2, 100352>}, {transform_indices = @transform_1, window_bounds = array<i64: 2048, 32>}, {transform_indices = @transform_2, window_bounds = array<i64: 2048, 1>}, {transform_indices = @transform_3, window_bounds = array<i64: 2048, 32>}]} {
    %mul3A = arith.constant 2048 : i32
    %mul3A_0 = arith.muli %arg0, %mul3A : i32
    %get3A = arith.constant 0 : index
    %get3A_1 = arith.index_cast %mul3A_0 : i32 to index
    %get3A_2 = vector.load %arg1[%get3A, %get3A_1] : memref<2x100352xf32, #tpu.memory_space<vmem>>, vector<2x2048xf32>
    %slice3A = vector.extract_strided_slice %get3A_2 {offsets = [0, 0], sizes = [1, 2048], strides = [1, 1]} : vector<2x2048xf32> to vector<1x2048xf32>
    %squeeze3A = vector.shape_cast %slice3A : vector<1x2048xf32> to vector<2048xf32>
    %slice3A_3 = vector.extract_strided_slice %get3A_2 {offsets = [1, 0], sizes = [1, 2048], strides = [1, 1]} : vector<2x2048xf32> to vector<1x2048xf32>
    %squeeze3A_4 = vector.shape_cast %slice3A_3 : vector<1x2048xf32> to vector<2048xf32>
    %add3A = arith.addf %squeeze3A, %squeeze3A_4 : vector<2048xf32>
    %add3A_5 = arith.constant 1.000000e+00 : f32
    %add3A_6 = vector.broadcast %add3A_5 : f32 to vector<2048xf32>
    %add3A_7 = arith.addf %add3A, %add3A_6 : vector<2048xf32>
    %rsqrt3A = math.rsqrt %add3A_7 : vector<2048xf32>
    %broadcast_in_dim3A = vector.shape_cast %rsqrt3A : vector<2048xf32> to vector<2048x1xf32>
    %swap3A = arith.constant 0 : index
    %swap3A_8 = arith.constant 0 : index
    %swap3A_9 = vector.load %arg3[%swap3A, %swap3A_8] : memref<2048x1xf32, #tpu.memory_space<vmem>>, vector<2048x1xf32>
    tpu.vector_store %arg3[%swap3A, %swap3A_8], %broadcast_in_dim3A {strides = array<i32>} : memref<2048x1xf32, #tpu.memory_space<vmem>>, vector<2048x1xf32>,
    %get3A_10 = arith.constant 0 : index
    %get3A_11 = arith.constant 0 : index
    %get3A_12 = vector.load %arg2[%get3A_10, %get3A_11] : memref<2048x32xf32, #tpu.memory_space<vmem>>, vector<2048x32xf32>
    %mul3A_13 = vector.broadcast %broadcast_in_dim3A : vector<2048x1xf32> to vector<2048x32xf32>
    %mul3A_14 = arith.mulf %get3A_12, %mul3A_13 : vector<2048x32xf32>
    %swap3A_15 = arith.constant 0 : index
    %swap3A_16 = arith.constant 0 : index
    %swap3A_17 = vector.load %arg4[%swap3A_15, %swap3A_16] : memref<2048x32xf32, #tpu.memory_space<vmem>>, vector<2048x32xf32>
    tpu.vector_store %arg4[%swap3A_15, %swap3A_16], %mul3A_14 {strides = array<i32>} : memref<2048x32xf32, #tpu.memory_space<vmem>>, vector<2048x32xf32>,
    return
  }
  func.func @transform_0(%arg0: i32) -> (i32, i32) {
    %c0_i32 = arith.constant 0 : i32
    %c0_i32_0 = arith.constant 0 : i32
    %c0_i32_1 = arith.constant 0 : i32
    return %c0_i32, %c0_i32_0 : i32, i32
  }
  func.func @transform_1(%arg0: i32) -> (i32, i32) {
    %c0_i32 = arith.constant 0 : i32
    %c0_i32_0 = arith.constant 0 : i32
    return %arg0, %c0_i32 : i32, i32
  }
  func.func @transform_2(%arg0: i32) -> (i32, i32) {
    %c0_i32 = arith.constant 0 : i32
    %c0_i32_0 = arith.constant 0 : i32
    return %arg0, %c0_i32 : i32, i32
  }
  func.func @transform_3(%arg0: i32) -> (i32, i32) {
    %c0_i32 = arith.constant 0 : i32
    %c0_i32_0 = arith.constant 0 : i32
    return %arg0, %c0_i32 : i32, i32
  }
}

module attributes {stable_mosaic.version = 14 : i64} {
  func.func @_p2a_body(%arg0: i32, %arg1: memref<2048x32xf32, #tpu.memory_space<vmem>>, %arg2: memref<2048x1xf32, #tpu.memory_space<vmem>>, %arg3: memref<1x32xf32, #tpu.memory_space<vmem>>, %arg4: memref<2048x32xf32, #tpu.memory_space<vmem>>, %arg5: memref<1x32xf32, #tpu.memory_space<vmem>>, %arg6: memref<1x32xf32, #tpu.memory_space<vmem>>) attributes {dimension_semantics = [#tpu.dimension_semantics<arbitrary>], iteration_bounds = array<i64: 49>, scalar_prefetch = 0 : i64, scratch_operands = 0 : i64, tpu.core_type = #tpu.core_type<tc>, window_params = [{transform_indices = @transform_0, window_bounds = array<i64: 2048, 32>}, {transform_indices = @transform_1, window_bounds = array<i64: 2048, 1>}, {pipeline_mode = #tpu.pipeline_mode<synchronous>, transform_indices = @transform_2, window_bounds = array<i64: 1, 32>}, {transform_indices = @transform_3, window_bounds = array<i64: 2048, 32>}, {pipeline_mode = #tpu.pipeline_mode<synchronous>, transform_indices = @transform_4, window_bounds = array<i64: 1, 32>}, {pipeline_mode = #tpu.pipeline_mode<synchronous>, transform_indices = @transform_5, window_bounds = array<i64: 1, 32>}]} {
    %get3A = arith.constant 0 : index
    %get3A_0 = arith.constant 0 : index
    %get3A_1 = vector.load %arg2[%get3A, %get3A_0] : memref<2048x1xf32, #tpu.memory_space<vmem>>, vector<2048x1xf32>
    %get3A_2 = arith.constant 0 : index
    %get3A_3 = arith.constant 0 : index
    %get3A_4 = vector.load %arg1[%get3A_2, %get3A_3] : memref<2048x32xf32, #tpu.memory_space<vmem>>, vector<2048x32xf32>
    %mul3A = vector.broadcast %get3A_1 : vector<2048x1xf32> to vector<2048x32xf32>
    %mul3A_5 = arith.mulf %mul3A, %get3A_4 : vector<2048x32xf32>
    %get3A_6 = arith.constant 0 : index
    %get3A_7 = arith.constant 0 : index
    %get3A_8 = vector.load %arg3[%get3A_6, %get3A_7] : memref<1x32xf32, #tpu.memory_space<vmem>>, vector<1x32xf32>
    %add3A = vector.broadcast %get3A_8 : vector<1x32xf32> to vector<2048x32xf32>
    %add3A_9 = arith.addf %mul3A_5, %add3A : vector<2048x32xf32>
    %swap3A = arith.constant 0 : index
    %swap3A_10 = arith.constant 0 : index
    %swap3A_11 = vector.load %arg4[%swap3A, %swap3A_10] : memref<2048x32xf32, #tpu.memory_space<vmem>>, vector<2048x32xf32>
    tpu.vector_store %arg4[%swap3A, %swap3A_10], %add3A_9 {strides = array<i32>} : memref<2048x32xf32, #tpu.memory_space<vmem>>, vector<2048x32xf32>,
    %mul3A_12 = arith.constant 2048 : i32
    %mul3A_13 = arith.muli %arg0, %mul3A_12 : i32
    %iota3A = tpu.iota {dimensions = array<i32: 0>} : vector<2048x1xi32>
    %add3A_14 = vector.broadcast %mul3A_13 : i32 to vector<2048x1xi32>
    %add3A_15 = arith.addi %add3A_14, %iota3A : vector<2048x1xi32>
    %lt3A = arith.constant 100000 : i32
    %lt3A_16 = vector.broadcast %lt3A : i32 to vector<2048x1xi32>
    %lt3A_17 = arith.cmpi slt, %add3A_15, %lt3A_16 : vector<2048x1xi32>
    %jit3A = arith.constant 0.000000e+00 : f32
    %broadcast_in_dim3A = vector.shape_cast %lt3A_17 : vector<2048x1xi1> to vector<2048x1xi1>
    %broadcast_in_dim3A_18 = vector.broadcast %broadcast_in_dim3A : vector<2048x1xi1> to vector<2048x32xi1>
    %broadcast_in_dim3A_19 = vector.broadcast %jit3A : f32 to vector<2048x32xf32>
    %select_n3A = arith.select %broadcast_in_dim3A_18, %add3A_9, %broadcast_in_dim3A_19 : vector<2048x32xi1>, vector<2048x32xf32>
    %reduce_sum3A = arith.constant dense<0.000000e+00> : vector<32xf32>
    %reduce_sum3A_20 = vector.multi_reduction <add>, %select_n3A, %reduce_sum3A [0] : vector<2048x32xf32> to vector<32xf32>
    %broadcast_in_dim3A_21 = vector.shape_cast %reduce_sum3A_20 : vector<32xf32> to vector<1x32xf32>
    %mul3A_22 = arith.mulf %select_n3A, %select_n3A : vector<2048x32xf32>
    %reduce_sum3A_23 = arith.constant dense<0.000000e+00> : vector<32xf32>
    %reduce_sum3A_24 = vector.multi_reduction <add>, %mul3A_22, %reduce_sum3A_23 [0] : vector<2048x32xf32> to vector<32xf32>
    %broadcast_in_dim3A_25 = vector.shape_cast %reduce_sum3A_24 : vector<32xf32> to vector<1x32xf32>
    %eq3A = arith.constant 0 : i32
    %eq3A_26 = arith.cmpi eq, %arg0, %eq3A : i32
    %convert_element_type3A = arith.extui %eq3A_26 : i1 to i32
    %cond3A = arith.constant 0 : i32
    %cond3A_27 = arith.cmpi ne, %convert_element_type3A, %cond3A : i32
    scf.if %cond3A_27 {
      %swap3A_32 = arith.constant 0 : index
      %swap3A_33 = arith.constant 0 : index
      %swap3A_34 = vector.load %arg5[%swap3A_32, %swap3A_33] : memref<1x32xf32, #tpu.memory_space<vmem>>, vector<1x32xf32>
      tpu.vector_store %arg5[%swap3A_32, %swap3A_33], %broadcast_in_dim3A_21 {strides = array<i32>} : memref<1x32xf32, #tpu.memory_space<vmem>>, vector<1x32xf32>,
      %swap3A_35 = arith.constant 0 : index
      %swap3A_36 = arith.constant 0 : index
      %swap3A_37 = vector.load %arg6[%swap3A_35, %swap3A_36] : memref<1x32xf32, #tpu.memory_space<vmem>>, vector<1x32xf32>
      tpu.vector_store %arg6[%swap3A_35, %swap3A_36], %broadcast_in_dim3A_25 {strides = array<i32>} : memref<1x32xf32, #tpu.memory_space<vmem>>, vector<1x32xf32>,
    } else {
    }
    %gt3A = arith.constant 0 : i32
    %gt3A_28 = arith.cmpi sgt, %arg0, %gt3A : i32
    %convert_element_type3A_29 = arith.extui %gt3A_28 : i1 to i32
    %cond3A_30 = arith.constant 0 : i32
    %cond3A_31 = arith.cmpi ne, %convert_element_type3A_29, %cond3A_30 : i32
    scf.if %cond3A_31 {
      %get3A_32 = arith.constant 0 : index
      %get3A_33 = arith.constant 0 : index
      %get3A_34 = vector.load %arg5[%get3A_32, %get3A_33] : memref<1x32xf32, #tpu.memory_space<vmem>>, vector<1x32xf32>
      %add3A_35 = arith.addf %get3A_34, %broadcast_in_dim3A_21 : vector<1x32xf32>
      %swap3A_36 = arith.constant 0 : index
      %swap3A_37 = arith.constant 0 : index
      %swap3A_38 = vector.load %arg5[%swap3A_36, %swap3A_37] : memref<1x32xf32, #tpu.memory_space<vmem>>, vector<1x32xf32>
      tpu.vector_store %arg5[%swap3A_36, %swap3A_37], %add3A_35 {strides = array<i32>} : memref<1x32xf32, #tpu.memory_space<vmem>>, vector<1x32xf32>,
      %get3A_39 = arith.constant 0 : index
      %get3A_40 = arith.constant 0 : index
      %get3A_41 = vector.load %arg6[%get3A_39, %get3A_40] : memref<1x32xf32, #tpu.memory_space<vmem>>, vector<1x32xf32>
      %add3A_42 = arith.addf %get3A_41, %broadcast_in_dim3A_25 : vector<1x32xf32>
      %swap3A_43 = arith.constant 0 : index
      %swap3A_44 = arith.constant 0 : index
      %swap3A_45 = vector.load %arg6[%swap3A_43, %swap3A_44] : memref<1x32xf32, #tpu.memory_space<vmem>>, vector<1x32xf32>
      tpu.vector_store %arg6[%swap3A_43, %swap3A_44], %add3A_42 {strides = array<i32>} : memref<1x32xf32, #tpu.memory_space<vmem>>, vector<1x32xf32>,
    } else {
    }
    return
  }
  func.func @transform_0(%arg0: i32) -> (i32, i32) {
    %c0_i32 = arith.constant 0 : i32
    %c0_i32_0 = arith.constant 0 : i32
    return %arg0, %c0_i32 : i32, i32
  }
  func.func @transform_1(%arg0: i32) -> (i32, i32) {
    %c0_i32 = arith.constant 0 : i32
    %c0_i32_0 = arith.constant 0 : i32
    return %arg0, %c0_i32 : i32, i32
  }
  func.func @transform_2(%arg0: i32) -> (i32, i32) {
    %c0_i32 = arith.constant 0 : i32
    %c0_i32_0 = arith.constant 0 : i32
    %c0_i32_1 = arith.constant 0 : i32
    return %c0_i32, %c0_i32_0 : i32, i32
  }
  func.func @transform_3(%arg0: i32) -> (i32, i32) {
    %c0_i32 = arith.constant 0 : i32
    %c0_i32_0 = arith.constant 0 : i32
    return %arg0, %c0_i32 : i32, i32
  }
  func.func @transform_4(%arg0: i32) -> (i32, i32) {
    %c0_i32 = arith.constant 0 : i32
    %c0_i32_0 = arith.constant 0 : i32
    %c0_i32_1 = arith.constant 0 : i32
    return %c0_i32, %c0_i32_0 : i32, i32
  }
  func.func @transform_5(%arg0: i32) -> (i32, i32) {
    %c0_i32 = arith.constant 0 : i32
    %c0_i32_0 = arith.constant 0 : i32
    %c0_i32_1 = arith.constant 0 : i32
    return %c0_i32, %c0_i32_0 : i32, i32
  }
}

module attributes {stable_mosaic.version = 14 : i64} {
  func.func @_p2b_body(%arg0: i32, %arg1: memref<2048x32xf32, #tpu.memory_space<vmem>>, %arg2: memref<1x32xf32, #tpu.memory_space<vmem>>, %arg3: memref<1x32xf32, #tpu.memory_space<vmem>>, %arg4: memref<1x32xf32, #tpu.memory_space<vmem>>, %arg5: memref<1x32xf32, #tpu.memory_space<vmem>>, %arg6: memref<32x32xf32, #tpu.memory_space<vmem>>, %arg7: memref<2048x1xf32, #tpu.memory_space<vmem>>, %arg8: memref<2048x32xf32, #tpu.memory_space<vmem>>) attributes {dimension_semantics = [#tpu.dimension_semantics<arbitrary>], iteration_bounds = array<i64: 49>, scalar_prefetch = 0 : i64, scratch_operands = 0 : i64, tpu.core_type = #tpu.core_type<tc>, window_params = [{transform_indices = @transform_0, window_bounds = array<i64: 2048, 32>}, {pipeline_mode = #tpu.pipeline_mode<synchronous>, transform_indices = @transform_1, window_bounds = array<i64: 1, 32>}, {pipeline_mode = #tpu.pipeline_mode<synchronous>, transform_indices = @transform_2, window_bounds = array<i64: 1, 32>}, {pipeline_mode = #tpu.pipeline_mode<synchronous>, transform_indices = @transform_3, window_bounds = array<i64: 1, 32>}, {pipeline_mode = #tpu.pipeline_mode<synchronous>, transform_indices = @transform_4, window_bounds = array<i64: 1, 32>}, {pipeline_mode = #tpu.pipeline_mode<synchronous>, transform_indices = @transform_5, window_bounds = array<i64: 32, 32>}, {transform_indices = @transform_6, window_bounds = array<i64: 2048, 1>}, {transform_indices = @transform_7, window_bounds = array<i64: 2048, 32>}]} {
    %get3A = arith.constant 0 : index
    %get3A_0 = arith.constant 0 : index
    %get3A_1 = vector.load %arg1[%get3A, %get3A_0] : memref<2048x32xf32, #tpu.memory_space<vmem>>, vector<2048x32xf32>
    %get3A_2 = arith.constant 0 : index
    %get3A_3 = arith.constant 0 : index
    %get3A_4 = vector.load %arg2[%get3A_2, %get3A_3] : memref<1x32xf32, #tpu.memory_space<vmem>>, vector<1x32xf32>
    %get3A_5 = arith.constant 0 : index
    %get3A_6 = arith.constant 0 : index
    %get3A_7 = vector.load %arg3[%get3A_5, %get3A_6] : memref<1x32xf32, #tpu.memory_space<vmem>>, vector<1x32xf32>
    %get3A_8 = arith.constant 0 : index
    %get3A_9 = arith.constant 0 : index
    %get3A_10 = vector.load %arg4[%get3A_8, %get3A_9] : memref<1x32xf32, #tpu.memory_space<vmem>>, vector<1x32xf32>
    %get3A_11 = arith.constant 0 : index
    %get3A_12 = arith.constant 0 : index
    %get3A_13 = vector.load %arg5[%get3A_11, %get3A_12] : memref<1x32xf32, #tpu.memory_space<vmem>>, vector<1x32xf32>
    %div3A = arith.constant 1.000000e+05 : f32
    %div3A_14 = vector.broadcast %div3A : f32 to vector<1x32xf32>
    %div3A_15 = arith.divf %get3A_4, %div3A_14 : vector<1x32xf32>
    %div3A_16 = arith.constant 1.000000e+05 : f32
    %div3A_17 = vector.broadcast %div3A_16 : f32 to vector<1x32xf32>
    %div3A_18 = arith.divf %get3A_7, %div3A_17 : vector<1x32xf32>
    %mul3A = arith.mulf %div3A_15, %div3A_15 : vector<1x32xf32>
    %sub3A = arith.subf %div3A_18, %mul3A : vector<1x32xf32>
    %add3A = arith.constant 9.99999974E-6 : f32
    %add3A_19 = vector.broadcast %add3A : f32 to vector<1x32xf32>
    %add3A_20 = arith.addf %sub3A, %add3A_19 : vector<1x32xf32>
    %rsqrt3A = math.rsqrt %add3A_20 : vector<1x32xf32>
    %mul3A_21 = arith.mulf %get3A_10, %rsqrt3A : vector<1x32xf32>
    %mul3A_22 = vector.broadcast %mul3A_21 : vector<1x32xf32> to vector<2048x32xf32>
    %mul3A_23 = arith.mulf %get3A_1, %mul3A_22 : vector<2048x32xf32>
    %mul3A_24 = arith.mulf %div3A_15, %mul3A_21 : vector<1x32xf32>
    %sub3A_25 = arith.subf %get3A_13, %mul3A_24 : vector<1x32xf32>
    %add3A_26 = vector.broadcast %sub3A_25 : vector<1x32xf32> to vector<2048x32xf32>
    %add3A_27 = arith.addf %mul3A_23, %add3A_26 : vector<2048x32xf32>
    %max3A = arith.constant 0.000000e+00 : f32
    %max3A_28 = vector.broadcast %max3A : f32 to vector<2048x32xf32>
    %max3A_29 = arith.maximumf %add3A_27, %max3A_28 : vector<2048x32xf32>
    %get3A_30 = arith.constant 0 : index
    %get3A_31 = arith.constant 0 : index
    %get3A_32 = vector.load %arg6[%get3A_30, %get3A_31] : memref<32x32xf32, #tpu.memory_space<vmem>>, vector<32x32xf32>
    %dot_general3A = arith.constant dense<0.000000e+00> : vector<2048x32xf32>
    %dot_general3A_33 = tpu.matmul %max3A_29, %get3A_32, %dot_general3A {dimension_numbers = #tpu.dot_dimension_numbers<[1], [0], [0], [1], [0, 0, 1, 1], [], []>, transpose_lhs_hint = false} : vector<2048x32xf32>, vector<32x32xf32>, vector<2048x32xf32> -> vector<2048x32xf32>
    %get3A_34 = arith.constant 0 : index
    %get3A_35 = arith.constant 0 : index
    %get3A_36 = vector.load %arg7[%get3A_34, %get3A_35] : memref<2048x1xf32, #tpu.memory_space<vmem>>, vector<2048x1xf32>
    %mul3A_37 = vector.broadcast %get3A_36 : vector<2048x1xf32> to vector<2048x32xf32>
    %mul3A_38 = arith.mulf %dot_general3A_33, %mul3A_37 : vector<2048x32xf32>
    %swap3A = arith.constant 0 : index
    %swap3A_39 = arith.constant 0 : index
    %swap3A_40 = vector.load %arg8[%swap3A, %swap3A_39] : memref<2048x32xf32, #tpu.memory_space<vmem>>, vector<2048x32xf32>
    tpu.vector_store %arg8[%swap3A, %swap3A_39], %mul3A_38 {strides = array<i32>} : memref<2048x32xf32, #tpu.memory_space<vmem>>, vector<2048x32xf32>,
    return
  }
  func.func @transform_0(%arg0: i32) -> (i32, i32) {
    %c0_i32 = arith.constant 0 : i32
    %c0_i32_0 = arith.constant 0 : i32
    return %arg0, %c0_i32 : i32, i32
  }
  func.func @transform_1(%arg0: i32) -> (i32, i32) {
    %c0_i32 = arith.constant 0 : i32
    %c0_i32_0 = arith.constant 0 : i32
    %c0_i32_1 = arith.constant 0 : i32
    return %c0_i32, %c0_i32_0 : i32, i32
  }
  func.func @transform_2(%arg0: i32) -> (i32, i32) {
    %c0_i32 = arith.constant 0 : i32
    %c0_i32_0 = arith.constant 0 : i32
    %c0_i32_1 = arith.constant 0 : i32
    return %c0_i32, %c0_i32_0 : i32, i32
  }
  func.func @transform_3(%arg0: i32) -> (i32, i32) {
    %c0_i32 = arith.constant 0 : i32
    %c0_i32_0 = arith.constant 0 : i32
    %c0_i32_1 = arith.constant 0 : i32
    return %c0_i32, %c0_i32_0 : i32, i32
  }
  func.func @transform_4(%arg0: i32) -> (i32, i32) {
    %c0_i32 = arith.constant 0 : i32
    %c0_i32_0 = arith.constant 0 : i32
    %c0_i32_1 = arith.constant 0 : i32
    return %c0_i32, %c0_i32_0 : i32, i32
  }
  func.func @transform_5(%arg0: i32) -> (i32, i32) {
    %c0_i32 = arith.constant 0 : i32
    %c0_i32_0 = arith.constant 0 : i32
    %c0_i32_1 = arith.constant 0 : i32
    return %c0_i32, %c0_i32_0 : i32, i32
  }
  func.func @transform_6(%arg0: i32) -> (i32, i32) {
    %c0_i32 = arith.constant 0 : i32
    %c0_i32_0 = arith.constant 0 : i32
    return %arg0, %c0_i32 : i32, i32
  }
  func.func @transform_7(%arg0: i32) -> (i32, i32) {
    %c0_i32 = arith.constant 0 : i32
    %c0_i32_0 = arith.constant 0 : i32
    return %arg0, %c0_i32 : i32, i32
  }
}

module attributes {stable_mosaic.version = 14 : i64} {
  func.func @_p3_body(%arg0: i32, %arg1: memref<2048x32xf32, #tpu.memory_space<vmem>>, %arg2: memref<1x32xf32, #tpu.memory_space<vmem>>, %arg3: memref<1x32xf32, #tpu.memory_space<vmem>>, %arg4: memref<1x32xf32, #tpu.memory_space<vmem>>, %arg5: memref<1x32xf32, #tpu.memory_space<vmem>>, %arg6: memref<32x16xf32, #tpu.memory_space<vmem>>, %arg7: memref<1x16xf32, #tpu.memory_space<vmem>>, %arg8: memref<16x8xf32, #tpu.memory_space<vmem>>, %arg9: memref<1x8xf32, #tpu.memory_space<vmem>>, %arg10: memref<2048x1xf32, #tpu.memory_space<vmem>>) attributes {dimension_semantics = [#tpu.dimension_semantics<arbitrary>], iteration_bounds = array<i64: 49>, scalar_prefetch = 0 : i64, scratch_operands = 0 : i64, tpu.core_type = #tpu.core_type<tc>, window_params = [{transform_indices = @transform_0, window_bounds = array<i64: 2048, 32>}, {pipeline_mode = #tpu.pipeline_mode<synchronous>, transform_indices = @transform_1, window_bounds = array<i64: 1, 32>}, {pipeline_mode = #tpu.pipeline_mode<synchronous>, transform_indices = @transform_2, window_bounds = array<i64: 1, 32>}, {pipeline_mode = #tpu.pipeline_mode<synchronous>, transform_indices = @transform_3, window_bounds = array<i64: 1, 32>}, {pipeline_mode = #tpu.pipeline_mode<synchronous>, transform_indices = @transform_4, window_bounds = array<i64: 1, 32>}, {pipeline_mode = #tpu.pipeline_mode<synchronous>, transform_indices = @transform_5, window_bounds = array<i64: 32, 16>}, {pipeline_mode = #tpu.pipeline_mode<synchronous>, transform_indices = @transform_6, window_bounds = array<i64: 1, 16>}, {pipeline_mode = #tpu.pipeline_mode<synchronous>, transform_indices = @transform_7, window_bounds = array<i64: 16, 8>}, {pipeline_mode = #tpu.pipeline_mode<synchronous>, transform_indices = @transform_8, window_bounds = array<i64: 1, 8>}, {transform_indices = @transform_9, window_bounds = array<i64: 2048, 1>}]} {
    %get3A = arith.constant 0 : index
    %get3A_0 = arith.constant 0 : index
    %get3A_1 = vector.load %arg1[%get3A, %get3A_0] : memref<2048x32xf32, #tpu.memory_space<vmem>>, vector<2048x32xf32>
    %get3A_2 = arith.constant 0 : index
    %get3A_3 = arith.constant 0 : index
    %get3A_4 = vector.load %arg2[%get3A_2, %get3A_3] : memref<1x32xf32, #tpu.memory_space<vmem>>, vector<1x32xf32>
    %get3A_5 = arith.constant 0 : index
    %get3A_6 = arith.constant 0 : index
    %get3A_7 = vector.load %arg3[%get3A_5, %get3A_6] : memref<1x32xf32, #tpu.memory_space<vmem>>, vector<1x32xf32>
    %get3A_8 = arith.constant 0 : index
    %get3A_9 = arith.constant 0 : index
    %get3A_10 = vector.load %arg4[%get3A_8, %get3A_9] : memref<1x32xf32, #tpu.memory_space<vmem>>, vector<1x32xf32>
    %get3A_11 = arith.constant 0 : index
    %get3A_12 = arith.constant 0 : index
    %get3A_13 = vector.load %arg5[%get3A_11, %get3A_12] : memref<1x32xf32, #tpu.memory_space<vmem>>, vector<1x32xf32>
    %div3A = arith.constant 1.000000e+05 : f32
    %div3A_14 = vector.broadcast %div3A : f32 to vector<1x32xf32>
    %div3A_15 = arith.divf %get3A_4, %div3A_14 : vector<1x32xf32>
    %div3A_16 = arith.constant 1.000000e+05 : f32
    %div3A_17 = vector.broadcast %div3A_16 : f32 to vector<1x32xf32>
    %div3A_18 = arith.divf %get3A_7, %div3A_17 : vector<1x32xf32>
    %mul3A = arith.mulf %div3A_15, %div3A_15 : vector<1x32xf32>
    %sub3A = arith.subf %div3A_18, %mul3A : vector<1x32xf32>
    %add3A = arith.constant 9.99999974E-6 : f32
    %add3A_19 = vector.broadcast %add3A : f32 to vector<1x32xf32>
    %add3A_20 = arith.addf %sub3A, %add3A_19 : vector<1x32xf32>
    %rsqrt3A = math.rsqrt %add3A_20 : vector<1x32xf32>
    %mul3A_21 = arith.mulf %get3A_10, %rsqrt3A : vector<1x32xf32>
    %mul3A_22 = vector.broadcast %mul3A_21 : vector<1x32xf32> to vector<2048x32xf32>
    %mul3A_23 = arith.mulf %get3A_1, %mul3A_22 : vector<2048x32xf32>
    %mul3A_24 = arith.mulf %div3A_15, %mul3A_21 : vector<1x32xf32>
    %sub3A_25 = arith.subf %get3A_13, %mul3A_24 : vector<1x32xf32>
    %add3A_26 = vector.broadcast %sub3A_25 : vector<1x32xf32> to vector<2048x32xf32>
    %add3A_27 = arith.addf %mul3A_23, %add3A_26 : vector<2048x32xf32>
    %max3A = arith.constant 0.000000e+00 : f32
    %max3A_28 = vector.broadcast %max3A : f32 to vector<2048x32xf32>
    %max3A_29 = arith.maximumf %add3A_27, %max3A_28 : vector<2048x32xf32>
    %get3A_30 = arith.constant 0 : index
    %get3A_31 = arith.constant 0 : index
    %get3A_32 = vector.load %arg6[%get3A_30, %get3A_31] : memref<32x16xf32, #tpu.memory_space<vmem>>, vector<32x16xf32>
    %dot_general3A = arith.constant dense<0.000000e+00> : vector<2048x16xf32>
    %dot_general3A_33 = tpu.matmul %max3A_29, %get3A_32, %dot_general3A {dimension_numbers = #tpu.dot_dimension_numbers<[1], [0], [0], [1], [0, 0, 1, 1], [], []>, transpose_lhs_hint = false} : vector<2048x32xf32>, vector<32x16xf32>, vector<2048x16xf32> -> vector<2048x16xf32>
    %get3A_34 = arith.constant 0 : index
    %get3A_35 = arith.constant 0 : index
    %get3A_36 = vector.load %arg7[%get3A_34, %get3A_35] : memref<1x16xf32, #tpu.memory_space<vmem>>, vector<1x16xf32>
    %add3A_37 = vector.broadcast %get3A_36 : vector<1x16xf32> to vector<2048x16xf32>
    %add3A_38 = arith.addf %dot_general3A_33, %add3A_37 : vector<2048x16xf32>
    %max3A_39 = arith.constant 0.000000e+00 : f32
    %max3A_40 = vector.broadcast %max3A_39 : f32 to vector<2048x16xf32>
    %max3A_41 = arith.maximumf %add3A_38, %max3A_40 : vector<2048x16xf32>
    %get3A_42 = arith.constant 0 : index
    %get3A_43 = arith.constant 0 : index
    %get3A_44 = vector.load %arg8[%get3A_42, %get3A_43] : memref<16x8xf32, #tpu.memory_space<vmem>>, vector<16x8xf32>
    %dot_general3A_45 = arith.constant dense<0.000000e+00> : vector<2048x8xf32>
    %dot_general3A_46 = tpu.matmul %max3A_41, %get3A_44, %dot_general3A_45 {dimension_numbers = #tpu.dot_dimension_numbers<[1], [0], [0], [1], [0, 0, 1, 1], [], []>, transpose_lhs_hint = false} : vector<2048x16xf32>, vector<16x8xf32>, vector<2048x8xf32> -> vector<2048x8xf32>
    %get3A_47 = arith.constant 0 : index
    %get3A_48 = arith.constant 0 : index
    %get3A_49 = vector.load %arg9[%get3A_47, %get3A_48] : memref<1x8xf32, #tpu.memory_space<vmem>>, vector<1x8xf32>
    %add3A_50 = vector.broadcast %get3A_49 : vector<1x8xf32> to vector<2048x8xf32>
    %add3A_51 = arith.addf %dot_general3A_46, %add3A_50 : vector<2048x8xf32>
    %slice3A = vector.extract_strided_slice %add3A_51 {offsets = [0, 0], sizes = [2048, 1], strides = [1, 1]} : vector<2048x8xf32> to vector<2048x1xf32>
    %logistic3A = arith.negf %slice3A : vector<2048x1xf32>
    %logistic3A_52 = math.exp %logistic3A : vector<2048x1xf32>
    %logistic3A_53 = arith.constant 1.000000e+00 : f32
    %logistic3A_54 = vector.broadcast %logistic3A_53 : f32 to vector<2048x1xf32>
    %logistic3A_55 = arith.addf %logistic3A_54, %logistic3A_52 : vector<2048x1xf32>
    %logistic3A_56 = arith.divf %logistic3A_54, %logistic3A_55 : vector<2048x1xf32>
    %swap3A = arith.constant 0 : index
    %swap3A_57 = arith.constant 0 : index
    %swap3A_58 = vector.load %arg10[%swap3A, %swap3A_57] : memref<2048x1xf32, #tpu.memory_space<vmem>>, vector<2048x1xf32>
    tpu.vector_store %arg10[%swap3A, %swap3A_57], %logistic3A_56 {strides = array<i32>} : memref<2048x1xf32, #tpu.memory_space<vmem>>, vector<2048x1xf32>,
    return
  }
  func.func @transform_0(%arg0: i32) -> (i32, i32) {
    %c0_i32 = arith.constant 0 : i32
    %c0_i32_0 = arith.constant 0 : i32
    return %arg0, %c0_i32 : i32, i32
  }
  func.func @transform_1(%arg0: i32) -> (i32, i32) {
    %c0_i32 = arith.constant 0 : i32
    %c0_i32_0 = arith.constant 0 : i32
    %c0_i32_1 = arith.constant 0 : i32
    return %c0_i32, %c0_i32_0 : i32, i32
  }
  func.func @transform_2(%arg0: i32) -> (i32, i32) {
    %c0_i32 = arith.constant 0 : i32
    %c0_i32_0 = arith.constant 0 : i32
    %c0_i32_1 = arith.constant 0 : i32
    return %c0_i32, %c0_i32_0 : i32, i32
  }
  func.func @transform_3(%arg0: i32) -> (i32, i32) {
    %c0_i32 = arith.constant 0 : i32
    %c0_i32_0 = arith.constant 0 : i32
    %c0_i32_1 = arith.constant 0 : i32
    return %c0_i32, %c0_i32_0 : i32, i32
  }
  func.func @transform_4(%arg0: i32) -> (i32, i32) {
    %c0_i32 = arith.constant 0 : i32
    %c0_i32_0 = arith.constant 0 : i32
    %c0_i32_1 = arith.constant 0 : i32
    return %c0_i32, %c0_i32_0 : i32, i32
  }
  func.func @transform_5(%arg0: i32) -> (i32, i32) {
    %c0_i32 = arith.constant 0 : i32
    %c0_i32_0 = arith.constant 0 : i32
    %c0_i32_1 = arith.constant 0 : i32
    return %c0_i32, %c0_i32_0 : i32, i32
  }
  func.func @transform_6(%arg0: i32) -> (i32, i32) {
    %c0_i32 = arith.constant 0 : i32
    %c0_i32_0 = arith.constant 0 : i32
    %c0_i32_1 = arith.constant 0 : i32
    return %c0_i32, %c0_i32_0 : i32, i32
  }
  func.func @transform_7(%arg0: i32) -> (i32, i32) {
    %c0_i32 = arith.constant 0 : i32
    %c0_i32_0 = arith.constant 0 : i32
    %c0_i32_1 = arith.constant 0 : i32
    return %c0_i32, %c0_i32_0 : i32, i32
  }
  func.func @transform_8(%arg0: i32) -> (i32, i32) {
    %c0_i32 = arith.constant 0 : i32
    %c0_i32_0 = arith.constant 0 : i32
    %c0_i32_1 = arith.constant 0 : i32
    return %c0_i32, %c0_i32_0 : i32, i32
  }
  func.func @transform_9(%arg0: i32) -> (i32, i32) {
    %c0_i32 = arith.constant 0 : i32
    %c0_i32_0 = arith.constant 0 : i32
    return %arg0, %c0_i32 : i32, i32
  }
}

</mosaic_0001>

<sc_bundles>
// kernel: kernel.11.cloned.1.call-start
scs
__scs_entry_jumppad:
0x0: {  	(pc) =	sbr.rel $0x88, $3  }
0x1: {  	(tag) =	ssettag $0x0;
	lr =	simm.s32 $0x1  }
0x2: {  	[smem:$0x3F92] =	sst lr;
	_ =	strace $0xD0000000  }
0x3: {  	_ = 	snop  }
0x4: {  	_ = 	snop  }
0x5: {  	_ = 	snop  }
0x6: {  	_ = 	snop  }
0x7: {  	_ = 	snop  }
__scs_overlays_trampoline_lowered:
0x8: {  	[smem:$0x3FA1] =	sst s0  }
0x9: {  	[smem:$0x3FA2] =	sst s1  }
0xa: {  	[smem:$0x3FA3] =	sst s2  }
0xb: {  	[smem:$0x3FA4] =	sst s3  }
0xc: {  	[smem:$0x3FA5] =	sst s4  }
0xd: {  	[smem:$0x3FA6] =	sst s5  }
0xe: {  	[smem:$0x3FA7] =	sst s6  }
0xf: {  	[smem:$0x3FA8] =	sst s7  }
0x10: {  	[smem:$0x3FA9] =	sst s8  }
0x11: {  	[smem:$0x3FAA] =	sst s9;
	s0 =	simm.s32 @!p0 $0x0  }
0x12: {  	s1 =	sld [smem:$0x3F90];
	s0 =	simm.s32 @p0 $0x1  }
0x13: {  	[smem:$0x3FAB] =	sst s0;
	s0 =	simm.s32 @!p1 $0x0  }
0x14: {  	s2 =	sld [smem:$0x3F8F];
	s0 =	simm.s32 @p1 $0x1  }
0x15: {  	[smem:$0x3FAC] =	sst s0;
	s0 =	simm.s32 @!p2 $0x0  }
0x16: {  	s3 =	sld [smem:$0x3FDB];
	s0 =	simm.s32 @p2 $0x1  }
0x17: {  	s4 =	simm.s32 $0x1BF5;
	[smem:$0x3FAE] =	sst s0  }
0x18: {  	s0 =	sld [smem:$0x3F91];
	_ =	swait.ge [sflag:s4], $0x0  }
0x19: {  	s7 =	sld [smem:$0x3F92]  }
0x1a: {  	s8 =	sadd.s32 $0xFFFFE003, lr  }
0x1b: {  	s9 =	sadd.s32 $0xFFFFFEF7, lr;
	s5 =	simm.s32 $0xFFFFFFFF;
	p2 =	slt.u32 s8, $0xFFFFF086  }
0x1c: {  	p1 =	slt.u32 s9, $0xF7A;
	s5 =	simm.s32 @!p2 $0x0  }
0x1d: {  	s5 =	simm.s32 @p1 $0x1;
	p0 =	seq.s32 s7, s2  }
0x1e: {  	s7 =	smul.u32 @!p0 $0xF7A, s2;
	p2 =	seq.s32 @!p0 s5, $0x0  }
0x1f: {  	s9 =	smul.u32 $0xF7A, s1;
	s8 =	simm.s32 @!p0 $0x1BF5;
	p2 =	por !p2, p0  }
0x20: {  	[sflag:s8] =	ssyncset.s32 @!p0 $0xFFFFF086;
	s6 =	sadd.s32 @!p0 s3, s7;
	s7 =	simm.s32 @!p0 $0x108  }
0x21: {  	s3 =	sadd.s32 s3, s9;
	s6 =	sadd.s32 @!p0 $0x88, s6;
	s7 =	simm.s32 @p2 $0x1082  }
0x22: {  	[simem:s7], [sflag:s8] =	dma.local @!p0 [hbm:s6], $0xF7A  }
0x23: {  	s9 =	sor.u32 $0xD0000000, s2;
	s6 =	simm.s32 $0x108;
	_ =	swait.ge @!p0 [sflag:s8], $0x0  }
0x24: {  	s3 =	sadd.s32 $0x88, s3;
	s6 =	simm.s32 @!p1 $0x1082;
	[sflag:s4] =	ssyncset.s32 $0xFFFFF086  }
0x25: {  	[simem:s6], [sflag:s4] =	dma.local [hbm:s3], $0xF7A  }
0x26: {  	[smem:$0x3F92] =	sst s1;
	(tag) =	ssettag s2;
	_ =	strace s9  }
0x27: {  	s1 =	sld [smem:$0x3FA2]  }
0x28: {  	s2 =	sld [smem:$0x3FA3]  }
0x29: {  	s4 =	sld [smem:$0x3FA5]  }
0x2a: {  	p0 =	seq.s32 s5, $0x0;
	s5 =	sld [smem:$0x3FA6]  }
0x2b: {  	s6 =	sld [smem:$0x3FA7]  }
0x2c: {  	s7 =	sld [smem:$0x3FA8]  }
0x2d: {  	s3 =	simm.s32 $0x108;
	s8 =	sld [smem:$0x3FA9]  }
0x2e: {  	s3 =	simm.s32 @!p0 $0x1082;
	s9 =	sld [smem:$0x3FAA]  }
0x2f: {  	lr =	sadd.s32 s0, s3;
	s0 =	sld [smem:$0x3FA1]  }
0x30: {  	s3 =	sld [smem:$0x3FA4]  }
0x31: {  	[smem:$0x3FAD] =	sst s10  }
0x32: {  	s10 =	sld [smem:$0x3FAB];
	_ =	sdelay $0x3  }
0x33: {  	p0 =	seq.s32 s10, $0x1;
	s10 =	sld [smem:$0x3FAD];
	_ =	sdelay $0x3  }
0x34: {  	[smem:$0x3FAD] =	sst s10  }
0x35: {  	s10 =	sld [smem:$0x3FAC];
	_ =	sdelay $0x3  }
0x36: {  	p1 =	seq.s32 s10, $0x1;
	s10 =	sld [smem:$0x3FAD];
	_ =	sdelay $0x3  }
0x37: {  	[smem:$0x3FAD] =	sst s10  }
0x38: {  	s10 =	sld [smem:$0x3FAE]  }
0x39: {  	_ = 	snop;
	(pc) =	sbr.ind lr, $3  }
0x3a: {  	_ = 	snop  }
0x3b: {  	_ = 	snop  }
0x3c: {  	p2 =	seq.s32 s10, $0x1;
	s10 =	sld [smem:$0x3FAD]  }
0x3d: {  	_ =	shalt  }
0x3e: {  	_ =	shalt  }
0x3f: {  	_ =	shalt  }
0x40: {  	_ =	shalt  }
0x41: {  	_ =	shalt  }
0x42: {  	_ =	shalt  }
0x43: {  	_ =	shalt  }
0x44: {  	_ =	shalt  }
0x45: {  	_ =	shalt  }
0x46: {  	_ =	shalt  }
0x47: {  	_ =	shalt  }
0x48: {  	_ =	shalt  }
0x49: {  	_ =	shalt  }
0x4a: {  	_ =	shalt  }
0x4b: {  	_ =	shalt  }
0x4c: {  	_ =	shalt  }
0x4d: {  	_ =	shalt  }
0x4e: {  	_ =	shalt  }
0x4f: {  	_ =	shalt  }
0x50: {  	_ =	shalt  }
0x51: {  	_ =	shalt  }
0x52: {  	_ =	shalt  }
0x53: {  	_ =	shalt  }
0x54: {  	_ =	shalt  }
0x55: {  	_ =	shalt  }
0x56: {  	_ =	shalt  }
0x57: {  	_ =	shalt  }
0x58: {  	_ =	shalt  }
0x59: {  	_ =	shalt  }
0x5a: {  	_ =	shalt  }
0x5b: {  	_ =	shalt  }
0x5c: {  	_ =	shalt  }
0x5d: {  	_ =	shalt  }
0x5e: {  	_ =	shalt  }
0x5f: {  	_ =	shalt  }
0x60: {  	_ =	shalt  }
0x61: {  	_ =	shalt  }
0x62: {  	_ =	shalt  }
0x63: {  	_ =	shalt  }
0x64: {  	_ =	shalt  }
0x65: {  	_ =	shalt  }
0x66: {  	_ =	shalt  }
0x67: {  	_ =	shalt  }
0x68: {  	_ =	shalt  }
0x69: {  	_ =	shalt  }
0x6a: {  	_ =	shalt  }
0x6b: {  	_ =	shalt  }
0x6c: {  	_ =	shalt  }
0x6d: {  	_ =	shalt  }
0x6e: {  	_ =	shalt  }
0x6f: {  	_ =	shalt  }
0x70: {  	_ =	shalt  }
0x71: {  	_ =	shalt  }
0x72: {  	_ =	shalt  }
0x73: {  	_ =	shalt  }
0x74: {  	_ =	shalt  }
0x75: {  	_ =	shalt  }
0x76: {  	_ =	shalt  }
0x77: {  	_ =	shalt  }
0x78: {  	_ =	shalt  }
0x79: {  	_ =	shalt  }
0x7a: {  	_ =	shalt  }
0x7b: {  	_ =	shalt  }
0x7c: {  	_ =	shalt  }
0x7d: {  	_ =	shalt  }
0x7e: {  	_ =	shalt  }
0x7f: {  	_ =	shalt  }
0x80: {  	_ =	shalt  }
0x81: {  	_ =	shalt  }
0x82: {  	_ =	shalt  }
0x83: {  	_ =	shalt  }
0x84: {  	_ =	shalt  }
0x85: {  	_ =	shalt  }
0x86: {  	_ =	shalt  }
0x87: {  	_ =	shalt  }
.Lfunc_end0:
.L_simem_size_0:
called_computation_lowered:
.L_overlay_start_0:
0x88: {  	s2 =	sld [smem:$0x3FD9]  }
0x89: {  	s3 =	sld [smem:$0x3FFE];
	_ =	sdelay $0x1  }
0x8a: {  	s1 =	srdreg.scid  }
0x8b: {  	s0 =	sand.u32 $0x1, s1  }
0x8c: {  	s16 =	sshll.u32 s0, $0xA;
	s2 =	sadd.s32 s3, s2  }
0x8d: {  	s2 =	sadd.s32 s2, s16  }
0x8e: {  	[smem:$0x3FB9] =	sst s2  }
0x8f: {  	_ = 	snop  }
0x90: {  	(tm) =	ssettm $0x1  }
0x91: {  	s17 =	sld [smem:$0x3FFB];
	_ =	sdelay $0x3  }
0x92: {  	_ =	strace s17  }
0x93: {  	s2 =	sld [smem:$0x3FFC];
	_ =	sdelay $0x3  }
0x94: {  	_ =	strace s2  }
0x95: {  	s2 =	sld [smem:$0x3FFD];
	_ =	sdelay $0x3  }
0x96: {  	_ =	strace s2  }
0x97: {  	_ =	strace $0x8FFFFFFF  }
0x98: {  	s18 =	sld [smem:$0x3FDB];
	_ =	sdelay $0x1  }
0x99: {  	s19 =	simm.s32 $_scs_section_size  }
0x9a: {  	s4 =	simm.s32 $_size__tile_overlayer_lowered;
	s5 =	simm.s32 $_tile_overlayer_lowered  }
0x9b: {  	s22 =	simm.s32 $0x1BFF;
	s21 =	sshll.u32 s5, $0x1;
	s2 =	sadd.s32 s19, s18  }
0x9c: {  	s6 =	simm.s32 $0x0;
	s20 =	sshll.u32 s4, $0x1;
	s4 =	sadd.s32 s21, s2  }
0x9d: {  	[timem:s6], [sflag:s22] =	dma.local [hbm:s4], s20  }
0x9e: {  	_ =	swait.ge [sflag:s22], s20  }
0x9f: {  	s3 =	ssub.s32 $0x0, s20;
	[sflag:s22] =	ssyncset.done $0x0  }
0xa0: {  	[sflag:s22] =	ssyncadd.s32 s3;
	_ =	sdelay $0x1  }
0xa1: {  	s23 =	simm.s32 $0x1B8B  }
0xa2: {  	_ =	swait.ge [sflag:s23], $0x1  }
0xa3: {  	[sflag:s23] =	ssyncset.done $0x0  }
0xa4: {  	s25 =	simm.s32 $0x1B8E;
	s24 =	sld [smem:$0x3FFE];
	[sflag:s23] =	ssyncadd.s32 $0xFFFFFFFF  }
0xa5: {  	s26 =	simm.s32 $execute0_lowered;
	[smem:$0x3FD2] =	sst s25  }
0xa6: {  	s4 =	sshll.u32 s26, $0x1;
	_ =	strace $0x80000046;
	[dreg:$0x1] =	wrdreg $0xFFFFFFFF  }
0xa7: {  	s28 =	simm.s32 $_size_execute0_lowered;
	s2 =	sadd.s32 s2, s4;
	[dreg:$0x0] =	wrdreg $0x0  }
0xa8: {  	s4 =	sshll.u32 s28, $0x1;
	[dreg:$0x2] =	wrdreg s2  }
0xa9: {  	[dreg:$0x3] =	wrdreg s4  }
0xaa: {  	[dreg:$0x4] =	wrdreg $0xC0  }
0xab: {  	_ =	task [dreg:s6], $0x5FFFF  }
0xac: {  	[dreg:$0x1] =	wrdreg $0xFFFFFFFF  }
0xad: {  	[dreg:$0x0] =	wrdreg $0x60  }
0xae: {  	[dreg:$0x2] =	wrdreg s24  }
0xaf: {  	[dreg:$0x3] =	wrdreg $0x0  }
0xb0: {  	[dreg:$0x4] =	wrdreg $0x9  }
0xb1: {  	_ =	task.clear_ibuf [dreg:s6], $0x5FFFF;
	_ =	strace $0x90000046  }
0xb2: {  	s29 =	simm.s32 $0x9;
	_ =	strace $0x80000048  }
0xb3: {  	_ =	swait.ge [sflag:s29], $0x1  }
0xb4: {  	[sflag:s29] =	ssyncadd.s32 $0xFFFFFFFF  }
0xb5: {  	_ =	strace $0x90000048  }
0xb6: {  	_ =	sfence  }
0xb7: {  	s30 =	sld [smem:$0x0];
	_ =	sdelay $0x2  }
0xb8: {  	s31 =	sshll.u32 s1, $0xD;
	s1 =	sshrl.u32 s1, $0x2  }
0xb9: {  	s3 =	sand.u32 $0x4000, s31;
	s1 =	sadd.s32 s1, s30  }
0xba: {  	s0 =	sor.u32 s3, s0;
	s1 =	sshll.u32 s1, $0x11  }
0xbb: {  	s0 =	sor.u32 s1, s0  }
0xbc: {  	s0 =	sadd.s32 $0x8F2B, s0  }
0xbd: {  	[sflag:s0] =	ssyncadd.remote.s32 $0x1  }
0xbe: {  	_ =	sfence.sel $0xFFFF  }
0xbf: {  	[dreg:$0x0] =	wrdreg $0xFFFFFFFF;
	(pc) =	sbr.abs _section_cstart, $3  }
0xc0: {  	[dreg:$0x1] =	wrdreg $0xFFFFFFFF  }
0xc1: {  	_ =	task.clear_ibuf [dreg:s6], $0x2FFFF;
	_ =	strace $0x9FFFFFFF  }
0xc2: {  	(tm) =	ssettm $0x7FFFFFFF  }
0xc3: {  	_ =	shalt  }
tec
execute0_lowered:
.L_overlay_start_1:
0x0: {  	(tag) =	ssettag $0x1  }
0x1: {  	s15 =	stileid.u32  }
0x2: {  	s7 =	smul.u32 $0x1880, s15  }
0x3: {  	s17 =	smul.u32 $0x32000, s15  }
0x4: {  	s20 =	smul.u32 $0x1900, s15  }
0x5: {  	s0 =	srdreg.scid;
	s22 =	smul.u32 $0x6200, s15  }
0x6: {  	s0 =	sand.u32 $0x1, s0;
	s24 =	smul.u32 $0x31000, s15  }
0x7: {  	s8 =	smul.u32 $0x18800, s0  }
0x8: {  	s6 =	rddreg [dreg:$0x0];
	s19 =	smul.u32 $0x19000, s0  }
0x9: {  	s2 =	rddreg [dreg:$0x1];
	s1 =	sshll.u32 s15, $0x1;
	s21 =	smul.u32 $0xC80, s0  }
0xa: {  	s1 =	sor.u32 s0, s1;
	s11 =	ssub.s32 $0x2, s0;
	s0 =	smul.u32 $0x3100, s0  }
0xb: {  	s3 =	simm.s32 $0x0;
	s28 =	simm.s32 $0x1;
	s5 =	smul.u32 $0xC80, s1  }
0xc: {  	s29 =	simm.s32 $0x2;
	[smem:$0x7FF] =	sst s3;
	s12 =	smul.u32 $0x19000, s1  }
0xd: {  	s4 =	sadd.s32 $0x6FC00, s6;
	_ =	strace $0x80000047;
	s14 =	smul.u32 $0x18800, s1  }
0xe: {  	s13 =	sshrl.u32 s11, $0x1;
	s30 =	sadd.s32 s7, s2;
	s26 =	smul.u32 $0x3200, s1  }
0xf: {  	s1 =	smul.u32 $0x3100, s1;
	s9 =	sadd.s32 s7, s8;
	s11 =	ssub.s32 s11, s13  }
0x10: {  	s23 =	sadd.s32 s19, s17;
	s17 =	simm.s32 $0x3;
	[dreg:$0x4] =	wrdreg s30  }
0x11: {  	s5 =	sshrl.u32 s5, $0x3;
	s9 =	sshrl.u32 s9, $0x3;
	s31 =	sshrl.u32 s12, $0x3  }
0x12: {  	s16 =	sshrl.u32 s14, $0x3;
	s11 =	smax.u32 s11, $0x1;
	s1 =	sadd.s32 s4, s1  }
0x13: {  	s10 =	sadd.s32 s5, s6;
	s5 =	sadd.s32 $0x65E00, s6;
	s9 =	sadd.s32 s9, s6  }
0x14: {  	s6 =	sadd.s32 $0xD1C00, s6;
	s18 =	sadd.s32 s4, s16;
	[dreg:$0xb] =	wrdreg s11  }
0x15: {  	s1 =	sadd.s32 $0x100, s1;
	s11 =	simm.s32 $0x1880;
	[dreg:$0x8] =	wrdreg s18  }
0x16: {  	s10 =	sadd.s32 $0x4200, s10;
	s12 =	sadd.s32 s6, s31;
	[dreg:$0xd] =	wrdreg s1  }
0x17: {  	s9 =	sadd.s32 $0x7400, s9;
	s7 =	sadd.s32 s6, s26;
	[dreg:$0x10] =	wrdreg s6  }
0x18: {  	s1 =	sadd.s32 $0x2000, s23;
	s26 =	sadd.s32 s8, s24;
	[dreg:$0x5] =	wrdreg s10  }
0x19: {  	s23 =	simm.s32 $0x80;
	s8 =	simm.s32 $0x0;
	[dreg:$0x6] =	wrdreg s12  }
0x1a: {  	s13 =	sadd.s32 $0x3000, s12;
	[dreg:$0xa] =	wrdreg s9;
	s7 =	sadd.s32 $0x200, s7  }
0x1b: {  	s9 =	sadd.s32 s21, s20;
	[dreg:$0xe] =	wrdreg s1;
	s31 =	sadd.s32 $0x1000, s26  }
0x1c: {  	s21 =	simm.s32 $0x4;
	s10 =	simm.s32 $0x4580;
	[dreg:$0x7] =	wrdreg s13  }
0x1d: {  	s13 =	sadd.s32 $0x3000, s18;
	[dreg:$0xc] =	wrdreg s7;
	s7 =	sadd.s32 s22, s4  }
0x1e: {  	s25 =	sshll.u32 s9, $0x2;
	[dreg:$0xf] =	wrdreg s31;
	s0 =	sadd.s32 s0, s7  }
0x1f: {  	[dreg:$0x9] =	wrdreg s13;
	s1 =	sadd.s32 s6, s25;
	s0 =	sadd.s32 $0x300, s0  }
0x20: {  	s12 =	simm.s32 $0x2080;
	s9 =	sadd.s32 $0x600, s1;
	[dreg:$0x3] =	wrdreg s0  }
0x21: {  	v0 =	vimm.f32 $0.0e+00;
	v1 =	vimm.f32 $1.000000000e+00;
	s7 =	simm.s32 $0x3580;
	s1 =	simm.s32 $0x2880;
	[dreg:$0x11] =	wrdreg s9  }
.LBB2_1:
0x22: {  	[dreg:$0x12] =	wrdreg s8;
	s20 =	simm.s32 $0x40;
	s25 =	simm.s32 $0x0  }
.LBB2_2:
0x23: {  	p0 =	sne.s32 s20, $0x61C0;
	[tilespmem:s25+$0x5580] =	vst v0;
	s25 =	smov.u32 s20;
	s20 =	sadd.s32 $0x40, s20  }
.Ltmp0:
0x24: {  	(pc) =	sbr.rel @p0 .LBB2_2-.Ltmp0, $2  }
0x25: {  	_ =	sdelay $0x2  }
0x26: {  	s25 =	sshra.s32 s25, $0x2  }
0x27: {  	[tilespmem:s25+$0x5580] =	vst v0  }
0x28: {  	[tilespmem:$0x2880] =	vst v1  }
0x29: {  	[tilespmem:$0x2890] =	vst v1  }
0x2a: {  	[tilespmem:$0x28A0] =	vst v1  }
0x2b: {  	[tilespmem:$0x28B0] =	vst v1  }
0x2c: {  	[tilespmem:$0x28C0] =	vst v1  }
0x2d: {  	[tilespmem:$0x28D0] =	vst v1  }
0x2e: {  	[tilespmem:$0x28E0] =	vst v1  }
0x2f: {  	s0 =	simm.s32 $0x5580;
	[tilespmem:$0x28F0] =	vst v1  }
0x30: {  	[spmem:s30] =	stream.linear.scatter [tilespmem:s0], [sflag:$0x4], $0x1880, $0x38;
	[tilespmem:$0x6E00] =	vst v63  }
0x31: {  	_ =	swait.ge [sflag:s21], $0x1880  }
0x32: {  	[sflag:s21] =	ssyncset.done $0x0  }
0x33: {  	[sflag:s21] =	ssyncadd.s32 $0xFFFFE780  }
0x34: {  	[bflag:$0x0] =	sbarrier.arrive $0xFFFF  }
0x35: {  	s20 =	simm.s32 $0x0;
	s8 =	simm.s32 $0x2900;
	s15 =	rddreg [dreg:$0x5]  }
0x36: {  	[tilespmem:s8], [sflag:$0x4] =	stream.linear.gather [hbm4b:s15+s20], $0xC80, $0x38;
	[tilespmem:$0x6E00] =	vst v63  }
0x37: {  	_ =	swait.ge [sflag:s21], $0xC80  }
0x38: {  	[sflag:s21] =	ssyncset.done $0x0  }
0x39: {  	[sflag:s21] =	ssyncadd.s32 $0xFFFFF380  }
0x3a: {  	[tilespmem:s7], [sflag:$0x1] =	stream.indirect.gather [hbm4b:s5+s23], $0x20, s8, s23, $0xb8;
	[tilespmem:$0x6E00] =	vst v63  }
0x3b: {  	s16 =	simm.s32 $0x2980  }
0x3c: {  	[tilespmem:s10], [sflag:$0x1] =	stream.indirect.gather [hbm4b:s5+s23], $0x20, s16, s23, $0xb8;
	[tilespmem:$0x6E00] =	vst v63  }
0x3d: {  	_ =	swait.ge [sflag:s28], $0x1000  }
0x3e: {  	[sflag:s28] =	ssyncset.done $0x0  }
0x3f: {  	s18 =	rddreg [dreg:$0x6];
	[sflag:s28] =	ssyncadd.s32 $0xFFFFF000  }
0x40: {  	[hbm4b:s18+s20] =	stream.linear.scatter [tilespmem:s7], [sflag:$0x2], $0x1000, $0x38;
	[tilespmem:$0x6E00] =	vst v63  }
0x41: {  	_ =	swait.ge [sflag:s29], $0x1000  }
0x42: {  	[sflag:s29] =	ssyncset.done $0x0  }
0x43: {  	s19 =	simm.s32 $0x2A00;
	[sflag:s29] =	ssyncadd.s32 $0xFFFFF000  }
0x44: {  	[tilespmem:s7], [sflag:$0x1] =	stream.indirect.gather [hbm4b:s5+s23], $0x20, s19, s23, $0xb8;
	[tilespmem:$0x6E00] =	vst v63  }
0x45: {  	_ =	swait.ge [sflag:s28], $0x1000  }
0x46: {  	[sflag:s28] =	ssyncset.done $0x0  }
0x47: {  	s22 =	rddreg [dreg:$0xc];
	[sflag:s28] =	ssyncadd.s32 $0xFFFFF000  }
0x48: {  	[hbm4b:s22+s20] =	stream.linear.scatter [tilespmem:s10], [sflag:$0x2], $0x1000, $0x38;
	[tilespmem:$0x6E00] =	vst v63  }
0x49: {  	_ =	swait.ge [sflag:s29], $0x1000  }
0x4a: {  	[sflag:s29] =	ssyncset.done $0x0  }
0x4b: {  	s24 =	simm.s32 $0x2A80;
	[sflag:s29] =	ssyncadd.s32 $0xFFFFF000  }
0x4c: {  	[tilespmem:s10], [sflag:$0x1] =	stream.indirect.gather [hbm4b:s5+s23], $0x20, s24, s23, $0xb8;
	[tilespmem:$0x6E00] =	vst v63  }
0x4d: {  	_ =	swait.ge [sflag:s28], $0x1000  }
0x4e: {  	s25 =	rddreg [dreg:$0xe]  }
0x4f: {  	[sflag:s28] =	ssyncset.done $0x0;
	s26 =	sshrl.u32 s25, $0x3  }
0x50: {  	[sflag:s28] =	ssyncadd.s32 $0xFFFFF000;
	s20 =	sadd.s32 s6, s26  }
0x51: {  	[hbm4b:s20+s3] =	stream.linear.scatter [tilespmem:s7], [sflag:$0x2], $0x1000, $0x38;
	[tilespmem:$0x6E00] =	vst v63  }
0x52: {  	_ =	swait.ge [sflag:s29], $0x1000  }
0x53: {  	[sflag:s29] =	ssyncset.done $0x0  }
0x54: {  	s31 =	simm.s32 $0x2B00;
	[sflag:s29] =	ssyncadd.s32 $0xFFFFF000  }
0x55: {  	[tilespmem:s7], [sflag:$0x1] =	stream.indirect.gather [hbm4b:s5+s23], $0x20, s31, s23, $0xb8;
	[tilespmem:$0x6E00] =	vst v63  }
0x56: {  	_ =	swait.ge [sflag:s28], $0x1000  }
0x57: {  	s30 =	sadd.s32 $0x0, s9;
	[sflag:s28] =	ssyncset.done $0x0  }
0x58: {  	s25 =	sadd.s32 $0x2000, s25;
	s20 =	simm.s32 $0x400;
	[sflag:s28] =	ssyncadd.s32 $0xFFFFF000  }
.LBB2_4:
0x59: {  	[hbm4b:s30+s3] =	stream.linear.scatter [tilespmem:s10], [sflag:$0x2], $0x1000, $0x38;
	[tilespmem:$0x6E00] =	vst v63  }
0x5a: {  	s30 =	smov.u32 s20  }
0x5b: {  	p0 =	sne.s32 s20, $0x2800;
	s20 =	sadd.s32 $0x400, s20;
	_ =	swait.ge [sflag:s29], $0x1000  }
0x5c: {  	s0 =	sshra.s32 s30, $0x2;
	[sflag:s29] =	ssyncset.done $0x0  }
0x5d: {  	s8 =	sadd.s32 $0x2A80, s0;
	[sflag:s29] =	ssyncadd.s32 $0xFFFFF000  }
0x5e: {  	[tilespmem:s10], [sflag:$0x1] =	stream.indirect.gather [hbm4b:s5+s23], $0x20, s8, s23, $0xb8;
	[tilespmem:$0x6E00] =	vst v63  }
0x5f: {  	_ =	swait.ge [sflag:s28], $0x1000  }
0x60: {  	s8 =	sshrl.u32 s25, $0x3;
	[sflag:s28] =	ssyncset.done $0x0  }
0x61: {  	s8 =	sadd.s32 s6, s8;
	[sflag:s28] =	ssyncadd.s32 $0xFFFFF000  }
0x62: {  	[hbm4b:s8+s3] =	stream.linear.scatter [tilespmem:s7], [sflag:$0x2], $0x1000, $0x38;
	[tilespmem:$0x6E00] =	vst v63  }
0x63: {  	_ =	swait.ge [sflag:s29], $0x1000  }
0x64: {  	[sflag:s29] =	ssyncset.done $0x0  }
.Ltmp1:
0x65: {  	s0 =	sadd.s32 $0x2B00, s0;
	[sflag:s29] =	ssyncadd.s32 $0xFFFFF000;
	(pc) =	sbr.rel @p0 .LBB2_4-.Ltmp1, $4  }
0x66: {  	[tilespmem:s7], [sflag:$0x1] =	stream.indirect.gather [hbm4b:s5+s23], $0x20, s0, s23, $0xb8;
	[tilespmem:$0x6E00] =	vst v63  }
0x67: {  	_ =	swait.ge [sflag:s28], $0x1000  }
0x68: {  	[sflag:s28] =	ssyncset.done $0x0  }
0x69: {  	s30 =	sadd.s32 s30, s9;
	s25 =	sadd.s32 $0x2000, s25;
	[sflag:s28] =	ssyncadd.s32 $0xFFFFF000  }
0x6a: {  	[hbm4b:s30+s3] =	stream.linear.scatter [tilespmem:s10], [sflag:$0x2], $0x1000, $0x38;
	[tilespmem:$0x6E00] =	vst v63  }
0x6b: {  	_ =	swait.ge [sflag:s29], $0x1000  }
0x6c: {  	[sflag:s29] =	ssyncset.done $0x0  }
0x6d: {  	[sflag:s29] =	ssyncadd.s32 $0xFFFFF000  }
0x6e: {  	_ =	swait.ge [sflag:s28], $0x1000  }
0x6f: {  	[sflag:s28] =	ssyncset.done $0x0  }
0x70: {  	s0 =	simm.s32 $0x0;
	s8 =	rddreg [dreg:$0x7];
	[sflag:s28] =	ssyncadd.s32 $0xFFFFF000  }
0x71: {  	[hbm4b:s8+s0] =	stream.linear.scatter [tilespmem:s7], [sflag:$0x2], $0x1000, $0x38;
	[tilespmem:$0x6E00] =	vst v63  }
0x72: {  	_ =	swait.ge [sflag:s29], $0x1000  }
0x73: {  	[sflag:s29] =	ssyncset.done $0x0  }
0x74: {  	s7 =	rddreg [dreg:$0x8];
	[sflag:s29] =	ssyncadd.s32 $0xFFFFF000  }
0x75: {  	[tilespmem:s11], [sflag:$0x4] =	stream.linear.gather [hbm4b:s7+s0], $0x800, $0x38;
	[tilespmem:$0x6E00] =	vst v63  }
0x76: {  	_ =	swait.ge [sflag:s21], $0x800  }
0x77: {  	[sflag:s21] =	ssyncset.done $0x0  }
0x78: {  	[sflag:s21] =	ssyncadd.s32 $0xFFFFF800  }
0x79: {  	[spmem:s2] =	stream.indirect.scatter.add.f32 [tilespmem:s1], [sflag:$0x3], $0x1, s11, s23, $0xb8;
	[tilespmem:$0x6E00] =	vst v63  }
0x7a: {  	s20 =	simm.s32 $0x1900  }
0x7b: {  	[spmem:s2] =	stream.indirect.scatter.add.f32 [tilespmem:s1], [sflag:$0x3], $0x1, s20, s23, $0xb8;
	[tilespmem:$0x6E00] =	vst v63  }
0x7c: {  	s25 =	simm.s32 $0x1980  }
0x7d: {  	[spmem:s2] =	stream.indirect.scatter.add.f32 [tilespmem:s1], [sflag:$0x3], $0x1, s25, s23, $0xb8;
	[tilespmem:$0x6E00] =	vst v63  }
0x7e: {  	s6 =	simm.s32 $0x1A00  }
0x7f: {  	[spmem:s2] =	stream.indirect.scatter.add.f32 [tilespmem:s1], [sflag:$0x3], $0x1, s6, s23, $0xb8;
	[tilespmem:$0x6E00] =	vst v63  }
0x80: {  	s13 =	simm.s32 $0x1A80  }
0x81: {  	[spmem:s2] =	stream.indirect.scatter.add.f32 [tilespmem:s1], [sflag:$0x3], $0x1, s13, s23, $0xb8;
	[tilespmem:$0x6E00] =	vst v63  }
0x82: {  	s9 =	simm.s32 $0x1B00  }
0x83: {  	[spmem:s2] =	stream.indirect.scatter.add.f32 [tilespmem:s1], [sflag:$0x3], $0x1, s9, s23, $0xb8;
	[tilespmem:$0x6E00] =	vst v63  }
0x84: {  	s10 =	simm.s32 $0x1B80  }
0x85: {  	[spmem:s2] =	stream.indirect.scatter.add.f32 [tilespmem:s1], [sflag:$0x3], $0x1, s10, s23, $0xb8;
	[tilespmem:$0x6E00] =	vst v63  }
0x86: {  	s11 =	simm.s32 $0x1C00  }
0x87: {  	[spmem:s2] =	stream.indirect.scatter.add.f32 [tilespmem:s1], [sflag:$0x3], $0x1, s11, s23, $0xb8;
	[tilespmem:$0x6E00] =	vst v63  }
0x88: {  	s14 =	simm.s32 $0x1C80  }
0x89: {  	[spmem:s2] =	stream.indirect.scatter.add.f32 [tilespmem:s1], [sflag:$0x3], $0x1, s14, s23, $0xb8;
	[tilespmem:$0x6E00] =	vst v63  }
0x8a: {  	s15 =	simm.s32 $0x1D00  }
0x8b: {  	[spmem:s2] =	stream.indirect.scatter.add.f32 [tilespmem:s1], [sflag:$0x3], $0x1, s15, s23, $0xb8;
	[tilespmem:$0x6E00] =	vst v63  }
0x8c: {  	s16 =	simm.s32 $0x1D80  }
0x8d: {  	[spmem:s2] =	stream.indirect.scatter.add.f32 [tilespmem:s1], [sflag:$0x3], $0x1, s16, s23, $0xb8;
	[tilespmem:$0x6E00] =	vst v63  }
0x8e: {  	s18 =	simm.s32 $0x1E00  }
0x8f: {  	[spmem:s2] =	stream.indirect.scatter.add.f32 [tilespmem:s1], [sflag:$0x3], $0x1, s18, s23, $0xb8;
	[tilespmem:$0x6E00] =	vst v63  }
0x90: {  	s19 =	simm.s32 $0x1E80  }
0x91: {  	[spmem:s2] =	stream.indirect.scatter.add.f32 [tilespmem:s1], [sflag:$0x3], $0x1, s19, s23, $0xb8;
	[tilespmem:$0x6E00] =	vst v63  }
0x92: {  	s22 =	simm.s32 $0x1F00  }
0x93: {  	[spmem:s2] =	stream.indirect.scatter.add.f32 [tilespmem:s1], [sflag:$0x3], $0x1, s22, s23, $0xb8;
	[tilespmem:$0x6E00] =	vst v63  }
0x94: {  	s24 =	simm.s32 $0x1F80  }
0x95: {  	[spmem:s2] =	stream.indirect.scatter.add.f32 [tilespmem:s1], [sflag:$0x3], $0x1, s24, s23, $0xb8;
	[tilespmem:$0x6E00] =	vst v63  }
0x96: {  	s26 =	simm.s32 $0x2000  }
0x97: {  	[spmem:s2] =	stream.indirect.scatter.add.f32 [tilespmem:s1], [sflag:$0x3], $0x1, s26, s23, $0xb8;
	[tilespmem:$0x6E00] =	vst v63  }
0x98: {  	_ =	swait.ge [sflag:s17], $0x800  }
0x99: {  	[sflag:s17] =	ssyncset.done $0x0  }
0x9a: {  	s7 =	rddreg [dreg:$0xd];
	[sflag:s17] =	ssyncadd.s32 $0xFFFFF800  }
0x9b: {  	[tilespmem:s12], [sflag:$0x4] =	stream.linear.gather [hbm4b:s7+s0], $0x800, $0x38;
	[tilespmem:$0x6E00] =	vst v63  }
0x9c: {  	_ =	swait.ge [sflag:s21], $0x800  }
0x9d: {  	[sflag:s21] =	ssyncset.done $0x0  }
0x9e: {  	[sflag:s21] =	ssyncadd.s32 $0xFFFFF800  }
0x9f: {  	[spmem:s2] =	stream.indirect.scatter.add.f32 [tilespmem:s1], [sflag:$0x3], $0x1, s12, s23, $0xb8;
	[tilespmem:$0x6E00] =	vst v63  }
0xa0: {  	s9 =	simm.s32 $0x2100  }
0xa1: {  	[spmem:s2] =	stream.indirect.scatter.add.f32 [tilespmem:s1], [sflag:$0x3], $0x1, s9, s23, $0xb8;
	[tilespmem:$0x6E00] =	vst v63  }
0xa2: {  	s10 =	simm.s32 $0x2180  }
0xa3: {  	[spmem:s2] =	stream.indirect.scatter.add.f32 [tilespmem:s1], [sflag:$0x3], $0x1, s10, s23, $0xb8;
	[tilespmem:$0x6E00] =	vst v63  }
0xa4: {  	s11 =	simm.s32 $0x2200  }
0xa5: {  	[spmem:s2] =	stream.indirect.scatter.add.f32 [tilespmem:s1], [sflag:$0x3], $0x1, s11, s23, $0xb8;
	[tilespmem:$0x6E00] =	vst v63  }
0xa6: {  	s12 =	simm.s32 $0x2280  }
0xa7: {  	[spmem:s2] =	stream.indirect.scatter.add.f32 [tilespmem:s1], [sflag:$0x3], $0x1, s12, s23, $0xb8;
	[tilespmem:$0x6E00] =	vst v63  }
0xa8: {  	s14 =	simm.s32 $0x2300  }
0xa9: {  	[spmem:s2] =	stream.indirect.scatter.add.f32 [tilespmem:s1], [sflag:$0x3], $0x1, s14, s23, $0xb8;
	[tilespmem:$0x6E00] =	vst v63  }
0xaa: {  	s15 =	simm.s32 $0x2380  }
0xab: {  	[spmem:s2] =	stream.indirect.scatter.add.f32 [tilespmem:s1], [sflag:$0x3], $0x1, s15, s23, $0xb8;
	[tilespmem:$0x6E00] =	vst v63  }
0xac: {  	s16 =	simm.s32 $0x2400  }
0xad: {  	[spmem:s2] =	stream.indirect.scatter.add.f32 [tilespmem:s1], [sflag:$0x3], $0x1, s16, s23, $0xb8;
	[tilespmem:$0x6E00] =	vst v63  }
0xae: {  	s18 =	simm.s32 $0x2480  }
0xaf: {  	[spmem:s2] =	stream.indirect.scatter.add.f32 [tilespmem:s1], [sflag:$0x3], $0x1, s18, s23, $0xb8;
	[tilespmem:$0x6E00] =	vst v63  }
0xb0: {  	s19 =	simm.s32 $0x2500  }
0xb1: {  	[spmem:s2] =	stream.indirect.scatter.add.f32 [tilespmem:s1], [sflag:$0x3], $0x1, s19, s23, $0xb8;
	[tilespmem:$0x6E00] =	vst v63  }
0xb2: {  	s22 =	simm.s32 $0x2580  }
0xb3: {  	[spmem:s2] =	stream.indirect.scatter.add.f32 [tilespmem:s1], [sflag:$0x3], $0x1, s22, s23, $0xb8;
	[tilespmem:$0x6E00] =	vst v63  }
0xb4: {  	s24 =	simm.s32 $0x2600  }
0xb5: {  	[spmem:s2] =	stream.indirect.scatter.add.f32 [tilespmem:s1], [sflag:$0x3], $0x1, s24, s23, $0xb8;
	[tilespmem:$0x6E00] =	vst v63  }
0xb6: {  	s26 =	simm.s32 $0x2680  }
0xb7: {  	[spmem:s2] =	stream.indirect.scatter.add.f32 [tilespmem:s1], [sflag:$0x3], $0x1, s26, s23, $0xb8;
	[tilespmem:$0x6E00] =	vst v63  }
0xb8: {  	s31 =	simm.s32 $0x2700  }
0xb9: {  	[spmem:s2] =	stream.indirect.scatter.add.f32 [tilespmem:s1], [sflag:$0x3], $0x1, s31, s23, $0xb8;
	[tilespmem:$0x6E00] =	vst v63  }
0xba: {  	s8 =	simm.s32 $0x2780  }
0xbb: {  	[spmem:s2] =	stream.indirect.scatter.add.f32 [tilespmem:s1], [sflag:$0x3], $0x1, s8, s23, $0xb8;
	[tilespmem:$0x6E00] =	vst v63  }
0xbc: {  	s30 =	simm.s32 $0x2800  }
0xbd: {  	[spmem:s2] =	stream.indirect.scatter.add.f32 [tilespmem:s1], [sflag:$0x3], $0x1, s30, s23, $0xb8;
	[tilespmem:$0x6E00] =	vst v63  }
0xbe: {  	_ =	swait.ge [sflag:s17], $0x800  }
0xbf: {  	s8 =	rddreg [dreg:$0xf]  }
0xc0: {  	[sflag:s17] =	ssyncset.done $0x0;
	s0 =	sshrl.u32 s8, $0x3  }
0xc1: {  	s7 =	simm.s32 $0x1880;
	[sflag:s17] =	ssyncadd.s32 $0xFFFFF800;
	s0 =	sadd.s32 s4, s0  }
0xc2: {  	[tilespmem:s7], [sflag:$0x4] =	stream.linear.gather [hbm4b:s0+s3], $0x800, $0x38;
	[tilespmem:$0x6E00] =	vst v63  }
0xc3: {  	_ =	swait.ge [sflag:s21], $0x800  }
0xc4: {  	[sflag:s21] =	ssyncset.done $0x0  }
0xc5: {  	[sflag:s21] =	ssyncadd.s32 $0xFFFFF800  }
0xc6: {  	[spmem:s2] =	stream.indirect.scatter.add.f32 [tilespmem:s1], [sflag:$0x3], $0x1, s7, s23, $0xb8;
	[tilespmem:$0x6E00] =	vst v63  }
0xc7: {  	_ = 	snop  }
0xc8: {  	[spmem:s2] =	stream.indirect.scatter.add.f32 [tilespmem:s1], [sflag:$0x3], $0x1, s20, s23, $0xb8;
	[tilespmem:$0x6E00] =	vst v63  }
0xc9: {  	_ = 	snop  }
0xca: {  	[spmem:s2] =	stream.indirect.scatter.add.f32 [tilespmem:s1], [sflag:$0x3], $0x1, s25, s23, $0xb8;
	[tilespmem:$0x6E00] =	vst v63  }
0xcb: {  	_ = 	snop  }
0xcc: {  	[spmem:s2] =	stream.indirect.scatter.add.f32 [tilespmem:s1], [sflag:$0x3], $0x1, s6, s23, $0xb8;
	[tilespmem:$0x6E00] =	vst v63  }
0xcd: {  	_ = 	snop  }
0xce: {  	[spmem:s2] =	stream.indirect.scatter.add.f32 [tilespmem:s1], [sflag:$0x3], $0x1, s13, s23, $0xb8;
	[tilespmem:$0x6E00] =	vst v63  }
0xcf: {  	s25 =	simm.s32 $0x1B00  }
0xd0: {  	[spmem:s2] =	stream.indirect.scatter.add.f32 [tilespmem:s1], [sflag:$0x3], $0x1, s25, s23, $0xb8;
	[tilespmem:$0x6E00] =	vst v63  }
0xd1: {  	s6 =	simm.s32 $0x1B80  }
0xd2: {  	[spmem:s2] =	stream.indirect.scatter.add.f32 [tilespmem:s1], [sflag:$0x3], $0x1, s6, s23, $0xb8;
	[tilespmem:$0x6E00] =	vst v63  }
0xd3: {  	s20 =	simm.s32 $0x1C00  }
0xd4: {  	[spmem:s2] =	stream.indirect.scatter.add.f32 [tilespmem:s1], [sflag:$0x3], $0x1, s20, s23, $0xb8;
	[tilespmem:$0x6E00] =	vst v63  }
0xd5: {  	s25 =	simm.s32 $0x1C80  }
0xd6: {  	[spmem:s2] =	stream.indirect.scatter.add.f32 [tilespmem:s1], [sflag:$0x3], $0x1, s25, s23, $0xb8;
	[tilespmem:$0x6E00] =	vst v63  }
0xd7: {  	s6 =	simm.s32 $0x1D00  }
0xd8: {  	[spmem:s2] =	stream.indirect.scatter.add.f32 [tilespmem:s1], [sflag:$0x3], $0x1, s6, s23, $0xb8;
	[tilespmem:$0x6E00] =	vst v63  }
0xd9: {  	s20 =	simm.s32 $0x1D80  }
0xda: {  	[spmem:s2] =	stream.indirect.scatter.add.f32 [tilespmem:s1], [sflag:$0x3], $0x1, s20, s23, $0xb8;
	[tilespmem:$0x6E00] =	vst v63  }
0xdb: {  	s25 =	simm.s32 $0x1E00  }
0xdc: {  	[spmem:s2] =	stream.indirect.scatter.add.f32 [tilespmem:s1], [sflag:$0x3], $0x1, s25, s23, $0xb8;
	[tilespmem:$0x6E00] =	vst v63  }
0xdd: {  	s6 =	simm.s32 $0x1E80  }
0xde: {  	[spmem:s2] =	stream.indirect.scatter.add.f32 [tilespmem:s1], [sflag:$0x3], $0x1, s6, s23, $0xb8;
	[tilespmem:$0x6E00] =	vst v63  }
0xdf: {  	s20 =	simm.s32 $0x1F00  }
0xe0: {  	[spmem:s2] =	stream.indirect.scatter.add.f32 [tilespmem:s1], [sflag:$0x3], $0x1, s20, s23, $0xb8;
	[tilespmem:$0x6E00] =	vst v63  }
0xe1: {  	s25 =	simm.s32 $0x1F80  }
0xe2: {  	[spmem:s2] =	stream.indirect.scatter.add.f32 [tilespmem:s1], [sflag:$0x3], $0x1, s25, s23, $0xb8;
	[tilespmem:$0x6E00] =	vst v63  }
0xe3: {  	s6 =	simm.s32 $0x2000  }
0xe4: {  	[spmem:s2] =	stream.indirect.scatter.add.f32 [tilespmem:s1], [sflag:$0x3], $0x1, s6, s23, $0xb8;
	[tilespmem:$0x6E00] =	vst v63  }
0xe5: {  	_ =	swait.ge [sflag:s17], $0x800  }
0xe6: {  	s20 =	rddreg [dreg:$0x3];
	[sflag:s17] =	ssyncset.done $0x0  }
0xe7: {  	s13 =	simm.s32 $0x2080;
	[sflag:s17] =	ssyncadd.s32 $0xFFFFF800;
	s0 =	sadd.s32 $0x0, s20  }
0xe8: {  	[tilespmem:s13], [sflag:$0x4] =	stream.linear.gather [hbm4b:s0+s3], $0x800, $0x38;
	[tilespmem:$0x6E00] =	vst v63  }
0xe9: {  	_ =	swait.ge [sflag:s21], $0x800  }
0xea: {  	[sflag:s21] =	ssyncset.done $0x0  }
0xeb: {  	[sflag:s21] =	ssyncadd.s32 $0xFFFFF800  }
0xec: {  	[spmem:s2] =	stream.indirect.scatter.add.f32 [tilespmem:s1], [sflag:$0x3], $0x1, s13, s23, $0xb8;
	[tilespmem:$0x6E00] =	vst v63  }
0xed: {  	_ = 	snop  }
0xee: {  	[spmem:s2] =	stream.indirect.scatter.add.f32 [tilespmem:s1], [sflag:$0x3], $0x1, s9, s23, $0xb8;
	[tilespmem:$0x6E00] =	vst v63  }
0xef: {  	_ = 	snop  }
0xf0: {  	[spmem:s2] =	stream.indirect.scatter.add.f32 [tilespmem:s1], [sflag:$0x3], $0x1, s10, s23, $0xb8;
	[tilespmem:$0x6E00] =	vst v63  }
0xf1: {  	_ = 	snop  }
0xf2: {  	[spmem:s2] =	stream.indirect.scatter.add.f32 [tilespmem:s1], [sflag:$0x3], $0x1, s11, s23, $0xb8;
	[tilespmem:$0x6E00] =	vst v63  }
0xf3: {  	_ = 	snop  }
0xf4: {  	[spmem:s2] =	stream.indirect.scatter.add.f32 [tilespmem:s1], [sflag:$0x3], $0x1, s12, s23, $0xb8;
	[tilespmem:$0x6E00] =	vst v63  }
0xf5: {  	_ = 	snop  }
0xf6: {  	[spmem:s2] =	stream.indirect.scatter.add.f32 [tilespmem:s1], [sflag:$0x3], $0x1, s14, s23, $0xb8;
	[tilespmem:$0x6E00] =	vst v63  }
0xf7: {  	_ = 	snop  }
0xf8: {  	[spmem:s2] =	stream.indirect.scatter.add.f32 [tilespmem:s1], [sflag:$0x3], $0x1, s15, s23, $0xb8;
	[tilespmem:$0x6E00] =	vst v63  }
0xf9: {  	_ = 	snop  }
0xfa: {  	[spmem:s2] =	stream.indirect.scatter.add.f32 [tilespmem:s1], [sflag:$0x3], $0x1, s16, s23, $0xb8;
	[tilespmem:$0x6E00] =	vst v63  }
0xfb: {  	_ = 	snop  }
0xfc: {  	[spmem:s2] =	stream.indirect.scatter.add.f32 [tilespmem:s1], [sflag:$0x3], $0x1, s18, s23, $0xb8;
	[tilespmem:$0x6E00] =	vst v63  }
0xfd: {  	_ = 	snop  }
0xfe: {  	[spmem:s2] =	stream.indirect.scatter.add.f32 [tilespmem:s1], [sflag:$0x3], $0x1, s19, s23, $0xb8;
	[tilespmem:$0x6E00] =	vst v63  }
0xff: {  	s25 =	simm.s32 $0x2780;
	s6 =	simm.s32 $0x2100;
	s20 =	simm.s32 $0x200  }
0x100: {  	[spmem:s2] =	stream.indirect.scatter.add.f32 [tilespmem:s1], [sflag:$0x3], $0x1, s22, s23, $0xb8;
	[tilespmem:$0x6E00] =	vst v63  }
0x101: {  	s9 =	simm.s32 $0x2180;
	s10 =	simm.s32 $0x2200;
	s11 =	simm.s32 $0x2280  }
0x102: {  	[spmem:s2] =	stream.indirect.scatter.add.f32 [tilespmem:s1], [sflag:$0x3], $0x1, s24, s23, $0xb8;
	[tilespmem:$0x6E00] =	vst v63  }
0x103: {  	s12 =	simm.s32 $0x2300;
	s14 =	simm.s32 $0x2380;
	s15 =	simm.s32 $0x2400  }
0x104: {  	[spmem:s2] =	stream.indirect.scatter.add.f32 [tilespmem:s1], [sflag:$0x3], $0x1, s26, s23, $0xb8;
	[tilespmem:$0x6E00] =	vst v63  }
0x105: {  	s16 =	simm.s32 $0x2480;
	s18 =	simm.s32 $0x2500;
	s19 =	simm.s32 $0x2580  }
0x106: {  	[spmem:s2] =	stream.indirect.scatter.add.f32 [tilespmem:s1], [sflag:$0x3], $0x1, s31, s23, $0xb8;
	[tilespmem:$0x6E00] =	vst v63  }
0x107: {  	s22 =	simm.s32 $0x2600;
	s24 =	simm.s32 $0x2680;
	s26 =	simm.s32 $0x2700  }
0x108: {  	[spmem:s2] =	stream.indirect.scatter.add.f32 [tilespmem:s1], [sflag:$0x3], $0x1, s25, s23, $0xb8;
	[tilespmem:$0x6E00] =	vst v63  }
0x109: {  	s31 =	simm.s32 $0x2780;
	s25 =	sadd.s32 $0x1000, s8;
	s8 =	simm.s32 $0x1900  }
.LBB2_6:
0x10a: {  	[spmem:s2] =	stream.indirect.scatter.add.f32 [tilespmem:s1], [sflag:$0x3], $0x1, s30, s23, $0xb8;
	[tilespmem:$0x6E00] =	vst v63  }
0x10b: {  	_ =	swait.ge [sflag:s17], $0x800  }
0x10c: {  	s0 =	sshrl.u32 s25, $0x3;
	[sflag:s17] =	ssyncset.done $0x0  }
0x10d: {  	s0 =	sadd.s32 s4, s0;
	[sflag:s17] =	ssyncadd.s32 $0xFFFFF800  }
0x10e: {  	[tilespmem:s7], [sflag:$0x4] =	stream.linear.gather [hbm4b:s0+s3], $0x800, $0x38;
	[tilespmem:$0x6E00] =	vst v63  }
0x10f: {  	_ =	swait.ge [sflag:s21], $0x800  }
0x110: {  	[sflag:s21] =	ssyncset.done $0x0  }
0x111: {  	[sflag:s21] =	ssyncadd.s32 $0xFFFFF800  }
0x112: {  	[spmem:s2] =	stream.indirect.scatter.add.f32 [tilespmem:s1], [sflag:$0x3], $0x1, s7, s23, $0xb8;
	[tilespmem:$0x6E00] =	vst v63  }
0x113: {  	_ = 	snop  }
0x114: {  	[spmem:s2] =	stream.indirect.scatter.add.f32 [tilespmem:s1], [sflag:$0x3], $0x1, s8, s23, $0xb8;
	[tilespmem:$0x6E00] =	vst v63  }
0x115: {  	s0 =	simm.s32 $0x1980  }
0x116: {  	[spmem:s2] =	stream.indirect.scatter.add.f32 [tilespmem:s1], [sflag:$0x3], $0x1, s0, s23, $0xb8;
	[tilespmem:$0x6E00] =	vst v63  }
0x117: {  	s0 =	simm.s32 $0x1A00  }
0x118: {  	[spmem:s2] =	stream.indirect.scatter.add.f32 [tilespmem:s1], [sflag:$0x3], $0x1, s0, s23, $0xb8;
	[tilespmem:$0x6E00] =	vst v63  }
0x119: {  	s0 =	simm.s32 $0x1A80  }
0x11a: {  	[spmem:s2] =	stream.indirect.scatter.add.f32 [tilespmem:s1], [sflag:$0x3], $0x1, s0, s23, $0xb8;
	[tilespmem:$0x6E00] =	vst v63  }
0x11b: {  	s0 =	simm.s32 $0x1B00  }
0x11c: {  	[spmem:s2] =	stream.indirect.scatter.add.f32 [tilespmem:s1], [sflag:$0x3], $0x1, s0, s23, $0xb8;
	[tilespmem:$0x6E00] =	vst v63  }
0x11d: {  	s0 =	simm.s32 $0x1B80  }
0x11e: {  	[spmem:s2] =	stream.indirect.scatter.add.f32 [tilespmem:s1], [sflag:$0x3], $0x1, s0, s23, $0xb8;
	[tilespmem:$0x6E00] =	vst v63  }
0x11f: {  	s0 =	simm.s32 $0x1C00  }
0x120: {  	[spmem:s2] =	stream.indirect.scatter.add.f32 [tilespmem:s1], [sflag:$0x3], $0x1, s0, s23, $0xb8;
	[tilespmem:$0x6E00] =	vst v63  }
0x121: {  	s0 =	simm.s32 $0x1C80  }
0x122: {  	[spmem:s2] =	stream.indirect.scatter.add.f32 [tilespmem:s1], [sflag:$0x3], $0x1, s0, s23, $0xb8;
	[tilespmem:$0x6E00] =	vst v63  }
0x123: {  	s0 =	simm.s32 $0x1D00  }
0x124: {  	[spmem:s2] =	stream.indirect.scatter.add.f32 [tilespmem:s1], [sflag:$0x3], $0x1, s0, s23, $0xb8;
	[tilespmem:$0x6E00] =	vst v63  }
0x125: {  	s0 =	simm.s32 $0x1D80  }
0x126: {  	[spmem:s2] =	stream.indirect.scatter.add.f32 [tilespmem:s1], [sflag:$0x3], $0x1, s0, s23, $0xb8;
	[tilespmem:$0x6E00] =	vst v63  }
0x127: {  	s0 =	simm.s32 $0x1E00  }
0x128: {  	[spmem:s2] =	stream.indirect.scatter.add.f32 [tilespmem:s1], [sflag:$0x3], $0x1, s0, s23, $0xb8;
	[tilespmem:$0x6E00] =	vst v63  }
0x129: {  	s0 =	simm.s32 $0x1E80  }
0x12a: {  	[spmem:s2] =	stream.indirect.scatter.add.f32 [tilespmem:s1], [sflag:$0x3], $0x1, s0, s23, $0xb8;
	[tilespmem:$0x6E00] =	vst v63  }
0x12b: {  	s0 =	simm.s32 $0x1F00  }
0x12c: {  	[spmem:s2] =	stream.indirect.scatter.add.f32 [tilespmem:s1], [sflag:$0x3], $0x1, s0, s23, $0xb8;
	[tilespmem:$0x6E00] =	vst v63  }
0x12d: {  	s0 =	simm.s32 $0x1F80  }
0x12e: {  	[spmem:s2] =	stream.indirect.scatter.add.f32 [tilespmem:s1], [sflag:$0x3], $0x1, s0, s23, $0xb8;
	[tilespmem:$0x6E00] =	vst v63  }
0x12f: {  	s0 =	simm.s32 $0x2000  }
0x130: {  	[spmem:s2] =	stream.indirect.scatter.add.f32 [tilespmem:s1], [sflag:$0x3], $0x1, s0, s23, $0xb8;
	[tilespmem:$0x6E00] =	vst v63  }
0x131: {  	_ =	swait.ge [sflag:s17], $0x800  }
0x132: {  	s30 =	smov.u32 s20;
	s0 =	rddreg [dreg:$0x3];
	[sflag:s17] =	ssyncset.done $0x0  }
0x133: {  	[sflag:s17] =	ssyncadd.s32 $0xFFFFF800;
	s0 =	sadd.s32 s30, s0  }
0x134: {  	[tilespmem:s13], [sflag:$0x4] =	stream.linear.gather [hbm4b:s0+s3], $0x800, $0x38;
	[tilespmem:$0x6E00] =	vst v63  }
0x135: {  	_ =	swait.ge [sflag:s21], $0x800  }
0x136: {  	[sflag:s21] =	ssyncset.done $0x0  }
0x137: {  	[sflag:s21] =	ssyncadd.s32 $0xFFFFF800  }
0x138: {  	[spmem:s2] =	stream.indirect.scatter.add.f32 [tilespmem:s1], [sflag:$0x3], $0x1, s13, s23, $0xb8;
	[tilespmem:$0x6E00] =	vst v63  }
0x139: {  	_ = 	snop  }
0x13a: {  	[spmem:s2] =	stream.indirect.scatter.add.f32 [tilespmem:s1], [sflag:$0x3], $0x1, s6, s23, $0xb8;
	[tilespmem:$0x6E00] =	vst v63  }
0x13b: {  	_ = 	snop  }
0x13c: {  	[spmem:s2] =	stream.indirect.scatter.add.f32 [tilespmem:s1], [sflag:$0x3], $0x1, s9, s23, $0xb8;
	[tilespmem:$0x6E00] =	vst v63  }
0x13d: {  	_ = 	snop  }
0x13e: {  	[spmem:s2] =	stream.indirect.scatter.add.f32 [tilespmem:s1], [sflag:$0x3], $0x1, s10, s23, $0xb8;
	[tilespmem:$0x6E00] =	vst v63  }
0x13f: {  	_ = 	snop  }
0x140: {  	[spmem:s2] =	stream.indirect.scatter.add.f32 [tilespmem:s1], [sflag:$0x3], $0x1, s11, s23, $0xb8;
	[tilespmem:$0x6E00] =	vst v63  }
0x141: {  	_ = 	snop  }
0x142: {  	[spmem:s2] =	stream.indirect.scatter.add.f32 [tilespmem:s1], [sflag:$0x3], $0x1, s12, s23, $0xb8;
	[tilespmem:$0x6E00] =	vst v63  }
0x143: {  	_ = 	snop  }
0x144: {  	[spmem:s2] =	stream.indirect.scatter.add.f32 [tilespmem:s1], [sflag:$0x3], $0x1, s14, s23, $0xb8;
	[tilespmem:$0x6E00] =	vst v63  }
0x145: {  	_ = 	snop  }
0x146: {  	[spmem:s2] =	stream.indirect.scatter.add.f32 [tilespmem:s1], [sflag:$0x3], $0x1, s15, s23, $0xb8;
	[tilespmem:$0x6E00] =	vst v63  }
0x147: {  	_ = 	snop  }
0x148: {  	[spmem:s2] =	stream.indirect.scatter.add.f32 [tilespmem:s1], [sflag:$0x3], $0x1, s16, s23, $0xb8;
	[tilespmem:$0x6E00] =	vst v63  }
0x149: {  	_ = 	snop  }
0x14a: {  	[spmem:s2] =	stream.indirect.scatter.add.f32 [tilespmem:s1], [sflag:$0x3], $0x1, s18, s23, $0xb8;
	[tilespmem:$0x6E00] =	vst v63  }
0x14b: {  	_ = 	snop  }
0x14c: {  	[spmem:s2] =	stream.indirect.scatter.add.f32 [tilespmem:s1], [sflag:$0x3], $0x1, s19, s23, $0xb8;
	[tilespmem:$0x6E00] =	vst v63  }
0x14d: {  	_ = 	snop  }
0x14e: {  	[spmem:s2] =	stream.indirect.scatter.add.f32 [tilespmem:s1], [sflag:$0x3], $0x1, s22, s23, $0xb8;
	[tilespmem:$0x6E00] =	vst v63  }
0x14f: {  	p0 =	sne.s32 s20, $0x2C00  }
0x150: {  	[spmem:s2] =	stream.indirect.scatter.add.f32 [tilespmem:s1], [sflag:$0x3], $0x1, s24, s23, $0xb8;
	[tilespmem:$0x6E00] =	vst v63  }
.Ltmp2:
0x151: {  	_ = 	snop;
	(pc) =	sbr.rel @p0 .LBB2_6-.Ltmp2, $4  }
0x152: {  	_ = 	snop  }
0x153: {  	[spmem:s2] =	stream.indirect.scatter.add.f32 [tilespmem:s1], [sflag:$0x3], $0x1, s26, s23, $0xb8;
	[tilespmem:$0x6E00] =	vst v63  }
0x154: {  	s20 =	sadd.s32 $0x200, s20;
	s25 =	sadd.s32 $0x1000, s25;
	s30 =	simm.s32 $0x2800  }
0x155: {  	[spmem:s2] =	stream.indirect.scatter.add.f32 [tilespmem:s1], [sflag:$0x3], $0x1, s31, s23, $0xb8;
	[tilespmem:$0x6E00] =	vst v63  }
0x156: {  	[spmem:s2] =	stream.indirect.scatter.add.f32 [tilespmem:s1], [sflag:$0x3], $0x1, s30, s23, $0xb8;
	[tilespmem:$0x6E00] =	vst v63  }
0x157: {  	_ =	swait.ge [sflag:s17], $0x800  }
0x158: {  	[sflag:s17] =	ssyncset.done $0x0  }
0x159: {  	s0 =	rddreg [dreg:$0x9];
	[sflag:s17] =	ssyncadd.s32 $0xFFFFF800  }
0x15a: {  	[tilespmem:s7], [sflag:$0x4] =	stream.linear.gather [hbm4b:s0+s3], $0x800, $0x38;
	[tilespmem:$0x6E00] =	vst v63  }
0x15b: {  	_ =	swait.ge [sflag:s21], $0x800  }
0x15c: {  	[sflag:s21] =	ssyncset.done $0x0  }
0x15d: {  	[sflag:s21] =	ssyncadd.s32 $0xFFFFF800  }
0x15e: {  	[spmem:s2] =	stream.indirect.scatter.add.f32 [tilespmem:s1], [sflag:$0x3], $0x1, s7, s23, $0xb8;
	[tilespmem:$0x6E00] =	vst v63  }
0x15f: {  	_ = 	snop  }
0x160: {  	[spmem:s2] =	stream.indirect.scatter.add.f32 [tilespmem:s1], [sflag:$0x3], $0x1, s8, s23, $0xb8;
	[tilespmem:$0x6E00] =	vst v63  }
0x161: {  	s7 =	simm.s32 $0x1980  }
0x162: {  	[spmem:s2] =	stream.indirect.scatter.add.f32 [tilespmem:s1], [sflag:$0x3], $0x1, s7, s23, $0xb8;
	[tilespmem:$0x6E00] =	vst v63  }
0x163: {  	s8 =	simm.s32 $0x1A00  }
0x164: {  	[spmem:s2] =	stream.indirect.scatter.add.f32 [tilespmem:s1], [sflag:$0x3], $0x1, s8, s23, $0xb8;
	[tilespmem:$0x6E00] =	vst v63  }
0x165: {  	s9 =	simm.s32 $0x1A80  }
0x166: {  	[spmem:s2] =	stream.indirect.scatter.add.f32 [tilespmem:s1], [sflag:$0x3], $0x1, s9, s23, $0xb8;
	[tilespmem:$0x6E00] =	vst v63  }
0x167: {  	s10 =	simm.s32 $0x1B00  }
0x168: {  	[spmem:s2] =	stream.indirect.scatter.add.f32 [tilespmem:s1], [sflag:$0x3], $0x1, s10, s23, $0xb8;
	[tilespmem:$0x6E00] =	vst v63  }
0x169: {  	s11 =	simm.s32 $0x1B80  }
0x16a: {  	[spmem:s2] =	stream.indirect.scatter.add.f32 [tilespmem:s1], [sflag:$0x3], $0x1, s11, s23, $0xb8;
	[tilespmem:$0x6E00] =	vst v63  }
0x16b: {  	s12 =	simm.s32 $0x1C00  }
0x16c: {  	[spmem:s2] =	stream.indirect.scatter.add.f32 [tilespmem:s1], [sflag:$0x3], $0x1, s12, s23, $0xb8;
	[tilespmem:$0x6E00] =	vst v63  }
0x16d: {  	s13 =	simm.s32 $0x1C80  }
0x16e: {  	[spmem:s2] =	stream.indirect.scatter.add.f32 [tilespmem:s1], [sflag:$0x3], $0x1, s13, s23, $0xb8;
	[tilespmem:$0x6E00] =	vst v63  }
0x16f: {  	s14 =	simm.s32 $0x1D00  }
0x170: {  	[spmem:s2] =	stream.indirect.scatter.add.f32 [tilespmem:s1], [sflag:$0x3], $0x1, s14, s23, $0xb8;
	[tilespmem:$0x6E00] =	vst v63  }
0x171: {  	s15 =	simm.s32 $0x1D80  }
0x172: {  	[spmem:s2] =	stream.indirect.scatter.add.f32 [tilespmem:s1], [sflag:$0x3], $0x1, s15, s23, $0xb8;
	[tilespmem:$0x6E00] =	vst v63  }
0x173: {  	s16 =	simm.s32 $0x1E00  }
0x174: {  	[spmem:s2] =	stream.indirect.scatter.add.f32 [tilespmem:s1], [sflag:$0x3], $0x1, s16, s23, $0xb8;
	[tilespmem:$0x6E00] =	vst v63  }
0x175: {  	s18 =	simm.s32 $0x1E80  }
0x176: {  	[spmem:s2] =	stream.indirect.scatter.add.f32 [tilespmem:s1], [sflag:$0x3], $0x1, s18, s23, $0xb8;
	[tilespmem:$0x6E00] =	vst v63  }
0x177: {  	s19 =	simm.s32 $0x1F00  }
0x178: {  	[spmem:s2] =	stream.indirect.scatter.add.f32 [tilespmem:s1], [sflag:$0x3], $0x1, s19, s23, $0xb8;
	[tilespmem:$0x6E00] =	vst v63  }
0x179: {  	s20 =	simm.s32 $0x1F80  }
0x17a: {  	[spmem:s2] =	stream.indirect.scatter.add.f32 [tilespmem:s1], [sflag:$0x3], $0x1, s20, s23, $0xb8;
	[tilespmem:$0x6E00] =	vst v63  }
0x17b: {  	s22 =	simm.s32 $0x2000  }
0x17c: {  	[spmem:s2] =	stream.indirect.scatter.add.f32 [tilespmem:s1], [sflag:$0x3], $0x1, s22, s23, $0xb8;
	[tilespmem:$0x6E00] =	vst v63  }
0x17d: {  	_ =	swait.ge [sflag:s17], $0x800  }
0x17e: {  	[sflag:s17] =	ssyncset.done $0x0  }
0x17f: {  	[sflag:s17] =	ssyncadd.s32 $0xFFFFF800  }
0x180: {  	s24 =	stileid.u32;
	[bflag:$0x0] =	sbarrier.arrive $0xFFFF  }
0x181: {  	s0 =	sshll.u32 s24, $0x6;
	s30 =	rddreg [dreg:$0x4]  }
0x182: {  	s0 =	sor.u32 $0x1C04, s0;
	s20 =	rddreg [dreg:$0xa];
	s25 =	sshrl.u32 s30, $0x3  }
0x183: {  	[hbm:s20], [sflag:s0] =	dma.local [spmem:s25], $0x310  }
0x184: {  	_ =	swait.ge [sflag:s21], $0x310  }
0x185: {  	s26 =	rddreg [dreg:$0x12]  }
0x186: {  	s31 =	rddreg [dreg:$0xb];
	s8 =	sadd.s32 $0x1, s26  }
0x187: {  	p0 =	sne.s32 s8, s31  }
.Ltmp3:
0x188: {  	_ = 	snop;
	(pc) =	sbr.rel @p0 .LBB2_1-.Ltmp3, $4  }
0x189: {  	_ = 	snop  }
0x18a: {  	s7 =	simm.s32 $0x3580;
	s10 =	simm.s32 $0x4580  }
0x18b: {  	s11 =	simm.s32 $0x1880;
	[sflag:s21] =	ssyncset.done $0x0;
	s6 =	rddreg [dreg:$0x10]  }
0x18c: {  	s12 =	simm.s32 $0x2080;
	s9 =	rddreg [dreg:$0x11];
	[sflag:s21] =	ssyncadd.s32 $0xFFFFFCF0  }
0x18d: {  	_ =	sfence.sel $0x180000  }
0x18e: {  	[bflag:$0x0] =	sbarrier.arrive $0xFFFF  }
0x18f: {  	_ =	strace $0x90000047  }
0x190: {  	s0 =	stileid.u32;
	[bflag:$0x2] =	sbarrier.arrive $0xFFFF  }
0x191: {  	p0 =	sne.s32 s0, $0x0;
	s0 =	rddreg [dreg:$0x2]  }
0x192: {  	s0 =	sadd.s32 @!p0 $0x100000, s0  }
0x193: {  	[sflag:s0] =	ssyncadd.tile.s32 @!p0 $0x1;
	_ =	shalt  }
.Lfunc_end2:
_tile_overlayer_lowered:
.L_overlay_start_2:
0x194: {  	(tag) =	ssettag $0x2  }
0x195: {  	s0 =	rddreg [dreg:$0x0];
	s2 =	stileid.u32  }
0x196: {  	s1 =	rddreg [dreg:$0x1];
	p0 =	sne.s32 s2, $0x0  }
0x197: {  	s3 =	rddreg [dreg:$0x2];
	[bflag:$0x3] =	sbarrier.arrive $0xFFFF;
	s2 =	simm.s32 @!p0 $0x1C04  }
0x198: {  	[timem:s3], [sflag:s2] =	dma.local @!p0 [hbm:s0], s1  }
0x199: {  	s0 =	simm.s32 @!p0 $0x4  }
0x19a: {  	_ =	swait.ge @!p0 [sflag:s0], s1  }
0x19b: {  	s1 =	ssub.s32 @!p0 $0x0, s1;
	[sflag:s0] =	ssyncset.done @!p0 $0x0  }
0x19c: {  	[sflag:s0] =	ssyncadd.s32 @!p0 s1  }
0x19d: {  	[bflag:$0x3] =	sbarrier.arrive $0xFFFF  }
0x19e: {  	_ =	shalt  }

// kernel: kernel.14.cloned.1.call-start
scs
__scs_entry_jumppad:
0x0: {  	(pc) =	sbr.rel $0x88, $3  }
0x1: {  	(tag) =	ssettag $0x0;
	lr =	simm.s32 $0x1  }
0x2: {  	[smem:$0x3F92] =	sst lr;
	_ =	strace $0xD0000000  }
0x3: {  	_ = 	snop  }
0x4: {  	_ = 	snop  }
0x5: {  	_ = 	snop  }
0x6: {  	_ = 	snop  }
0x7: {  	_ = 	snop  }
__scs_overlays_trampoline_lowered:
0x8: {  	[smem:$0x3FA1] =	sst s0  }
0x9: {  	[smem:$0x3FA2] =	sst s1  }
0xa: {  	[smem:$0x3FA3] =	sst s2  }
0xb: {  	[smem:$0x3FA4] =	sst s3  }
0xc: {  	[smem:$0x3FA5] =	sst s4  }
0xd: {  	[smem:$0x3FA6] =	sst s5  }
0xe: {  	[smem:$0x3FA7] =	sst s6  }
0xf: {  	[smem:$0x3FA8] =	sst s7  }
0x10: {  	[smem:$0x3FA9] =	sst s8  }
0x11: {  	[smem:$0x3FAA] =	sst s9;
	s0 =	simm.s32 @!p0 $0x0  }
0x12: {  	s1 =	sld [smem:$0x3F90];
	s0 =	simm.s32 @p0 $0x1  }
0x13: {  	[smem:$0x3FAB] =	sst s0;
	s0 =	simm.s32 @!p1 $0x0  }
0x14: {  	s2 =	sld [smem:$0x3F8F];
	s0 =	simm.s32 @p1 $0x1  }
0x15: {  	[smem:$0x3FAC] =	sst s0;
	s0 =	simm.s32 @!p2 $0x0  }
0x16: {  	s3 =	sld [smem:$0x3FDB];
	s0 =	simm.s32 @p2 $0x1  }
0x17: {  	s4 =	simm.s32 $0x1BF5;
	[smem:$0x3FAE] =	sst s0  }
0x18: {  	s0 =	sld [smem:$0x3F91];
	_ =	swait.ge [sflag:s4], $0x0  }
0x19: {  	s7 =	sld [smem:$0x3F92]  }
0x1a: {  	s8 =	sadd.s32 $0xFFFFE003, lr  }
0x1b: {  	s9 =	sadd.s32 $0xFFFFFEF7, lr;
	s5 =	simm.s32 $0xFFFFFFFF;
	p2 =	slt.u32 s8, $0xFFFFF086  }
0x1c: {  	p1 =	slt.u32 s9, $0xF7A;
	s5 =	simm.s32 @!p2 $0x0  }
0x1d: {  	s5 =	simm.s32 @p1 $0x1;
	p0 =	seq.s32 s7, s2  }
0x1e: {  	s7 =	smul.u32 @!p0 $0xF7A, s2;
	p2 =	seq.s32 @!p0 s5, $0x0  }
0x1f: {  	s9 =	smul.u32 $0xF7A, s1;
	s8 =	simm.s32 @!p0 $0x1BF5;
	p2 =	por !p2, p0  }
0x20: {  	[sflag:s8] =	ssyncset.s32 @!p0 $0xFFFFF086;
	s6 =	sadd.s32 @!p0 s3, s7;
	s7 =	simm.s32 @!p0 $0x108  }
0x21: {  	s3 =	sadd.s32 s3, s9;
	s6 =	sadd.s32 @!p0 $0x88, s6;
	s7 =	simm.s32 @p2 $0x1082  }
0x22: {  	[simem:s7], [sflag:s8] =	dma.local @!p0 [hbm:s6], $0xF7A  }
0x23: {  	s9 =	sor.u32 $0xD0000000, s2;
	s6 =	simm.s32 $0x108;
	_ =	swait.ge @!p0 [sflag:s8], $0x0  }
0x24: {  	s3 =	sadd.s32 $0x88, s3;
	s6 =	simm.s32 @!p1 $0x1082;
	[sflag:s4] =	ssyncset.s32 $0xFFFFF086  }
0x25: {  	[simem:s6], [sflag:s4] =	dma.local [hbm:s3], $0xF7A  }
0x26: {  	[smem:$0x3F92] =	sst s1;
	(tag) =	ssettag s2;
	_ =	strace s9  }
0x27: {  	s1 =	sld [smem:$0x3FA2]  }
0x28: {  	s2 =	sld [smem:$0x3FA3]  }
0x29: {  	s4 =	sld [smem:$0x3FA5]  }
0x2a: {  	p0 =	seq.s32 s5, $0x0;
	s5 =	sld [smem:$0x3FA6]  }
0x2b: {  	s6 =	sld [smem:$0x3FA7]  }
0x2c: {  	s7 =	sld [smem:$0x3FA8]  }
0x2d: {  	s3 =	simm.s32 $0x108;
	s8 =	sld [smem:$0x3FA9]  }
0x2e: {  	s3 =	simm.s32 @!p0 $0x1082;
	s9 =	sld [smem:$0x3FAA]  }
0x2f: {  	lr =	sadd.s32 s0, s3;
	s0 =	sld [smem:$0x3FA1]  }
0x30: {  	s3 =	sld [smem:$0x3FA4]  }
0x31: {  	[smem:$0x3FAD] =	sst s10  }
0x32: {  	s10 =	sld [smem:$0x3FAB];
	_ =	sdelay $0x3  }
0x33: {  	p0 =	seq.s32 s10, $0x1;
	s10 =	sld [smem:$0x3FAD];
	_ =	sdelay $0x3  }
0x34: {  	[smem:$0x3FAD] =	sst s10  }
0x35: {  	s10 =	sld [smem:$0x3FAC];
	_ =	sdelay $0x3  }
0x36: {  	p1 =	seq.s32 s10, $0x1;
	s10 =	sld [smem:$0x3FAD];
	_ =	sdelay $0x3  }
0x37: {  	[smem:$0x3FAD] =	sst s10  }
0x38: {  	s10 =	sld [smem:$0x3FAE]  }
0x39: {  	_ = 	snop;
	(pc) =	sbr.ind lr, $3  }
0x3a: {  	_ = 	snop  }
0x3b: {  	_ = 	snop  }
0x3c: {  	p2 =	seq.s32 s10, $0x1;
	s10 =	sld [smem:$0x3FAD]  }
0x3d: {  	_ =	shalt  }
0x3e: {  	_ =	shalt  }
0x3f: {  	_ =	shalt  }
0x40: {  	_ =	shalt  }
0x41: {  	_ =	shalt  }
0x42: {  	_ =	shalt  }
0x43: {  	_ =	shalt  }
0x44: {  	_ =	shalt  }
0x45: {  	_ =	shalt  }
0x46: {  	_ =	shalt  }
0x47: {  	_ =	shalt  }
0x48: {  	_ =	shalt  }
0x49: {  	_ =	shalt  }
0x4a: {  	_ =	shalt  }
0x4b: {  	_ =	shalt  }
0x4c: {  	_ =	shalt  }
0x4d: {  	_ =	shalt  }
0x4e: {  	_ =	shalt  }
0x4f: {  	_ =	shalt  }
0x50: {  	_ =	shalt  }
0x51: {  	_ =	shalt  }
0x52: {  	_ =	shalt  }
0x53: {  	_ =	shalt  }
0x54: {  	_ =	shalt  }
0x55: {  	_ =	shalt  }
0x56: {  	_ =	shalt  }
0x57: {  	_ =	shalt  }
0x58: {  	_ =	shalt  }
0x59: {  	_ =	shalt  }
0x5a: {  	_ =	shalt  }
0x5b: {  	_ =	shalt  }
0x5c: {  	_ =	shalt  }
0x5d: {  	_ =	shalt  }
0x5e: {  	_ =	shalt  }
0x5f: {  	_ =	shalt  }
0x60: {  	_ =	shalt  }
0x61: {  	_ =	shalt  }
0x62: {  	_ =	shalt  }
0x63: {  	_ =	shalt  }
0x64: {  	_ =	shalt  }
0x65: {  	_ =	shalt  }
0x66: {  	_ =	shalt  }
0x67: {  	_ =	shalt  }
0x68: {  	_ =	shalt  }
0x69: {  	_ =	shalt  }
0x6a: {  	_ =	shalt  }
0x6b: {  	_ =	shalt  }
0x6c: {  	_ =	shalt  }
0x6d: {  	_ =	shalt  }
0x6e: {  	_ =	shalt  }
0x6f: {  	_ =	shalt  }
0x70: {  	_ =	shalt  }
0x71: {  	_ =	shalt  }
0x72: {  	_ =	shalt  }
0x73: {  	_ =	shalt  }
0x74: {  	_ =	shalt  }
0x75: {  	_ =	shalt  }
0x76: {  	_ =	shalt  }
0x77: {  	_ =	shalt  }
0x78: {  	_ =	shalt  }
0x79: {  	_ =	shalt  }
0x7a: {  	_ =	shalt  }
0x7b: {  	_ =	shalt  }
0x7c: {  	_ =	shalt  }
0x7d: {  	_ =	shalt  }
0x7e: {  	_ =	shalt  }
0x7f: {  	_ =	shalt  }
0x80: {  	_ =	shalt  }
0x81: {  	_ =	shalt  }
0x82: {  	_ =	shalt  }
0x83: {  	_ =	shalt  }
0x84: {  	_ =	shalt  }
0x85: {  	_ =	shalt  }
0x86: {  	_ =	shalt  }
0x87: {  	_ =	shalt  }
.Lfunc_end0:
.L_simem_size_0:
called_computation.1_lowered:
.L_overlay_start_0:
0x88: {  	s2 =	sld [smem:$0x3FD9]  }
0x89: {  	s3 =	sld [smem:$0x3FFE];
	_ =	sdelay $0x1  }
0x8a: {  	s1 =	srdreg.scid  }
0x8b: {  	s0 =	sand.u32 $0x1, s1  }
0x8c: {  	s16 =	sshll.u32 s0, $0xA;
	s2 =	sadd.s32 s3, s2  }
0x8d: {  	s2 =	sadd.s32 s2, s16  }
0x8e: {  	[smem:$0x3FB9] =	sst s2  }
0x8f: {  	_ = 	snop  }
0x90: {  	(tm) =	ssettm $0x1  }
0x91: {  	s17 =	sld [smem:$0x3FFB];
	_ =	sdelay $0x3  }
0x92: {  	_ =	strace s17  }
0x93: {  	s2 =	sld [smem:$0x3FFC];
	_ =	sdelay $0x3  }
0x94: {  	_ =	strace s2  }
0x95: {  	s2 =	sld [smem:$0x3FFD];
	_ =	sdelay $0x3  }
0x96: {  	_ =	strace s2  }
0x97: {  	_ =	strace $0x8FFFFFFF  }
0x98: {  	s18 =	sld [smem:$0x3FDB];
	_ =	sdelay $0x1  }
0x99: {  	s19 =	simm.s32 $_scs_section_size  }
0x9a: {  	s4 =	simm.s32 $_size__tile_overlayer_lowered;
	s5 =	simm.s32 $_tile_overlayer_lowered  }
0x9b: {  	s22 =	simm.s32 $0x1BFF;
	s21 =	sshll.u32 s5, $0x1;
	s2 =	sadd.s32 s19, s18  }
0x9c: {  	s6 =	simm.s32 $0x0;
	s20 =	sshll.u32 s4, $0x1;
	s4 =	sadd.s32 s21, s2  }
0x9d: {  	[timem:s6], [sflag:s22] =	dma.local [hbm:s4], s20  }
0x9e: {  	_ =	swait.ge [sflag:s22], s20  }
0x9f: {  	s3 =	ssub.s32 $0x0, s20;
	[sflag:s22] =	ssyncset.done $0x0  }
0xa0: {  	[sflag:s22] =	ssyncadd.s32 s3;
	_ =	sdelay $0x1  }
0xa1: {  	s23 =	simm.s32 $0x1B8B  }
0xa2: {  	_ =	swait.ge [sflag:s23], $0x1  }
0xa3: {  	[sflag:s23] =	ssyncset.done $0x0  }
0xa4: {  	s25 =	simm.s32 $0x1B8E;
	s24 =	sld [smem:$0x3FFE];
	[sflag:s23] =	ssyncadd.s32 $0xFFFFFFFF  }
0xa5: {  	s26 =	simm.s32 $execute0_lowered;
	[smem:$0x3FD2] =	sst s25  }
0xa6: {  	s4 =	sshll.u32 s26, $0x1;
	_ =	strace $0x80000049;
	[dreg:$0x1] =	wrdreg $0xFFFFFFFF  }
0xa7: {  	s28 =	simm.s32 $_size_execute0_lowered;
	s2 =	sadd.s32 s2, s4;
	[dreg:$0x0] =	wrdreg $0x0  }
0xa8: {  	s4 =	sshll.u32 s28, $0x1;
	[dreg:$0x2] =	wrdreg s2  }
0xa9: {  	[dreg:$0x3] =	wrdreg s4  }
0xaa: {  	[dreg:$0x4] =	wrdreg $0xC0  }
0xab: {  	_ =	task [dreg:s6], $0x5FFFF  }
0xac: {  	[dreg:$0x1] =	wrdreg $0xFFFFFFFF  }
0xad: {  	[dreg:$0x0] =	wrdreg $0x60  }
0xae: {  	[dreg:$0x2] =	wrdreg s24  }
0xaf: {  	[dreg:$0x3] =	wrdreg $0x0  }
0xb0: {  	[dreg:$0x4] =	wrdreg $0x9  }
0xb1: {  	_ =	task.clear_ibuf [dreg:s6], $0x5FFFF;
	_ =	strace $0x90000049  }
0xb2: {  	s29 =	simm.s32 $0x9;
	_ =	strace $0x8000004B  }
0xb3: {  	_ =	swait.ge [sflag:s29], $0x1  }
0xb4: {  	[sflag:s29] =	ssyncadd.s32 $0xFFFFFFFF  }
0xb5: {  	_ =	strace $0x9000004B  }
0xb6: {  	_ =	sfence  }
0xb7: {  	s30 =	sld [smem:$0x0];
	_ =	sdelay $0x2  }
0xb8: {  	s31 =	sshll.u32 s1, $0xD;
	s1 =	sshrl.u32 s1, $0x2  }
0xb9: {  	s3 =	sand.u32 $0x4000, s31;
	s1 =	sadd.s32 s1, s30  }
0xba: {  	s0 =	sor.u32 s3, s0;
	s1 =	sshll.u32 s1, $0x11  }
0xbb: {  	s0 =	sor.u32 s1, s0  }
0xbc: {  	s0 =	sadd.s32 $0x8F2B, s0  }
0xbd: {  	[sflag:s0] =	ssyncadd.remote.s32 $0x1  }
0xbe: {  	_ =	sfence.sel $0xFFFF  }
0xbf: {  	[dreg:$0x0] =	wrdreg $0xFFFFFFFF;
	(pc) =	sbr.abs _section_cstart, $3  }
0xc0: {  	[dreg:$0x1] =	wrdreg $0xFFFFFFFF  }
0xc1: {  	_ =	task.clear_ibuf [dreg:s6], $0x2FFFF;
	_ =	strace $0x9FFFFFFF  }
0xc2: {  	(tm) =	ssettm $0x7FFFFFFF  }
0xc3: {  	_ =	shalt  }
tec
execute0_lowered:
.L_overlay_start_1:
0x0: {  	(tag) =	ssettag $0x1  }
0x1: {  	s0 =	rddreg [dreg:$0x0]  }
0x2: {  	s2 =	rddreg [dreg:$0x1]  }
0x3: {  	s3 =	simm.s32 $0x0;
	s1 =	srdreg.scid;
	s16 =	stileid.u32  }
0x4: {  	s28 =	simm.s32 $0x1A400;
	s30 =	simm.s32 $0x1AC00;
	s5 =	smul.u32 $0x31000, s16  }
0x5: {  	s29 =	simm.s32 $0x1E400;
	s31 =	simm.s32 $0x1AC00;
	s8 =	smul.u32 $0x1880, s16  }
0x6: {  	[smem:$0x7FF] =	sst s3;
	s1 =	sand.u32 $0x1, s1;
	s21 =	smul.u32 $0x62000, s16  }
0x7: {  	s7 =	sadd.s32 $0x135C00, s0;
	s9 =	sadd.s32 $0x6FC00, s0;
	s23 =	smul.u32 $0x6200, s16  }
0x8: {  	s10 =	sadd.s32 $0xD1C00, s0;
	_ =	strace $0x8000004A;
	s14 =	smul.u32 $0x18800, s1  }
0x9: {  	s6 =	sshll.u32 s1, $0x4;
	s12 =	ssub.s32 $0x2, s1;
	s26 =	smul.u32 $0x310000, s1  }
0xa: {  	s4 =	sor.u32 s6, s5;
	s8 =	sadd.s32 $0x1800, s8;
	s13 =	sshrl.u32 s12, $0x1  }
0xb: {  	s18 =	sadd.s32 $0x30E00, s5;
	s24 =	sshrl.u32 s21, $0x2;
	s21 =	simm.s32 $0x18C80  }
0xc: {  	s4 =	sshrl.u32 s4, $0x3;
	s15 =	sshll.u32 s8, $0x5;
	s25 =	sadd.s32 s14, s8  }
0xd: {  	s14 =	sshll.u32 s1, $0x1;
	s19 =	sadd.s32 s26, s18;
	s22 =	sshrl.u32 s18, $0x3  }
0xe: {  	s1 =	smul.u32 $0x31000, s1;
	[dreg:$0x7] =	wrdreg s21;
	s11 =	sadd.s32 s4, s0  }
0xf: {  	s4 =	sadd.s32 $0x4200, s0;
	s0 =	ssub.s32 s12, s13;
	s6 =	sor.u32 s6, s15  }
0x10: {  	s12 =	sshll.u32 s25, $0x1;
	s15 =	sshll.u32 s8, $0x4;
	s8 =	sadd.s32 s5, s26  }
0x11: {  	s5 =	sshrl.u32 s5, $0x3;
	s20 =	sshrl.u32 s19, $0x3;
	s13 =	sadd.s32 s23, s9  }
0x12: {  	s26 =	sadd.s32 s23, s10;
	s23 =	simm.s32 $0x18D80;
	[dreg:$0x3] =	wrdreg s13  }
0x13: {  	s6 =	sshrl.u32 s6, $0x3;
	s5 =	sadd.s32 s9, s5;
	[dreg:$0x9] =	wrdreg s23  }
0x14: {  	s17 =	sshrl.u32 s8, $0x3;
	s25 =	sadd.s32 $0x1F9C00, s11;
	[dreg:$0x11] =	wrdreg s5  }
0x15: {  	s0 =	smax.u32 s0, $0x1;
	s11 =	smul.u32 $0x3100, s16;
	[dreg:$0x14] =	wrdreg s25  }
0x16: {  	s23 =	simm.s32 $0x80;
	s6 =	sadd.s32 s10, s6;
	[dreg:$0x16] =	wrdreg s0  }
0x17: {  	s13 =	simm.s32 $0x1CC00;
	s5 =	sadd.s32 s7, s20;
	[dreg:$0xd] =	wrdreg s6  }
0x18: {  	s10 =	sadd.s32 s1, s4;
	s25 =	simm.s32 $0x19300;
	[dreg:$0x12] =	wrdreg s5  }
0x19: {  	s1 =	simm.s32 $0x19000;
	s6 =	sadd.s32 s4, s12;
	[dreg:$0xb] =	wrdreg s25  }
0x1a: {  	s5 =	sadd.s32 s9, s22;
	s22 =	simm.s32 $0x18D00;
	[dreg:$0xe] =	wrdreg s6  }
0x1b: {  	s25 =	simm.s32 $0x19C00;
	s12 =	simm.s32 $0x2;
	[dreg:$0x13] =	wrdreg s5  }
0x1c: {  	s9 =	simm.s32 $0x0;
	s6 =	sadd.s32 s15, s2;
	[dreg:$0x8] =	wrdreg s22  }
0x1d: {  	s15 =	sadd.s32 s24, s2;
	s24 =	simm.s32 $0x19280;
	[dreg:$0xf] =	wrdreg s6  }
0x1e: {  	s22 =	simm.s32 $0x18E00;
	s6 =	sadd.s32 s7, s17;
	[dreg:$0xa] =	wrdreg s24  }
0x1f: {  	s17 =	sor.u32 $0x400, s8;
	[dreg:$0x15] =	wrdreg s15;
	s24 =	simm.s32 $0x1D400  }
0x20: {  	[dreg:$0x10] =	wrdreg s6;
	s6 =	sadd.s32 s14, s26;
	s14 =	sor.u32 $0x600, s8  }
0x21: {  	s8 =	sor.u32 $0x200, s8;
	s26 =	simm.s32 $0x19380;
	[dreg:$0x17] =	wrdreg s6  }
0x22: {  	s16 =	sshrl.u32 s14, $0x3;
	s6 =	sshrl.u32 s17, $0x3;
	s19 =	sshrl.u32 s8, $0x3  }
0x23: {  	[dreg:$0xc] =	wrdreg s26;
	s8 =	simm.s32 $0x1BC00;
	s26 =	simm.s32 $0x1DC00  }
0x24: {  	s5 =	sadd.s32 s16, s7;
	s18 =	sadd.s32 s6, s7;
	s16 =	sadd.s32 s11, s10  }
0x25: {  	s20 =	sadd.s32 s19, s7;
	s7 =	simm.s32 $0x20;
	[dreg:$0x4] =	wrdreg s5  }
0x26: {  	s19 =	simm.s32 $0x19400;
	s6 =	simm.s32 $0x1B400;
	[dreg:$0x5] =	wrdreg s18  }
0x27: {  	s10 =	simm.s32 $0x1C400;
	s11 =	simm.s32 $0x1;
	[dreg:$0x6] =	wrdreg s20  }
0x28: {  	s20 =	simm.s32 $0x3;
	[dreg:$0x18] =	wrdreg s16;
	s18 =	simm.s32 $0x19200  }
.LBB2_1:
0x29: {  	[dreg:$0x19] =	wrdreg s9  }
0x2a: {  	s9 =	rddreg [dreg:$0x17];
	s5 =	simm.s32 $0x10  }
0x2b: {  	[tilespmem:s19], [sflag:$0x3] =	stream.strided.gather [hbm4b:s9+s5], $0x2000, s7, s5, $0x38;
	[tilespmem:$0x1F400] =	vst v63  }
0x2c: {  	_ =	swait.ge [sflag:s20], $0x2000  }
0x2d: {  	[sflag:s20] =	ssyncset.done $0x0  }
0x2e: {  	s21 =	sadd.s32 $0x0, s16;
	[sflag:s20] =	ssyncadd.s32 $0xFFFFE000  }
0x2f: {  	[hbm4b:s21+s3] =	stream.linear.scatter [tilespmem:s19], [sflag:$0x3], $0x2000, $0x38;
	[tilespmem:$0x1F400] =	vst v63  }
0x30: {  	_ =	swait.ge [sflag:s20], $0x2000  }
0x31: {  	[sflag:s20] =	ssyncset.done $0x0  }
0x32: {  	[sflag:s20] =	ssyncadd.s32 $0xFFFFE000  }
0x33: {  	[spmem:s15] =	stream.linear.scatter [tilespmem:s19], [sflag:$0x3], $0x2000, $0x38;
	[tilespmem:$0x1F400] =	vst v63  }
0x34: {  	s5 =	simm.s32 $0x400;
	s7 =	smov.u32 s15;
	_ =	swait.ge [sflag:s20], $0x2000  }
0x35: {  	s21 =	simm.s32 $0x20;
	s15 =	simm.s32 $0x10;
	[sflag:s20] =	ssyncset.done $0x0  }
.LBB2_2:
0x36: {  	[sflag:s20] =	ssyncadd.s32 $0xFFFFE000  }
0x37: {  	s7 =	sadd.s32 $0x2000, s7;
	s9 =	sadd.s32 $0x800, s9;
	s14 =	smov.u32 s5  }
0x38: {  	[tilespmem:s19], [sflag:$0x3] =	stream.strided.gather [hbm4b:s9+s15], $0x2000, s21, s15, $0x38;
	[tilespmem:$0x1F400] =	vst v63  }
0x39: {  	p0 =	sne.s32 s5, $0x2C00;
	s5 =	sadd.s32 $0x400, s5;
	_ =	swait.ge [sflag:s20], $0x2000  }
0x3a: {  	[sflag:s20] =	ssyncset.done $0x0  }
0x3b: {  	s14 =	sadd.s32 s14, s16;
	[sflag:s20] =	ssyncadd.s32 $0xFFFFE000  }
0x3c: {  	[hbm4b:s14+s3] =	stream.linear.scatter [tilespmem:s19], [sflag:$0x3], $0x2000, $0x38;
	[tilespmem:$0x1F400] =	vst v63  }
0x3d: {  	_ =	swait.ge [sflag:s20], $0x2000  }
.Ltmp0:
0x3e: {  	[sflag:s20] =	ssyncset.done $0x0;
	(pc) =	sbr.rel @p0 .LBB2_2-.Ltmp0, $4  }
0x3f: {  	[sflag:s20] =	ssyncadd.s32 $0xFFFFE000  }
0x40: {  	[spmem:s7] =	stream.linear.scatter [tilespmem:s19], [sflag:$0x3], $0x2000, $0x38;
	[tilespmem:$0x1F400] =	vst v63  }
0x41: {  	_ =	swait.ge [sflag:s20], $0x2000  }
0x42: {  	[sflag:s20] =	ssyncset.done $0x0  }
0x43: {  	[sflag:s20] =	ssyncadd.s32 $0xFFFFE000;
	s5 =	rddreg [dreg:$0xd]  }
0x44: {  	[tilespmem:s19], [sflag:$0x3] =	stream.strided.gather [hbm4b:s5+s15], $0x800, s21, s15, $0x38;
	[tilespmem:$0x1F400] =	vst v63  }
0x45: {  	_ =	swait.ge [sflag:s20], $0x800  }
0x46: {  	[sflag:s20] =	ssyncset.done $0x0  }
0x47: {  	s14 =	simm.s32 $0x0;
	s7 =	rddreg [dreg:$0xe];
	[sflag:s20] =	ssyncadd.s32 $0xFFFFF800  }
0x48: {  	[hbm4b:s7+s14] =	stream.linear.scatter [tilespmem:s19], [sflag:$0x3], $0x800, $0x38;
	[tilespmem:$0x1F400] =	vst v63  }
0x49: {  	_ =	swait.ge [sflag:s20], $0x800  }
0x4a: {  	[sflag:s20] =	ssyncset.done $0x0  }
0x4b: {  	s15 =	rddreg [dreg:$0xf];
	[sflag:s20] =	ssyncadd.s32 $0xFFFFF800  }
0x4c: {  	[spmem:s15] =	stream.linear.scatter [tilespmem:s19], [sflag:$0x3], $0x800, $0x38;
	[tilespmem:$0x1F400] =	vst v63  }
0x4d: {  	_ =	swait.ge [sflag:s20], $0x800  }
0x4e: {  	[sflag:s20] =	ssyncset.done $0x0  }
0x4f: {  	[sflag:s20] =	ssyncadd.s32 $0xFFFFF800  }
0x50: {  	[bflag:$0x0] =	sbarrier.arrive $0xFFFF  }
0x51: {  	s21 =	simm.s32 $0x18800;
	s16 =	rddreg [dreg:$0x10]  }
0x52: {  	[tilespmem:s21], [sflag:$0x3] =	stream.linear.gather [hbm4b:s16+s14], $0x200, $0x38;
	[tilespmem:$0x1F400] =	vst v63  }
0x53: {  	_ =	swait.ge [sflag:s20], $0x200  }
0x54: {  	[sflag:s20] =	ssyncset.done $0x0  }
0x55: {  	s17 =	rddreg [dreg:$0x11];
	[sflag:s20] =	ssyncadd.s32 $0xFFFFFE00  }
0x56: {  	[tilespmem:s22], [sflag:$0x3] =	stream.linear.gather [hbm4b:s17+s14], $0x200, $0x38;
	[tilespmem:$0x1F400] =	vst v63  }
0x57: {  	_ =	swait.ge [sflag:s20], $0x200  }
0x58: {  	[sflag:s20] =	ssyncset.done $0x0  }
0x59: {  	[sflag:s20] =	ssyncadd.s32 $0xFFFFFE00  }
0x5a: {  	[tilespmem:s19], [sflag:$0x1] =	stream.indirect.gather [hbm4b:s4+s23], $0x10, s21, s23, $0xb8;
	[tilespmem:$0x1F400] =	vst v63  }
0x5b: {  	p0 =	por $0x1, $0x1;
	s14 =	simm.s32 $0x18880  }
0x5c: {  	[tilespmem:s25], [sflag:$0x1] =	stream.indirect.gather [hbm4b:s4+s23], $0x10, s14, s23, $0xb8;
	[tilespmem:$0x1F400] =	vst v63  }
0x5d: {  	p0 =	por p0, p0;
	s15 =	simm.s32 $0x18900  }
0x5e: {  	[tilespmem:s28], [sflag:$0x1] =	stream.indirect.gather [hbm4b:s4+s23], $0x10, s15, s23, $0xb8;
	[tilespmem:$0x1F400] =	vst v63  }
0x5f: {  	s5 =	simm.s32 @!p0 $0x2;
	s16 =	simm.s32 $0x18980  }
0x60: {  	[tilespmem:s30], [sflag:$0x1] =	stream.indirect.gather [hbm4b:s4+s23], $0x10, s16, s23, $0xb8;
	[tilespmem:$0x1F400] =	vst v63  }
0x61: {  	_ =	swait.ge @!p0 [sflag:s5], $0x2000  }
0x62: {  	s0 =	rddreg [dreg:$0x6];
	[sflag:s5] =	ssyncset.done @!p0 $0x0  }
0x63: {  	[sflag:s5] =	ssyncadd.s32 @!p0 $0xFFFFE000;
	s7 =	sadd.s32 $0x0, s0;
	s0 =	simm.s32 $0x18A00  }
0x64: {  	[tilespmem:s0], [sflag:$0x3] =	stream.linear.gather [hbm4b:s7+s3], $0x200, $0x38;
	[tilespmem:$0x1F400] =	vst v63  }
0x65: {  	_ =	swait.ge [sflag:s20], $0x200  }
0x66: {  	s9 =	rddreg [dreg:$0x3]  }
0x67: {  	[sflag:s20] =	ssyncset.done $0x0;
	s7 =	sadd.s32 $0x0, s9  }
0x68: {  	[sflag:s20] =	ssyncadd.s32 $0xFFFFFE00;
	s9 =	sadd.s32 $0x40, s7  }
0x69: {  	[tilespmem:s1], [sflag:$0x3] =	stream.linear.gather [hbm4b:s9+s3], $0x200, $0x38;
	[tilespmem:$0x1F400] =	vst v63  }
0x6a: {  	_ =	swait.ge [sflag:s20], $0x200  }
0x6b: {  	[sflag:s20] =	ssyncset.done $0x0  }
0x6c: {  	[sflag:s20] =	ssyncadd.s32 $0xFFFFFE00  }
0x6d: {  	[tilespmem:s6], [sflag:$0x1] =	stream.indirect.gather [hbm4b:s4+s23], $0x10, s0, s23, $0xb8;
	[tilespmem:$0x1F400] =	vst v63  }
0x6e: {  	s17 =	simm.s32 $0x18A80  }
0x6f: {  	[tilespmem:s8], [sflag:$0x1] =	stream.indirect.gather [hbm4b:s4+s23], $0x10, s17, s23, $0xb8;
	[tilespmem:$0x1F400] =	vst v63  }
0x70: {  	s8 =	simm.s32 $0x18B00  }
0x71: {  	[tilespmem:s10], [sflag:$0x1] =	stream.indirect.gather [hbm4b:s4+s23], $0x10, s8, s23, $0xb8;
	[tilespmem:$0x1F400] =	vst v63  }
0x72: {  	s10 =	simm.s32 $0x18B80  }
0x73: {  	[tilespmem:s13], [sflag:$0x1] =	stream.indirect.gather [hbm4b:s4+s23], $0x10, s10, s23, $0xb8;
	[tilespmem:$0x1F400] =	vst v63  }
0x74: {  	_ =	swait.ge [sflag:s11], $0x2000  }
0x75: {  	[sflag:s11] =	ssyncset.done $0x0  }
0x76: {  	[sflag:s11] =	ssyncadd.s32 $0xFFFFE000  }
0x77: {  	[spmem:s2] =	stream.indirect.scatter.add.f32 [tilespmem:s19], [sflag:$0x2], $0x10, s22, s23, $0xb8;
	[tilespmem:$0x1F400] =	vst v63  }
0x78: {  	s13 =	simm.s32 $0x18E80  }
0x79: {  	[spmem:s2] =	stream.indirect.scatter.add.f32 [tilespmem:s25], [sflag:$0x2], $0x10, s13, s23, $0xb8;
	[tilespmem:$0x1F400] =	vst v63  }
0x7a: {  	s17 =	simm.s32 $0x18F00  }
0x7b: {  	[spmem:s2] =	stream.indirect.scatter.add.f32 [tilespmem:s28], [sflag:$0x2], $0x10, s17, s23, $0xb8;
	[tilespmem:$0x1F400] =	vst v63  }
0x7c: {  	s25 =	simm.s32 $0x18F80  }
0x7d: {  	[spmem:s2] =	stream.indirect.scatter.add.f32 [tilespmem:s30], [sflag:$0x2], $0x10, s25, s23, $0xb8;
	[tilespmem:$0x1F400] =	vst v63  }
0x7e: {  	_ =	swait.ge @!p0 [sflag:s5], $0x2000  }
0x7f: {  	s8 =	rddreg [dreg:$0x5];
	[sflag:s5] =	ssyncset.done @!p0 $0x0  }
0x80: {  	s17 =	simm.s32 $0x18C00;
	[sflag:s5] =	ssyncadd.s32 @!p0 $0xFFFFE000;
	s9 =	sadd.s32 $0x0, s8  }
0x81: {  	[tilespmem:s17], [sflag:$0x3] =	stream.linear.gather [hbm4b:s9+s3], $0x200, $0x38;
	[tilespmem:$0x1F400] =	vst v63  }
0x82: {  	_ =	swait.ge [sflag:s20], $0x200  }
0x83: {  	[sflag:s20] =	ssyncset.done $0x0  }
0x84: {  	s10 =	sadd.s32 $0x80, s7;
	[sflag:s20] =	ssyncadd.s32 $0xFFFFFE00  }
0x85: {  	[tilespmem:s18], [sflag:$0x3] =	stream.linear.gather [hbm4b:s10+s3], $0x200, $0x38;
	[tilespmem:$0x1F400] =	vst v63  }
0x86: {  	_ =	swait.ge [sflag:s20], $0x200  }
0x87: {  	[sflag:s20] =	ssyncset.done $0x0  }
0x88: {  	[sflag:s20] =	ssyncadd.s32 $0xFFFFFE00  }
0x89: {  	[tilespmem:s24], [sflag:$0x1] =	stream.indirect.gather [hbm4b:s4+s23], $0x10, s17, s23, $0xb8;
	[tilespmem:$0x1F400] =	vst v63  }
0x8a: {  	s13 =	rddreg [dreg:$0x7]  }
0x8b: {  	[tilespmem:s26], [sflag:$0x1] =	stream.indirect.gather [hbm4b:s4+s23], $0x10, s13, s23, $0xb8;
	[tilespmem:$0x1F400] =	vst v63  }
0x8c: {  	s25 =	rddreg [dreg:$0x8]  }
0x8d: {  	[tilespmem:s29], [sflag:$0x1] =	stream.indirect.gather [hbm4b:s4+s23], $0x10, s25, s23, $0xb8;
	[tilespmem:$0x1F400] =	vst v63  }
0x8e: {  	s8 =	rddreg [dreg:$0x9];
	s25 =	simm.s32 $0x1EC00  }
0x8f: {  	[tilespmem:s25], [sflag:$0x1] =	stream.indirect.gather [hbm4b:s4+s23], $0x10, s8, s23, $0xb8;
	[tilespmem:$0x1F400] =	vst v63  }
0x90: {  	_ =	swait.ge [sflag:s11], $0x2000  }
0x91: {  	[sflag:s11] =	ssyncset.done $0x0  }
0x92: {  	[sflag:s11] =	ssyncadd.s32 $0xFFFFE000  }
0x93: {  	[spmem:s2] =	stream.indirect.scatter.add.f32 [tilespmem:s6], [sflag:$0x2], $0x10, s1, s23, $0xb8;
	[tilespmem:$0x1F400] =	vst v63  }
0x94: {  	s9 =	simm.s32 $0x19080;
	s8 =	simm.s32 $0x1BC00  }
0x95: {  	[spmem:s2] =	stream.indirect.scatter.add.f32 [tilespmem:s8], [sflag:$0x2], $0x10, s9, s23, $0xb8;
	[tilespmem:$0x1F400] =	vst v63  }
0x96: {  	s10 =	simm.s32 $0x1C400;
	s9 =	simm.s32 $0x19100  }
0x97: {  	[spmem:s2] =	stream.indirect.scatter.add.f32 [tilespmem:s10], [sflag:$0x2], $0x10, s9, s23, $0xb8;
	[tilespmem:$0x1F400] =	vst v63  }
0x98: {  	s13 =	simm.s32 $0x1CC00;
	s9 =	simm.s32 $0x19180  }
0x99: {  	[spmem:s2] =	stream.indirect.scatter.add.f32 [tilespmem:s13], [sflag:$0x2], $0x10, s9, s23, $0xb8;
	[tilespmem:$0x1F400] =	vst v63  }
0x9a: {  	_ =	swait.ge [sflag:s12], $0x2000  }
0x9b: {  	s9 =	rddreg [dreg:$0x4];
	[sflag:s12] =	ssyncset.done $0x0  }
0x9c: {  	[sflag:s12] =	ssyncadd.s32 $0xFFFFE000;
	s5 =	sadd.s32 $0x0, s9  }
0x9d: {  	[tilespmem:s21], [sflag:$0x3] =	stream.linear.gather [hbm4b:s5+s3], $0x200, $0x38;
	[tilespmem:$0x1F400] =	vst v63  }
0x9e: {  	_ =	swait.ge [sflag:s20], $0x200  }
0x9f: {  	[sflag:s20] =	ssyncset.done $0x0  }
0xa0: {  	s9 =	sadd.s32 $0xC0, s7;
	[sflag:s20] =	ssyncadd.s32 $0xFFFFFE00  }
0xa1: {  	[tilespmem:s22], [sflag:$0x3] =	stream.linear.gather [hbm4b:s9+s3], $0x200, $0x38;
	[tilespmem:$0x1F400] =	vst v63  }
0xa2: {  	_ =	swait.ge [sflag:s20], $0x200  }
0xa3: {  	[sflag:s20] =	ssyncset.done $0x0  }
0xa4: {  	[sflag:s20] =	ssyncadd.s32 $0xFFFFFE00  }
0xa5: {  	[tilespmem:s19], [sflag:$0x1] =	stream.indirect.gather [hbm4b:s4+s23], $0x10, s21, s23, $0xb8;
	[tilespmem:$0x1F400] =	vst v63  }
0xa6: {  	s28 =	simm.s32 $0x19C00  }
0xa7: {  	[tilespmem:s28], [sflag:$0x1] =	stream.indirect.gather [hbm4b:s4+s23], $0x10, s14, s23, $0xb8;
	[tilespmem:$0x1F400] =	vst v63  }
0xa8: {  	s30 =	simm.s32 $0x1A400  }
0xa9: {  	[tilespmem:s30], [sflag:$0x1] =	stream.indirect.gather [hbm4b:s4+s23], $0x10, s15, s23, $0xb8;
	[tilespmem:$0x1F400] =	vst v63  }
0xaa: {  	_ = 	snop  }
0xab: {  	[tilespmem:s31], [sflag:$0x1] =	stream.indirect.gather [hbm4b:s4+s23], $0x10, s16, s23, $0xb8;
	[tilespmem:$0x1F400] =	vst v63  }
0xac: {  	_ =	swait.ge [sflag:s11], $0x2000  }
0xad: {  	p6 =	por $0x0, $0x0;
	[sflag:s11] =	ssyncset.done $0x0  }
0xae: {  	p0 =	por p6, p6;
	s15 =	rddreg [dreg:$0xa];
	[sflag:s11] =	ssyncadd.s32 $0xFFFFE000  }
0xaf: {  	[spmem:s2] =	stream.indirect.scatter.add.f32 [tilespmem:s24], [sflag:$0x2], $0x10, s18, s23, $0xb8;
	[tilespmem:$0x1F400] =	vst v63  }
0xb0: {  	s1 =	simm.s32 $0x19000;
	s6 =	simm.s32 $0x1B400;
	s16 =	rddreg [dreg:$0xb]  }
0xb1: {  	[spmem:s2] =	stream.indirect.scatter.add.f32 [tilespmem:s26], [sflag:$0x2], $0x10, s15, s23, $0xb8;
	[tilespmem:$0x1F400] =	vst v63  }
0xb2: {  	s14 =	simm.s32 $0xC0;
	s5 =	rddreg [dreg:$0xc];
	s15 =	simm.s32 $0x180  }
0xb3: {  	[spmem:s2] =	stream.indirect.scatter.add.f32 [tilespmem:s29], [sflag:$0x2], $0x10, s16, s23, $0xb8;
	[tilespmem:$0x1F400] =	vst v63  }
.LBB2_4:
0xb4: {  	[spmem:s2] =	stream.indirect.scatter.add.f32 [tilespmem:s25], [sflag:$0x2], $0x10, s5, s23, $0xb8;
	[tilespmem:$0x1F400] =	vst v63  }
0xb5: {  	s9 =	simm.s32 @!p0 $0x2  }
0xb6: {  	_ =	swait.ge @!p0 [sflag:s9], $0x2000  }
0xb7: {  	[sflag:s9] =	ssyncset.done @!p0 $0x0;
	s7 =	rddreg [dreg:$0x6]  }
0xb8: {  	[sflag:s9] =	ssyncadd.s32 @!p0 $0xFFFFE000;
	s7 =	sadd.s32 s14, s7  }
0xb9: {  	[tilespmem:s0], [sflag:$0x3] =	stream.linear.gather [hbm4b:s7+s3], $0x200, $0x38;
	[tilespmem:$0x1F400] =	vst v63  }
0xba: {  	_ =	swait.ge [sflag:s20], $0x200  }
0xbb: {  	s16 =	rddreg [dreg:$0x3]  }
0xbc: {  	[sflag:s20] =	ssyncset.done $0x0;
	s7 =	sadd.s32 s14, s16  }
0xbd: {  	[sflag:s20] =	ssyncadd.s32 $0xFFFFFE00;
	s16 =	sadd.s32 $0x40, s7  }
0xbe: {  	[tilespmem:s1], [sflag:$0x3] =	stream.linear.gather [hbm4b:s16+s3], $0x200, $0x38;
	[tilespmem:$0x1F400] =	vst v63  }
0xbf: {  	_ =	swait.ge [sflag:s20], $0x200  }
0xc0: {  	[sflag:s20] =	ssyncset.done $0x0  }
0xc1: {  	[sflag:s20] =	ssyncadd.s32 $0xFFFFFE00  }
0xc2: {  	[tilespmem:s6], [sflag:$0x1] =	stream.indirect.gather [hbm4b:s4+s23], $0x10, s0, s23, $0xb8;
	[tilespmem:$0x1F400] =	vst v63  }
0xc3: {  	s16 =	simm.s32 $0x18A80  }
0xc4: {  	[tilespmem:s8], [sflag:$0x1] =	stream.indirect.gather [hbm4b:s4+s23], $0x10, s16, s23, $0xb8;
	[tilespmem:$0x1F400] =	vst v63  }
0xc5: {  	s16 =	simm.s32 $0x18B00  }
0xc6: {  	[tilespmem:s10], [sflag:$0x1] =	stream.indirect.gather [hbm4b:s4+s23], $0x10, s16, s23, $0xb8;
	[tilespmem:$0x1F400] =	vst v63  }
0xc7: {  	s16 =	simm.s32 $0x18B80  }
0xc8: {  	[tilespmem:s13], [sflag:$0x1] =	stream.indirect.gather [hbm4b:s4+s23], $0x10, s16, s23, $0xb8;
	[tilespmem:$0x1F400] =	vst v63  }
0xc9: {  	_ =	swait.ge [sflag:s11], $0x2000  }
0xca: {  	[sflag:s11] =	ssyncset.done $0x0  }
0xcb: {  	[sflag:s11] =	ssyncadd.s32 $0xFFFFE000  }
0xcc: {  	[spmem:s2] =	stream.indirect.scatter.add.f32 [tilespmem:s19], [sflag:$0x2], $0x10, s22, s23, $0xb8;
	[tilespmem:$0x1F400] =	vst v63  }
0xcd: {  	s16 =	simm.s32 $0x18E80  }
0xce: {  	[spmem:s2] =	stream.indirect.scatter.add.f32 [tilespmem:s28], [sflag:$0x2], $0x10, s16, s23, $0xb8;
	[tilespmem:$0x1F400] =	vst v63  }
0xcf: {  	s16 =	simm.s32 $0x18F00  }
0xd0: {  	[spmem:s2] =	stream.indirect.scatter.add.f32 [tilespmem:s30], [sflag:$0x2], $0x10, s16, s23, $0xb8;
	[tilespmem:$0x1F400] =	vst v63  }
0xd1: {  	s16 =	simm.s32 $0x18F80  }
0xd2: {  	[spmem:s2] =	stream.indirect.scatter.add.f32 [tilespmem:s31], [sflag:$0x2], $0x10, s16, s23, $0xb8;
	[tilespmem:$0x1F400] =	vst v63  }
0xd3: {  	_ =	swait.ge @!p0 [sflag:s9], $0x2000  }
0xd4: {  	[sflag:s9] =	ssyncset.done @!p0 $0x0;
	s16 =	rddreg [dreg:$0x5]  }
0xd5: {  	[sflag:s9] =	ssyncadd.s32 @!p0 $0xFFFFE000;
	s16 =	sadd.s32 s14, s16  }
0xd6: {  	[tilespmem:s17], [sflag:$0x3] =	stream.linear.gather [hbm4b:s16+s3], $0x200, $0x38;
	[tilespmem:$0x1F400] =	vst v63  }
0xd7: {  	_ =	swait.ge [sflag:s20], $0x200  }
0xd8: {  	[sflag:s20] =	ssyncset.done $0x0  }
0xd9: {  	s16 =	sadd.s32 $0x80, s7;
	[sflag:s20] =	ssyncadd.s32 $0xFFFFFE00  }
0xda: {  	[tilespmem:s18], [sflag:$0x3] =	stream.linear.gather [hbm4b:s16+s3], $0x200, $0x38;
	[tilespmem:$0x1F400] =	vst v63  }
0xdb: {  	_ =	swait.ge [sflag:s20], $0x200  }
0xdc: {  	[sflag:s20] =	ssyncset.done $0x0  }
0xdd: {  	[sflag:s20] =	ssyncadd.s32 $0xFFFFFE00  }
0xde: {  	[tilespmem:s24], [sflag:$0x1] =	stream.indirect.gather [hbm4b:s4+s23], $0x10, s17, s23, $0xb8;
	[tilespmem:$0x1F400] =	vst v63  }
0xdf: {  	s9 =	rddreg [dreg:$0x7]  }
0xe0: {  	[tilespmem:s26], [sflag:$0x1] =	stream.indirect.gather [hbm4b:s4+s23], $0x10, s9, s23, $0xb8;
	[tilespmem:$0x1F400] =	vst v63  }
0xe1: {  	s16 =	rddreg [dreg:$0x8]  }
0xe2: {  	[tilespmem:s29], [sflag:$0x1] =	stream.indirect.gather [hbm4b:s4+s23], $0x10, s16, s23, $0xb8;
	[tilespmem:$0x1F400] =	vst v63  }
0xe3: {  	s9 =	rddreg [dreg:$0x9]  }
0xe4: {  	[tilespmem:s25], [sflag:$0x1] =	stream.indirect.gather [hbm4b:s4+s23], $0x10, s9, s23, $0xb8;
	[tilespmem:$0x1F400] =	vst v63  }
0xe5: {  	_ =	swait.ge [sflag:s11], $0x2000  }
0xe6: {  	[sflag:s11] =	ssyncset.done $0x0  }
0xe7: {  	[sflag:s11] =	ssyncadd.s32 $0xFFFFE000  }
0xe8: {  	[spmem:s2] =	stream.indirect.scatter.add.f32 [tilespmem:s6], [sflag:$0x2], $0x10, s1, s23, $0xb8;
	[tilespmem:$0x1F400] =	vst v63  }
0xe9: {  	s9 =	simm.s32 $0x19080  }
0xea: {  	[spmem:s2] =	stream.indirect.scatter.add.f32 [tilespmem:s8], [sflag:$0x2], $0x10, s9, s23, $0xb8;
	[tilespmem:$0x1F400] =	vst v63  }
0xeb: {  	s9 =	simm.s32 $0x19100  }
0xec: {  	[spmem:s2] =	stream.indirect.scatter.add.f32 [tilespmem:s10], [sflag:$0x2], $0x10, s9, s23, $0xb8;
	[tilespmem:$0x1F400] =	vst v63  }
0xed: {  	s9 =	simm.s32 $0x19180  }
0xee: {  	[spmem:s2] =	stream.indirect.scatter.add.f32 [tilespmem:s13], [sflag:$0x2], $0x10, s9, s23, $0xb8;
	[tilespmem:$0x1F400] =	vst v63  }
0xef: {  	_ =	swait.ge [sflag:s12], $0x2000  }
0xf0: {  	s9 =	rddreg [dreg:$0x4];
	[sflag:s12] =	ssyncset.done $0x0  }
0xf1: {  	[sflag:s12] =	ssyncadd.s32 $0xFFFFE000;
	s9 =	sadd.s32 s14, s9  }
0xf2: {  	[tilespmem:s21], [sflag:$0x3] =	stream.linear.gather [hbm4b:s9+s3], $0x200, $0x38;
	[tilespmem:$0x1F400] =	vst v63  }
0xf3: {  	_ =	swait.ge [sflag:s20], $0x200  }
0xf4: {  	[sflag:s20] =	ssyncset.done $0x0  }
0xf5: {  	s9 =	sadd.s32 $0xC0, s7;
	[sflag:s20] =	ssyncadd.s32 $0xFFFFFE00  }
0xf6: {  	[tilespmem:s22], [sflag:$0x3] =	stream.linear.gather [hbm4b:s9+s3], $0x200, $0x38;
	[tilespmem:$0x1F400] =	vst v63  }
0xf7: {  	_ =	swait.ge [sflag:s20], $0x200  }
0xf8: {  	[sflag:s20] =	ssyncset.done $0x0  }
0xf9: {  	[sflag:s20] =	ssyncadd.s32 $0xFFFFFE00  }
0xfa: {  	[tilespmem:s19], [sflag:$0x1] =	stream.indirect.gather [hbm4b:s4+s23], $0x10, s21, s23, $0xb8;
	[tilespmem:$0x1F400] =	vst v63  }
0xfb: {  	s16 =	simm.s32 $0x18880  }
0xfc: {  	[tilespmem:s28], [sflag:$0x1] =	stream.indirect.gather [hbm4b:s4+s23], $0x10, s16, s23, $0xb8;
	[tilespmem:$0x1F400] =	vst v63  }
0xfd: {  	s7 =	simm.s32 $0x18900  }
0xfe: {  	[tilespmem:s30], [sflag:$0x1] =	stream.indirect.gather [hbm4b:s4+s23], $0x10, s7, s23, $0xb8;
	[tilespmem:$0x1F400] =	vst v63  }
0xff: {  	s9 =	simm.s32 $0x18980  }
0x100: {  	[tilespmem:s31], [sflag:$0x1] =	stream.indirect.gather [hbm4b:s4+s23], $0x10, s9, s23, $0xb8;
	[tilespmem:$0x1F400] =	vst v63  }
0x101: {  	_ =	swait.ge [sflag:s11], $0x2000  }
0x102: {  	s5 =	smov.u32 s15;
	s15 =	sadd.s32 $0xC0, s15;
	[sflag:s11] =	ssyncset.done $0x0  }
0x103: {  	p1 =	sne.s32 s15, $0x6180;
	[sflag:s11] =	ssyncadd.s32 $0xFFFFE000  }
0x104: {  	[spmem:s2] =	stream.indirect.scatter.add.f32 [tilespmem:s24], [sflag:$0x2], $0x10, s18, s23, $0xb8;
	[tilespmem:$0x1F400] =	vst v63  }
.Ltmp1:
0x105: {  	s7 =	rddreg [dreg:$0xa];
	(pc) =	sbr.rel @p1 .LBB2_4-.Ltmp1, $4  }
0x106: {  	p2 =	seq.s32 s5, $0x0;
	s9 =	rddreg [dreg:$0xb]  }
0x107: {  	[spmem:s2] =	stream.indirect.scatter.add.f32 [tilespmem:s26], [sflag:$0x2], $0x10, s7, s23, $0xb8;
	[tilespmem:$0x1F400] =	vst v63  }
0x108: {  	p0 =	por p2, p2;
	s14 =	smov.u32 s5;
	s5 =	rddreg [dreg:$0xc]  }
0x109: {  	[spmem:s2] =	stream.indirect.scatter.add.f32 [tilespmem:s29], [sflag:$0x2], $0x10, s9, s23, $0xb8;
	[tilespmem:$0x1F400] =	vst v63  }
0x10a: {  	[spmem:s2] =	stream.indirect.scatter.add.f32 [tilespmem:s25], [sflag:$0x2], $0x10, s5, s23, $0xb8;
	[tilespmem:$0x1F400] =	vst v63  }
0x10b: {  	s5 =	simm.s32 @!p0 $0x2  }
0x10c: {  	_ =	swait.ge @!p0 [sflag:s5], $0x2000  }
0x10d: {  	s7 =	rddreg [dreg:$0x6];
	[sflag:s5] =	ssyncset.done @!p0 $0x0  }
0x10e: {  	[sflag:s5] =	ssyncadd.s32 @!p0 $0xFFFFE000;
	s7 =	sadd.s32 s14, s7  }
0x10f: {  	[tilespmem:s0], [sflag:$0x3] =	stream.linear.gather [hbm4b:s7+s3], $0x200, $0x38;
	[tilespmem:$0x1F400] =	vst v63  }
0x110: {  	_ =	swait.ge [sflag:s20], $0x200  }
0x111: {  	s9 =	rddreg [dreg:$0x3]  }
0x112: {  	[sflag:s20] =	ssyncset.done $0x0;
	s7 =	sadd.s32 s14, s9  }
0x113: {  	[sflag:s20] =	ssyncadd.s32 $0xFFFFFE00;
	s9 =	sadd.s32 $0x40, s7  }
0x114: {  	[tilespmem:s1], [sflag:$0x3] =	stream.linear.gather [hbm4b:s9+s3], $0x200, $0x38;
	[tilespmem:$0x1F400] =	vst v63  }
0x115: {  	_ =	swait.ge [sflag:s20], $0x200  }
0x116: {  	[sflag:s20] =	ssyncset.done $0x0  }
0x117: {  	[sflag:s20] =	ssyncadd.s32 $0xFFFFFE00  }
0x118: {  	[tilespmem:s6], [sflag:$0x1] =	stream.indirect.gather [hbm4b:s4+s23], $0x10, s0, s23, $0xb8;
	[tilespmem:$0x1F400] =	vst v63  }
0x119: {  	s15 =	simm.s32 $0x18A80  }
0x11a: {  	[tilespmem:s8], [sflag:$0x1] =	stream.indirect.gather [hbm4b:s4+s23], $0x10, s15, s23, $0xb8;
	[tilespmem:$0x1F400] =	vst v63  }
0x11b: {  	s15 =	simm.s32 $0x18B00  }
0x11c: {  	[tilespmem:s10], [sflag:$0x1] =	stream.indirect.gather [hbm4b:s4+s23], $0x10, s15, s23, $0xb8;
	[tilespmem:$0x1F400] =	vst v63  }
0x11d: {  	s15 =	simm.s32 $0x18B80  }
0x11e: {  	[tilespmem:s13], [sflag:$0x1] =	stream.indirect.gather [hbm4b:s4+s23], $0x10, s15, s23, $0xb8;
	[tilespmem:$0x1F400] =	vst v63  }
0x11f: {  	_ =	swait.ge [sflag:s11], $0x2000  }
0x120: {  	[sflag:s11] =	ssyncset.done $0x0  }
0x121: {  	[sflag:s11] =	ssyncadd.s32 $0xFFFFE000  }
0x122: {  	[spmem:s2] =	stream.indirect.scatter.add.f32 [tilespmem:s19], [sflag:$0x2], $0x10, s22, s23, $0xb8;
	[tilespmem:$0x1F400] =	vst v63  }
0x123: {  	s15 =	simm.s32 $0x18E80  }
0x124: {  	[spmem:s2] =	stream.indirect.scatter.add.f32 [tilespmem:s28], [sflag:$0x2], $0x10, s15, s23, $0xb8;
	[tilespmem:$0x1F400] =	vst v63  }
0x125: {  	s15 =	simm.s32 $0x18F00  }
0x126: {  	[spmem:s2] =	stream.indirect.scatter.add.f32 [tilespmem:s30], [sflag:$0x2], $0x10, s15, s23, $0xb8;
	[tilespmem:$0x1F400] =	vst v63  }
0x127: {  	s15 =	simm.s32 $0x18F80  }
0x128: {  	[spmem:s2] =	stream.indirect.scatter.add.f32 [tilespmem:s31], [sflag:$0x2], $0x10, s15, s23, $0xb8;
	[tilespmem:$0x1F400] =	vst v63  }
0x129: {  	_ =	swait.ge @!p0 [sflag:s5], $0x2000  }
0x12a: {  	s15 =	rddreg [dreg:$0x5];
	[sflag:s5] =	ssyncset.done @!p0 $0x0  }
0x12b: {  	[sflag:s5] =	ssyncadd.s32 @!p0 $0xFFFFE000;
	s9 =	sadd.s32 s14, s15  }
0x12c: {  	[tilespmem:s17], [sflag:$0x3] =	stream.linear.gather [hbm4b:s9+s3], $0x200, $0x38;
	[tilespmem:$0x1F400] =	vst v63  }
0x12d: {  	_ =	swait.ge [sflag:s20], $0x200  }
0x12e: {  	[sflag:s20] =	ssyncset.done $0x0  }
0x12f: {  	s15 =	sadd.s32 $0x80, s7;
	[sflag:s20] =	ssyncadd.s32 $0xFFFFFE00  }
0x130: {  	[tilespmem:s18], [sflag:$0x3] =	stream.linear.gather [hbm4b:s15+s3], $0x200, $0x38;
	[tilespmem:$0x1F400] =	vst v63  }
0x131: {  	_ =	swait.ge [sflag:s20], $0x200  }
0x132: {  	[sflag:s20] =	ssyncset.done $0x0  }
0x133: {  	[sflag:s20] =	ssyncadd.s32 $0xFFFFFE00  }
0x134: {  	[tilespmem:s24], [sflag:$0x1] =	stream.indirect.gather [hbm4b:s4+s23], $0x10, s17, s23, $0xb8;
	[tilespmem:$0x1F400] =	vst v63  }
0x135: {  	s9 =	rddreg [dreg:$0x7]  }
0x136: {  	[tilespmem:s26], [sflag:$0x1] =	stream.indirect.gather [hbm4b:s4+s23], $0x10, s9, s23, $0xb8;
	[tilespmem:$0x1F400] =	vst v63  }
0x137: {  	s15 =	rddreg [dreg:$0x8]  }
0x138: {  	[tilespmem:s29], [sflag:$0x1] =	stream.indirect.gather [hbm4b:s4+s23], $0x10, s15, s23, $0xb8;
	[tilespmem:$0x1F400] =	vst v63  }
0x139: {  	s17 =	rddreg [dreg:$0x9]  }
0x13a: {  	[tilespmem:s25], [sflag:$0x1] =	stream.indirect.gather [hbm4b:s4+s23], $0x10, s17, s23, $0xb8;
	[tilespmem:$0x1F400] =	vst v63  }
0x13b: {  	_ =	swait.ge [sflag:s11], $0x2000  }
0x13c: {  	[sflag:s11] =	ssyncset.done $0x0  }
0x13d: {  	[sflag:s11] =	ssyncadd.s32 $0xFFFFE000  }
0x13e: {  	[spmem:s2] =	stream.indirect.scatter.add.f32 [tilespmem:s6], [sflag:$0x2], $0x10, s1, s23, $0xb8;
	[tilespmem:$0x1F400] =	vst v63  }
0x13f: {  	s9 =	simm.s32 $0x19080  }
0x140: {  	[spmem:s2] =	stream.indirect.scatter.add.f32 [tilespmem:s8], [sflag:$0x2], $0x10, s9, s23, $0xb8;
	[tilespmem:$0x1F400] =	vst v63  }
0x141: {  	s17 =	simm.s32 $0x19100  }
0x142: {  	[spmem:s2] =	stream.indirect.scatter.add.f32 [tilespmem:s10], [sflag:$0x2], $0x10, s17, s23, $0xb8;
	[tilespmem:$0x1F400] =	vst v63  }
0x143: {  	s15 =	simm.s32 $0x19180  }
0x144: {  	[spmem:s2] =	stream.indirect.scatter.add.f32 [tilespmem:s13], [sflag:$0x2], $0x10, s15, s23, $0xb8;
	[tilespmem:$0x1F400] =	vst v63  }
0x145: {  	_ =	swait.ge [sflag:s12], $0x2000  }
0x146: {  	s5 =	rddreg [dreg:$0x4];
	[sflag:s12] =	ssyncset.done $0x0  }
0x147: {  	s5 =	sadd.s32 s14, s5;
	[sflag:s12] =	ssyncadd.s32 $0xFFFFE000  }
0x148: {  	[tilespmem:s21], [sflag:$0x3] =	stream.linear.gather [hbm4b:s5+s3], $0x200, $0x38;
	[tilespmem:$0x1F400] =	vst v63  }
0x149: {  	_ =	swait.ge [sflag:s20], $0x200  }
0x14a: {  	[sflag:s20] =	ssyncset.done $0x0  }
0x14b: {  	s14 =	sadd.s32 $0xC0, s7;
	[sflag:s20] =	ssyncadd.s32 $0xFFFFFE00  }
0x14c: {  	[tilespmem:s22], [sflag:$0x3] =	stream.linear.gather [hbm4b:s14+s3], $0x200, $0x38;
	[tilespmem:$0x1F400] =	vst v63  }
0x14d: {  	_ =	swait.ge [sflag:s20], $0x200  }
0x14e: {  	[sflag:s20] =	ssyncset.done $0x0  }
0x14f: {  	[sflag:s20] =	ssyncadd.s32 $0xFFFFFE00  }
0x150: {  	[tilespmem:s19], [sflag:$0x1] =	stream.indirect.gather [hbm4b:s4+s23], $0x10, s21, s23, $0xb8;
	[tilespmem:$0x1F400] =	vst v63  }
0x151: {  	_ = 	snop  }
0x152: {  	[tilespmem:s28], [sflag:$0x1] =	stream.indirect.gather [hbm4b:s4+s23], $0x10, s16, s23, $0xb8;
	[tilespmem:$0x1F400] =	vst v63  }
0x153: {  	s21 =	simm.s32 $0x18900  }
0x154: {  	[tilespmem:s30], [sflag:$0x1] =	stream.indirect.gather [hbm4b:s4+s23], $0x10, s21, s23, $0xb8;
	[tilespmem:$0x1F400] =	vst v63  }
0x155: {  	s7 =	simm.s32 $0x18980  }
0x156: {  	[tilespmem:s31], [sflag:$0x1] =	stream.indirect.gather [hbm4b:s4+s23], $0x10, s7, s23, $0xb8;
	[tilespmem:$0x1F400] =	vst v63  }
0x157: {  	_ =	swait.ge [sflag:s11], $0x2000  }
0x158: {  	[sflag:s11] =	ssyncset.done $0x0  }
0x159: {  	[sflag:s11] =	ssyncadd.s32 $0xFFFFE000  }
0x15a: {  	[spmem:s2] =	stream.indirect.scatter.add.f32 [tilespmem:s24], [sflag:$0x2], $0x10, s18, s23, $0xb8;
	[tilespmem:$0x1F400] =	vst v63  }
0x15b: {  	s14 =	rddreg [dreg:$0xa]  }
0x15c: {  	[spmem:s2] =	stream.indirect.scatter.add.f32 [tilespmem:s26], [sflag:$0x2], $0x10, s14, s23, $0xb8;
	[tilespmem:$0x1F400] =	vst v63  }
0x15d: {  	s16 =	rddreg [dreg:$0xb]  }
0x15e: {  	[spmem:s2] =	stream.indirect.scatter.add.f32 [tilespmem:s29], [sflag:$0x2], $0x10, s16, s23, $0xb8;
	[tilespmem:$0x1F400] =	vst v63  }
0x15f: {  	s21 =	rddreg [dreg:$0xc]  }
0x160: {  	[spmem:s2] =	stream.indirect.scatter.add.f32 [tilespmem:s25], [sflag:$0x2], $0x10, s21, s23, $0xb8;
	[tilespmem:$0x1F400] =	vst v63  }
0x161: {  	_ =	swait.ge [sflag:s12], $0x2000  }
0x162: {  	[sflag:s12] =	ssyncset.done $0x0  }
0x163: {  	s25 =	rddreg [dreg:$0x12];
	[sflag:s12] =	ssyncadd.s32 $0xFFFFE000  }
0x164: {  	[tilespmem:s0], [sflag:$0x3] =	stream.linear.gather [hbm4b:s25+s3], $0x200, $0x38;
	[tilespmem:$0x1F400] =	vst v63  }
0x165: {  	_ =	swait.ge [sflag:s20], $0x200  }
0x166: {  	[sflag:s20] =	ssyncset.done $0x0  }
0x167: {  	s7 =	rddreg [dreg:$0x13];
	[sflag:s20] =	ssyncadd.s32 $0xFFFFFE00  }
0x168: {  	[tilespmem:s1], [sflag:$0x3] =	stream.linear.gather [hbm4b:s7+s3], $0x200, $0x38;
	[tilespmem:$0x1F400] =	vst v63  }
0x169: {  	_ =	swait.ge [sflag:s20], $0x200  }
0x16a: {  	[sflag:s20] =	ssyncset.done $0x0  }
0x16b: {  	[sflag:s20] =	ssyncadd.s32 $0xFFFFFE00  }
0x16c: {  	[tilespmem:s6], [sflag:$0x1] =	stream.indirect.gather [hbm4b:s4+s23], $0x10, s0, s23, $0xb8;
	[tilespmem:$0x1F400] =	vst v63  }
0x16d: {  	s14 =	simm.s32 $0x18A80  }
0x16e: {  	[tilespmem:s8], [sflag:$0x1] =	stream.indirect.gather [hbm4b:s4+s23], $0x10, s14, s23, $0xb8;
	[tilespmem:$0x1F400] =	vst v63  }
0x16f: {  	s16 =	simm.s32 $0x18B00  }
0x170: {  	[tilespmem:s10], [sflag:$0x1] =	stream.indirect.gather [hbm4b:s4+s23], $0x10, s16, s23, $0xb8;
	[tilespmem:$0x1F400] =	vst v63  }
0x171: {  	s21 =	simm.s32 $0x18B80  }
0x172: {  	[tilespmem:s13], [sflag:$0x1] =	stream.indirect.gather [hbm4b:s4+s23], $0x10, s21, s23, $0xb8;
	[tilespmem:$0x1F400] =	vst v63  }
0x173: {  	_ =	swait.ge [sflag:s11], $0x2000  }
0x174: {  	[sflag:s11] =	ssyncset.done $0x0  }
0x175: {  	[sflag:s11] =	ssyncadd.s32 $0xFFFFE000  }
0x176: {  	[spmem:s2] =	stream.indirect.scatter.add.f32 [tilespmem:s19], [sflag:$0x2], $0x10, s22, s23, $0xb8;
	[tilespmem:$0x1F400] =	vst v63  }
0x177: {  	s25 =	simm.s32 $0x18E80  }
0x178: {  	[spmem:s2] =	stream.indirect.scatter.add.f32 [tilespmem:s28], [sflag:$0x2], $0x10, s25, s23, $0xb8;
	[tilespmem:$0x1F400] =	vst v63  }
0x179: {  	s5 =	simm.s32 $0x18F00  }
0x17a: {  	[spmem:s2] =	stream.indirect.scatter.add.f32 [tilespmem:s30], [sflag:$0x2], $0x10, s5, s23, $0xb8;
	[tilespmem:$0x1F400] =	vst v63  }
0x17b: {  	s7 =	simm.s32 $0x18F80  }
0x17c: {  	[spmem:s2] =	stream.indirect.scatter.add.f32 [tilespmem:s31], [sflag:$0x2], $0x10, s7, s23, $0xb8;
	[tilespmem:$0x1F400] =	vst v63  }
0x17d: {  	_ =	swait.ge [sflag:s12], $0x2000  }
0x17e: {  	[sflag:s12] =	ssyncset.done $0x0  }
0x17f: {  	[sflag:s12] =	ssyncadd.s32 $0xFFFFE000  }
0x180: {  	_ =	swait.ge [sflag:s11], $0x2000  }
0x181: {  	[sflag:s11] =	ssyncset.done $0x0  }
0x182: {  	[sflag:s11] =	ssyncadd.s32 $0xFFFFE000  }
0x183: {  	[spmem:s2] =	stream.indirect.scatter.add.f32 [tilespmem:s6], [sflag:$0x2], $0x10, s1, s23, $0xb8;
	[tilespmem:$0x1F400] =	vst v63  }
0x184: {  	_ = 	snop  }
0x185: {  	[spmem:s2] =	stream.indirect.scatter.add.f32 [tilespmem:s8], [sflag:$0x2], $0x10, s9, s23, $0xb8;
	[tilespmem:$0x1F400] =	vst v63  }
0x186: {  	_ = 	snop  }
0x187: {  	[spmem:s2] =	stream.indirect.scatter.add.f32 [tilespmem:s10], [sflag:$0x2], $0x10, s17, s23, $0xb8;
	[tilespmem:$0x1F400] =	vst v63  }
0x188: {  	_ = 	snop  }
0x189: {  	[spmem:s2] =	stream.indirect.scatter.add.f32 [tilespmem:s13], [sflag:$0x2], $0x10, s15, s23, $0xb8;
	[tilespmem:$0x1F400] =	vst v63  }
0x18a: {  	_ =	swait.ge [sflag:s12], $0x2000  }
0x18b: {  	[sflag:s12] =	ssyncset.done $0x0  }
0x18c: {  	[sflag:s12] =	ssyncadd.s32 $0xFFFFE000  }
0x18d: {  	_ =	swait.ge [sflag:s12], $0x2000  }
0x18e: {  	[sflag:s12] =	ssyncset.done $0x0  }
0x18f: {  	[sflag:s12] =	ssyncadd.s32 $0xFFFFE000  }
0x190: {  	s13 =	stileid.u32;
	[bflag:$0x0] =	sbarrier.arrive $0xFFFF  }
0x191: {  	s17 =	simm.s32 $0x4;
	s5 =	sshll.u32 s13, $0x6;
	s15 =	rddreg [dreg:$0x15]  }
0x192: {  	s5 =	sor.u32 $0x1C03, s5;
	s16 =	rddreg [dreg:$0x14];
	s14 =	sshrl.u32 s15, $0x3  }
0x193: {  	[hbm:s16@s17], [sflag:s5] =	dma.strided [spmem:s14@s12], $0x3100, s11, $0x2   }
0x194: {  	_ =	swait.ge [sflag:s20], $0x3100  }
0x195: {  	s21 =	rddreg [dreg:$0x19]  }
0x196: {  	s25 =	rddreg [dreg:$0x16];
	s9 =	sadd.s32 $0x1, s21  }
0x197: {  	p0 =	sne.s32 s9, s25  }
.Ltmp2:
0x198: {  	_ = 	snop;
	(pc) =	sbr.rel @p0 .LBB2_1-.Ltmp2, $4  }
0x199: {  	s28 =	simm.s32 $0x1A400;
	s30 =	simm.s32 $0x1AC00;
	s7 =	simm.s32 $0x20  }
0x19a: {  	s1 =	simm.s32 $0x19000;
	s6 =	simm.s32 $0x1B400;
	s8 =	simm.s32 $0x1BC00  }
0x19b: {  	s10 =	simm.s32 $0x1C400;
	s13 =	simm.s32 $0x1CC00;
	[sflag:s20] =	ssyncset.done $0x0  }
0x19c: {  	s16 =	rddreg [dreg:$0x18];
	[sflag:s20] =	ssyncadd.s32 $0xFFFFCF00;
	s25 =	simm.s32 $0x19C00  }
0x19d: {  	_ =	sfence.sel $0x180000  }
0x19e: {  	[bflag:$0x0] =	sbarrier.arrive $0xFFFF  }
0x19f: {  	_ =	strace $0x9000004A  }
0x1a0: {  	s0 =	stileid.u32;
	[bflag:$0x2] =	sbarrier.arrive $0xFFFF  }
0x1a1: {  	p0 =	sne.s32 s0, $0x0;
	s0 =	rddreg [dreg:$0x2]  }
0x1a2: {  	s0 =	sadd.s32 @!p0 $0x100000, s0  }
0x1a3: {  	[sflag:s0] =	ssyncadd.tile.s32 @!p0 $0x1;
	_ =	shalt  }
.Lfunc_end2:
_tile_overlayer_lowered:
.L_overlay_start_2:
0x1a4: {  	(tag) =	ssettag $0x2  }
0x1a5: {  	s0 =	rddreg [dreg:$0x0];
	s2 =	stileid.u32  }
0x1a6: {  	s1 =	rddreg [dreg:$0x1];
	p0 =	sne.s32 s2, $0x0  }
0x1a7: {  	s3 =	rddreg [dreg:$0x2];
	[bflag:$0x3] =	sbarrier.arrive $0xFFFF;
	s2 =	simm.s32 @!p0 $0x1C03  }
0x1a8: {  	[timem:s3], [sflag:s2] =	dma.local @!p0 [hbm:s0], s1  }
0x1a9: {  	s0 =	simm.s32 @!p0 $0x3  }
0x1aa: {  	_ =	swait.ge @!p0 [sflag:s0], s1  }
0x1ab: {  	s1 =	ssub.s32 @!p0 $0x0, s1;
	[sflag:s0] =	ssyncset.done @!p0 $0x0  }
0x1ac: {  	[sflag:s0] =	ssyncadd.s32 @!p0 s1  }
0x1ad: {  	[bflag:$0x3] =	sbarrier.arrive $0xFFFF  }
0x1ae: {  	_ =	shalt  }

// kernel: kernel.17.cloned.1.call-start
scs
__scs_entry_jumppad:
0x0: {  	(pc) =	sbr.rel $0x88, $3  }
0x1: {  	(tag) =	ssettag $0x0;
	lr =	simm.s32 $0x1  }
0x2: {  	[smem:$0x3F92] =	sst lr;
	_ =	strace $0xD0000000  }
0x3: {  	_ = 	snop  }
0x4: {  	_ = 	snop  }
0x5: {  	_ = 	snop  }
0x6: {  	_ = 	snop  }
0x7: {  	_ = 	snop  }
__scs_overlays_trampoline_lowered:
0x8: {  	[smem:$0x3FA1] =	sst s0  }
0x9: {  	[smem:$0x3FA2] =	sst s1  }
0xa: {  	[smem:$0x3FA3] =	sst s2  }
0xb: {  	[smem:$0x3FA4] =	sst s3  }
0xc: {  	[smem:$0x3FA5] =	sst s4  }
0xd: {  	[smem:$0x3FA6] =	sst s5  }
0xe: {  	[smem:$0x3FA7] =	sst s6  }
0xf: {  	[smem:$0x3FA8] =	sst s7  }
0x10: {  	[smem:$0x3FA9] =	sst s8  }
0x11: {  	[smem:$0x3FAA] =	sst s9;
	s0 =	simm.s32 @!p0 $0x0  }
0x12: {  	s1 =	sld [smem:$0x3F90];
	s0 =	simm.s32 @p0 $0x1  }
0x13: {  	[smem:$0x3FAB] =	sst s0;
	s0 =	simm.s32 @!p1 $0x0  }
0x14: {  	s2 =	sld [smem:$0x3F8F];
	s0 =	simm.s32 @p1 $0x1  }
0x15: {  	[smem:$0x3FAC] =	sst s0;
	s0 =	simm.s32 @!p2 $0x0  }
0x16: {  	s3 =	sld [smem:$0x3FDB];
	s0 =	simm.s32 @p2 $0x1  }
0x17: {  	s4 =	simm.s32 $0x1BF5;
	[smem:$0x3FAE] =	sst s0  }
0x18: {  	s0 =	sld [smem:$0x3F91];
	_ =	swait.ge [sflag:s4], $0x0  }
0x19: {  	s7 =	sld [smem:$0x3F92]  }
0x1a: {  	s8 =	sadd.s32 $0xFFFFE003, lr  }
0x1b: {  	s9 =	sadd.s32 $0xFFFFFEF7, lr;
	s5 =	simm.s32 $0xFFFFFFFF;
	p2 =	slt.u32 s8, $0xFFFFF086  }
0x1c: {  	p1 =	slt.u32 s9, $0xF7A;
	s5 =	simm.s32 @!p2 $0x0  }
0x1d: {  	s5 =	simm.s32 @p1 $0x1;
	p0 =	seq.s32 s7, s2  }
0x1e: {  	s7 =	smul.u32 @!p0 $0xF7A, s2;
	p2 =	seq.s32 @!p0 s5, $0x0  }
0x1f: {  	s9 =	smul.u32 $0xF7A, s1;
	s8 =	simm.s32 @!p0 $0x1BF5;
	p2 =	por !p2, p0  }
0x20: {  	[sflag:s8] =	ssyncset.s32 @!p0 $0xFFFFF086;
	s6 =	sadd.s32 @!p0 s3, s7;
	s7 =	simm.s32 @!p0 $0x108  }
0x21: {  	s3 =	sadd.s32 s3, s9;
	s6 =	sadd.s32 @!p0 $0x88, s6;
	s7 =	simm.s32 @p2 $0x1082  }
0x22: {  	[simem:s7], [sflag:s8] =	dma.local @!p0 [hbm:s6], $0xF7A  }
0x23: {  	s9 =	sor.u32 $0xD0000000, s2;
	s6 =	simm.s32 $0x108;
	_ =	swait.ge @!p0 [sflag:s8], $0x0  }
0x24: {  	s3 =	sadd.s32 $0x88, s3;
	s6 =	simm.s32 @!p1 $0x1082;
	[sflag:s4] =	ssyncset.s32 $0xFFFFF086  }
0x25: {  	[simem:s6], [sflag:s4] =	dma.local [hbm:s3], $0xF7A  }
0x26: {  	[smem:$0x3F92] =	sst s1;
	(tag) =	ssettag s2;
	_ =	strace s9  }
0x27: {  	s1 =	sld [smem:$0x3FA2]  }
0x28: {  	s2 =	sld [smem:$0x3FA3]  }
0x29: {  	s4 =	sld [smem:$0x3FA5]  }
0x2a: {  	p0 =	seq.s32 s5, $0x0;
	s5 =	sld [smem:$0x3FA6]  }
0x2b: {  	s6 =	sld [smem:$0x3FA7]  }
0x2c: {  	s7 =	sld [smem:$0x3FA8]  }
0x2d: {  	s3 =	simm.s32 $0x108;
	s8 =	sld [smem:$0x3FA9]  }
0x2e: {  	s3 =	simm.s32 @!p0 $0x1082;
	s9 =	sld [smem:$0x3FAA]  }
0x2f: {  	lr =	sadd.s32 s0, s3;
	s0 =	sld [smem:$0x3FA1]  }
0x30: {  	s3 =	sld [smem:$0x3FA4]  }
0x31: {  	[smem:$0x3FAD] =	sst s10  }
0x32: {  	s10 =	sld [smem:$0x3FAB];
	_ =	sdelay $0x3  }
0x33: {  	p0 =	seq.s32 s10, $0x1;
	s10 =	sld [smem:$0x3FAD];
	_ =	sdelay $0x3  }
0x34: {  	[smem:$0x3FAD] =	sst s10  }
0x35: {  	s10 =	sld [smem:$0x3FAC];
	_ =	sdelay $0x3  }
0x36: {  	p1 =	seq.s32 s10, $0x1;
	s10 =	sld [smem:$0x3FAD];
	_ =	sdelay $0x3  }
0x37: {  	[smem:$0x3FAD] =	sst s10  }
0x38: {  	s10 =	sld [smem:$0x3FAE]  }
0x39: {  	_ = 	snop;
	(pc) =	sbr.ind lr, $3  }
0x3a: {  	_ = 	snop  }
0x3b: {  	_ = 	snop  }
0x3c: {  	p2 =	seq.s32 s10, $0x1;
	s10 =	sld [smem:$0x3FAD]  }
0x3d: {  	_ =	shalt  }
0x3e: {  	_ =	shalt  }
0x3f: {  	_ =	shalt  }
0x40: {  	_ =	shalt  }
0x41: {  	_ =	shalt  }
0x42: {  	_ =	shalt  }
0x43: {  	_ =	shalt  }
0x44: {  	_ =	shalt  }
0x45: {  	_ =	shalt  }
0x46: {  	_ =	shalt  }
0x47: {  	_ =	shalt  }
0x48: {  	_ =	shalt  }
0x49: {  	_ =	shalt  }
0x4a: {  	_ =	shalt  }
0x4b: {  	_ =	shalt  }
0x4c: {  	_ =	shalt  }
0x4d: {  	_ =	shalt  }
0x4e: {  	_ =	shalt  }
0x4f: {  	_ =	shalt  }
0x50: {  	_ =	shalt  }
0x51: {  	_ =	shalt  }
0x52: {  	_ =	shalt  }
0x53: {  	_ =	shalt  }
0x54: {  	_ =	shalt  }
0x55: {  	_ =	shalt  }
0x56: {  	_ =	shalt  }
0x57: {  	_ =	shalt  }
0x58: {  	_ =	shalt  }
0x59: {  	_ =	shalt  }
0x5a: {  	_ =	shalt  }
0x5b: {  	_ =	shalt  }
0x5c: {  	_ =	shalt  }
0x5d: {  	_ =	shalt  }
0x5e: {  	_ =	shalt  }
0x5f: {  	_ =	shalt  }
0x60: {  	_ =	shalt  }
0x61: {  	_ =	shalt  }
0x62: {  	_ =	shalt  }
0x63: {  	_ =	shalt  }
0x64: {  	_ =	shalt  }
0x65: {  	_ =	shalt  }
0x66: {  	_ =	shalt  }
0x67: {  	_ =	shalt  }
0x68: {  	_ =	shalt  }
0x69: {  	_ =	shalt  }
0x6a: {  	_ =	shalt  }
0x6b: {  	_ =	shalt  }
0x6c: {  	_ =	shalt  }
0x6d: {  	_ =	shalt  }
0x6e: {  	_ =	shalt  }
0x6f: {  	_ =	shalt  }
0x70: {  	_ =	shalt  }
0x71: {  	_ =	shalt  }
0x72: {  	_ =	shalt  }
0x73: {  	_ =	shalt  }
0x74: {  	_ =	shalt  }
0x75: {  	_ =	shalt  }
0x76: {  	_ =	shalt  }
0x77: {  	_ =	shalt  }
0x78: {  	_ =	shalt  }
0x79: {  	_ =	shalt  }
0x7a: {  	_ =	shalt  }
0x7b: {  	_ =	shalt  }
0x7c: {  	_ =	shalt  }
0x7d: {  	_ =	shalt  }
0x7e: {  	_ =	shalt  }
0x7f: {  	_ =	shalt  }
0x80: {  	_ =	shalt  }
0x81: {  	_ =	shalt  }
0x82: {  	_ =	shalt  }
0x83: {  	_ =	shalt  }
0x84: {  	_ =	shalt  }
0x85: {  	_ =	shalt  }
0x86: {  	_ =	shalt  }
0x87: {  	_ =	shalt  }
.Lfunc_end0:
.L_simem_size_0:
called_computation.2_lowered:
.L_overlay_start_0:
0x88: {  	s2 =	sld [smem:$0x3FD9]  }
0x89: {  	s3 =	sld [smem:$0x3FFE];
	_ =	sdelay $0x1  }
0x8a: {  	s1 =	srdreg.scid  }
0x8b: {  	s0 =	sand.u32 $0x1, s1  }
0x8c: {  	s16 =	sshll.u32 s0, $0xA;
	s2 =	sadd.s32 s3, s2  }
0x8d: {  	s2 =	sadd.s32 s2, s16  }
0x8e: {  	[smem:$0x3FB9] =	sst s2  }
0x8f: {  	_ = 	snop  }
0x90: {  	(tm) =	ssettm $0x1  }
0x91: {  	s17 =	sld [smem:$0x3FFB];
	_ =	sdelay $0x3  }
0x92: {  	_ =	strace s17  }
0x93: {  	s2 =	sld [smem:$0x3FFC];
	_ =	sdelay $0x3  }
0x94: {  	_ =	strace s2  }
0x95: {  	s2 =	sld [smem:$0x3FFD];
	_ =	sdelay $0x3  }
0x96: {  	_ =	strace s2  }
0x97: {  	_ =	strace $0x8FFFFFFF  }
0x98: {  	s18 =	sld [smem:$0x3FDB];
	_ =	sdelay $0x1  }
0x99: {  	s19 =	simm.s32 $_scs_section_size  }
0x9a: {  	s4 =	simm.s32 $_size__tile_overlayer_lowered;
	s5 =	simm.s32 $_tile_overlayer_lowered  }
0x9b: {  	s22 =	simm.s32 $0x1BFF;
	s21 =	sshll.u32 s5, $0x1;
	s2 =	sadd.s32 s19, s18  }
0x9c: {  	s6 =	simm.s32 $0x0;
	s20 =	sshll.u32 s4, $0x1;
	s4 =	sadd.s32 s21, s2  }
0x9d: {  	[timem:s6], [sflag:s22] =	dma.local [hbm:s4], s20  }
0x9e: {  	_ =	swait.ge [sflag:s22], s20  }
0x9f: {  	s3 =	ssub.s32 $0x0, s20;
	[sflag:s22] =	ssyncset.done $0x0  }
0xa0: {  	[sflag:s22] =	ssyncadd.s32 s3;
	_ =	sdelay $0x1  }
0xa1: {  	s23 =	simm.s32 $0x1B8B  }
0xa2: {  	_ =	swait.ge [sflag:s23], $0x1  }
0xa3: {  	[sflag:s23] =	ssyncset.done $0x0  }
0xa4: {  	s25 =	simm.s32 $0x1B8E;
	s24 =	sld [smem:$0x3FFE];
	[sflag:s23] =	ssyncadd.s32 $0xFFFFFFFF  }
0xa5: {  	s26 =	simm.s32 $execute0_lowered;
	[smem:$0x3FD2] =	sst s25  }
0xa6: {  	s4 =	sshll.u32 s26, $0x1;
	_ =	strace $0x8000004C;
	[dreg:$0x1] =	wrdreg $0xFFFFFFFF  }
0xa7: {  	s28 =	simm.s32 $_size_execute0_lowered;
	s2 =	sadd.s32 s2, s4;
	[dreg:$0x0] =	wrdreg $0x0  }
0xa8: {  	s4 =	sshll.u32 s28, $0x1;
	[dreg:$0x2] =	wrdreg s2  }
0xa9: {  	[dreg:$0x3] =	wrdreg s4  }
0xaa: {  	[dreg:$0x4] =	wrdreg $0xC0  }
0xab: {  	_ =	task [dreg:s6], $0x5FFFF  }
0xac: {  	[dreg:$0x1] =	wrdreg $0xFFFFFFFF  }
0xad: {  	[dreg:$0x0] =	wrdreg $0x60  }
0xae: {  	[dreg:$0x2] =	wrdreg s24  }
0xaf: {  	[dreg:$0x3] =	wrdreg $0x0  }
0xb0: {  	[dreg:$0x4] =	wrdreg $0x9  }
0xb1: {  	_ =	task.clear_ibuf [dreg:s6], $0x5FFFF;
	_ =	strace $0x9000004C  }
0xb2: {  	s29 =	simm.s32 $0x9;
	_ =	strace $0x8000004E  }
0xb3: {  	_ =	swait.ge [sflag:s29], $0x1  }
0xb4: {  	[sflag:s29] =	ssyncadd.s32 $0xFFFFFFFF  }
0xb5: {  	_ =	strace $0x9000004E  }
0xb6: {  	_ =	sfence  }
0xb7: {  	s30 =	sld [smem:$0x0];
	_ =	sdelay $0x2  }
0xb8: {  	s31 =	sshll.u32 s1, $0xD;
	s1 =	sshrl.u32 s1, $0x2  }
0xb9: {  	s3 =	sand.u32 $0x4000, s31;
	s1 =	sadd.s32 s1, s30  }
0xba: {  	s0 =	sor.u32 s3, s0;
	s1 =	sshll.u32 s1, $0x11  }
0xbb: {  	s0 =	sor.u32 s1, s0  }
0xbc: {  	s0 =	sadd.s32 $0x8F2B, s0  }
0xbd: {  	[sflag:s0] =	ssyncadd.remote.s32 $0x1  }
0xbe: {  	_ =	sfence.sel $0xFFFF  }
0xbf: {  	[dreg:$0x0] =	wrdreg $0xFFFFFFFF;
	(pc) =	sbr.abs _section_cstart, $3  }
0xc0: {  	[dreg:$0x1] =	wrdreg $0xFFFFFFFF  }
0xc1: {  	_ =	task.clear_ibuf [dreg:s6], $0x2FFFF;
	_ =	strace $0x9FFFFFFF  }
0xc2: {  	(tm) =	ssettm $0x7FFFFFFF  }
0xc3: {  	_ =	shalt  }
tec
execute0_lowered:
.L_overlay_start_1:
0x0: {  	(tag) =	ssettag $0x1  }
0x1: {  	s0 =	rddreg [dreg:$0x0]  }
0x2: {  	s2 =	rddreg [dreg:$0x1]  }
0x3: {  	s3 =	simm.s32 $0x0;
	s1 =	srdreg.scid;
	s16 =	stileid.u32  }
0x4: {  	s28 =	simm.s32 $0x1A400;
	s30 =	simm.s32 $0x1AC00;
	s5 =	smul.u32 $0x31000, s16  }
0x5: {  	s29 =	simm.s32 $0x1E400;
	s31 =	simm.s32 $0x1AC00;
	s8 =	smul.u32 $0x1880, s16  }
0x6: {  	[smem:$0x7FF] =	sst s3;
	s1 =	sand.u32 $0x1, s1;
	s21 =	smul.u32 $0x62000, s16  }
0x7: {  	s7 =	sadd.s32 $0x135C00, s0;
	s9 =	sadd.s32 $0x6FC00, s0;
	s23 =	smul.u32 $0x6200, s16  }
0x8: {  	s10 =	sadd.s32 $0xD1C00, s0;
	_ =	strace $0x8000004D;
	s14 =	smul.u32 $0x18800, s1  }
0x9: {  	s6 =	sshll.u32 s1, $0x4;
	s12 =	ssub.s32 $0x2, s1;
	s26 =	smul.u32 $0x310000, s1  }
0xa: {  	s4 =	sor.u32 s6, s5;
	s8 =	sadd.s32 $0x1800, s8;
	s13 =	sshrl.u32 s12, $0x1  }
0xb: {  	s18 =	sadd.s32 $0x30E00, s5;
	s24 =	sshrl.u32 s21, $0x2;
	s21 =	simm.s32 $0x18C80  }
0xc: {  	s4 =	sshrl.u32 s4, $0x3;
	s15 =	sshll.u32 s8, $0x5;
	s25 =	sadd.s32 s14, s8  }
0xd: {  	s14 =	sshll.u32 s1, $0x1;
	s19 =	sadd.s32 s26, s18;
	s22 =	sshrl.u32 s18, $0x3  }
0xe: {  	s1 =	smul.u32 $0x31000, s1;
	[dreg:$0x7] =	wrdreg s21;
	s11 =	sadd.s32 s4, s0  }
0xf: {  	s4 =	sadd.s32 $0x4200, s0;
	s0 =	ssub.s32 s12, s13;
	s6 =	sor.u32 s6, s15  }
0x10: {  	s12 =	sshll.u32 s25, $0x1;
	s15 =	sshll.u32 s8, $0x4;
	s8 =	sadd.s32 s5, s26  }
0x11: {  	s5 =	sshrl.u32 s5, $0x3;
	s20 =	sshrl.u32 s19, $0x3;
	s13 =	sadd.s32 s23, s9  }
0x12: {  	s26 =	sadd.s32 s23, s10;
	s23 =	simm.s32 $0x18D80;
	[dreg:$0x3] =	wrdreg s13  }
0x13: {  	s6 =	sshrl.u32 s6, $0x3;
	s5 =	sadd.s32 s9, s5;
	[dreg:$0x9] =	wrdreg s23  }
0x14: {  	s17 =	sshrl.u32 s8, $0x3;
	s25 =	sadd.s32 $0x1F9C00, s11;
	[dreg:$0x11] =	wrdreg s5  }
0x15: {  	s0 =	smax.u32 s0, $0x1;
	s11 =	smul.u32 $0x3100, s16;
	[dreg:$0x14] =	wrdreg s25  }
0x16: {  	s23 =	simm.s32 $0x80;
	s6 =	sadd.s32 s10, s6;
	[dreg:$0x16] =	wrdreg s0  }
0x17: {  	s13 =	simm.s32 $0x1CC00;
	s5 =	sadd.s32 s7, s20;
	[dreg:$0xd] =	wrdreg s6  }
0x18: {  	s10 =	sadd.s32 s1, s4;
	s25 =	simm.s32 $0x19300;
	[dreg:$0x12] =	wrdreg s5  }
0x19: {  	s1 =	simm.s32 $0x19000;
	s6 =	sadd.s32 s4, s12;
	[dreg:$0xb] =	wrdreg s25  }
0x1a: {  	s5 =	sadd.s32 s9, s22;
	s22 =	simm.s32 $0x18D00;
	[dreg:$0xe] =	wrdreg s6  }
0x1b: {  	s25 =	simm.s32 $0x19C00;
	s12 =	simm.s32 $0x2;
	[dreg:$0x13] =	wrdreg s5  }
0x1c: {  	s9 =	simm.s32 $0x0;
	s6 =	sadd.s32 s15, s2;
	[dreg:$0x8] =	wrdreg s22  }
0x1d: {  	s15 =	sadd.s32 s24, s2;
	s24 =	simm.s32 $0x19280;
	[dreg:$0xf] =	wrdreg s6  }
0x1e: {  	s22 =	simm.s32 $0x18E00;
	s6 =	sadd.s32 s7, s17;
	[dreg:$0xa] =	wrdreg s24  }
0x1f: {  	s17 =	sor.u32 $0x400, s8;
	[dreg:$0x15] =	wrdreg s15;
	s24 =	simm.s32 $0x1D400  }
0x20: {  	[dreg:$0x10] =	wrdreg s6;
	s6 =	sadd.s32 s14, s26;
	s14 =	sor.u32 $0x600, s8  }
0x21: {  	s8 =	sor.u32 $0x200, s8;
	s26 =	simm.s32 $0x19380;
	[dreg:$0x17] =	wrdreg s6  }
0x22: {  	s16 =	sshrl.u32 s14, $0x3;
	s6 =	sshrl.u32 s17, $0x3;
	s19 =	sshrl.u32 s8, $0x3  }
0x23: {  	[dreg:$0xc] =	wrdreg s26;
	s8 =	simm.s32 $0x1BC00;
	s26 =	simm.s32 $0x1DC00  }
0x24: {  	s5 =	sadd.s32 s16, s7;
	s18 =	sadd.s32 s6, s7;
	s16 =	sadd.s32 s11, s10  }
0x25: {  	s20 =	sadd.s32 s19, s7;
	s7 =	simm.s32 $0x20;
	[dreg:$0x4] =	wrdreg s5  }
0x26: {  	s19 =	simm.s32 $0x19400;
	s6 =	simm.s32 $0x1B400;
	[dreg:$0x5] =	wrdreg s18  }
0x27: {  	s10 =	simm.s32 $0x1C400;
	s11 =	simm.s32 $0x1;
	[dreg:$0x6] =	wrdreg s20  }
0x28: {  	s20 =	simm.s32 $0x3;
	[dreg:$0x18] =	wrdreg s16;
	s18 =	simm.s32 $0x19200  }
.LBB2_1:
0x29: {  	[dreg:$0x19] =	wrdreg s9  }
0x2a: {  	s9 =	rddreg [dreg:$0x17];
	s5 =	simm.s32 $0x10  }
0x2b: {  	[tilespmem:s19], [sflag:$0x3] =	stream.strided.gather [hbm4b:s9+s5], $0x2000, s7, s5, $0x38;
	[tilespmem:$0x1F400] =	vst v63  }
0x2c: {  	_ =	swait.ge [sflag:s20], $0x2000  }
0x2d: {  	[sflag:s20] =	ssyncset.done $0x0  }
0x2e: {  	s21 =	sadd.s32 $0x0, s16;
	[sflag:s20] =	ssyncadd.s32 $0xFFFFE000  }
0x2f: {  	[hbm4b:s21+s3] =	stream.linear.scatter [tilespmem:s19], [sflag:$0x3], $0x2000, $0x38;
	[tilespmem:$0x1F400] =	vst v63  }
0x30: {  	_ =	swait.ge [sflag:s20], $0x2000  }
0x31: {  	[sflag:s20] =	ssyncset.done $0x0  }
0x32: {  	[sflag:s20] =	ssyncadd.s32 $0xFFFFE000  }
0x33: {  	[spmem:s15] =	stream.linear.scatter [tilespmem:s19], [sflag:$0x3], $0x2000, $0x38;
	[tilespmem:$0x1F400] =	vst v63  }
0x34: {  	s5 =	simm.s32 $0x400;
	s7 =	smov.u32 s15;
	_ =	swait.ge [sflag:s20], $0x2000  }
0x35: {  	s21 =	simm.s32 $0x20;
	s15 =	simm.s32 $0x10;
	[sflag:s20] =	ssyncset.done $0x0  }
.LBB2_2:
0x36: {  	[sflag:s20] =	ssyncadd.s32 $0xFFFFE000  }
0x37: {  	s7 =	sadd.s32 $0x2000, s7;
	s9 =	sadd.s32 $0x800, s9;
	s14 =	smov.u32 s5  }
0x38: {  	[tilespmem:s19], [sflag:$0x3] =	stream.strided.gather [hbm4b:s9+s15], $0x2000, s21, s15, $0x38;
	[tilespmem:$0x1F400] =	vst v63  }
0x39: {  	p0 =	sne.s32 s5, $0x2C00;
	s5 =	sadd.s32 $0x400, s5;
	_ =	swait.ge [sflag:s20], $0x2000  }
0x3a: {  	[sflag:s20] =	ssyncset.done $0x0  }
0x3b: {  	s14 =	sadd.s32 s14, s16;
	[sflag:s20] =	ssyncadd.s32 $0xFFFFE000  }
0x3c: {  	[hbm4b:s14+s3] =	stream.linear.scatter [tilespmem:s19], [sflag:$0x3], $0x2000, $0x38;
	[tilespmem:$0x1F400] =	vst v63  }
0x3d: {  	_ =	swait.ge [sflag:s20], $0x2000  }
.Ltmp0:
0x3e: {  	[sflag:s20] =	ssyncset.done $0x0;
	(pc) =	sbr.rel @p0 .LBB2_2-.Ltmp0, $4  }
0x3f: {  	[sflag:s20] =	ssyncadd.s32 $0xFFFFE000  }
0x40: {  	[spmem:s7] =	stream.linear.scatter [tilespmem:s19], [sflag:$0x3], $0x2000, $0x38;
	[tilespmem:$0x1F400] =	vst v63  }
0x41: {  	_ =	swait.ge [sflag:s20], $0x2000  }
0x42: {  	[sflag:s20] =	ssyncset.done $0x0  }
0x43: {  	[sflag:s20] =	ssyncadd.s32 $0xFFFFE000;
	s5 =	rddreg [dreg:$0xd]  }
0x44: {  	[tilespmem:s19], [sflag:$0x3] =	stream.strided.gather [hbm4b:s5+s15], $0x800, s21, s15, $0x38;
	[tilespmem:$0x1F400] =	vst v63  }
0x45: {  	_ =	swait.ge [sflag:s20], $0x800  }
0x46: {  	[sflag:s20] =	ssyncset.done $0x0  }
0x47: {  	s14 =	simm.s32 $0x0;
	s7 =	rddreg [dreg:$0xe];
	[sflag:s20] =	ssyncadd.s32 $0xFFFFF800  }
0x48: {  	[hbm4b:s7+s14] =	stream.linear.scatter [tilespmem:s19], [sflag:$0x3], $0x800, $0x38;
	[tilespmem:$0x1F400] =	vst v63  }
0x49: {  	_ =	swait.ge [sflag:s20], $0x800  }
0x4a: {  	[sflag:s20] =	ssyncset.done $0x0  }
0x4b: {  	s15 =	rddreg [dreg:$0xf];
	[sflag:s20] =	ssyncadd.s32 $0xFFFFF800  }
0x4c: {  	[spmem:s15] =	stream.linear.scatter [tilespmem:s19], [sflag:$0x3], $0x800, $0x38;
	[tilespmem:$0x1F400] =	vst v63  }
0x4d: {  	_ =	swait.ge [sflag:s20], $0x800  }
0x4e: {  	[sflag:s20] =	ssyncset.done $0x0  }
0x4f: {  	[sflag:s20] =	ssyncadd.s32 $0xFFFFF800  }
0x50: {  	[bflag:$0x0] =	sbarrier.arrive $0xFFFF  }
0x51: {  	s21 =	simm.s32 $0x18800;
	s16 =	rddreg [dreg:$0x10]  }
0x52: {  	[tilespmem:s21], [sflag:$0x3] =	stream.linear.gather [hbm4b:s16+s14], $0x200, $0x38;
	[tilespmem:$0x1F400] =	vst v63  }
0x53: {  	_ =	swait.ge [sflag:s20], $0x200  }
0x54: {  	[sflag:s20] =	ssyncset.done $0x0  }
0x55: {  	s17 =	rddreg [dreg:$0x11];
	[sflag:s20] =	ssyncadd.s32 $0xFFFFFE00  }
0x56: {  	[tilespmem:s22], [sflag:$0x3] =	stream.linear.gather [hbm4b:s17+s14], $0x200, $0x38;
	[tilespmem:$0x1F400] =	vst v63  }
0x57: {  	_ =	swait.ge [sflag:s20], $0x200  }
0x58: {  	[sflag:s20] =	ssyncset.done $0x0  }
0x59: {  	[sflag:s20] =	ssyncadd.s32 $0xFFFFFE00  }
0x5a: {  	[tilespmem:s19], [sflag:$0x1] =	stream.indirect.gather [hbm4b:s4+s23], $0x10, s21, s23, $0xb8;
	[tilespmem:$0x1F400] =	vst v63  }
0x5b: {  	p0 =	por $0x1, $0x1;
	s14 =	simm.s32 $0x18880  }
0x5c: {  	[tilespmem:s25], [sflag:$0x1] =	stream.indirect.gather [hbm4b:s4+s23], $0x10, s14, s23, $0xb8;
	[tilespmem:$0x1F400] =	vst v63  }
0x5d: {  	p0 =	por p0, p0;
	s15 =	simm.s32 $0x18900  }
0x5e: {  	[tilespmem:s28], [sflag:$0x1] =	stream.indirect.gather [hbm4b:s4+s23], $0x10, s15, s23, $0xb8;
	[tilespmem:$0x1F400] =	vst v63  }
0x5f: {  	s5 =	simm.s32 @!p0 $0x2;
	s16 =	simm.s32 $0x18980  }
0x60: {  	[tilespmem:s30], [sflag:$0x1] =	stream.indirect.gather [hbm4b:s4+s23], $0x10, s16, s23, $0xb8;
	[tilespmem:$0x1F400] =	vst v63  }
0x61: {  	_ =	swait.ge @!p0 [sflag:s5], $0x2000  }
0x62: {  	s0 =	rddreg [dreg:$0x6];
	[sflag:s5] =	ssyncset.done @!p0 $0x0  }
0x63: {  	[sflag:s5] =	ssyncadd.s32 @!p0 $0xFFFFE000;
	s7 =	sadd.s32 $0x0, s0;
	s0 =	simm.s32 $0x18A00  }
0x64: {  	[tilespmem:s0], [sflag:$0x3] =	stream.linear.gather [hbm4b:s7+s3], $0x200, $0x38;
	[tilespmem:$0x1F400] =	vst v63  }
0x65: {  	_ =	swait.ge [sflag:s20], $0x200  }
0x66: {  	s9 =	rddreg [dreg:$0x3]  }
0x67: {  	[sflag:s20] =	ssyncset.done $0x0;
	s7 =	sadd.s32 $0x0, s9  }
0x68: {  	[sflag:s20] =	ssyncadd.s32 $0xFFFFFE00;
	s9 =	sadd.s32 $0x40, s7  }
0x69: {  	[tilespmem:s1], [sflag:$0x3] =	stream.linear.gather [hbm4b:s9+s3], $0x200, $0x38;
	[tilespmem:$0x1F400] =	vst v63  }
0x6a: {  	_ =	swait.ge [sflag:s20], $0x200  }
0x6b: {  	[sflag:s20] =	ssyncset.done $0x0  }
0x6c: {  	[sflag:s20] =	ssyncadd.s32 $0xFFFFFE00  }
0x6d: {  	[tilespmem:s6], [sflag:$0x1] =	stream.indirect.gather [hbm4b:s4+s23], $0x10, s0, s23, $0xb8;
	[tilespmem:$0x1F400] =	vst v63  }
0x6e: {  	s17 =	simm.s32 $0x18A80  }
0x6f: {  	[tilespmem:s8], [sflag:$0x1] =	stream.indirect.gather [hbm4b:s4+s23], $0x10, s17, s23, $0xb8;
	[tilespmem:$0x1F400] =	vst v63  }
0x70: {  	s8 =	simm.s32 $0x18B00  }
0x71: {  	[tilespmem:s10], [sflag:$0x1] =	stream.indirect.gather [hbm4b:s4+s23], $0x10, s8, s23, $0xb8;
	[tilespmem:$0x1F400] =	vst v63  }
0x72: {  	s10 =	simm.s32 $0x18B80  }
0x73: {  	[tilespmem:s13], [sflag:$0x1] =	stream.indirect.gather [hbm4b:s4+s23], $0x10, s10, s23, $0xb8;
	[tilespmem:$0x1F400] =	vst v63  }
0x74: {  	_ =	swait.ge [sflag:s11], $0x2000  }
0x75: {  	[sflag:s11] =	ssyncset.done $0x0  }
0x76: {  	[sflag:s11] =	ssyncadd.s32 $0xFFFFE000  }
0x77: {  	[spmem:s2] =	stream.indirect.scatter.add.f32 [tilespmem:s19], [sflag:$0x2], $0x10, s22, s23, $0xb8;
	[tilespmem:$0x1F400] =	vst v63  }
0x78: {  	s13 =	simm.s32 $0x18E80  }
0x79: {  	[spmem:s2] =	stream.indirect.scatter.add.f32 [tilespmem:s25], [sflag:$0x2], $0x10, s13, s23, $0xb8;
	[tilespmem:$0x1F400] =	vst v63  }
0x7a: {  	s17 =	simm.s32 $0x18F00  }
0x7b: {  	[spmem:s2] =	stream.indirect.scatter.add.f32 [tilespmem:s28], [sflag:$0x2], $0x10, s17, s23, $0xb8;
	[tilespmem:$0x1F400] =	vst v63  }
0x7c: {  	s25 =	simm.s32 $0x18F80  }
0x7d: {  	[spmem:s2] =	stream.indirect.scatter.add.f32 [tilespmem:s30], [sflag:$0x2], $0x10, s25, s23, $0xb8;
	[tilespmem:$0x1F400] =	vst v63  }
0x7e: {  	_ =	swait.ge @!p0 [sflag:s5], $0x2000  }
0x7f: {  	s8 =	rddreg [dreg:$0x5];
	[sflag:s5] =	ssyncset.done @!p0 $0x0  }
0x80: {  	s17 =	simm.s32 $0x18C00;
	[sflag:s5] =	ssyncadd.s32 @!p0 $0xFFFFE000;
	s9 =	sadd.s32 $0x0, s8  }
0x81: {  	[tilespmem:s17], [sflag:$0x3] =	stream.linear.gather [hbm4b:s9+s3], $0x200, $0x38;
	[tilespmem:$0x1F400] =	vst v63  }
0x82: {  	_ =	swait.ge [sflag:s20], $0x200  }
0x83: {  	[sflag:s20] =	ssyncset.done $0x0  }
0x84: {  	s10 =	sadd.s32 $0x80, s7;
	[sflag:s20] =	ssyncadd.s32 $0xFFFFFE00  }
0x85: {  	[tilespmem:s18], [sflag:$0x3] =	stream.linear.gather [hbm4b:s10+s3], $0x200, $0x38;
	[tilespmem:$0x1F400] =	vst v63  }
0x86: {  	_ =	swait.ge [sflag:s20], $0x200  }
0x87: {  	[sflag:s20] =	ssyncset.done $0x0  }
0x88: {  	[sflag:s20] =	ssyncadd.s32 $0xFFFFFE00  }
0x89: {  	[tilespmem:s24], [sflag:$0x1] =	stream.indirect.gather [hbm4b:s4+s23], $0x10, s17, s23, $0xb8;
	[tilespmem:$0x1F400] =	vst v63  }
0x8a: {  	s13 =	rddreg [dreg:$0x7]  }
0x8b: {  	[tilespmem:s26], [sflag:$0x1] =	stream.indirect.gather [hbm4b:s4+s23], $0x10, s13, s23, $0xb8;
	[tilespmem:$0x1F400] =	vst v63  }
0x8c: {  	s25 =	rddreg [dreg:$0x8]  }
0x8d: {  	[tilespmem:s29], [sflag:$0x1] =	stream.indirect.gather [hbm4b:s4+s23], $0x10, s25, s23, $0xb8;
	[tilespmem:$0x1F400] =	vst v63  }
0x8e: {  	s8 =	rddreg [dreg:$0x9];
	s25 =	simm.s32 $0x1EC00  }
0x8f: {  	[tilespmem:s25], [sflag:$0x1] =	stream.indirect.gather [hbm4b:s4+s23], $0x10, s8, s23, $0xb8;
	[tilespmem:$0x1F400] =	vst v63  }
0x90: {  	_ =	swait.ge [sflag:s11], $0x2000  }
0x91: {  	[sflag:s11] =	ssyncset.done $0x0  }
0x92: {  	[sflag:s11] =	ssyncadd.s32 $0xFFFFE000  }
0x93: {  	[spmem:s2] =	stream.indirect.scatter.add.f32 [tilespmem:s6], [sflag:$0x2], $0x10, s1, s23, $0xb8;
	[tilespmem:$0x1F400] =	vst v63  }
0x94: {  	s9 =	simm.s32 $0x19080;
	s8 =	simm.s32 $0x1BC00  }
0x95: {  	[spmem:s2] =	stream.indirect.scatter.add.f32 [tilespmem:s8], [sflag:$0x2], $0x10, s9, s23, $0xb8;
	[tilespmem:$0x1F400] =	vst v63  }
0x96: {  	s10 =	simm.s32 $0x1C400;
	s9 =	simm.s32 $0x19100  }
0x97: {  	[spmem:s2] =	stream.indirect.scatter.add.f32 [tilespmem:s10], [sflag:$0x2], $0x10, s9, s23, $0xb8;
	[tilespmem:$0x1F400] =	vst v63  }
0x98: {  	s13 =	simm.s32 $0x1CC00;
	s9 =	simm.s32 $0x19180  }
0x99: {  	[spmem:s2] =	stream.indirect.scatter.add.f32 [tilespmem:s13], [sflag:$0x2], $0x10, s9, s23, $0xb8;
	[tilespmem:$0x1F400] =	vst v63  }
0x9a: {  	_ =	swait.ge [sflag:s12], $0x2000  }
0x9b: {  	s9 =	rddreg [dreg:$0x4];
	[sflag:s12] =	ssyncset.done $0x0  }
0x9c: {  	[sflag:s12] =	ssyncadd.s32 $0xFFFFE000;
	s5 =	sadd.s32 $0x0, s9  }
0x9d: {  	[tilespmem:s21], [sflag:$0x3] =	stream.linear.gather [hbm4b:s5+s3], $0x200, $0x38;
	[tilespmem:$0x1F400] =	vst v63  }
0x9e: {  	_ =	swait.ge [sflag:s20], $0x200  }
0x9f: {  	[sflag:s20] =	ssyncset.done $0x0  }
0xa0: {  	s9 =	sadd.s32 $0xC0, s7;
	[sflag:s20] =	ssyncadd.s32 $0xFFFFFE00  }
0xa1: {  	[tilespmem:s22], [sflag:$0x3] =	stream.linear.gather [hbm4b:s9+s3], $0x200, $0x38;
	[tilespmem:$0x1F400] =	vst v63  }
0xa2: {  	_ =	swait.ge [sflag:s20], $0x200  }
0xa3: {  	[sflag:s20] =	ssyncset.done $0x0  }
0xa4: {  	[sflag:s20] =	ssyncadd.s32 $0xFFFFFE00  }
0xa5: {  	[tilespmem:s19], [sflag:$0x1] =	stream.indirect.gather [hbm4b:s4+s23], $0x10, s21, s23, $0xb8;
	[tilespmem:$0x1F400] =	vst v63  }
0xa6: {  	s28 =	simm.s32 $0x19C00  }
0xa7: {  	[tilespmem:s28], [sflag:$0x1] =	stream.indirect.gather [hbm4b:s4+s23], $0x10, s14, s23, $0xb8;
	[tilespmem:$0x1F400] =	vst v63  }
0xa8: {  	s30 =	simm.s32 $0x1A400  }
0xa9: {  	[tilespmem:s30], [sflag:$0x1] =	stream.indirect.gather [hbm4b:s4+s23], $0x10, s15, s23, $0xb8;
	[tilespmem:$0x1F400] =	vst v63  }
0xaa: {  	_ = 	snop  }
0xab: {  	[tilespmem:s31], [sflag:$0x1] =	stream.indirect.gather [hbm4b:s4+s23], $0x10, s16, s23, $0xb8;
	[tilespmem:$0x1F400] =	vst v63  }
0xac: {  	_ =	swait.ge [sflag:s11], $0x2000  }
0xad: {  	p6 =	por $0x0, $0x0;
	[sflag:s11] =	ssyncset.done $0x0  }
0xae: {  	p0 =	por p6, p6;
	s15 =	rddreg [dreg:$0xa];
	[sflag:s11] =	ssyncadd.s32 $0xFFFFE000  }
0xaf: {  	[spmem:s2] =	stream.indirect.scatter.add.f32 [tilespmem:s24], [sflag:$0x2], $0x10, s18, s23, $0xb8;
	[tilespmem:$0x1F400] =	vst v63  }
0xb0: {  	s1 =	simm.s32 $0x19000;
	s6 =	simm.s32 $0x1B400;
	s16 =	rddreg [dreg:$0xb]  }
0xb1: {  	[spmem:s2] =	stream.indirect.scatter.add.f32 [tilespmem:s26], [sflag:$0x2], $0x10, s15, s23, $0xb8;
	[tilespmem:$0x1F400] =	vst v63  }
0xb2: {  	s14 =	simm.s32 $0xC0;
	s5 =	rddreg [dreg:$0xc];
	s15 =	simm.s32 $0x180  }
0xb3: {  	[spmem:s2] =	stream.indirect.scatter.add.f32 [tilespmem:s29], [sflag:$0x2], $0x10, s16, s23, $0xb8;
	[tilespmem:$0x1F400] =	vst v63  }
.LBB2_4:
0xb4: {  	[spmem:s2] =	stream.indirect.scatter.add.f32 [tilespmem:s25], [sflag:$0x2], $0x10, s5, s23, $0xb8;
	[tilespmem:$0x1F400] =	vst v63  }
0xb5: {  	s9 =	simm.s32 @!p0 $0x2  }
0xb6: {  	_ =	swait.ge @!p0 [sflag:s9], $0x2000  }
0xb7: {  	[sflag:s9] =	ssyncset.done @!p0 $0x0;
	s7 =	rddreg [dreg:$0x6]  }
0xb8: {  	[sflag:s9] =	ssyncadd.s32 @!p0 $0xFFFFE000;
	s7 =	sadd.s32 s14, s7  }
0xb9: {  	[tilespmem:s0], [sflag:$0x3] =	stream.linear.gather [hbm4b:s7+s3], $0x200, $0x38;
	[tilespmem:$0x1F400] =	vst v63  }
0xba: {  	_ =	swait.ge [sflag:s20], $0x200  }
0xbb: {  	s16 =	rddreg [dreg:$0x3]  }
0xbc: {  	[sflag:s20] =	ssyncset.done $0x0;
	s7 =	sadd.s32 s14, s16  }
0xbd: {  	[sflag:s20] =	ssyncadd.s32 $0xFFFFFE00;
	s16 =	sadd.s32 $0x40, s7  }
0xbe: {  	[tilespmem:s1], [sflag:$0x3] =	stream.linear.gather [hbm4b:s16+s3], $0x200, $0x38;
	[tilespmem:$0x1F400] =	vst v63  }
0xbf: {  	_ =	swait.ge [sflag:s20], $0x200  }
0xc0: {  	[sflag:s20] =	ssyncset.done $0x0  }
0xc1: {  	[sflag:s20] =	ssyncadd.s32 $0xFFFFFE00  }
0xc2: {  	[tilespmem:s6], [sflag:$0x1] =	stream.indirect.gather [hbm4b:s4+s23], $0x10, s0, s23, $0xb8;
	[tilespmem:$0x1F400] =	vst v63  }
0xc3: {  	s16 =	simm.s32 $0x18A80  }
0xc4: {  	[tilespmem:s8], [sflag:$0x1] =	stream.indirect.gather [hbm4b:s4+s23], $0x10, s16, s23, $0xb8;
	[tilespmem:$0x1F400] =	vst v63  }
0xc5: {  	s16 =	simm.s32 $0x18B00  }
0xc6: {  	[tilespmem:s10], [sflag:$0x1] =	stream.indirect.gather [hbm4b:s4+s23], $0x10, s16, s23, $0xb8;
	[tilespmem:$0x1F400] =	vst v63  }
0xc7: {  	s16 =	simm.s32 $0x18B80  }
0xc8: {  	[tilespmem:s13], [sflag:$0x1] =	stream.indirect.gather [hbm4b:s4+s23], $0x10, s16, s23, $0xb8;
	[tilespmem:$0x1F400] =	vst v63  }
0xc9: {  	_ =	swait.ge [sflag:s11], $0x2000  }
0xca: {  	[sflag:s11] =	ssyncset.done $0x0  }
0xcb: {  	[sflag:s11] =	ssyncadd.s32 $0xFFFFE000  }
0xcc: {  	[spmem:s2] =	stream.indirect.scatter.add.f32 [tilespmem:s19], [sflag:$0x2], $0x10, s22, s23, $0xb8;
	[tilespmem:$0x1F400] =	vst v63  }
0xcd: {  	s16 =	simm.s32 $0x18E80  }
0xce: {  	[spmem:s2] =	stream.indirect.scatter.add.f32 [tilespmem:s28], [sflag:$0x2], $0x10, s16, s23, $0xb8;
	[tilespmem:$0x1F400] =	vst v63  }
0xcf: {  	s16 =	simm.s32 $0x18F00  }
0xd0: {  	[spmem:s2] =	stream.indirect.scatter.add.f32 [tilespmem:s30], [sflag:$0x2], $0x10, s16, s23, $0xb8;
	[tilespmem:$0x1F400] =	vst v63  }
0xd1: {  	s16 =	simm.s32 $0x18F80  }
0xd2: {  	[spmem:s2] =	stream.indirect.scatter.add.f32 [tilespmem:s31], [sflag:$0x2], $0x10, s16, s23, $0xb8;
	[tilespmem:$0x1F400] =	vst v63  }
0xd3: {  	_ =	swait.ge @!p0 [sflag:s9], $0x2000  }
0xd4: {  	[sflag:s9] =	ssyncset.done @!p0 $0x0;
	s16 =	rddreg [dreg:$0x5]  }
0xd5: {  	[sflag:s9] =	ssyncadd.s32 @!p0 $0xFFFFE000;
	s16 =	sadd.s32 s14, s16  }
0xd6: {  	[tilespmem:s17], [sflag:$0x3] =	stream.linear.gather [hbm4b:s16+s3], $0x200, $0x38;
	[tilespmem:$0x1F400] =	vst v63  }
0xd7: {  	_ =	swait.ge [sflag:s20], $0x200  }
0xd8: {  	[sflag:s20] =	ssyncset.done $0x0  }
0xd9: {  	s16 =	sadd.s32 $0x80, s7;
	[sflag:s20] =	ssyncadd.s32 $0xFFFFFE00  }
0xda: {  	[tilespmem:s18], [sflag:$0x3] =	stream.linear.gather [hbm4b:s16+s3], $0x200, $0x38;
	[tilespmem:$0x1F400] =	vst v63  }
0xdb: {  	_ =	swait.ge [sflag:s20], $0x200  }
0xdc: {  	[sflag:s20] =	ssyncset.done $0x0  }
0xdd: {  	[sflag:s20] =	ssyncadd.s32 $0xFFFFFE00  }
0xde: {  	[tilespmem:s24], [sflag:$0x1] =	stream.indirect.gather [hbm4b:s4+s23], $0x10, s17, s23, $0xb8;
	[tilespmem:$0x1F400] =	vst v63  }
0xdf: {  	s9 =	rddreg [dreg:$0x7]  }
0xe0: {  	[tilespmem:s26], [sflag:$0x1] =	stream.indirect.gather [hbm4b:s4+s23], $0x10, s9, s23, $0xb8;
	[tilespmem:$0x1F400] =	vst v63  }
0xe1: {  	s16 =	rddreg [dreg:$0x8]  }
0xe2: {  	[tilespmem:s29], [sflag:$0x1] =	stream.indirect.gather [hbm4b:s4+s23], $0x10, s16, s23, $0xb8;
	[tilespmem:$0x1F400] =	vst v63  }
0xe3: {  	s9 =	rddreg [dreg:$0x9]  }
0xe4: {  	[tilespmem:s25], [sflag:$0x1] =	stream.indirect.gather [hbm4b:s4+s23], $0x10, s9, s23, $0xb8;
	[tilespmem:$0x1F400] =	vst v63  }
0xe5: {  	_ =	swait.ge [sflag:s11], $0x2000  }
0xe6: {  	[sflag:s11] =	ssyncset.done $0x0  }
0xe7: {  	[sflag:s11] =	ssyncadd.s32 $0xFFFFE000  }
0xe8: {  	[spmem:s2] =	stream.indirect.scatter.add.f32 [tilespmem:s6], [sflag:$0x2], $0x10, s1, s23, $0xb8;
	[tilespmem:$0x1F400] =	vst v63  }
0xe9: {  	s9 =	simm.s32 $0x19080  }
0xea: {  	[spmem:s2] =	stream.indirect.scatter.add.f32 [tilespmem:s8], [sflag:$0x2], $0x10, s9, s23, $0xb8;
	[tilespmem:$0x1F400] =	vst v63  }
0xeb: {  	s9 =	simm.s32 $0x19100  }
0xec: {  	[spmem:s2] =	stream.indirect.scatter.add.f32 [tilespmem:s10], [sflag:$0x2], $0x10, s9, s23, $0xb8;
	[tilespmem:$0x1F400] =	vst v63  }
0xed: {  	s9 =	simm.s32 $0x19180  }
0xee: {  	[spmem:s2] =	stream.indirect.scatter.add.f32 [tilespmem:s13], [sflag:$0x2], $0x10, s9, s23, $0xb8;
	[tilespmem:$0x1F400] =	vst v63  }
0xef: {  	_ =	swait.ge [sflag:s12], $0x2000  }
0xf0: {  	s9 =	rddreg [dreg:$0x4];
	[sflag:s12] =	ssyncset.done $0x0  }
0xf1: {  	[sflag:s12] =	ssyncadd.s32 $0xFFFFE000;
	s9 =	sadd.s32 s14, s9  }
0xf2: {  	[tilespmem:s21], [sflag:$0x3] =	stream.linear.gather [hbm4b:s9+s3], $0x200, $0x38;
	[tilespmem:$0x1F400] =	vst v63  }
0xf3: {  	_ =	swait.ge [sflag:s20], $0x200  }
0xf4: {  	[sflag:s20] =	ssyncset.done $0x0  }
0xf5: {  	s9 =	sadd.s32 $0xC0, s7;
	[sflag:s20] =	ssyncadd.s32 $0xFFFFFE00  }
0xf6: {  	[tilespmem:s22], [sflag:$0x3] =	stream.linear.gather [hbm4b:s9+s3], $0x200, $0x38;
	[tilespmem:$0x1F400] =	vst v63  }
0xf7: {  	_ =	swait.ge [sflag:s20], $0x200  }
0xf8: {  	[sflag:s20] =	ssyncset.done $0x0  }
0xf9: {  	[sflag:s20] =	ssyncadd.s32 $0xFFFFFE00  }
0xfa: {  	[tilespmem:s19], [sflag:$0x1] =	stream.indirect.gather [hbm4b:s4+s23], $0x10, s21, s23, $0xb8;
	[tilespmem:$0x1F400] =	vst v63  }
0xfb: {  	s16 =	simm.s32 $0x18880  }
0xfc: {  	[tilespmem:s28], [sflag:$0x1] =	stream.indirect.gather [hbm4b:s4+s23], $0x10, s16, s23, $0xb8;
	[tilespmem:$0x1F400] =	vst v63  }
0xfd: {  	s7 =	simm.s32 $0x18900  }
0xfe: {  	[tilespmem:s30], [sflag:$0x1] =	stream.indirect.gather [hbm4b:s4+s23], $0x10, s7, s23, $0xb8;
	[tilespmem:$0x1F400] =	vst v63  }
0xff: {  	s9 =	simm.s32 $0x18980  }
0x100: {  	[tilespmem:s31], [sflag:$0x1] =	stream.indirect.gather [hbm4b:s4+s23], $0x10, s9, s23, $0xb8;
	[tilespmem:$0x1F400] =	vst v63  }
0x101: {  	_ =	swait.ge [sflag:s11], $0x2000  }
0x102: {  	s5 =	smov.u32 s15;
	s15 =	sadd.s32 $0xC0, s15;
	[sflag:s11] =	ssyncset.done $0x0  }
0x103: {  	p1 =	sne.s32 s15, $0x6180;
	[sflag:s11] =	ssyncadd.s32 $0xFFFFE000  }
0x104: {  	[spmem:s2] =	stream.indirect.scatter.add.f32 [tilespmem:s24], [sflag:$0x2], $0x10, s18, s23, $0xb8;
	[tilespmem:$0x1F400] =	vst v63  }
.Ltmp1:
0x105: {  	s7 =	rddreg [dreg:$0xa];
	(pc) =	sbr.rel @p1 .LBB2_4-.Ltmp1, $4  }
0x106: {  	p2 =	seq.s32 s5, $0x0;
	s9 =	rddreg [dreg:$0xb]  }
0x107: {  	[spmem:s2] =	stream.indirect.scatter.add.f32 [tilespmem:s26], [sflag:$0x2], $0x10, s7, s23, $0xb8;
	[tilespmem:$0x1F400] =	vst v63  }
0x108: {  	p0 =	por p2, p2;
	s14 =	smov.u32 s5;
	s5 =	rddreg [dreg:$0xc]  }
0x109: {  	[spmem:s2] =	stream.indirect.scatter.add.f32 [tilespmem:s29], [sflag:$0x2], $0x10, s9, s23, $0xb8;
	[tilespmem:$0x1F400] =	vst v63  }
0x10a: {  	[spmem:s2] =	stream.indirect.scatter.add.f32 [tilespmem:s25], [sflag:$0x2], $0x10, s5, s23, $0xb8;
	[tilespmem:$0x1F400] =	vst v63  }
0x10b: {  	s5 =	simm.s32 @!p0 $0x2  }
0x10c: {  	_ =	swait.ge @!p0 [sflag:s5], $0x2000  }
0x10d: {  	s7 =	rddreg [dreg:$0x6];
	[sflag:s5] =	ssyncset.done @!p0 $0x0  }
0x10e: {  	[sflag:s5] =	ssyncadd.s32 @!p0 $0xFFFFE000;
	s7 =	sadd.s32 s14, s7  }
0x10f: {  	[tilespmem:s0], [sflag:$0x3] =	stream.linear.gather [hbm4b:s7+s3], $0x200, $0x38;
	[tilespmem:$0x1F400] =	vst v63  }
0x110: {  	_ =	swait.ge [sflag:s20], $0x200  }
0x111: {  	s9 =	rddreg [dreg:$0x3]  }
0x112: {  	[sflag:s20] =	ssyncset.done $0x0;
	s7 =	sadd.s32 s14, s9  }
0x113: {  	[sflag:s20] =	ssyncadd.s32 $0xFFFFFE00;
	s9 =	sadd.s32 $0x40, s7  }
0x114: {  	[tilespmem:s1], [sflag:$0x3] =	stream.linear.gather [hbm4b:s9+s3], $0x200, $0x38;
	[tilespmem:$0x1F400] =	vst v63  }
0x115: {  	_ =	swait.ge [sflag:s20], $0x200  }
0x116: {  	[sflag:s20] =	ssyncset.done $0x0  }
0x117: {  	[sflag:s20] =	ssyncadd.s32 $0xFFFFFE00  }
0x118: {  	[tilespmem:s6], [sflag:$0x1] =	stream.indirect.gather [hbm4b:s4+s23], $0x10, s0, s23, $0xb8;
	[tilespmem:$0x1F400] =	vst v63  }
0x119: {  	s15 =	simm.s32 $0x18A80  }
0x11a: {  	[tilespmem:s8], [sflag:$0x1] =	stream.indirect.gather [hbm4b:s4+s23], $0x10, s15, s23, $0xb8;
	[tilespmem:$0x1F400] =	vst v63  }
0x11b: {  	s15 =	simm.s32 $0x18B00  }
0x11c: {  	[tilespmem:s10], [sflag:$0x1] =	stream.indirect.gather [hbm4b:s4+s23], $0x10, s15, s23, $0xb8;
	[tilespmem:$0x1F400] =	vst v63  }
0x11d: {  	s15 =	simm.s32 $0x18B80  }
0x11e: {  	[tilespmem:s13], [sflag:$0x1] =	stream.indirect.gather [hbm4b:s4+s23], $0x10, s15, s23, $0xb8;
	[tilespmem:$0x1F400] =	vst v63  }
0x11f: {  	_ =	swait.ge [sflag:s11], $0x2000  }
0x120: {  	[sflag:s11] =	ssyncset.done $0x0  }
0x121: {  	[sflag:s11] =	ssyncadd.s32 $0xFFFFE000  }
0x122: {  	[spmem:s2] =	stream.indirect.scatter.add.f32 [tilespmem:s19], [sflag:$0x2], $0x10, s22, s23, $0xb8;
	[tilespmem:$0x1F400] =	vst v63  }
0x123: {  	s15 =	simm.s32 $0x18E80  }
0x124: {  	[spmem:s2] =	stream.indirect.scatter.add.f32 [tilespmem:s28], [sflag:$0x2], $0x10, s15, s23, $0xb8;
	[tilespmem:$0x1F400] =	vst v63  }
0x125: {  	s15 =	simm.s32 $0x18F00  }
0x126: {  	[spmem:s2] =	stream.indirect.scatter.add.f32 [tilespmem:s30], [sflag:$0x2], $0x10, s15, s23, $0xb8;
	[tilespmem:$0x1F400] =	vst v63  }
0x127: {  	s15 =	simm.s32 $0x18F80  }
0x128: {  	[spmem:s2] =	stream.indirect.scatter.add.f32 [tilespmem:s31], [sflag:$0x2], $0x10, s15, s23, $0xb8;
	[tilespmem:$0x1F400] =	vst v63  }
0x129: {  	_ =	swait.ge @!p0 [sflag:s5], $0x2000  }
0x12a: {  	s15 =	rddreg [dreg:$0x5];
	[sflag:s5] =	ssyncset.done @!p0 $0x0  }
0x12b: {  	[sflag:s5] =	ssyncadd.s32 @!p0 $0xFFFFE000;
	s9 =	sadd.s32 s14, s15  }
0x12c: {  	[tilespmem:s17], [sflag:$0x3] =	stream.linear.gather [hbm4b:s9+s3], $0x200, $0x38;
	[tilespmem:$0x1F400] =	vst v63  }
0x12d: {  	_ =	swait.ge [sflag:s20], $0x200  }
0x12e: {  	[sflag:s20] =	ssyncset.done $0x0  }
0x12f: {  	s15 =	sadd.s32 $0x80, s7;
	[sflag:s20] =	ssyncadd.s32 $0xFFFFFE00  }
0x130: {  	[tilespmem:s18], [sflag:$0x3] =	stream.linear.gather [hbm4b:s15+s3], $0x200, $0x38;
	[tilespmem:$0x1F400] =	vst v63  }
0x131: {  	_ =	swait.ge [sflag:s20], $0x200  }
0x132: {  	[sflag:s20] =	ssyncset.done $0x0  }
0x133: {  	[sflag:s20] =	ssyncadd.s32 $0xFFFFFE00  }
0x134: {  	[tilespmem:s24], [sflag:$0x1] =	stream.indirect.gather [hbm4b:s4+s23], $0x10, s17, s23, $0xb8;
	[tilespmem:$0x1F400] =	vst v63  }
0x135: {  	s9 =	rddreg [dreg:$0x7]  }
0x136: {  	[tilespmem:s26], [sflag:$0x1] =	stream.indirect.gather [hbm4b:s4+s23], $0x10, s9, s23, $0xb8;
	[tilespmem:$0x1F400] =	vst v63  }
0x137: {  	s15 =	rddreg [dreg:$0x8]  }
0x138: {  	[tilespmem:s29], [sflag:$0x1] =	stream.indirect.gather [hbm4b:s4+s23], $0x10, s15, s23, $0xb8;
	[tilespmem:$0x1F400] =	vst v63  }
0x139: {  	s17 =	rddreg [dreg:$0x9]  }
0x13a: {  	[tilespmem:s25], [sflag:$0x1] =	stream.indirect.gather [hbm4b:s4+s23], $0x10, s17, s23, $0xb8;
	[tilespmem:$0x1F400] =	vst v63  }
0x13b: {  	_ =	swait.ge [sflag:s11], $0x2000  }
0x13c: {  	[sflag:s11] =	ssyncset.done $0x0  }
0x13d: {  	[sflag:s11] =	ssyncadd.s32 $0xFFFFE000  }
0x13e: {  	[spmem:s2] =	stream.indirect.scatter.add.f32 [tilespmem:s6], [sflag:$0x2], $0x10, s1, s23, $0xb8;
	[tilespmem:$0x1F400] =	vst v63  }
0x13f: {  	s9 =	simm.s32 $0x19080  }
0x140: {  	[spmem:s2] =	stream.indirect.scatter.add.f32 [tilespmem:s8], [sflag:$0x2], $0x10, s9, s23, $0xb8;
	[tilespmem:$0x1F400] =	vst v63  }
0x141: {  	s17 =	simm.s32 $0x19100  }
0x142: {  	[spmem:s2] =	stream.indirect.scatter.add.f32 [tilespmem:s10], [sflag:$0x2], $0x10, s17, s23, $0xb8;
	[tilespmem:$0x1F400] =	vst v63  }
0x143: {  	s15 =	simm.s32 $0x19180  }
0x144: {  	[spmem:s2] =	stream.indirect.scatter.add.f32 [tilespmem:s13], [sflag:$0x2], $0x10, s15, s23, $0xb8;
	[tilespmem:$0x1F400] =	vst v63  }
0x145: {  	_ =	swait.ge [sflag:s12], $0x2000  }
0x146: {  	s5 =	rddreg [dreg:$0x4];
	[sflag:s12] =	ssyncset.done $0x0  }
0x147: {  	s5 =	sadd.s32 s14, s5;
	[sflag:s12] =	ssyncadd.s32 $0xFFFFE000  }
0x148: {  	[tilespmem:s21], [sflag:$0x3] =	stream.linear.gather [hbm4b:s5+s3], $0x200, $0x38;
	[tilespmem:$0x1F400] =	vst v63  }
0x149: {  	_ =	swait.ge [sflag:s20], $0x200  }
0x14a: {  	[sflag:s20] =	ssyncset.done $0x0  }
0x14b: {  	s14 =	sadd.s32 $0xC0, s7;
	[sflag:s20] =	ssyncadd.s32 $0xFFFFFE00  }
0x14c: {  	[tilespmem:s22], [sflag:$0x3] =	stream.linear.gather [hbm4b:s14+s3], $0x200, $0x38;
	[tilespmem:$0x1F400] =	vst v63  }
0x14d: {  	_ =	swait.ge [sflag:s20], $0x200  }
0x14e: {  	[sflag:s20] =	ssyncset.done $0x0  }
0x14f: {  	[sflag:s20] =	ssyncadd.s32 $0xFFFFFE00  }
0x150: {  	[tilespmem:s19], [sflag:$0x1] =	stream.indirect.gather [hbm4b:s4+s23], $0x10, s21, s23, $0xb8;
	[tilespmem:$0x1F400] =	vst v63  }
0x151: {  	_ = 	snop  }
0x152: {  	[tilespmem:s28], [sflag:$0x1] =	stream.indirect.gather [hbm4b:s4+s23], $0x10, s16, s23, $0xb8;
	[tilespmem:$0x1F400] =	vst v63  }
0x153: {  	s21 =	simm.s32 $0x18900  }
0x154: {  	[tilespmem:s30], [sflag:$0x1] =	stream.indirect.gather [hbm4b:s4+s23], $0x10, s21, s23, $0xb8;
	[tilespmem:$0x1F400] =	vst v63  }
0x155: {  	s7 =	simm.s32 $0x18980  }
0x156: {  	[tilespmem:s31], [sflag:$0x1] =	stream.indirect.gather [hbm4b:s4+s23], $0x10, s7, s23, $0xb8;
	[tilespmem:$0x1F400] =	vst v63  }
0x157: {  	_ =	swait.ge [sflag:s11], $0x2000  }
0x158: {  	[sflag:s11] =	ssyncset.done $0x0  }
0x159: {  	[sflag:s11] =	ssyncadd.s32 $0xFFFFE000  }
0x15a: {  	[spmem:s2] =	stream.indirect.scatter.add.f32 [tilespmem:s24], [sflag:$0x2], $0x10, s18, s23, $0xb8;
	[tilespmem:$0x1F400] =	vst v63  }
0x15b: {  	s14 =	rddreg [dreg:$0xa]  }
0x15c: {  	[spmem:s2] =	stream.indirect.scatter.add.f32 [tilespmem:s26], [sflag:$0x2], $0x10, s14, s23, $0xb8;
	[tilespmem:$0x1F400] =	vst v63  }
0x15d: {  	s16 =	rddreg [dreg:$0xb]  }
0x15e: {  	[spmem:s2] =	stream.indirect.scatter.add.f32 [tilespmem:s29], [sflag:$0x2], $0x10, s16, s23, $0xb8;
	[tilespmem:$0x1F400] =	vst v63  }
0x15f: {  	s21 =	rddreg [dreg:$0xc]  }
0x160: {  	[spmem:s2] =	stream.indirect.scatter.add.f32 [tilespmem:s25], [sflag:$0x2], $0x10, s21, s23, $0xb8;
	[tilespmem:$0x1F400] =	vst v63  }
0x161: {  	_ =	swait.ge [sflag:s12], $0x2000  }
0x162: {  	[sflag:s12] =	ssyncset.done $0x0  }
0x163: {  	s25 =	rddreg [dreg:$0x12];
	[sflag:s12] =	ssyncadd.s32 $0xFFFFE000  }
0x164: {  	[tilespmem:s0], [sflag:$0x3] =	stream.linear.gather [hbm4b:s25+s3], $0x200, $0x38;
	[tilespmem:$0x1F400] =	vst v63  }
0x165: {  	_ =	swait.ge [sflag:s20], $0x200  }
0x166: {  	[sflag:s20] =	ssyncset.done $0x0  }
0x167: {  	s7 =	rddreg [dreg:$0x13];
	[sflag:s20] =	ssyncadd.s32 $0xFFFFFE00  }
0x168: {  	[tilespmem:s1], [sflag:$0x3] =	stream.linear.gather [hbm4b:s7+s3], $0x200, $0x38;
	[tilespmem:$0x1F400] =	vst v63  }
0x169: {  	_ =	swait.ge [sflag:s20], $0x200  }
0x16a: {  	[sflag:s20] =	ssyncset.done $0x0  }
0x16b: {  	[sflag:s20] =	ssyncadd.s32 $0xFFFFFE00  }
0x16c: {  	[tilespmem:s6], [sflag:$0x1] =	stream.indirect.gather [hbm4b:s4+s23], $0x10, s0, s23, $0xb8;
	[tilespmem:$0x1F400] =	vst v63  }
0x16d: {  	s14 =	simm.s32 $0x18A80  }
0x16e: {  	[tilespmem:s8], [sflag:$0x1] =	stream.indirect.gather [hbm4b:s4+s23], $0x10, s14, s23, $0xb8;
	[tilespmem:$0x1F400] =	vst v63  }
0x16f: {  	s16 =	simm.s32 $0x18B00  }
0x170: {  	[tilespmem:s10], [sflag:$0x1] =	stream.indirect.gather [hbm4b:s4+s23], $0x10, s16, s23, $0xb8;
	[tilespmem:$0x1F400] =	vst v63  }
0x171: {  	s21 =	simm.s32 $0x18B80  }
0x172: {  	[tilespmem:s13], [sflag:$0x1] =	stream.indirect.gather [hbm4b:s4+s23], $0x10, s21, s23, $0xb8;
	[tilespmem:$0x1F400] =	vst v63  }
0x173: {  	_ =	swait.ge [sflag:s11], $0x2000  }
0x174: {  	[sflag:s11] =	ssyncset.done $0x0  }
0x175: {  	[sflag:s11] =	ssyncadd.s32 $0xFFFFE000  }
0x176: {  	[spmem:s2] =	stream.indirect.scatter.add.f32 [tilespmem:s19], [sflag:$0x2], $0x10, s22, s23, $0xb8;
	[tilespmem:$0x1F400] =	vst v63  }
0x177: {  	s25 =	simm.s32 $0x18E80  }
0x178: {  	[spmem:s2] =	stream.indirect.scatter.add.f32 [tilespmem:s28], [sflag:$0x2], $0x10, s25, s23, $0xb8;
	[tilespmem:$0x1F400] =	vst v63  }
0x179: {  	s5 =	simm.s32 $0x18F00  }
0x17a: {  	[spmem:s2] =	stream.indirect.scatter.add.f32 [tilespmem:s30], [sflag:$0x2], $0x10, s5, s23, $0xb8;
	[tilespmem:$0x1F400] =	vst v63  }
0x17b: {  	s7 =	simm.s32 $0x18F80  }
0x17c: {  	[spmem:s2] =	stream.indirect.scatter.add.f32 [tilespmem:s31], [sflag:$0x2], $0x10, s7, s23, $0xb8;
	[tilespmem:$0x1F400] =	vst v63  }
0x17d: {  	_ =	swait.ge [sflag:s12], $0x2000  }
0x17e: {  	[sflag:s12] =	ssyncset.done $0x0  }
0x17f: {  	[sflag:s12] =	ssyncadd.s32 $0xFFFFE000  }
0x180: {  	_ =	swait.ge [sflag:s11], $0x2000  }
0x181: {  	[sflag:s11] =	ssyncset.done $0x0  }
0x182: {  	[sflag:s11] =	ssyncadd.s32 $0xFFFFE000  }
0x183: {  	[spmem:s2] =	stream.indirect.scatter.add.f32 [tilespmem:s6], [sflag:$0x2], $0x10, s1, s23, $0xb8;
	[tilespmem:$0x1F400] =	vst v63  }
0x184: {  	_ = 	snop  }
0x185: {  	[spmem:s2] =	stream.indirect.scatter.add.f32 [tilespmem:s8], [sflag:$0x2], $0x10, s9, s23, $0xb8;
	[tilespmem:$0x1F400] =	vst v63  }
0x186: {  	_ = 	snop  }
0x187: {  	[spmem:s2] =	stream.indirect.scatter.add.f32 [tilespmem:s10], [sflag:$0x2], $0x10, s17, s23, $0xb8;
	[tilespmem:$0x1F400] =	vst v63  }
0x188: {  	_ = 	snop  }
0x189: {  	[spmem:s2] =	stream.indirect.scatter.add.f32 [tilespmem:s13], [sflag:$0x2], $0x10, s15, s23, $0xb8;
	[tilespmem:$0x1F400] =	vst v63  }
0x18a: {  	_ =	swait.ge [sflag:s12], $0x2000  }
0x18b: {  	[sflag:s12] =	ssyncset.done $0x0  }
0x18c: {  	[sflag:s12] =	ssyncadd.s32 $0xFFFFE000  }
0x18d: {  	_ =	swait.ge [sflag:s12], $0x2000  }
0x18e: {  	[sflag:s12] =	ssyncset.done $0x0  }
0x18f: {  	[sflag:s12] =	ssyncadd.s32 $0xFFFFE000  }
0x190: {  	s13 =	stileid.u32;
	[bflag:$0x0] =	sbarrier.arrive $0xFFFF  }
0x191: {  	s17 =	simm.s32 $0x4;
	s5 =	sshll.u32 s13, $0x6;
	s15 =	rddreg [dreg:$0x15]  }
0x192: {  	s5 =	sor.u32 $0x1C03, s5;
	s16 =	rddreg [dreg:$0x14];
	s14 =	sshrl.u32 s15, $0x3  }
0x193: {  	[hbm:s16@s17], [sflag:s5] =	dma.strided [spmem:s14@s12], $0x3100, s11, $0x2   }
0x194: {  	_ =	swait.ge [sflag:s20], $0x3100  }
0x195: {  	s21 =	rddreg [dreg:$0x19]  }
0x196: {  	s25 =	rddreg [dreg:$0x16];
	s9 =	sadd.s32 $0x1, s21  }
0x197: {  	p0 =	sne.s32 s9, s25  }
.Ltmp2:
0x198: {  	_ = 	snop;
	(pc) =	sbr.rel @p0 .LBB2_1-.Ltmp2, $4  }
0x199: {  	s28 =	simm.s32 $0x1A400;
	s30 =	simm.s32 $0x1AC00;
	s7 =	simm.s32 $0x20  }
0x19a: {  	s1 =	simm.s32 $0x19000;
	s6 =	simm.s32 $0x1B400;
	s8 =	simm.s32 $0x1BC00  }
0x19b: {  	s10 =	simm.s32 $0x1C400;
	s13 =	simm.s32 $0x1CC00;
	[sflag:s20] =	ssyncset.done $0x0  }
0x19c: {  	s16 =	rddreg [dreg:$0x18];
	[sflag:s20] =	ssyncadd.s32 $0xFFFFCF00;
	s25 =	simm.s32 $0x19C00  }
0x19d: {  	_ =	sfence.sel $0x180000  }
0x19e: {  	[bflag:$0x0] =	sbarrier.arrive $0xFFFF  }
0x19f: {  	_ =	strace $0x9000004D  }
0x1a0: {  	s0 =	stileid.u32;
	[bflag:$0x2] =	sbarrier.arrive $0xFFFF  }
0x1a1: {  	p0 =	sne.s32 s0, $0x0;
	s0 =	rddreg [dreg:$0x2]  }
0x1a2: {  	s0 =	sadd.s32 @!p0 $0x100000, s0  }
0x1a3: {  	[sflag:s0] =	ssyncadd.tile.s32 @!p0 $0x1;
	_ =	shalt  }
.Lfunc_end2:
_tile_overlayer_lowered:
.L_overlay_start_2:
0x1a4: {  	(tag) =	ssettag $0x2  }
0x1a5: {  	s0 =	rddreg [dreg:$0x0];
	s2 =	stileid.u32  }
0x1a6: {  	s1 =	rddreg [dreg:$0x1];
	p0 =	sne.s32 s2, $0x0  }
0x1a7: {  	s3 =	rddreg [dreg:$0x2];
	[bflag:$0x3] =	sbarrier.arrive $0xFFFF;
	s2 =	simm.s32 @!p0 $0x1C03  }
0x1a8: {  	[timem:s3], [sflag:s2] =	dma.local @!p0 [hbm:s0], s1  }
0x1a9: {  	s0 =	simm.s32 @!p0 $0x3  }
0x1aa: {  	_ =	swait.ge @!p0 [sflag:s0], s1  }
0x1ab: {  	s1 =	ssub.s32 @!p0 $0x0, s1;
	[sflag:s0] =	ssyncset.done @!p0 $0x0  }
0x1ac: {  	[sflag:s0] =	ssyncadd.s32 @!p0 s1  }
0x1ad: {  	[bflag:$0x3] =	sbarrier.arrive $0xFFFF  }
0x1ae: {  	_ =	shalt  }

</sc_bundles>
